<compile_context>
chip_gen: v7x
topology: tpu7x:2x2x1
jax: 0.10.2.dev20260603
libtpu: 0.0.44.dev20260713+nightly
codegen_flags: <defaults>
</compile_context>

<pallas_src>
import functools

import jax
import jax.numpy as jnp
from jax import lax
from jax.experimental import pallas as pl
from jax.experimental.pallas import tpu as pltpu
from jax.experimental.pallas import tpu_sc as plsc

N = 10000
E = 320000
D = 128
NP = 10240
NTILES = 32
EPT = E // NTILES
F = D // NTILES
CH = 8000
NCH = E // CH
NB = 2048

_SC_MESH = plsc.VectorSubcoreMesh(core_axis_name="c", subcore_axis_name="s",
                                  num_cores=2, num_subcores=16)
_SC_PARAMS = pltpu.CompilerParams(needs_layout_passes=False)


def _wid():
    return lax.axis_index("c") * 16 + lax.axis_index("s")


def _transpose_body(x_ref, o_ref):
    o_ref[...] = x_ref[...].T


def _transpose(x):
    grid = pl.cdiv(N, NB)
    return pl.pallas_call(
        _transpose_body,
        grid=(grid,),
        in_specs=[pl.BlockSpec((NB, D), lambda i: (i, 0))],
        out_specs=pl.BlockSpec((D, NB), lambda i: (0, i)),
        out_shape=jax.ShapeDtypeStruct((D, N), jnp.float32),
    )(x)


def _deg_body(row, col, ew, out, row_v, col_v, w_v, acc):
    wid = _wid()
    base = wid * EPT
    pltpu.sync_copy(row.at[pl.ds(base, EPT)], row_v)
    pltpu.sync_copy(col.at[pl.ds(base, EPT)], col_v)
    pltpu.sync_copy(ew.at[pl.ds(base, EPT)], w_v)

    @plsc.parallel_loop(0, NP // 16, unroll=4)
    def _(i):
        acc[pl.ds(i * 16, 16)] = jnp.zeros((16,), jnp.float32)

    @plsc.parallel_loop(0, EPT // 16, unroll=4)
    def _(i):
        r = row_v[pl.ds(i * 16, 16)]
        cl = col_v[pl.ds(i * 16, 16)]
        w = w_v[pl.ds(i * 16, 16)]
        w0 = jnp.where(r == cl, 0.0, w)
        plsc.addupdate_scatter(acc, [r], w0)
    pltpu.sync_copy(acc, out.at[wid])


def _deg_partials(row, col, edge_weight):
    k = pl.kernel(
        _deg_body,
        out_type=jax.ShapeDtypeStruct((NTILES, NP), jnp.float32),
        mesh=_SC_MESH,
        compiler_params=_SC_PARAMS,
        scratch_types=[
            pltpu.VMEM((EPT,), jnp.int32),
            pltpu.VMEM((EPT,), jnp.int32),
            pltpu.VMEM((EPT,), jnp.float32),
            pltpu.VMEM((NP,), jnp.float32),
        ],
    )
    return k(row, col, edge_weight)


def _dis_body(p_ref, o_ref):
    deg = jnp.sum(p_ref[...], axis=0, keepdims=True)
    safe = jnp.where(deg > 0, deg, 1.0)
    o_ref[...] = jnp.where(deg > 0, lax.rsqrt(safe), 0.0)


def _dis(partials):
    return pl.pallas_call(
        _dis_body,
        out_shape=jax.ShapeDtypeStruct((1, NP), jnp.float32),
    )(partials)


def _prep_body(row, col, ew, dis, pk_b, nm_b, meta, row_v, col_v, w_v, dis_v,
               pk_t, nm_t, pk_o, nm_o, len_v, ptr_v):
    wid = _wid()
    base = wid * EPT
    pltpu.sync_copy(row.at[pl.ds(base, EPT)], row_v)
    pltpu.sync_copy(col.at[pl.ds(base, EPT)], col_v)
    pltpu.sync_copy(ew.at[pl.ds(base, EPT)], w_v)
    pltpu.sync_copy(dis.at[0], dis_v)
    len_v[...] = jnp.zeros((16,), jnp.int32)

    @plsc.parallel_loop(0, EPT // 16, unroll=4)
    def _(i):
        r = row_v[pl.ds(i * 16, 16)]
        cl = col_v[pl.ds(i * 16, 16)]
        w = w_v[pl.ds(i * 16, 16)]
        w0 = jnp.where(r == cl, 0.0, w)
        dr = plsc.load_gather(dis_v, [r])
        dc = plsc.load_gather(dis_v, [cl])
        nm = -(dr * w0) * dc
        pk = lax.shift_left(r, 16) | cl
        pk_t[pl.ds(i * 16, 16)] = pk
        nm_t[pl.ds(i * 16, 16)] = nm
        plsc.addupdate_scatter(len_v, [r & 15], jnp.ones((16,), jnp.int32))

    ln = len_v[...]
    ptr_v[...] = plsc.cumsum(ln) - ln

    def place(i, c):
        pk = pk_t[pl.ds(i * 16, 16)]
        nm = nm_t[pl.ds(i * 16, 16)]
        b = lax.shift_right_logical(pk, 16) & 15
        rank, _ = plsc.scan_count(b.astype(jnp.int32))
        addr = plsc.load_gather(ptr_v, [b]) + rank - 1
        plsc.store_scatter(pk_o, [addr], pk)
        plsc.store_scatter(nm_o, [addr], nm)
        plsc.addupdate_scatter(ptr_v, [b], jnp.ones((16,), jnp.int32))
        return c

    lax.fori_loop(0, EPT // 16, place, 0)
    pltpu.sync_copy(pk_o, pk_b.at[pl.ds(base, EPT)])
    pltpu.sync_copy(nm_o, nm_b.at[pl.ds(base, EPT)])
    pltpu.sync_copy(len_v, meta.at[pl.ds(wid * 16, 16)])


def _edge_prep(row, col, edge_weight, dis):
    k = pl.kernel(
        _prep_body,
        out_type=(
            jax.ShapeDtypeStruct((E,), jnp.int32),
            jax.ShapeDtypeStruct((E,), jnp.float32),
            jax.ShapeDtypeStruct((NTILES * 16,), jnp.int32),
        ),
        mesh=_SC_MESH,
        compiler_params=_SC_PARAMS,
        scratch_types=[
            pltpu.VMEM((EPT,), jnp.int32),
            pltpu.VMEM((EPT,), jnp.int32),
            pltpu.VMEM((EPT,), jnp.float32),
            pltpu.VMEM((NP,), jnp.float32),
            pltpu.VMEM((EPT,), jnp.int32),
            pltpu.VMEM((EPT,), jnp.float32),
            pltpu.VMEM((EPT,), jnp.int32),
            pltpu.VMEM((EPT,), jnp.float32),
            pltpu.VMEM((16,), jnp.int32),
            pltpu.VMEM((16,), jnp.int32),
        ],
    )
    return k(row, col, edge_weight, dis)


def _prop_body(xTf, pk_b, nm_b, meta, out, x_v, acc, pk_v0, pk_v1, nm_v0,
               nm_v1, meta_v, xsem, sem0, sem1):
    wid = _wid()
    fb = wid * F
    pk_v = (pk_v0, pk_v1)
    nm_v = (nm_v0, nm_v1)
    sems = (sem0, sem1)
    xcp = pltpu.async_copy(xTf.at[pl.ds(fb, F)], x_v, xsem)
    pltpu.async_copy(pk_b.at[pl.ds(0, EPT)], pk_v[0], sems[0])
    pltpu.async_copy(nm_b.at[pl.ds(0, EPT)], nm_v[0], sems[0])
    pltpu.sync_copy(meta, meta_v)

    for f in range(F):
        @plsc.parallel_loop(0, N // 16, unroll=4)
        def _(i, f=f):
            acc[f, pl.ds(i * 16, 16)] = jnp.zeros((16,), jnp.float32)

    xcp.wait()

    def pair(c2, c):
        for b in range(2):
            sidx = c2 * 2 + b

            @pl.when(sidx + 1 < NTILES)
            def _():
                nb = 1 - b
                off = (sidx + 1) * EPT
                pltpu.async_copy(pk_b.at[pl.ds(off, EPT)], pk_v[nb],
                                 sems[nb])
                pltpu.async_copy(nm_b.at[pl.ds(off, EPT)], nm_v[nb],
                                 sems[nb])

            pltpu.make_async_copy(pk_b.at[pl.ds(sidx * EPT, EPT)],
                                  pk_v[b], sems[b]).wait()
            pltpu.make_async_copy(nm_b.at[pl.ds(sidx * EPT, EPT)],
                                  nm_v[b], sems[b]).wait()

            ln = meta_v[pl.ds(sidx * 16, 16)]
            starts = plsc.cumsum(ln) - ln
            trip = lax.min(lax.reduce_max(ln, (0,)), EPT)
            trip = lax.div(trip + 7, 8) * 8

            @plsc.parallel_loop(0, trip, unroll=8)
            def _(i, b=b, ln=ln, starts=starts):
                isp = jnp.full((16,), i, jnp.int32)
                m = isp < ln
                ptr = jnp.where(m, starts + isp, 0)
                pk = plsc.load_gather(pk_v[b], [ptr], mask=m)
                nm = plsc.load_gather(nm_v[b], [ptr], mask=m)
                nm = jnp.where(m, nm, 0.0)
                r = jnp.where(m, lax.shift_right_logical(pk, 16), 0)
                cl = jnp.where(m, pk & 0xFFFF, 0)
                for f in range(F):
                    fsp = jnp.full((16,), f, jnp.int32)
                    v = plsc.load_gather(x_v, [fsp, cl], mask=m)
                    plsc.addupdate_scatter(acc, [fsp, r], v * nm, mask=m)
        return c

    lax.fori_loop(0, NTILES // 2, pair, 0)
    pltpu.sync_copy(acc, out.at[pl.ds(fb, F)])


def _propagate(xTf, pk_b, nm_b, meta):
    k = pl.kernel(
        _prop_body,
        out_type=jax.ShapeDtypeStruct((D, N), jnp.float32),
        mesh=_SC_MESH,
        compiler_params=_SC_PARAMS,
        scratch_types=[
            pltpu.VMEM((F, N), jnp.float32),
            pltpu.VMEM((F, N), jnp.float32),
            pltpu.VMEM((EPT,), jnp.int32),
            pltpu.VMEM((EPT,), jnp.int32),
            pltpu.VMEM((EPT,), jnp.float32),
            pltpu.VMEM((EPT,), jnp.float32),
            pltpu.VMEM((NTILES * 16,), jnp.int32),
            pltpu.SemaphoreType.DMA,
            pltpu.SemaphoreType.DMA,
            pltpu.SemaphoreType.DMA,
        ],
    )
    return k(xTf, pk_b, nm_b, meta)


def _dense_body(x_ref, t_ref, w0_ref, w1_ref, b_ref, o_ref, *, transpose_out):
    dn = (((0,), (0,)), ((), ()))
    a = lax.dot_general(w0_ref[...], x_ref[...], dn,
                        preferred_element_type=jnp.float32)
    a = a + lax.dot_general(w1_ref[...], t_ref[...], dn,
                            preferred_element_type=jnp.float32)
    a = jnp.maximum(a + b_ref[...], 0.0)
    o_ref[...] = a.T if transpose_out else a


def _dense(xT, txT, w0, w1, b, transpose_out):
    grid = pl.cdiv(N, NB)
    out_shape = (N, D) if transpose_out else (D, N)
    out_spec = (pl.BlockSpec((NB, D), lambda i: (i, 0)) if transpose_out
                else pl.BlockSpec((D, NB), lambda i: (0, i)))
    return pl.pallas_call(
        functools.partial(_dense_body, transpose_out=transpose_out),
        grid=(grid,),
        in_specs=[
            pl.BlockSpec((D, NB), lambda i: (0, i)),
            pl.BlockSpec((D, NB), lambda i: (0, i)),
            pl.BlockSpec((D, D), lambda i: (0, 0)),
            pl.BlockSpec((D, D), lambda i: (0, 0)),
            pl.BlockSpec((D, 1), lambda i: (0, 0)),
        ],
        out_specs=out_spec,
        out_shape=jax.ShapeDtypeStruct(out_shape, jnp.float32),
    )(xT, txT, w0, w1, b)


def kernel(x, edge_index, edge_weight, W1, b1, W2, b2):
    row, col = edge_index[0], edge_index[1]
    xT = _transpose(x)
    partials = _deg_partials(row, col, edge_weight)
    dis = _dis(partials)
    pk_b, nm_b, meta = _edge_prep(row, col, edge_weight, dis)
    tx1 = _propagate(xT, pk_b, nm_b, meta)
    h1T = _dense(xT, tx1, W1[0], W1[1], b1.reshape(D, 1), False)
    tx2 = _propagate(h1T, pk_b, nm_b, meta)
    return _dense(h1T, tx2, W2[0], W2[1], b2.reshape(D, 1), True)

# --- scband reference (transcript-rebuilt; emitter-appended) ---
"""Pipeline reference for scband-cheb-net-74869869904014 (READ-ONLY COPY).

The authoritative reference and input builder live on the scoring server;
editing this copy changes nothing except your own understanding.
"""

import jax, jax.numpy as jnp
import numpy as np

N = 10000
E = 320000
D = 128
H = 128
K = 2


def setup_inputs(seed: int = 0) -> dict:
    key = jax.random.key(seed)
    ks = jax.random.split(key, 8)
    x = jax.random.normal(ks[0], (N, D), dtype=jnp.float32)
    edge_index = jax.random.randint(ks[1], (2, E), 0, N)
    edge_weight = jax.random.uniform(ks[2], (E,), dtype=jnp.float32)
    s1 = 1.0 / np.sqrt(D)
    s2 = 1.0 / np.sqrt(H)
    W1 = jax.random.normal(ks[3], (K, D, H), dtype=jnp.float32) * s1
    b1 = jnp.zeros((H,), dtype=jnp.float32)
    W2 = jax.random.normal(ks[4], (K, H, H), dtype=jnp.float32) * s2
    b2 = jnp.zeros((H,), dtype=jnp.float32)
    return {"x": x, "edge_index": edge_index, "edge_weight": edge_weight,
            "W1": W1, "b1": b1, "W2": W2, "b2": b2}


def _cheb_conv(x, edge_index, edge_weight, W, b):
    # PyG ChebConv with normalization='sym', lambda_max=2.0:
    # L_hat = 2L/lambda_max - I = -D^{-1/2} A D^{-1/2} (diag becomes 0).
    row = edge_index[0]
    col = edge_index[1]
    # get_laplacian removes self loops before computing degree
    w = jnp.where(row == col, 0.0, edge_weight)
    deg = jax.ops.segment_sum(w, row, num_segments=N)
    deg_safe = jnp.where(deg > 0, deg, 1.0)
    dis = jnp.where(deg > 0, jax.lax.rsqrt(deg_safe), 0.0)
    norm = -dis[row] * w * dis[col]
    # K=2 Chebyshev recurrence: Tx_0 = x, Tx_1 = L_hat x
    out = x @ W[0]
    Tx1 = jax.ops.segment_sum(norm[:, None] * x[col], row, num_segments=N)
    out = out + Tx1 @ W[1]
    return out + b


def reference(x, edge_index, edge_weight, W1, b1, W2, b2):
    h = jax.nn.relu(_cheb_conv(x, edge_index, edge_weight, W1, b1))
    h = jax.nn.relu(_cheb_conv(h, edge_index, edge_weight, W2, b2))
    return h

if __name__ == "__main__":
    import jax
    _d = setup_inputs()
    print(jax.jit(kernel)(*tuple(_d.values())))

</pallas_src>

<mosaic_0001>
#map = affine_map<(d0, d1) -> (0)>
#map1 = affine_map<(d0, d1) -> (0, 0)>
module attributes {stable_mosaic.version = 14 : i64} {
  func.func @_deg_body(%arg0: i32, %arg1: i32, %arg2: memref<320000xi32, #tpu.memory_space<hbm>>, %arg3: memref<320000xi32, #tpu.memory_space<hbm>>, %arg4: memref<320000xf32, #tpu.memory_space<hbm>>, %arg5: memref<32x10240xf32, #tpu.memory_space<hbm>>, %arg6: memref<10000xi32, #tpu.memory_space<vmem>>, %arg7: memref<10000xi32, #tpu.memory_space<vmem>>, %arg8: memref<10000xf32, #tpu.memory_space<vmem>>, %arg9: memref<10240xf32, #tpu.memory_space<vmem>>) attributes {dimension_semantics = [#tpu.dimension_semantics<core_parallel>, #tpu.dimension_semantics<subcore_parallel>], iteration_bounds = array<i64: 2, 16>, scalar_prefetch = 0 : i64, scratch_operands = 4 : i64, tpu.core_type = #tpu.core_type<sc_vector_subcore>, window_params = [{transform_indices = #map}, {transform_indices = #map}, {transform_indices = #map}, {transform_indices = #map1}]} {
    %mul3A = arith.constant 16 : i32
    %mul3A_0 = arith.muli %arg0, %mul3A : i32
    %add3A = arith.addi %mul3A_0, %arg1 : i32
    %mul3A_1 = arith.constant 10000 : i32
    %mul3A_2 = arith.muli %add3A, %mul3A_1 : i32
    "tpu.region"() ({
      %run_scoped3A = tpu.sem_alloc : memref<!tpu.dma_semaphore, #tpu.memory_space<semaphore_mem>>
      %dma_start3A = tpu.memref_slice %arg2[%mul3A_2] : memref<320000xi32, #tpu.memory_space<hbm>> -> memref<10000xi32, #tpu.memory_space<hbm>>
      %dma_start3A_8 = tpu.memref_slice %arg2[%mul3A_2] : memref<320000xi32, #tpu.memory_space<hbm>> -> memref<10000xi32, #tpu.memory_space<hbm>>
      tpu.enqueue_dma source(%dma_start3A_8 : memref<10000xi32, #tpu.memory_space<hbm>>) target(%arg6 : memref<10000xi32, #tpu.memory_space<vmem>>) target_semaphore(%run_scoped3A : memref<!tpu.dma_semaphore, #tpu.memory_space<semaphore_mem>>)
      %dma_wait3A = tpu.memref_slice %arg2[%mul3A_2] : memref<320000xi32, #tpu.memory_space<hbm>> -> memref<10000xi32, #tpu.memory_space<hbm>>
      %dma_wait3A_9 = tpu.memref_slice %arg2[%mul3A_2] : memref<320000xi32, #tpu.memory_space<hbm>> -> memref<10000xi32, #tpu.memory_space<hbm>>
      tpu.wait_dma2 semaphore(%run_scoped3A : memref<!tpu.dma_semaphore, #tpu.memory_space<semaphore_mem>>) src(%dma_wait3A_9 : memref<10000xi32, #tpu.memory_space<hbm>>) dst(%arg6 : memref<10000xi32, #tpu.memory_space<vmem>>)
      tpu.yield
    }) : () -> ()
    "tpu.region"() ({
      %run_scoped3A = tpu.sem_alloc : memref<!tpu.dma_semaphore, #tpu.memory_space<semaphore_mem>>
      %dma_start3A = tpu.memref_slice %arg3[%mul3A_2] : memref<320000xi32, #tpu.memory_space<hbm>> -> memref<10000xi32, #tpu.memory_space<hbm>>
      %dma_start3A_8 = tpu.memref_slice %arg3[%mul3A_2] : memref<320000xi32, #tpu.memory_space<hbm>> -> memref<10000xi32, #tpu.memory_space<hbm>>
      tpu.enqueue_dma source(%dma_start3A_8 : memref<10000xi32, #tpu.memory_space<hbm>>) target(%arg7 : memref<10000xi32, #tpu.memory_space<vmem>>) target_semaphore(%run_scoped3A : memref<!tpu.dma_semaphore, #tpu.memory_space<semaphore_mem>>)
      %dma_wait3A = tpu.memref_slice %arg3[%mul3A_2] : memref<320000xi32, #tpu.memory_space<hbm>> -> memref<10000xi32, #tpu.memory_space<hbm>>
      %dma_wait3A_9 = tpu.memref_slice %arg3[%mul3A_2] : memref<320000xi32, #tpu.memory_space<hbm>> -> memref<10000xi32, #tpu.memory_space<hbm>>
      tpu.wait_dma2 semaphore(%run_scoped3A : memref<!tpu.dma_semaphore, #tpu.memory_space<semaphore_mem>>) src(%dma_wait3A_9 : memref<10000xi32, #tpu.memory_space<hbm>>) dst(%arg7 : memref<10000xi32, #tpu.memory_space<vmem>>)
      tpu.yield
    }) : () -> ()
    "tpu.region"() ({
      %run_scoped3A = tpu.sem_alloc : memref<!tpu.dma_semaphore, #tpu.memory_space<semaphore_mem>>
      %dma_start3A = tpu.memref_slice %arg4[%mul3A_2] : memref<320000xf32, #tpu.memory_space<hbm>> -> memref<10000xf32, #tpu.memory_space<hbm>>
      %dma_start3A_8 = tpu.memref_slice %arg4[%mul3A_2] : memref<320000xf32, #tpu.memory_space<hbm>> -> memref<10000xf32, #tpu.memory_space<hbm>>
      tpu.enqueue_dma source(%dma_start3A_8 : memref<10000xf32, #tpu.memory_space<hbm>>) target(%arg8 : memref<10000xf32, #tpu.memory_space<vmem>>) target_semaphore(%run_scoped3A : memref<!tpu.dma_semaphore, #tpu.memory_space<semaphore_mem>>)
      %dma_wait3A = tpu.memref_slice %arg4[%mul3A_2] : memref<320000xf32, #tpu.memory_space<hbm>> -> memref<10000xf32, #tpu.memory_space<hbm>>
      %dma_wait3A_9 = tpu.memref_slice %arg4[%mul3A_2] : memref<320000xf32, #tpu.memory_space<hbm>> -> memref<10000xf32, #tpu.memory_space<hbm>>
      tpu.wait_dma2 semaphore(%run_scoped3A : memref<!tpu.dma_semaphore, #tpu.memory_space<semaphore_mem>>) src(%dma_wait3A_9 : memref<10000xf32, #tpu.memory_space<hbm>>) dst(%arg8 : memref<10000xf32, #tpu.memory_space<vmem>>)
      tpu.yield
    }) : () -> ()
    %parallel_loop3A = arith.constant 0 : i32
    %parallel_loop3A_3 = arith.constant 640 : i32
    %parallel_loop3A_4 = arith.constant 1 : i32
    scf.for %parallel_loop3A_8 = %parallel_loop3A to %parallel_loop3A_3 step %parallel_loop3A_4  : i32 {
      %parallel_loop3A_9 = arith.constant 0.000000e+00 : f32
      %parallel_loop3A_10 = vector.broadcast %parallel_loop3A_9 : f32 to vector<16xf32>
      %parallel_loop3A_11 = arith.constant 16 : i32
      %parallel_loop3A_12 = arith.muli %parallel_loop3A_8, %parallel_loop3A_11 : i32
      %parallel_loop3A_13 = arith.index_cast %parallel_loop3A_12 : i32 to index
      %parallel_loop3A_14 = tpu.vector_load %arg9[%parallel_loop3A_13] {strides = array<i32>} : memref<10240xf32, #tpu.memory_space<vmem>>, vector<16xf32>,
      tpu.vector_store %arg9[%parallel_loop3A_13], %parallel_loop3A_10 {strides = array<i32>} : memref<10240xf32, #tpu.memory_space<vmem>>, vector<16xf32>,
    } {sc.loop_unroll_factor = 4 : i64, sc.parallel_access}
    %parallel_loop3A_5 = arith.constant 0 : i32
    %parallel_loop3A_6 = arith.constant 625 : i32
    %parallel_loop3A_7 = arith.constant 1 : i32
    scf.for %parallel_loop3A_8 = %parallel_loop3A_5 to %parallel_loop3A_6 step %parallel_loop3A_7  : i32 {
      %parallel_loop3A_9 = arith.constant 16 : i32
      %parallel_loop3A_10 = arith.muli %parallel_loop3A_8, %parallel_loop3A_9 : i32
      %parallel_loop3A_11 = arith.index_cast %parallel_loop3A_10 : i32 to index
      %parallel_loop3A_12 = tpu.vector_load %arg6[%parallel_loop3A_11] {strides = array<i32>} : memref<10000xi32, #tpu.memory_space<vmem>>, vector<16xi32>,
      %parallel_loop3A_13 = arith.constant 16 : i32
      %parallel_loop3A_14 = arith.muli %parallel_loop3A_8, %parallel_loop3A_13 : i32
      %parallel_loop3A_15 = arith.index_cast %parallel_loop3A_14 : i32 to index
      %parallel_loop3A_16 = tpu.vector_load %arg7[%parallel_loop3A_15] {strides = array<i32>} : memref<10000xi32, #tpu.memory_space<vmem>>, vector<16xi32>,
      %parallel_loop3A_17 = arith.constant 16 : i32
      %parallel_loop3A_18 = arith.muli %parallel_loop3A_8, %parallel_loop3A_17 : i32
      %parallel_loop3A_19 = arith.index_cast %parallel_loop3A_18 : i32 to index
      %parallel_loop3A_20 = tpu.vector_load %arg8[%parallel_loop3A_19] {strides = array<i32>} : memref<10000xf32, #tpu.memory_space<vmem>>, vector<16xf32>,
      %parallel_loop3A_21 = arith.cmpi eq, %parallel_loop3A_12, %parallel_loop3A_16 : vector<16xi32>
      %parallel_loop3A_22 = arith.constant 0.000000e+00 : f32
      %parallel_loop3A_23 = vector.broadcast %parallel_loop3A_22 : f32 to vector<16xf32>
      %parallel_loop3A_24 = arith.select %parallel_loop3A_21, %parallel_loop3A_23, %parallel_loop3A_20 : vector<16xi1>, vector<16xf32>
      tpu.vector_store_idx %arg9[%parallel_loop3A_12], %parallel_loop3A_24 {add = true} : memref<10240xf32, #tpu.memory_space<vmem>>[vector<16xi32>], vector<16xf32>,
    } {sc.loop_unroll_factor = 4 : i64, sc.parallel_access}
    "tpu.region"() ({
      %run_scoped3A = tpu.sem_alloc : memref<!tpu.dma_semaphore, #tpu.memory_space<semaphore_mem>>
      %dma_start3A = arith.constant 0 : i32
      %dma_start3A_8 = tpu.memref_slice %arg5[%add3A, %dma_start3A] : memref<32x10240xf32, #tpu.memory_space<hbm>> -> memref<1x10240xf32, #tpu.memory_space<hbm>>
      %dma_start3A_9 = tpu.memref_squeeze %dma_start3A_8 : memref<1x10240xf32, #tpu.memory_space<hbm>> -> memref<10240xf32, #tpu.memory_space<hbm>>
      %dma_start3A_10 = arith.constant 0 : i32
      %dma_start3A_11 = tpu.memref_slice %arg5[%add3A, %dma_start3A_10] : memref<32x10240xf32, #tpu.memory_space<hbm>> -> memref<1x10240xf32, #tpu.memory_space<hbm>>
      %dma_start3A_12 = tpu.memref_squeeze %dma_start3A_11 : memref<1x10240xf32, #tpu.memory_space<hbm>> -> memref<10240xf32, #tpu.memory_space<hbm>>
      tpu.enqueue_dma source(%arg9 : memref<10240xf32, #tpu.memory_space<vmem>>) target(%dma_start3A_12 : memref<10240xf32, #tpu.memory_space<hbm>>) target_semaphore(%run_scoped3A : memref<!tpu.dma_semaphore, #tpu.memory_space<semaphore_mem>>)
      %dma_wait3A = arith.constant 0 : i32
      %dma_wait3A_13 = tpu.memref_slice %arg5[%add3A, %dma_wait3A] : memref<32x10240xf32, #tpu.memory_space<hbm>> -> memref<1x10240xf32, #tpu.memory_space<hbm>>
      %dma_wait3A_14 = tpu.memref_squeeze %dma_wait3A_13 : memref<1x10240xf32, #tpu.memory_space<hbm>> -> memref<10240xf32, #tpu.memory_space<hbm>>
      %dma_wait3A_15 = arith.constant 0 : i32
      %dma_wait3A_16 = tpu.memref_slice %arg5[%add3A, %dma_wait3A_15] : memref<32x10240xf32, #tpu.memory_space<hbm>> -> memref<1x10240xf32, #tpu.memory_space<hbm>>
      %dma_wait3A_17 = tpu.memref_squeeze %dma_wait3A_16 : memref<1x10240xf32, #tpu.memory_space<hbm>> -> memref<10240xf32, #tpu.memory_space<hbm>>
      tpu.wait_dma2 semaphore(%run_scoped3A : memref<!tpu.dma_semaphore, #tpu.memory_space<semaphore_mem>>) src(%arg9 : memref<10240xf32, #tpu.memory_space<vmem>>) dst(%dma_wait3A_17 : memref<10240xf32, #tpu.memory_space<hbm>>)
      tpu.yield
    }) : () -> ()
    return
  }
}

#map = affine_map<(d0, d1) -> (0, 0)>
#map1 = affine_map<(d0, d1) -> (0)>
module attributes {stable_mosaic.version = 14 : i64} {
  func.func @_prop_body(%arg0: i32, %arg1: i32, %arg2: memref<128x10000xf32, #tpu.memory_space<hbm>>, %arg3: memref<320000xi32, #tpu.memory_space<hbm>>, %arg4: memref<320000xf32, #tpu.memory_space<hbm>>, %arg5: memref<512xi32, #tpu.memory_space<hbm>>, %arg6: memref<128x10000xf32, #tpu.memory_space<hbm>>, %arg7: memref<4x10000xf32, #tpu.memory_space<vmem>>, %arg8: memref<4x10000xf32, #tpu.memory_space<vmem>>, %arg9: memref<10000xi32, #tpu.memory_space<vmem>>, %arg10: memref<10000xi32, #tpu.memory_space<vmem>>, %arg11: memref<10000xf32, #tpu.memory_space<vmem>>, %arg12: memref<10000xf32, #tpu.memory_space<vmem>>, %arg13: memref<512xi32, #tpu.memory_space<vmem>>, %arg14: memref<!tpu.dma_semaphore, #tpu.memory_space<semaphore_mem>>, %arg15: memref<!tpu.dma_semaphore, #tpu.memory_space<semaphore_mem>>, %arg16: memref<!tpu.dma_semaphore, #tpu.memory_space<semaphore_mem>>) attributes {dimension_semantics = [#tpu.dimension_semantics<core_parallel>, #tpu.dimension_semantics<subcore_parallel>], iteration_bounds = array<i64: 2, 16>, scalar_prefetch = 0 : i64, scratch_operands = 10 : i64, tpu.core_type = #tpu.core_type<sc_vector_subcore>, window_params = [{transform_indices = #map}, {transform_indices = #map1}, {transform_indices = #map1}, {transform_indices = #map1}, {transform_indices = #map}]} {
    %mul3A = arith.constant 16 : i32
    %mul3A_0 = arith.muli %arg0, %mul3A : i32
    %add3A = arith.addi %mul3A_0, %arg1 : i32
    %mul3A_1 = arith.constant 4 : i32
    %mul3A_2 = arith.muli %add3A, %mul3A_1 : i32
    %dma_start3A = arith.constant 0 : i32
    %dma_start3A_3 = tpu.memref_slice %arg2[%mul3A_2, %dma_start3A] : memref<128x10000xf32, #tpu.memory_space<hbm>> -> memref<4x10000xf32, #tpu.memory_space<hbm>>
    %dma_start3A_4 = arith.constant 0 : i32
    %dma_start3A_5 = tpu.memref_slice %arg2[%mul3A_2, %dma_start3A_4] : memref<128x10000xf32, #tpu.memory_space<hbm>> -> memref<4x10000xf32, #tpu.memory_space<hbm>>
    tpu.enqueue_dma source(%dma_start3A_5 : memref<4x10000xf32, #tpu.memory_space<hbm>>) target(%arg7 : memref<4x10000xf32, #tpu.memory_space<vmem>>) target_semaphore(%arg14 : memref<!tpu.dma_semaphore, #tpu.memory_space<semaphore_mem>>)
    %dma_start3A_6 = arith.constant 0 : i32
    %dma_start3A_7 = tpu.memref_slice %arg3[%dma_start3A_6] : memref<320000xi32, #tpu.memory_space<hbm>> -> memref<10000xi32, #tpu.memory_space<hbm>>
    %dma_start3A_8 = arith.constant 0 : i32
    %dma_start3A_9 = tpu.memref_slice %arg3[%dma_start3A_8] : memref<320000xi32, #tpu.memory_space<hbm>> -> memref<10000xi32, #tpu.memory_space<hbm>>
    tpu.enqueue_dma source(%dma_start3A_9 : memref<10000xi32, #tpu.memory_space<hbm>>) target(%arg9 : memref<10000xi32, #tpu.memory_space<vmem>>) target_semaphore(%arg15 : memref<!tpu.dma_semaphore, #tpu.memory_space<semaphore_mem>>)
    %dma_start3A_10 = arith.constant 0 : i32
    %dma_start3A_11 = tpu.memref_slice %arg4[%dma_start3A_10] : memref<320000xf32, #tpu.memory_space<hbm>> -> memref<10000xf32, #tpu.memory_space<hbm>>
    %dma_start3A_12 = arith.constant 0 : i32
    %dma_start3A_13 = tpu.memref_slice %arg4[%dma_start3A_12] : memref<320000xf32, #tpu.memory_space<hbm>> -> memref<10000xf32, #tpu.memory_space<hbm>>
    tpu.enqueue_dma source(%dma_start3A_13 : memref<10000xf32, #tpu.memory_space<hbm>>) target(%arg11 : memref<10000xf32, #tpu.memory_space<vmem>>) target_semaphore(%arg15 : memref<!tpu.dma_semaphore, #tpu.memory_space<semaphore_mem>>)
    "tpu.region"() ({
      %run_scoped3A = tpu.sem_alloc : memref<!tpu.dma_semaphore, #tpu.memory_space<semaphore_mem>>
      tpu.enqueue_dma source(%arg5 : memref<512xi32, #tpu.memory_space<hbm>>) target(%arg13 : memref<512xi32, #tpu.memory_space<vmem>>) target_semaphore(%run_scoped3A : memref<!tpu.dma_semaphore, #tpu.memory_space<semaphore_mem>>)
      tpu.wait_dma2 semaphore(%run_scoped3A : memref<!tpu.dma_semaphore, #tpu.memory_space<semaphore_mem>>) src(%arg5 : memref<512xi32, #tpu.memory_space<hbm>>) dst(%arg13 : memref<512xi32, #tpu.memory_space<vmem>>)
      tpu.yield
    }) : () -> ()
    %parallel_loop3A = arith.constant 0 : i32
    %parallel_loop3A_14 = arith.constant 625 : i32
    %parallel_loop3A_15 = arith.constant 1 : i32
    scf.for %parallel_loop3A_33 = %parallel_loop3A to %parallel_loop3A_14 step %parallel_loop3A_15  : i32 {
      %parallel_loop3A_34 = arith.constant 0.000000e+00 : f32
      %parallel_loop3A_35 = vector.broadcast %parallel_loop3A_34 : f32 to vector<16xf32>
      %parallel_loop3A_36 = arith.constant 16 : i32
      %parallel_loop3A_37 = arith.muli %parallel_loop3A_33, %parallel_loop3A_36 : i32
      %parallel_loop3A_38 = arith.constant 0 : i32
      %parallel_loop3A_39 = arith.index_cast %parallel_loop3A_38 : i32 to index
      %parallel_loop3A_40 = arith.index_cast %parallel_loop3A_37 : i32 to index
      %parallel_loop3A_41 = tpu.vector_load %arg8[%parallel_loop3A_39, %parallel_loop3A_40] {strides = array<i32>} : memref<4x10000xf32, #tpu.memory_space<vmem>>, vector<16xf32>,
      tpu.vector_store %arg8[%parallel_loop3A_39, %parallel_loop3A_40], %parallel_loop3A_35 {strides = array<i32>} : memref<4x10000xf32, #tpu.memory_space<vmem>>, vector<16xf32>,
    } {sc.loop_unroll_factor = 4 : i64, sc.parallel_access}
    %parallel_loop3A_16 = arith.constant 0 : i32
    %parallel_loop3A_17 = arith.constant 625 : i32
    %parallel_loop3A_18 = arith.constant 1 : i32
    scf.for %parallel_loop3A_33 = %parallel_loop3A_16 to %parallel_loop3A_17 step %parallel_loop3A_18  : i32 {
      %parallel_loop3A_34 = arith.constant 0.000000e+00 : f32
      %parallel_loop3A_35 = vector.broadcast %parallel_loop3A_34 : f32 to vector<16xf32>
      %parallel_loop3A_36 = arith.constant 16 : i32
      %parallel_loop3A_37 = arith.muli %parallel_loop3A_33, %parallel_loop3A_36 : i32
      %parallel_loop3A_38 = arith.constant 1 : i32
      %parallel_loop3A_39 = arith.index_cast %parallel_loop3A_38 : i32 to index
      %parallel_loop3A_40 = arith.index_cast %parallel_loop3A_37 : i32 to index
      %parallel_loop3A_41 = tpu.vector_load %arg8[%parallel_loop3A_39, %parallel_loop3A_40] {strides = array<i32>} : memref<4x10000xf32, #tpu.memory_space<vmem>>, vector<16xf32>,
      tpu.vector_store %arg8[%parallel_loop3A_39, %parallel_loop3A_40], %parallel_loop3A_35 {strides = array<i32>} : memref<4x10000xf32, #tpu.memory_space<vmem>>, vector<16xf32>,
    } {sc.loop_unroll_factor = 4 : i64, sc.parallel_access}
    %parallel_loop3A_19 = arith.constant 0 : i32
    %parallel_loop3A_20 = arith.constant 625 : i32
    %parallel_loop3A_21 = arith.constant 1 : i32
    scf.for %parallel_loop3A_33 = %parallel_loop3A_19 to %parallel_loop3A_20 step %parallel_loop3A_21  : i32 {
      %parallel_loop3A_34 = arith.constant 0.000000e+00 : f32
      %parallel_loop3A_35 = vector.broadcast %parallel_loop3A_34 : f32 to vector<16xf32>
      %parallel_loop3A_36 = arith.constant 16 : i32
      %parallel_loop3A_37 = arith.muli %parallel_loop3A_33, %parallel_loop3A_36 : i32
      %parallel_loop3A_38 = arith.constant 2 : i32
      %parallel_loop3A_39 = arith.index_cast %parallel_loop3A_38 : i32 to index
      %parallel_loop3A_40 = arith.index_cast %parallel_loop3A_37 : i32 to index
      %parallel_loop3A_41 = tpu.vector_load %arg8[%parallel_loop3A_39, %parallel_loop3A_40] {strides = array<i32>} : memref<4x10000xf32, #tpu.memory_space<vmem>>, vector<16xf32>,
      tpu.vector_store %arg8[%parallel_loop3A_39, %parallel_loop3A_40], %parallel_loop3A_35 {strides = array<i32>} : memref<4x10000xf32, #tpu.memory_space<vmem>>, vector<16xf32>,
    } {sc.loop_unroll_factor = 4 : i64, sc.parallel_access}
    %parallel_loop3A_22 = arith.constant 0 : i32
    %parallel_loop3A_23 = arith.constant 625 : i32
    %parallel_loop3A_24 = arith.constant 1 : i32
    scf.for %parallel_loop3A_33 = %parallel_loop3A_22 to %parallel_loop3A_23 step %parallel_loop3A_24  : i32 {
      %parallel_loop3A_34 = arith.constant 0.000000e+00 : f32
      %parallel_loop3A_35 = vector.broadcast %parallel_loop3A_34 : f32 to vector<16xf32>
      %parallel_loop3A_36 = arith.constant 16 : i32
      %parallel_loop3A_37 = arith.muli %parallel_loop3A_33, %parallel_loop3A_36 : i32
      %parallel_loop3A_38 = arith.constant 3 : i32
      %parallel_loop3A_39 = arith.index_cast %parallel_loop3A_38 : i32 to index
      %parallel_loop3A_40 = arith.index_cast %parallel_loop3A_37 : i32 to index
      %parallel_loop3A_41 = tpu.vector_load %arg8[%parallel_loop3A_39, %parallel_loop3A_40] {strides = array<i32>} : memref<4x10000xf32, #tpu.memory_space<vmem>>, vector<16xf32>,
      tpu.vector_store %arg8[%parallel_loop3A_39, %parallel_loop3A_40], %parallel_loop3A_35 {strides = array<i32>} : memref<4x10000xf32, #tpu.memory_space<vmem>>, vector<16xf32>,
    } {sc.loop_unroll_factor = 4 : i64, sc.parallel_access}
    %dma_wait3A = arith.constant 0 : i32
    %dma_wait3A_25 = tpu.memref_slice %arg2[%mul3A_2, %dma_wait3A] : memref<128x10000xf32, #tpu.memory_space<hbm>> -> memref<4x10000xf32, #tpu.memory_space<hbm>>
    %dma_wait3A_26 = arith.constant 0 : i32
    %dma_wait3A_27 = tpu.memref_slice %arg2[%mul3A_2, %dma_wait3A_26] : memref<128x10000xf32, #tpu.memory_space<hbm>> -> memref<4x10000xf32, #tpu.memory_space<hbm>>
    tpu.wait_dma2 semaphore(%arg14 : memref<!tpu.dma_semaphore, #tpu.memory_space<semaphore_mem>>) src(%dma_wait3A_27 : memref<4x10000xf32, #tpu.memory_space<hbm>>) dst(%arg7 : memref<4x10000xf32, #tpu.memory_space<vmem>>)
    %scan3A = arith.constant 0 : i32
    %scan3A_28 = arith.constant 0 : i32
    %scan3A_29 = arith.constant 16 : i32
    %scan3A_30 = arith.addi %scan3A_28, %scan3A_29 : i32
    %scan3A_31 = arith.constant 1 : i32
    scf.for %scan3A_33 = %scan3A_28 to %scan3A_30 step %scan3A_31  : i32 {
      %mul3A_34 = arith.constant 2 : i32
      %mul3A_35 = arith.muli %scan3A_33, %mul3A_34 : i32
      %add3A_36 = arith.constant 0 : i32
      %add3A_37 = arith.addi %mul3A_35, %add3A_36 : i32
      %add3A_38 = arith.constant 1 : i32
      %add3A_39 = arith.addi %add3A_37, %add3A_38 : i32
      %lt3A = arith.constant 32 : i32
      %lt3A_40 = arith.cmpi slt, %add3A_39, %lt3A : i32
      %convert_element_type3A = arith.extui %lt3A_40 : i1 to i32
      %cond3A = arith.constant 0 : i32
      %cond3A_41 = arith.cmpi ne, %convert_element_type3A, %cond3A : i32
      scf.if %cond3A_41 {
        %add3A_114 = arith.constant 1 : i32
        %add3A_115 = arith.addi %add3A_37, %add3A_114 : i32
        %mul3A_116 = arith.constant 10000 : i32
        %mul3A_117 = arith.muli %add3A_115, %mul3A_116 : i32
        %dma_start3A_118 = tpu.memref_slice %arg3[%mul3A_117] : memref<320000xi32, #tpu.memory_space<hbm>> -> memref<10000xi32, #tpu.memory_space<hbm>>
        %dma_start3A_119 = tpu.memref_slice %arg3[%mul3A_117] : memref<320000xi32, #tpu.memory_space<hbm>> -> memref<10000xi32, #tpu.memory_space<hbm>>
        tpu.enqueue_dma source(%dma_start3A_119 : memref<10000xi32, #tpu.memory_space<hbm>>) target(%arg10 : memref<10000xi32, #tpu.memory_space<vmem>>) target_semaphore(%arg16 : memref<!tpu.dma_semaphore, #tpu.memory_space<semaphore_mem>>)
        %dma_start3A_120 = tpu.memref_slice %arg4[%mul3A_117] : memref<320000xf32, #tpu.memory_space<hbm>> -> memref<10000xf32, #tpu.memory_space<hbm>>
        %dma_start3A_121 = tpu.memref_slice %arg4[%mul3A_117] : memref<320000xf32, #tpu.memory_space<hbm>> -> memref<10000xf32, #tpu.memory_space<hbm>>
        tpu.enqueue_dma source(%dma_start3A_121 : memref<10000xf32, #tpu.memory_space<hbm>>) target(%arg12 : memref<10000xf32, #tpu.memory_space<vmem>>) target_semaphore(%arg16 : memref<!tpu.dma_semaphore, #tpu.memory_space<semaphore_mem>>)
      } else {
      }
      %mul3A_42 = arith.constant 10000 : i32
      %mul3A_43 = arith.muli %add3A_37, %mul3A_42 : i32
      %dma_wait3A_44 = tpu.memref_slice %arg3[%mul3A_43] : memref<320000xi32, #tpu.memory_space<hbm>> -> memref<10000xi32, #tpu.memory_space<hbm>>
      %dma_wait3A_45 = tpu.memref_slice %arg3[%mul3A_43] : memref<320000xi32, #tpu.memory_space<hbm>> -> memref<10000xi32, #tpu.memory_space<hbm>>
      tpu.wait_dma2 semaphore(%arg15 : memref<!tpu.dma_semaphore, #tpu.memory_space<semaphore_mem>>) src(%dma_wait3A_45 : memref<10000xi32, #tpu.memory_space<hbm>>) dst(%arg9 : memref<10000xi32, #tpu.memory_space<vmem>>)
      %mul3A_46 = arith.constant 10000 : i32
      %mul3A_47 = arith.muli %add3A_37, %mul3A_46 : i32
      %dma_wait3A_48 = tpu.memref_slice %arg4[%mul3A_47] : memref<320000xf32, #tpu.memory_space<hbm>> -> memref<10000xf32, #tpu.memory_space<hbm>>
      %dma_wait3A_49 = tpu.memref_slice %arg4[%mul3A_47] : memref<320000xf32, #tpu.memory_space<hbm>> -> memref<10000xf32, #tpu.memory_space<hbm>>
      tpu.wait_dma2 semaphore(%arg15 : memref<!tpu.dma_semaphore, #tpu.memory_space<semaphore_mem>>) src(%dma_wait3A_49 : memref<10000xf32, #tpu.memory_space<hbm>>) dst(%arg11 : memref<10000xf32, #tpu.memory_space<vmem>>)
      %mul3A_50 = arith.constant 16 : i32
      %mul3A_51 = arith.muli %add3A_37, %mul3A_50 : i32
      %get3A = arith.index_cast %mul3A_51 : i32 to index
      %get3A_52 = tpu.vector_load %arg13[%get3A] {strides = array<i32>} : memref<512xi32, #tpu.memory_space<vmem>>, vector<16xi32>,
      %broadcast_in_dim3A = arith.constant true
      %broadcast_in_dim3A_53 = vector.broadcast %broadcast_in_dim3A : i1 to vector<16xi1>
      %masked_cumsum3A = tpu.scan <sum>, %get3A_52 masked %broadcast_in_dim3A_53 : vector<16xi32>, vector<16xi1> -> vector<16xi32>
      %sub3A = arith.subi %masked_cumsum3A, %get3A_52 : vector<16xi32>
      %reduce_max3A = arith.constant true
      %reduce_max3A_54 = vector.broadcast %reduce_max3A : i1 to vector<16xi1>
      %reduce_max3A_55 = arith.constant -2147483648 : i32
      %reduce_max3A_56 = vector.broadcast %reduce_max3A_55 : i32 to vector<16xi32>
      %reduce_max3A_57 = arith.xori %get3A_52, %reduce_max3A_56 : vector<16xi32>
      %reduce_max3A_58 = tpu.scan <max>, %reduce_max3A_57 masked %reduce_max3A_54 : vector<16xi32>, vector<16xi1> -> vector<16xi32>
      %reduce_max3A_59 = arith.xori %reduce_max3A_58, %reduce_max3A_56 : vector<16xi32>
      %reduce_max3A_60 = vector.extract %reduce_max3A_59[15] : i32 from vector<16xi32>
      %min3A = arith.constant 10000 : i32
      %min3A_61 = arith.minsi %reduce_max3A_60, %min3A : i32
      %add3A_62 = arith.constant 7 : i32
      %add3A_63 = arith.addi %min3A_61, %add3A_62 : i32
      %div3A = arith.constant 8 : i32
      %div3A_64 = arith.divsi %add3A_63, %div3A : i32
      %mul3A_65 = arith.constant 8 : i32
      %mul3A_66 = arith.muli %div3A_64, %mul3A_65 : i32
      %parallel_loop3A_67 = arith.constant 0 : i32
      %parallel_loop3A_68 = arith.constant 1 : i32
      scf.for %parallel_loop3A_114 = %parallel_loop3A_67 to %mul3A_66 step %parallel_loop3A_68  : i32 {
        %parallel_loop3A_115 = vector.broadcast %parallel_loop3A_114 : i32 to vector<16xi32>
        %parallel_loop3A_116 = arith.cmpi slt, %parallel_loop3A_115, %get3A_52 : vector<16xi32>
        %parallel_loop3A_117 = arith.addi %sub3A, %parallel_loop3A_115 : vector<16xi32>
        %parallel_loop3A_118 = arith.constant 0 : i32
        %parallel_loop3A_119 = vector.broadcast %parallel_loop3A_118 : i32 to vector<16xi32>
        %parallel_loop3A_120 = arith.select %parallel_loop3A_116, %parallel_loop3A_117, %parallel_loop3A_119 : vector<16xi1>, vector<16xi32>
        %parallel_loop3A_121 = tpu.vector_load_idx %arg9[%parallel_loop3A_120] masked %parallel_loop3A_116 : memref<10000xi32, #tpu.memory_space<vmem>>[vector<16xi32>], vector<16xi32>, vector<16xi1>
        %parallel_loop3A_122 = tpu.vector_load_idx %arg11[%parallel_loop3A_120] masked %parallel_loop3A_116 : memref<10000xf32, #tpu.memory_space<vmem>>[vector<16xi32>], vector<16xf32>, vector<16xi1>
        %parallel_loop3A_123 = arith.constant 0.000000e+00 : f32
        %parallel_loop3A_124 = vector.broadcast %parallel_loop3A_123 : f32 to vector<16xf32>
        %parallel_loop3A_125 = arith.select %parallel_loop3A_116, %parallel_loop3A_122, %parallel_loop3A_124 : vector<16xi1>, vector<16xf32>
        %parallel_loop3A_126 = arith.constant 16 : i32
        %parallel_loop3A_127 = vector.broadcast %parallel_loop3A_126 : i32 to vector<16xi32>
        %parallel_loop3A_128 = arith.shrui %parallel_loop3A_121, %parallel_loop3A_127 : vector<16xi32>
        %parallel_loop3A_129 = arith.constant 0 : i32
        %parallel_loop3A_130 = vector.broadcast %parallel_loop3A_129 : i32 to vector<16xi32>
        %parallel_loop3A_131 = arith.select %parallel_loop3A_116, %parallel_loop3A_128, %parallel_loop3A_130 : vector<16xi1>, vector<16xi32>
        %parallel_loop3A_132 = arith.constant 65535 : i32
        %parallel_loop3A_133 = vector.broadcast %parallel_loop3A_132 : i32 to vector<16xi32>
        %parallel_loop3A_134 = arith.andi %parallel_loop3A_121, %parallel_loop3A_133 : vector<16xi32>
        %parallel_loop3A_135 = arith.constant 0 : i32
        %parallel_loop3A_136 = vector.broadcast %parallel_loop3A_135 : i32 to vector<16xi32>
        %parallel_loop3A_137 = arith.select %parallel_loop3A_116, %parallel_loop3A_134, %parallel_loop3A_136 : vector<16xi1>, vector<16xi32>
        %parallel_loop3A_138 = arith.constant 0 : i32
        %parallel_loop3A_139 = vector.broadcast %parallel_loop3A_138 : i32 to vector<16xi32>
        %parallel_loop3A_140 = tpu.vector_load_idx %arg7[%parallel_loop3A_139, %parallel_loop3A_137] masked %parallel_loop3A_116 : memref<4x10000xf32, #tpu.memory_space<vmem>>[vector<16xi32>, vector<16xi32>], vector<16xf32>, vector<16xi1>
        %parallel_loop3A_141 = arith.mulf %parallel_loop3A_140, %parallel_loop3A_125 : vector<16xf32>
        tpu.vector_store_idx %arg8[%parallel_loop3A_139, %parallel_loop3A_131], %parallel_loop3A_141 masked %parallel_loop3A_116 {add = true} : memref<4x10000xf32, #tpu.memory_space<vmem>>[vector<16xi32>, vector<16xi32>], vector<16xf32>, vector<16xi1>
        %parallel_loop3A_142 = arith.constant 1 : i32
        %parallel_loop3A_143 = vector.broadcast %parallel_loop3A_142 : i32 to vector<16xi32>
        %parallel_loop3A_144 = tpu.vector_load_idx %arg7[%parallel_loop3A_143, %parallel_loop3A_137] masked %parallel_loop3A_116 : memref<4x10000xf32, #tpu.memory_space<vmem>>[vector<16xi32>, vector<16xi32>], vector<16xf32>, vector<16xi1>
        %parallel_loop3A_145 = arith.mulf %parallel_loop3A_144, %parallel_loop3A_125 : vector<16xf32>
        tpu.vector_store_idx %arg8[%parallel_loop3A_143, %parallel_loop3A_131], %parallel_loop3A_145 masked %parallel_loop3A_116 {add = true} : memref<4x10000xf32, #tpu.memory_space<vmem>>[vector<16xi32>, vector<16xi32>], vector<16xf32>, vector<16xi1>
        %parallel_loop3A_146 = arith.constant 2 : i32
        %parallel_loop3A_147 = vector.broadcast %parallel_loop3A_146 : i32 to vector<16xi32>
        %parallel_loop3A_148 = tpu.vector_load_idx %arg7[%parallel_loop3A_147, %parallel_loop3A_137] masked %parallel_loop3A_116 : memref<4x10000xf32, #tpu.memory_space<vmem>>[vector<16xi32>, vector<16xi32>], vector<16xf32>, vector<16xi1>
        %parallel_loop3A_149 = arith.mulf %parallel_loop3A_148, %parallel_loop3A_125 : vector<16xf32>
        tpu.vector_store_idx %arg8[%parallel_loop3A_147, %parallel_loop3A_131], %parallel_loop3A_149 masked %parallel_loop3A_116 {add = true} : memref<4x10000xf32, #tpu.memory_space<vmem>>[vector<16xi32>, vector<16xi32>], vector<16xf32>, vector<16xi1>
        %parallel_loop3A_150 = arith.constant 3 : i32
        %parallel_loop3A_151 = vector.broadcast %parallel_loop3A_150 : i32 to vector<16xi32>
        %parallel_loop3A_152 = tpu.vector_load_idx %arg7[%parallel_loop3A_151, %parallel_loop3A_137] masked %parallel_loop3A_116 : memref<4x10000xf32, #tpu.memory_space<vmem>>[vector<16xi32>, vector<16xi32>], vector<16xf32>, vector<16xi1>
        %parallel_loop3A_153 = arith.mulf %parallel_loop3A_152, %parallel_loop3A_125 : vector<16xf32>
        tpu.vector_store_idx %arg8[%parallel_loop3A_151, %parallel_loop3A_131], %parallel_loop3A_153 masked %parallel_loop3A_116 {add = true} : memref<4x10000xf32, #tpu.memory_space<vmem>>[vector<16xi32>, vector<16xi32>], vector<16xf32>, vector<16xi1>
      } {sc.loop_unroll_factor = 8 : i64, sc.parallel_access}
      %mul3A_69 = arith.constant 2 : i32
      %mul3A_70 = arith.muli %scan3A_33, %mul3A_69 : i32
      %add3A_71 = arith.constant 1 : i32
      %add3A_72 = arith.addi %mul3A_70, %add3A_71 : i32
      %add3A_73 = arith.constant 1 : i32
      %add3A_74 = arith.addi %add3A_72, %add3A_73 : i32
      %lt3A_75 = arith.constant 32 : i32
      %lt3A_76 = arith.cmpi slt, %add3A_74, %lt3A_75 : i32
      %convert_element_type3A_77 = arith.extui %lt3A_76 : i1 to i32
      %cond3A_78 = arith.constant 0 : i32
      %cond3A_79 = arith.cmpi ne, %convert_element_type3A_77, %cond3A_78 : i32
      scf.if %cond3A_79 {
        %add3A_114 = arith.constant 1 : i32
        %add3A_115 = arith.addi %add3A_72, %add3A_114 : i32
        %mul3A_116 = arith.constant 10000 : i32
        %mul3A_117 = arith.muli %add3A_115, %mul3A_116 : i32
        %dma_start3A_118 = tpu.memref_slice %arg3[%mul3A_117] : memref<320000xi32, #tpu.memory_space<hbm>> -> memref<10000xi32, #tpu.memory_space<hbm>>
        %dma_start3A_119 = tpu.memref_slice %arg3[%mul3A_117] : memref<320000xi32, #tpu.memory_space<hbm>> -> memref<10000xi32, #tpu.memory_space<hbm>>
        tpu.enqueue_dma source(%dma_start3A_119 : memref<10000xi32, #tpu.memory_space<hbm>>) target(%arg9 : memref<10000xi32, #tpu.memory_space<vmem>>) target_semaphore(%arg15 : memref<!tpu.dma_semaphore, #tpu.memory_space<semaphore_mem>>)
        %dma_start3A_120 = tpu.memref_slice %arg4[%mul3A_117] : memref<320000xf32, #tpu.memory_space<hbm>> -> memref<10000xf32, #tpu.memory_space<hbm>>
        %dma_start3A_121 = tpu.memref_slice %arg4[%mul3A_117] : memref<320000xf32, #tpu.memory_space<hbm>> -> memref<10000xf32, #tpu.memory_space<hbm>>
        tpu.enqueue_dma source(%dma_start3A_121 : memref<10000xf32, #tpu.memory_space<hbm>>) target(%arg11 : memref<10000xf32, #tpu.memory_space<vmem>>) target_semaphore(%arg15 : memref<!tpu.dma_semaphore, #tpu.memory_space<semaphore_mem>>)
      } else {
      }
      %mul3A_80 = arith.constant 10000 : i32
      %mul3A_81 = arith.muli %add3A_72, %mul3A_80 : i32
      %dma_wait3A_82 = tpu.memref_slice %arg3[%mul3A_81] : memref<320000xi32, #tpu.memory_space<hbm>> -> memref<10000xi32, #tpu.memory_space<hbm>>
      %dma_wait3A_83 = tpu.memref_slice %arg3[%mul3A_81] : memref<320000xi32, #tpu.memory_space<hbm>> -> memref<10000xi32, #tpu.memory_space<hbm>>
      tpu.wait_dma2 semaphore(%arg16 : memref<!tpu.dma_semaphore, #tpu.memory_space<semaphore_mem>>) src(%dma_wait3A_83 : memref<10000xi32, #tpu.memory_space<hbm>>) dst(%arg10 : memref<10000xi32, #tpu.memory_space<vmem>>)
      %mul3A_84 = arith.constant 10000 : i32
      %mul3A_85 = arith.muli %add3A_72, %mul3A_84 : i32
      %dma_wait3A_86 = tpu.memref_slice %arg4[%mul3A_85] : memref<320000xf32, #tpu.memory_space<hbm>> -> memref<10000xf32, #tpu.memory_space<hbm>>
      %dma_wait3A_87 = tpu.memref_slice %arg4[%mul3A_85] : memref<320000xf32, #tpu.memory_space<hbm>> -> memref<10000xf32, #tpu.memory_space<hbm>>
      tpu.wait_dma2 semaphore(%arg16 : memref<!tpu.dma_semaphore, #tpu.memory_space<semaphore_mem>>) src(%dma_wait3A_87 : memref<10000xf32, #tpu.memory_space<hbm>>) dst(%arg12 : memref<10000xf32, #tpu.memory_space<vmem>>)
      %mul3A_88 = arith.constant 16 : i32
      %mul3A_89 = arith.muli %add3A_72, %mul3A_88 : i32
      %get3A_90 = arith.index_cast %mul3A_89 : i32 to index
      %get3A_91 = tpu.vector_load %arg13[%get3A_90] {strides = array<i32>} : memref<512xi32, #tpu.memory_space<vmem>>, vector<16xi32>,
      %broadcast_in_dim3A_92 = arith.constant true
      %broadcast_in_dim3A_93 = vector.broadcast %broadcast_in_dim3A_92 : i1 to vector<16xi1>
      %masked_cumsum3A_94 = tpu.scan <sum>, %get3A_91 masked %broadcast_in_dim3A_93 : vector<16xi32>, vector<16xi1> -> vector<16xi32>
      %sub3A_95 = arith.subi %masked_cumsum3A_94, %get3A_91 : vector<16xi32>
      %reduce_max3A_96 = arith.constant true
      %reduce_max3A_97 = vector.broadcast %reduce_max3A_96 : i1 to vector<16xi1>
      %reduce_max3A_98 = arith.constant -2147483648 : i32
      %reduce_max3A_99 = vector.broadcast %reduce_max3A_98 : i32 to vector<16xi32>
      %reduce_max3A_100 = arith.xori %get3A_91, %reduce_max3A_99 : vector<16xi32>
      %reduce_max3A_101 = tpu.scan <max>, %reduce_max3A_100 masked %reduce_max3A_97 : vector<16xi32>, vector<16xi1> -> vector<16xi32>
      %reduce_max3A_102 = arith.xori %reduce_max3A_101, %reduce_max3A_99 : vector<16xi32>
      %reduce_max3A_103 = vector.extract %reduce_max3A_102[15] : i32 from vector<16xi32>
      %min3A_104 = arith.constant 10000 : i32
      %min3A_105 = arith.minsi %reduce_max3A_103, %min3A_104 : i32
      %add3A_106 = arith.constant 7 : i32
      %add3A_107 = arith.addi %min3A_105, %add3A_106 : i32
      %div3A_108 = arith.constant 8 : i32
      %div3A_109 = arith.divsi %add3A_107, %div3A_108 : i32
      %mul3A_110 = arith.constant 8 : i32
      %mul3A_111 = arith.muli %div3A_109, %mul3A_110 : i32
      %parallel_loop3A_112 = arith.constant 0 : i32
      %parallel_loop3A_113 = arith.constant 1 : i32
      scf.for %parallel_loop3A_114 = %parallel_loop3A_112 to %mul3A_111 step %parallel_loop3A_113  : i32 {
        %parallel_loop3A_115 = vector.broadcast %parallel_loop3A_114 : i32 to vector<16xi32>
        %parallel_loop3A_116 = arith.cmpi slt, %parallel_loop3A_115, %get3A_91 : vector<16xi32>
        %parallel_loop3A_117 = arith.addi %sub3A_95, %parallel_loop3A_115 : vector<16xi32>
        %parallel_loop3A_118 = arith.constant 0 : i32
        %parallel_loop3A_119 = vector.broadcast %parallel_loop3A_118 : i32 to vector<16xi32>
        %parallel_loop3A_120 = arith.select %parallel_loop3A_116, %parallel_loop3A_117, %parallel_loop3A_119 : vector<16xi1>, vector<16xi32>
        %parallel_loop3A_121 = tpu.vector_load_idx %arg10[%parallel_loop3A_120] masked %parallel_loop3A_116 : memref<10000xi32, #tpu.memory_space<vmem>>[vector<16xi32>], vector<16xi32>, vector<16xi1>
        %parallel_loop3A_122 = tpu.vector_load_idx %arg12[%parallel_loop3A_120] masked %parallel_loop3A_116 : memref<10000xf32, #tpu.memory_space<vmem>>[vector<16xi32>], vector<16xf32>, vector<16xi1>
        %parallel_loop3A_123 = arith.constant 0.000000e+00 : f32
        %parallel_loop3A_124 = vector.broadcast %parallel_loop3A_123 : f32 to vector<16xf32>
        %parallel_loop3A_125 = arith.select %parallel_loop3A_116, %parallel_loop3A_122, %parallel_loop3A_124 : vector<16xi1>, vector<16xf32>
        %parallel_loop3A_126 = arith.constant 16 : i32
        %parallel_loop3A_127 = vector.broadcast %parallel_loop3A_126 : i32 to vector<16xi32>
        %parallel_loop3A_128 = arith.shrui %parallel_loop3A_121, %parallel_loop3A_127 : vector<16xi32>
        %parallel_loop3A_129 = arith.constant 0 : i32
        %parallel_loop3A_130 = vector.broadcast %parallel_loop3A_129 : i32 to vector<16xi32>
        %parallel_loop3A_131 = arith.select %parallel_loop3A_116, %parallel_loop3A_128, %parallel_loop3A_130 : vector<16xi1>, vector<16xi32>
        %parallel_loop3A_132 = arith.constant 65535 : i32
        %parallel_loop3A_133 = vector.broadcast %parallel_loop3A_132 : i32 to vector<16xi32>
        %parallel_loop3A_134 = arith.andi %parallel_loop3A_121, %parallel_loop3A_133 : vector<16xi32>
        %parallel_loop3A_135 = arith.constant 0 : i32
        %parallel_loop3A_136 = vector.broadcast %parallel_loop3A_135 : i32 to vector<16xi32>
        %parallel_loop3A_137 = arith.select %parallel_loop3A_116, %parallel_loop3A_134, %parallel_loop3A_136 : vector<16xi1>, vector<16xi32>
        %parallel_loop3A_138 = arith.constant 0 : i32
        %parallel_loop3A_139 = vector.broadcast %parallel_loop3A_138 : i32 to vector<16xi32>
        %parallel_loop3A_140 = tpu.vector_load_idx %arg7[%parallel_loop3A_139, %parallel_loop3A_137] masked %parallel_loop3A_116 : memref<4x10000xf32, #tpu.memory_space<vmem>>[vector<16xi32>, vector<16xi32>], vector<16xf32>, vector<16xi1>
        %parallel_loop3A_141 = arith.mulf %parallel_loop3A_140, %parallel_loop3A_125 : vector<16xf32>
        tpu.vector_store_idx %arg8[%parallel_loop3A_139, %parallel_loop3A_131], %parallel_loop3A_141 masked %parallel_loop3A_116 {add = true} : memref<4x10000xf32, #tpu.memory_space<vmem>>[vector<16xi32>, vector<16xi32>], vector<16xf32>, vector<16xi1>
        %parallel_loop3A_142 = arith.constant 1 : i32
        %parallel_loop3A_143 = vector.broadcast %parallel_loop3A_142 : i32 to vector<16xi32>
        %parallel_loop3A_144 = tpu.vector_load_idx %arg7[%parallel_loop3A_143, %parallel_loop3A_137] masked %parallel_loop3A_116 : memref<4x10000xf32, #tpu.memory_space<vmem>>[vector<16xi32>, vector<16xi32>], vector<16xf32>, vector<16xi1>
        %parallel_loop3A_145 = arith.mulf %parallel_loop3A_144, %parallel_loop3A_125 : vector<16xf32>
        tpu.vector_store_idx %arg8[%parallel_loop3A_143, %parallel_loop3A_131], %parallel_loop3A_145 masked %parallel_loop3A_116 {add = true} : memref<4x10000xf32, #tpu.memory_space<vmem>>[vector<16xi32>, vector<16xi32>], vector<16xf32>, vector<16xi1>
        %parallel_loop3A_146 = arith.constant 2 : i32
        %parallel_loop3A_147 = vector.broadcast %parallel_loop3A_146 : i32 to vector<16xi32>
        %parallel_loop3A_148 = tpu.vector_load_idx %arg7[%parallel_loop3A_147, %parallel_loop3A_137] masked %parallel_loop3A_116 : memref<4x10000xf32, #tpu.memory_space<vmem>>[vector<16xi32>, vector<16xi32>], vector<16xf32>, vector<16xi1>
        %parallel_loop3A_149 = arith.mulf %parallel_loop3A_148, %parallel_loop3A_125 : vector<16xf32>
        tpu.vector_store_idx %arg8[%parallel_loop3A_147, %parallel_loop3A_131], %parallel_loop3A_149 masked %parallel_loop3A_116 {add = true} : memref<4x10000xf32, #tpu.memory_space<vmem>>[vector<16xi32>, vector<16xi32>], vector<16xf32>, vector<16xi1>
        %parallel_loop3A_150 = arith.constant 3 : i32
        %parallel_loop3A_151 = vector.broadcast %parallel_loop3A_150 : i32 to vector<16xi32>
        %parallel_loop3A_152 = tpu.vector_load_idx %arg7[%parallel_loop3A_151, %parallel_loop3A_137] masked %parallel_loop3A_116 : memref<4x10000xf32, #tpu.memory_space<vmem>>[vector<16xi32>, vector<16xi32>], vector<16xf32>, vector<16xi1>
        %parallel_loop3A_153 = arith.mulf %parallel_loop3A_152, %parallel_loop3A_125 : vector<16xf32>
        tpu.vector_store_idx %arg8[%parallel_loop3A_151, %parallel_loop3A_131], %parallel_loop3A_153 masked %parallel_loop3A_116 {add = true} : memref<4x10000xf32, #tpu.memory_space<vmem>>[vector<16xi32>, vector<16xi32>], vector<16xf32>, vector<16xi1>
      } {sc.loop_unroll_factor = 8 : i64, sc.parallel_access}
    }
    %scan3A_32 = arith.constant 16 : i32
    "tpu.region"() ({
      %run_scoped3A = tpu.sem_alloc : memref<!tpu.dma_semaphore, #tpu.memory_space<semaphore_mem>>
      %dma_start3A_33 = arith.constant 0 : i32
      %dma_start3A_34 = tpu.memref_slice %arg6[%mul3A_2, %dma_start3A_33] : memref<128x10000xf32, #tpu.memory_space<hbm>> -> memref<4x10000xf32, #tpu.memory_space<hbm>>
      %dma_start3A_35 = arith.constant 0 : i32
      %dma_start3A_36 = tpu.memref_slice %arg6[%mul3A_2, %dma_start3A_35] : memref<128x10000xf32, #tpu.memory_space<hbm>> -> memref<4x10000xf32, #tpu.memory_space<hbm>>
      tpu.enqueue_dma source(%arg8 : memref<4x10000xf32, #tpu.memory_space<vmem>>) target(%dma_start3A_36 : memref<4x10000xf32, #tpu.memory_space<hbm>>) target_semaphore(%run_scoped3A : memref<!tpu.dma_semaphore, #tpu.memory_space<semaphore_mem>>)
      %dma_wait3A_37 = arith.constant 0 : i32
      %dma_wait3A_38 = tpu.memref_slice %arg6[%mul3A_2, %dma_wait3A_37] : memref<128x10000xf32, #tpu.memory_space<hbm>> -> memref<4x10000xf32, #tpu.memory_space<hbm>>
      %dma_wait3A_39 = arith.constant 0 : i32
      %dma_wait3A_40 = tpu.memref_slice %arg6[%mul3A_2, %dma_wait3A_39] : memref<128x10000xf32, #tpu.memory_space<hbm>> -> memref<4x10000xf32, #tpu.memory_space<hbm>>
      tpu.wait_dma2 semaphore(%run_scoped3A : memref<!tpu.dma_semaphore, #tpu.memory_space<semaphore_mem>>) src(%arg8 : memref<4x10000xf32, #tpu.memory_space<vmem>>) dst(%dma_wait3A_40 : memref<4x10000xf32, #tpu.memory_space<hbm>>)
      tpu.yield
    }) : () -> ()
    return
  }
}

#map = affine_map<(d0, d1) -> (0)>
#map1 = affine_map<(d0, d1) -> (0, 0)>
module attributes {stable_mosaic.version = 14 : i64} {
  func.func @_prep_body(%arg0: i32, %arg1: i32, %arg2: memref<320000xi32, #tpu.memory_space<hbm>>, %arg3: memref<320000xi32, #tpu.memory_space<hbm>>, %arg4: memref<320000xf32, #tpu.memory_space<hbm>>, %arg5: memref<1x10240xf32, #tpu.memory_space<hbm>>, %arg6: memref<320000xi32, #tpu.memory_space<hbm>>, %arg7: memref<320000xf32, #tpu.memory_space<hbm>>, %arg8: memref<512xi32, #tpu.memory_space<hbm>>, %arg9: memref<10000xi32, #tpu.memory_space<vmem>>, %arg10: memref<10000xi32, #tpu.memory_space<vmem>>, %arg11: memref<10000xf32, #tpu.memory_space<vmem>>, %arg12: memref<10240xf32, #tpu.memory_space<vmem>>, %arg13: memref<10000xi32, #tpu.memory_space<vmem>>, %arg14: memref<10000xf32, #tpu.memory_space<vmem>>, %arg15: memref<10000xi32, #tpu.memory_space<vmem>>, %arg16: memref<10000xf32, #tpu.memory_space<vmem>>, %arg17: memref<16xi32, #tpu.memory_space<vmem>>, %arg18: memref<16xi32, #tpu.memory_space<vmem>>) attributes {dimension_semantics = [#tpu.dimension_semantics<core_parallel>, #tpu.dimension_semantics<subcore_parallel>], iteration_bounds = array<i64: 2, 16>, scalar_prefetch = 0 : i64, scratch_operands = 10 : i64, tpu.core_type = #tpu.core_type<sc_vector_subcore>, window_params = [{transform_indices = #map}, {transform_indices = #map}, {transform_indices = #map}, {transform_indices = #map1}, {transform_indices = #map}, {transform_indices = #map}, {transform_indices = #map}]} {
    %mul3A = arith.constant 16 : i32
    %mul3A_0 = arith.muli %arg0, %mul3A : i32
    %add3A = arith.addi %mul3A_0, %arg1 : i32
    %mul3A_1 = arith.constant 10000 : i32
    %mul3A_2 = arith.muli %add3A, %mul3A_1 : i32
    "tpu.region"() ({
      %run_scoped3A_19 = tpu.sem_alloc : memref<!tpu.dma_semaphore, #tpu.memory_space<semaphore_mem>>
      %dma_start3A = tpu.memref_slice %arg2[%mul3A_2] : memref<320000xi32, #tpu.memory_space<hbm>> -> memref<10000xi32, #tpu.memory_space<hbm>>
      %dma_start3A_20 = tpu.memref_slice %arg2[%mul3A_2] : memref<320000xi32, #tpu.memory_space<hbm>> -> memref<10000xi32, #tpu.memory_space<hbm>>
      tpu.enqueue_dma source(%dma_start3A_20 : memref<10000xi32, #tpu.memory_space<hbm>>) target(%arg9 : memref<10000xi32, #tpu.memory_space<vmem>>) target_semaphore(%run_scoped3A_19 : memref<!tpu.dma_semaphore, #tpu.memory_space<semaphore_mem>>)
      %dma_wait3A = tpu.memref_slice %arg2[%mul3A_2] : memref<320000xi32, #tpu.memory_space<hbm>> -> memref<10000xi32, #tpu.memory_space<hbm>>
      %dma_wait3A_21 = tpu.memref_slice %arg2[%mul3A_2] : memref<320000xi32, #tpu.memory_space<hbm>> -> memref<10000xi32, #tpu.memory_space<hbm>>
      tpu.wait_dma2 semaphore(%run_scoped3A_19 : memref<!tpu.dma_semaphore, #tpu.memory_space<semaphore_mem>>) src(%dma_wait3A_21 : memref<10000xi32, #tpu.memory_space<hbm>>) dst(%arg9 : memref<10000xi32, #tpu.memory_space<vmem>>)
      tpu.yield
    }) : () -> ()
    "tpu.region"() ({
      %run_scoped3A_19 = tpu.sem_alloc : memref<!tpu.dma_semaphore, #tpu.memory_space<semaphore_mem>>
      %dma_start3A = tpu.memref_slice %arg3[%mul3A_2] : memref<320000xi32, #tpu.memory_space<hbm>> -> memref<10000xi32, #tpu.memory_space<hbm>>
      %dma_start3A_20 = tpu.memref_slice %arg3[%mul3A_2] : memref<320000xi32, #tpu.memory_space<hbm>> -> memref<10000xi32, #tpu.memory_space<hbm>>
      tpu.enqueue_dma source(%dma_start3A_20 : memref<10000xi32, #tpu.memory_space<hbm>>) target(%arg10 : memref<10000xi32, #tpu.memory_space<vmem>>) target_semaphore(%run_scoped3A_19 : memref<!tpu.dma_semaphore, #tpu.memory_space<semaphore_mem>>)
      %dma_wait3A = tpu.memref_slice %arg3[%mul3A_2] : memref<320000xi32, #tpu.memory_space<hbm>> -> memref<10000xi32, #tpu.memory_space<hbm>>
      %dma_wait3A_21 = tpu.memref_slice %arg3[%mul3A_2] : memref<320000xi32, #tpu.memory_space<hbm>> -> memref<10000xi32, #tpu.memory_space<hbm>>
      tpu.wait_dma2 semaphore(%run_scoped3A_19 : memref<!tpu.dma_semaphore, #tpu.memory_space<semaphore_mem>>) src(%dma_wait3A_21 : memref<10000xi32, #tpu.memory_space<hbm>>) dst(%arg10 : memref<10000xi32, #tpu.memory_space<vmem>>)
      tpu.yield
    }) : () -> ()
    "tpu.region"() ({
      %run_scoped3A_19 = tpu.sem_alloc : memref<!tpu.dma_semaphore, #tpu.memory_space<semaphore_mem>>
      %dma_start3A = tpu.memref_slice %arg4[%mul3A_2] : memref<320000xf32, #tpu.memory_space<hbm>> -> memref<10000xf32, #tpu.memory_space<hbm>>
      %dma_start3A_20 = tpu.memref_slice %arg4[%mul3A_2] : memref<320000xf32, #tpu.memory_space<hbm>> -> memref<10000xf32, #tpu.memory_space<hbm>>
      tpu.enqueue_dma source(%dma_start3A_20 : memref<10000xf32, #tpu.memory_space<hbm>>) target(%arg11 : memref<10000xf32, #tpu.memory_space<vmem>>) target_semaphore(%run_scoped3A_19 : memref<!tpu.dma_semaphore, #tpu.memory_space<semaphore_mem>>)
      %dma_wait3A = tpu.memref_slice %arg4[%mul3A_2] : memref<320000xf32, #tpu.memory_space<hbm>> -> memref<10000xf32, #tpu.memory_space<hbm>>
      %dma_wait3A_21 = tpu.memref_slice %arg4[%mul3A_2] : memref<320000xf32, #tpu.memory_space<hbm>> -> memref<10000xf32, #tpu.memory_space<hbm>>
      tpu.wait_dma2 semaphore(%run_scoped3A_19 : memref<!tpu.dma_semaphore, #tpu.memory_space<semaphore_mem>>) src(%dma_wait3A_21 : memref<10000xf32, #tpu.memory_space<hbm>>) dst(%arg11 : memref<10000xf32, #tpu.memory_space<vmem>>)
      tpu.yield
    }) : () -> ()
    %run_scoped3A = arith.constant 0 : i32
    "tpu.region"() ({
      %run_scoped3A_19 = tpu.sem_alloc : memref<!tpu.dma_semaphore, #tpu.memory_space<semaphore_mem>>
      %dma_start3A = arith.constant 0 : i32
      %dma_start3A_20 = tpu.memref_slice %arg5[%run_scoped3A, %dma_start3A] : memref<1x10240xf32, #tpu.memory_space<hbm>> -> memref<1x10240xf32, #tpu.memory_space<hbm>>
      %dma_start3A_21 = tpu.memref_squeeze %dma_start3A_20 : memref<1x10240xf32, #tpu.memory_space<hbm>> -> memref<10240xf32, #tpu.memory_space<hbm>>
      %dma_start3A_22 = arith.constant 0 : i32
      %dma_start3A_23 = tpu.memref_slice %arg5[%run_scoped3A, %dma_start3A_22] : memref<1x10240xf32, #tpu.memory_space<hbm>> -> memref<1x10240xf32, #tpu.memory_space<hbm>>
      %dma_start3A_24 = tpu.memref_squeeze %dma_start3A_23 : memref<1x10240xf32, #tpu.memory_space<hbm>> -> memref<10240xf32, #tpu.memory_space<hbm>>
      tpu.enqueue_dma source(%dma_start3A_24 : memref<10240xf32, #tpu.memory_space<hbm>>) target(%arg12 : memref<10240xf32, #tpu.memory_space<vmem>>) target_semaphore(%run_scoped3A_19 : memref<!tpu.dma_semaphore, #tpu.memory_space<semaphore_mem>>)
      %dma_wait3A = arith.constant 0 : i32
      %dma_wait3A_25 = tpu.memref_slice %arg5[%run_scoped3A, %dma_wait3A] : memref<1x10240xf32, #tpu.memory_space<hbm>> -> memref<1x10240xf32, #tpu.memory_space<hbm>>
      %dma_wait3A_26 = tpu.memref_squeeze %dma_wait3A_25 : memref<1x10240xf32, #tpu.memory_space<hbm>> -> memref<10240xf32, #tpu.memory_space<hbm>>
      %dma_wait3A_27 = arith.constant 0 : i32
      %dma_wait3A_28 = tpu.memref_slice %arg5[%run_scoped3A, %dma_wait3A_27] : memref<1x10240xf32, #tpu.memory_space<hbm>> -> memref<1x10240xf32, #tpu.memory_space<hbm>>
      %dma_wait3A_29 = tpu.memref_squeeze %dma_wait3A_28 : memref<1x10240xf32, #tpu.memory_space<hbm>> -> memref<10240xf32, #tpu.memory_space<hbm>>
      tpu.wait_dma2 semaphore(%run_scoped3A_19 : memref<!tpu.dma_semaphore, #tpu.memory_space<semaphore_mem>>) src(%dma_wait3A_29 : memref<10240xf32, #tpu.memory_space<hbm>>) dst(%arg12 : memref<10240xf32, #tpu.memory_space<vmem>>)
      tpu.yield
    }) : () -> ()
    %broadcast_in_dim3A = arith.constant 0 : i32
    %broadcast_in_dim3A_3 = vector.broadcast %broadcast_in_dim3A : i32 to vector<16xi32>
    %swap3A = arith.constant 0 : index
    %swap3A_4 = tpu.vector_load %arg17[%swap3A] {strides = array<i32>} : memref<16xi32, #tpu.memory_space<vmem>>, vector<16xi32>,
    tpu.vector_store %arg17[%swap3A], %broadcast_in_dim3A_3 {strides = array<i32>} : memref<16xi32, #tpu.memory_space<vmem>>, vector<16xi32>,
    %parallel_loop3A = arith.constant 0 : i32
    %parallel_loop3A_5 = arith.constant 625 : i32
    %parallel_loop3A_6 = arith.constant 1 : i32
    scf.for %parallel_loop3A_19 = %parallel_loop3A to %parallel_loop3A_5 step %parallel_loop3A_6  : i32 {
      %parallel_loop3A_20 = arith.constant 16 : i32
      %parallel_loop3A_21 = arith.muli %parallel_loop3A_19, %parallel_loop3A_20 : i32
      %parallel_loop3A_22 = arith.index_cast %parallel_loop3A_21 : i32 to index
      %parallel_loop3A_23 = tpu.vector_load %arg9[%parallel_loop3A_22] {strides = array<i32>} : memref<10000xi32, #tpu.memory_space<vmem>>, vector<16xi32>,
      %parallel_loop3A_24 = arith.constant 16 : i32
      %parallel_loop3A_25 = arith.muli %parallel_loop3A_19, %parallel_loop3A_24 : i32
      %parallel_loop3A_26 = arith.index_cast %parallel_loop3A_25 : i32 to index
      %parallel_loop3A_27 = tpu.vector_load %arg10[%parallel_loop3A_26] {strides = array<i32>} : memref<10000xi32, #tpu.memory_space<vmem>>, vector<16xi32>,
      %parallel_loop3A_28 = arith.constant 16 : i32
      %parallel_loop3A_29 = arith.muli %parallel_loop3A_19, %parallel_loop3A_28 : i32
      %parallel_loop3A_30 = arith.index_cast %parallel_loop3A_29 : i32 to index
      %parallel_loop3A_31 = tpu.vector_load %arg11[%parallel_loop3A_30] {strides = array<i32>} : memref<10000xf32, #tpu.memory_space<vmem>>, vector<16xf32>,
      %parallel_loop3A_32 = arith.cmpi eq, %parallel_loop3A_23, %parallel_loop3A_27 : vector<16xi32>
      %parallel_loop3A_33 = arith.constant 0.000000e+00 : f32
      %parallel_loop3A_34 = vector.broadcast %parallel_loop3A_33 : f32 to vector<16xf32>
      %parallel_loop3A_35 = arith.select %parallel_loop3A_32, %parallel_loop3A_34, %parallel_loop3A_31 : vector<16xi1>, vector<16xf32>
      %parallel_loop3A_36 = tpu.vector_load_idx %arg12[%parallel_loop3A_23] : memref<10240xf32, #tpu.memory_space<vmem>>[vector<16xi32>], vector<16xf32>,
      %parallel_loop3A_37 = tpu.vector_load_idx %arg12[%parallel_loop3A_27] : memref<10240xf32, #tpu.memory_space<vmem>>[vector<16xi32>], vector<16xf32>,
      %parallel_loop3A_38 = arith.mulf %parallel_loop3A_36, %parallel_loop3A_35 : vector<16xf32>
      %parallel_loop3A_39 = arith.constant 0.000000e+00 : f32
      %parallel_loop3A_40 = vector.broadcast %parallel_loop3A_39 : f32 to vector<16xf32>
      %parallel_loop3A_41 = arith.subf %parallel_loop3A_40, %parallel_loop3A_38 : vector<16xf32>
      %parallel_loop3A_42 = arith.mulf %parallel_loop3A_41, %parallel_loop3A_37 : vector<16xf32>
      %parallel_loop3A_43 = arith.constant 16 : i32
      %parallel_loop3A_44 = vector.broadcast %parallel_loop3A_43 : i32 to vector<16xi32>
      %parallel_loop3A_45 = arith.shli %parallel_loop3A_23, %parallel_loop3A_44 : vector<16xi32>
      %parallel_loop3A_46 = arith.ori %parallel_loop3A_45, %parallel_loop3A_27 : vector<16xi32>
      %parallel_loop3A_47 = arith.constant 16 : i32
      %parallel_loop3A_48 = arith.muli %parallel_loop3A_19, %parallel_loop3A_47 : i32
      %parallel_loop3A_49 = arith.index_cast %parallel_loop3A_48 : i32 to index
      %parallel_loop3A_50 = tpu.vector_load %arg13[%parallel_loop3A_49] {strides = array<i32>} : memref<10000xi32, #tpu.memory_space<vmem>>, vector<16xi32>,
      tpu.vector_store %arg13[%parallel_loop3A_49], %parallel_loop3A_46 {strides = array<i32>} : memref<10000xi32, #tpu.memory_space<vmem>>, vector<16xi32>,
      %parallel_loop3A_51 = arith.constant 16 : i32
      %parallel_loop3A_52 = arith.muli %parallel_loop3A_19, %parallel_loop3A_51 : i32
      %parallel_loop3A_53 = arith.index_cast %parallel_loop3A_52 : i32 to index
      %parallel_loop3A_54 = tpu.vector_load %arg14[%parallel_loop3A_53] {strides = array<i32>} : memref<10000xf32, #tpu.memory_space<vmem>>, vector<16xf32>,
      tpu.vector_store %arg14[%parallel_loop3A_53], %parallel_loop3A_42 {strides = array<i32>} : memref<10000xf32, #tpu.memory_space<vmem>>, vector<16xf32>,
      %parallel_loop3A_55 = arith.constant 15 : i32
      %parallel_loop3A_56 = vector.broadcast %parallel_loop3A_55 : i32 to vector<16xi32>
      %parallel_loop3A_57 = arith.andi %parallel_loop3A_23, %parallel_loop3A_56 : vector<16xi32>
      %parallel_loop3A_58 = arith.constant 1 : i32
      %parallel_loop3A_59 = vector.broadcast %parallel_loop3A_58 : i32 to vector<16xi32>
      tpu.vector_store_idx %arg17[%parallel_loop3A_57], %parallel_loop3A_59 {add = true} : memref<16xi32, #tpu.memory_space<vmem>>[vector<16xi32>], vector<16xi32>,
    } {sc.loop_unroll_factor = 4 : i64, sc.parallel_access}
    %get3A = arith.constant 0 : index
    %get3A_7 = tpu.vector_load %arg17[%get3A] {strides = array<i32>} : memref<16xi32, #tpu.memory_space<vmem>>, vector<16xi32>,
    %broadcast_in_dim3A_8 = arith.constant true
    %broadcast_in_dim3A_9 = vector.broadcast %broadcast_in_dim3A_8 : i1 to vector<16xi1>
    %masked_cumsum3A = tpu.scan <sum>, %get3A_7 masked %broadcast_in_dim3A_9 : vector<16xi32>, vector<16xi1> -> vector<16xi32>
    %sub3A = arith.subi %masked_cumsum3A, %get3A_7 : vector<16xi32>
    %swap3A_10 = arith.constant 0 : index
    %swap3A_11 = tpu.vector_load %arg18[%swap3A_10] {strides = array<i32>} : memref<16xi32, #tpu.memory_space<vmem>>, vector<16xi32>,
    tpu.vector_store %arg18[%swap3A_10], %sub3A {strides = array<i32>} : memref<16xi32, #tpu.memory_space<vmem>>, vector<16xi32>,
    %scan3A = arith.constant 0 : i32
    %scan3A_12 = arith.constant 0 : i32
    %scan3A_13 = arith.constant 625 : i32
    %scan3A_14 = arith.addi %scan3A_12, %scan3A_13 : i32
    %scan3A_15 = arith.constant 1 : i32
    scf.for %scan3A_19 = %scan3A_12 to %scan3A_14 step %scan3A_15  : i32 {
      %mul3A_20 = arith.constant 16 : i32
      %mul3A_21 = arith.muli %scan3A_19, %mul3A_20 : i32
      %get3A_22 = arith.index_cast %mul3A_21 : i32 to index
      %get3A_23 = tpu.vector_load %arg13[%get3A_22] {strides = array<i32>} : memref<10000xi32, #tpu.memory_space<vmem>>, vector<16xi32>,
      %mul3A_24 = arith.constant 16 : i32
      %mul3A_25 = arith.muli %scan3A_19, %mul3A_24 : i32
      %get3A_26 = arith.index_cast %mul3A_25 : i32 to index
      %get3A_27 = tpu.vector_load %arg14[%get3A_26] {strides = array<i32>} : memref<10000xf32, #tpu.memory_space<vmem>>, vector<16xf32>,
      %shift_right_logical3A = arith.constant 16 : i32
      %shift_right_logical3A_28 = vector.broadcast %shift_right_logical3A : i32 to vector<16xi32>
      %shift_right_logical3A_29 = arith.shrui %get3A_23, %shift_right_logical3A_28 : vector<16xi32>
      %and3A = arith.constant 15 : i32
      %and3A_30 = vector.broadcast %and3A : i32 to vector<16xi32>
      %and3A_31 = arith.andi %shift_right_logical3A_29, %and3A_30 : vector<16xi32>
      %broadcast_in_dim3A_32 = arith.constant true
      %broadcast_in_dim3A_33 = vector.broadcast %broadcast_in_dim3A_32 : i1 to vector<16xi1>
      %unique3A, %unique3A_34 = tpu.scan_count mask(%broadcast_in_dim3A_33 : vector<16xi1>) value(%and3A_31 : vector<16xi32>) : vector<16xi1>, vector<16xi32>
      %gather3A = tpu.vector_load_idx %arg18[%and3A_31] : memref<16xi32, #tpu.memory_space<vmem>>[vector<16xi32>], vector<16xi32>,
      %add3A_35 = arith.addi %gather3A, %unique3A_34 : vector<16xi32>
      %sub3A_36 = arith.constant 1 : i32
      %sub3A_37 = vector.broadcast %sub3A_36 : i32 to vector<16xi32>
      %sub3A_38 = arith.subi %add3A_35, %sub3A_37 : vector<16xi32>
      tpu.vector_store_idx %arg15[%sub3A_38], %get3A_23 : memref<10000xi32, #tpu.memory_space<vmem>>[vector<16xi32>], vector<16xi32>,
      tpu.vector_store_idx %arg16[%sub3A_38], %get3A_27 : memref<10000xf32, #tpu.memory_space<vmem>>[vector<16xi32>], vector<16xf32>,
      %broadcast_in_dim3A_39 = arith.constant 1 : i32
      %broadcast_in_dim3A_40 = vector.broadcast %broadcast_in_dim3A_39 : i32 to vector<16xi32>
      tpu.vector_store_idx %arg18[%and3A_31], %broadcast_in_dim3A_40 {add = true} : memref<16xi32, #tpu.memory_space<vmem>>[vector<16xi32>], vector<16xi32>,
    }
    %scan3A_16 = arith.constant 625 : i32
    "tpu.region"() ({
      %run_scoped3A_19 = tpu.sem_alloc : memref<!tpu.dma_semaphore, #tpu.memory_space<semaphore_mem>>
      %dma_start3A = tpu.memref_slice %arg6[%mul3A_2] : memref<320000xi32, #tpu.memory_space<hbm>> -> memref<10000xi32, #tpu.memory_space<hbm>>
      %dma_start3A_20 = tpu.memref_slice %arg6[%mul3A_2] : memref<320000xi32, #tpu.memory_space<hbm>> -> memref<10000xi32, #tpu.memory_space<hbm>>
      tpu.enqueue_dma source(%arg15 : memref<10000xi32, #tpu.memory_space<vmem>>) target(%dma_start3A_20 : memref<10000xi32, #tpu.memory_space<hbm>>) target_semaphore(%run_scoped3A_19 : memref<!tpu.dma_semaphore, #tpu.memory_space<semaphore_mem>>)
      %dma_wait3A = tpu.memref_slice %arg6[%mul3A_2] : memref<320000xi32, #tpu.memory_space<hbm>> -> memref<10000xi32, #tpu.memory_space<hbm>>
      %dma_wait3A_21 = tpu.memref_slice %arg6[%mul3A_2] : memref<320000xi32, #tpu.memory_space<hbm>> -> memref<10000xi32, #tpu.memory_space<hbm>>
      tpu.wait_dma2 semaphore(%run_scoped3A_19 : memref<!tpu.dma_semaphore, #tpu.memory_space<semaphore_mem>>) src(%arg15 : memref<10000xi32, #tpu.memory_space<vmem>>) dst(%dma_wait3A_21 : memref<10000xi32, #tpu.memory_space<hbm>>)
      tpu.yield
    }) : () -> ()
    "tpu.region"() ({
      %run_scoped3A_19 = tpu.sem_alloc : memref<!tpu.dma_semaphore, #tpu.memory_space<semaphore_mem>>
      %dma_start3A = tpu.memref_slice %arg7[%mul3A_2] : memref<320000xf32, #tpu.memory_space<hbm>> -> memref<10000xf32, #tpu.memory_space<hbm>>
      %dma_start3A_20 = tpu.memref_slice %arg7[%mul3A_2] : memref<320000xf32, #tpu.memory_space<hbm>> -> memref<10000xf32, #tpu.memory_space<hbm>>
      tpu.enqueue_dma source(%arg16 : memref<10000xf32, #tpu.memory_space<vmem>>) target(%dma_start3A_20 : memref<10000xf32, #tpu.memory_space<hbm>>) target_semaphore(%run_scoped3A_19 : memref<!tpu.dma_semaphore, #tpu.memory_space<semaphore_mem>>)
      %dma_wait3A = tpu.memref_slice %arg7[%mul3A_2] : memref<320000xf32, #tpu.memory_space<hbm>> -> memref<10000xf32, #tpu.memory_space<hbm>>
      %dma_wait3A_21 = tpu.memref_slice %arg7[%mul3A_2] : memref<320000xf32, #tpu.memory_space<hbm>> -> memref<10000xf32, #tpu.memory_space<hbm>>
      tpu.wait_dma2 semaphore(%run_scoped3A_19 : memref<!tpu.dma_semaphore, #tpu.memory_space<semaphore_mem>>) src(%arg16 : memref<10000xf32, #tpu.memory_space<vmem>>) dst(%dma_wait3A_21 : memref<10000xf32, #tpu.memory_space<hbm>>)
      tpu.yield
    }) : () -> ()
    %mul3A_17 = arith.constant 16 : i32
    %mul3A_18 = arith.muli %add3A, %mul3A_17 : i32
    "tpu.region"() ({
      %run_scoped3A_19 = tpu.sem_alloc : memref<!tpu.dma_semaphore, #tpu.memory_space<semaphore_mem>>
      %dma_start3A = tpu.memref_slice %arg8[%mul3A_18] : memref<512xi32, #tpu.memory_space<hbm>> -> memref<16xi32, #tpu.memory_space<hbm>>
      %dma_start3A_20 = tpu.memref_slice %arg8[%mul3A_18] : memref<512xi32, #tpu.memory_space<hbm>> -> memref<16xi32, #tpu.memory_space<hbm>>
      tpu.enqueue_dma source(%arg17 : memref<16xi32, #tpu.memory_space<vmem>>) target(%dma_start3A_20 : memref<16xi32, #tpu.memory_space<hbm>>) target_semaphore(%run_scoped3A_19 : memref<!tpu.dma_semaphore, #tpu.memory_space<semaphore_mem>>)
      %dma_wait3A = tpu.memref_slice %arg8[%mul3A_18] : memref<512xi32, #tpu.memory_space<hbm>> -> memref<16xi32, #tpu.memory_space<hbm>>
      %dma_wait3A_21 = tpu.memref_slice %arg8[%mul3A_18] : memref<512xi32, #tpu.memory_space<hbm>> -> memref<16xi32, #tpu.memory_space<hbm>>
      tpu.wait_dma2 semaphore(%run_scoped3A_19 : memref<!tpu.dma_semaphore, #tpu.memory_space<semaphore_mem>>) src(%arg17 : memref<16xi32, #tpu.memory_space<vmem>>) dst(%dma_wait3A_21 : memref<16xi32, #tpu.memory_space<hbm>>)
      tpu.yield
    }) : () -> ()
    return
  }
}

#map = affine_map<(d0, d1) -> (0, 0)>
#map1 = affine_map<(d0, d1) -> (0)>
module attributes {stable_mosaic.version = 14 : i64} {
  func.func @_prop_body(%arg0: i32, %arg1: i32, %arg2: memref<128x10000xf32, #tpu.memory_space<hbm>>, %arg3: memref<320000xi32, #tpu.memory_space<hbm>>, %arg4: memref<320000xf32, #tpu.memory_space<hbm>>, %arg5: memref<512xi32, #tpu.memory_space<hbm>>, %arg6: memref<128x10000xf32, #tpu.memory_space<hbm>>, %arg7: memref<4x10000xf32, #tpu.memory_space<vmem>>, %arg8: memref<4x10000xf32, #tpu.memory_space<vmem>>, %arg9: memref<10000xi32, #tpu.memory_space<vmem>>, %arg10: memref<10000xi32, #tpu.memory_space<vmem>>, %arg11: memref<10000xf32, #tpu.memory_space<vmem>>, %arg12: memref<10000xf32, #tpu.memory_space<vmem>>, %arg13: memref<512xi32, #tpu.memory_space<vmem>>, %arg14: memref<!tpu.dma_semaphore, #tpu.memory_space<semaphore_mem>>, %arg15: memref<!tpu.dma_semaphore, #tpu.memory_space<semaphore_mem>>, %arg16: memref<!tpu.dma_semaphore, #tpu.memory_space<semaphore_mem>>) attributes {dimension_semantics = [#tpu.dimension_semantics<core_parallel>, #tpu.dimension_semantics<subcore_parallel>], iteration_bounds = array<i64: 2, 16>, scalar_prefetch = 0 : i64, scratch_operands = 10 : i64, tpu.core_type = #tpu.core_type<sc_vector_subcore>, window_params = [{transform_indices = #map}, {transform_indices = #map1}, {transform_indices = #map1}, {transform_indices = #map1}, {transform_indices = #map}]} {
    %mul3A = arith.constant 16 : i32
    %mul3A_0 = arith.muli %arg0, %mul3A : i32
    %add3A = arith.addi %mul3A_0, %arg1 : i32
    %mul3A_1 = arith.constant 4 : i32
    %mul3A_2 = arith.muli %add3A, %mul3A_1 : i32
    %dma_start3A = arith.constant 0 : i32
    %dma_start3A_3 = tpu.memref_slice %arg2[%mul3A_2, %dma_start3A] : memref<128x10000xf32, #tpu.memory_space<hbm>> -> memref<4x10000xf32, #tpu.memory_space<hbm>>
    %dma_start3A_4 = arith.constant 0 : i32
    %dma_start3A_5 = tpu.memref_slice %arg2[%mul3A_2, %dma_start3A_4] : memref<128x10000xf32, #tpu.memory_space<hbm>> -> memref<4x10000xf32, #tpu.memory_space<hbm>>
    tpu.enqueue_dma source(%dma_start3A_5 : memref<4x10000xf32, #tpu.memory_space<hbm>>) target(%arg7 : memref<4x10000xf32, #tpu.memory_space<vmem>>) target_semaphore(%arg14 : memref<!tpu.dma_semaphore, #tpu.memory_space<semaphore_mem>>)
    %dma_start3A_6 = arith.constant 0 : i32
    %dma_start3A_7 = tpu.memref_slice %arg3[%dma_start3A_6] : memref<320000xi32, #tpu.memory_space<hbm>> -> memref<10000xi32, #tpu.memory_space<hbm>>
    %dma_start3A_8 = arith.constant 0 : i32
    %dma_start3A_9 = tpu.memref_slice %arg3[%dma_start3A_8] : memref<320000xi32, #tpu.memory_space<hbm>> -> memref<10000xi32, #tpu.memory_space<hbm>>
    tpu.enqueue_dma source(%dma_start3A_9 : memref<10000xi32, #tpu.memory_space<hbm>>) target(%arg9 : memref<10000xi32, #tpu.memory_space<vmem>>) target_semaphore(%arg15 : memref<!tpu.dma_semaphore, #tpu.memory_space<semaphore_mem>>)
    %dma_start3A_10 = arith.constant 0 : i32
    %dma_start3A_11 = tpu.memref_slice %arg4[%dma_start3A_10] : memref<320000xf32, #tpu.memory_space<hbm>> -> memref<10000xf32, #tpu.memory_space<hbm>>
    %dma_start3A_12 = arith.constant 0 : i32
    %dma_start3A_13 = tpu.memref_slice %arg4[%dma_start3A_12] : memref<320000xf32, #tpu.memory_space<hbm>> -> memref<10000xf32, #tpu.memory_space<hbm>>
    tpu.enqueue_dma source(%dma_start3A_13 : memref<10000xf32, #tpu.memory_space<hbm>>) target(%arg11 : memref<10000xf32, #tpu.memory_space<vmem>>) target_semaphore(%arg15 : memref<!tpu.dma_semaphore, #tpu.memory_space<semaphore_mem>>)
    "tpu.region"() ({
      %run_scoped3A = tpu.sem_alloc : memref<!tpu.dma_semaphore, #tpu.memory_space<semaphore_mem>>
      tpu.enqueue_dma source(%arg5 : memref<512xi32, #tpu.memory_space<hbm>>) target(%arg13 : memref<512xi32, #tpu.memory_space<vmem>>) target_semaphore(%run_scoped3A : memref<!tpu.dma_semaphore, #tpu.memory_space<semaphore_mem>>)
      tpu.wait_dma2 semaphore(%run_scoped3A : memref<!tpu.dma_semaphore, #tpu.memory_space<semaphore_mem>>) src(%arg5 : memref<512xi32, #tpu.memory_space<hbm>>) dst(%arg13 : memref<512xi32, #tpu.memory_space<vmem>>)
      tpu.yield
    }) : () -> ()
    %parallel_loop3A = arith.constant 0 : i32
    %parallel_loop3A_14 = arith.constant 625 : i32
    %parallel_loop3A_15 = arith.constant 1 : i32
    scf.for %parallel_loop3A_33 = %parallel_loop3A to %parallel_loop3A_14 step %parallel_loop3A_15  : i32 {
      %parallel_loop3A_34 = arith.constant 0.000000e+00 : f32
      %parallel_loop3A_35 = vector.broadcast %parallel_loop3A_34 : f32 to vector<16xf32>
      %parallel_loop3A_36 = arith.constant 16 : i32
      %parallel_loop3A_37 = arith.muli %parallel_loop3A_33, %parallel_loop3A_36 : i32
      %parallel_loop3A_38 = arith.constant 0 : i32
      %parallel_loop3A_39 = arith.index_cast %parallel_loop3A_38 : i32 to index
      %parallel_loop3A_40 = arith.index_cast %parallel_loop3A_37 : i32 to index
      %parallel_loop3A_41 = tpu.vector_load %arg8[%parallel_loop3A_39, %parallel_loop3A_40] {strides = array<i32>} : memref<4x10000xf32, #tpu.memory_space<vmem>>, vector<16xf32>,
      tpu.vector_store %arg8[%parallel_loop3A_39, %parallel_loop3A_40], %parallel_loop3A_35 {strides = array<i32>} : memref<4x10000xf32, #tpu.memory_space<vmem>>, vector<16xf32>,
    } {sc.loop_unroll_factor = 4 : i64, sc.parallel_access}
    %parallel_loop3A_16 = arith.constant 0 : i32
    %parallel_loop3A_17 = arith.constant 625 : i32
    %parallel_loop3A_18 = arith.constant 1 : i32
    scf.for %parallel_loop3A_33 = %parallel_loop3A_16 to %parallel_loop3A_17 step %parallel_loop3A_18  : i32 {
      %parallel_loop3A_34 = arith.constant 0.000000e+00 : f32
      %parallel_loop3A_35 = vector.broadcast %parallel_loop3A_34 : f32 to vector<16xf32>
      %parallel_loop3A_36 = arith.constant 16 : i32
      %parallel_loop3A_37 = arith.muli %parallel_loop3A_33, %parallel_loop3A_36 : i32
      %parallel_loop3A_38 = arith.constant 1 : i32
      %parallel_loop3A_39 = arith.index_cast %parallel_loop3A_38 : i32 to index
      %parallel_loop3A_40 = arith.index_cast %parallel_loop3A_37 : i32 to index
      %parallel_loop3A_41 = tpu.vector_load %arg8[%parallel_loop3A_39, %parallel_loop3A_40] {strides = array<i32>} : memref<4x10000xf32, #tpu.memory_space<vmem>>, vector<16xf32>,
      tpu.vector_store %arg8[%parallel_loop3A_39, %parallel_loop3A_40], %parallel_loop3A_35 {strides = array<i32>} : memref<4x10000xf32, #tpu.memory_space<vmem>>, vector<16xf32>,
    } {sc.loop_unroll_factor = 4 : i64, sc.parallel_access}
    %parallel_loop3A_19 = arith.constant 0 : i32
    %parallel_loop3A_20 = arith.constant 625 : i32
    %parallel_loop3A_21 = arith.constant 1 : i32
    scf.for %parallel_loop3A_33 = %parallel_loop3A_19 to %parallel_loop3A_20 step %parallel_loop3A_21  : i32 {
      %parallel_loop3A_34 = arith.constant 0.000000e+00 : f32
      %parallel_loop3A_35 = vector.broadcast %parallel_loop3A_34 : f32 to vector<16xf32>
      %parallel_loop3A_36 = arith.constant 16 : i32
      %parallel_loop3A_37 = arith.muli %parallel_loop3A_33, %parallel_loop3A_36 : i32
      %parallel_loop3A_38 = arith.constant 2 : i32
      %parallel_loop3A_39 = arith.index_cast %parallel_loop3A_38 : i32 to index
      %parallel_loop3A_40 = arith.index_cast %parallel_loop3A_37 : i32 to index
      %parallel_loop3A_41 = tpu.vector_load %arg8[%parallel_loop3A_39, %parallel_loop3A_40] {strides = array<i32>} : memref<4x10000xf32, #tpu.memory_space<vmem>>, vector<16xf32>,
      tpu.vector_store %arg8[%parallel_loop3A_39, %parallel_loop3A_40], %parallel_loop3A_35 {strides = array<i32>} : memref<4x10000xf32, #tpu.memory_space<vmem>>, vector<16xf32>,
    } {sc.loop_unroll_factor = 4 : i64, sc.parallel_access}
    %parallel_loop3A_22 = arith.constant 0 : i32
    %parallel_loop3A_23 = arith.constant 625 : i32
    %parallel_loop3A_24 = arith.constant 1 : i32
    scf.for %parallel_loop3A_33 = %parallel_loop3A_22 to %parallel_loop3A_23 step %parallel_loop3A_24  : i32 {
      %parallel_loop3A_34 = arith.constant 0.000000e+00 : f32
      %parallel_loop3A_35 = vector.broadcast %parallel_loop3A_34 : f32 to vector<16xf32>
      %parallel_loop3A_36 = arith.constant 16 : i32
      %parallel_loop3A_37 = arith.muli %parallel_loop3A_33, %parallel_loop3A_36 : i32
      %parallel_loop3A_38 = arith.constant 3 : i32
      %parallel_loop3A_39 = arith.index_cast %parallel_loop3A_38 : i32 to index
      %parallel_loop3A_40 = arith.index_cast %parallel_loop3A_37 : i32 to index
      %parallel_loop3A_41 = tpu.vector_load %arg8[%parallel_loop3A_39, %parallel_loop3A_40] {strides = array<i32>} : memref<4x10000xf32, #tpu.memory_space<vmem>>, vector<16xf32>,
      tpu.vector_store %arg8[%parallel_loop3A_39, %parallel_loop3A_40], %parallel_loop3A_35 {strides = array<i32>} : memref<4x10000xf32, #tpu.memory_space<vmem>>, vector<16xf32>,
    } {sc.loop_unroll_factor = 4 : i64, sc.parallel_access}
    %dma_wait3A = arith.constant 0 : i32
    %dma_wait3A_25 = tpu.memref_slice %arg2[%mul3A_2, %dma_wait3A] : memref<128x10000xf32, #tpu.memory_space<hbm>> -> memref<4x10000xf32, #tpu.memory_space<hbm>>
    %dma_wait3A_26 = arith.constant 0 : i32
    %dma_wait3A_27 = tpu.memref_slice %arg2[%mul3A_2, %dma_wait3A_26] : memref<128x10000xf32, #tpu.memory_space<hbm>> -> memref<4x10000xf32, #tpu.memory_space<hbm>>
    tpu.wait_dma2 semaphore(%arg14 : memref<!tpu.dma_semaphore, #tpu.memory_space<semaphore_mem>>) src(%dma_wait3A_27 : memref<4x10000xf32, #tpu.memory_space<hbm>>) dst(%arg7 : memref<4x10000xf32, #tpu.memory_space<vmem>>)
    %scan3A = arith.constant 0 : i32
    %scan3A_28 = arith.constant 0 : i32
    %scan3A_29 = arith.constant 16 : i32
    %scan3A_30 = arith.addi %scan3A_28, %scan3A_29 : i32
    %scan3A_31 = arith.constant 1 : i32
    scf.for %scan3A_33 = %scan3A_28 to %scan3A_30 step %scan3A_31  : i32 {
      %mul3A_34 = arith.constant 2 : i32
      %mul3A_35 = arith.muli %scan3A_33, %mul3A_34 : i32
      %add3A_36 = arith.constant 0 : i32
      %add3A_37 = arith.addi %mul3A_35, %add3A_36 : i32
      %add3A_38 = arith.constant 1 : i32
      %add3A_39 = arith.addi %add3A_37, %add3A_38 : i32
      %lt3A = arith.constant 32 : i32
      %lt3A_40 = arith.cmpi slt, %add3A_39, %lt3A : i32
      %convert_element_type3A = arith.extui %lt3A_40 : i1 to i32
      %cond3A = arith.constant 0 : i32
      %cond3A_41 = arith.cmpi ne, %convert_element_type3A, %cond3A : i32
      scf.if %cond3A_41 {
        %add3A_114 = arith.constant 1 : i32
        %add3A_115 = arith.addi %add3A_37, %add3A_114 : i32
        %mul3A_116 = arith.constant 10000 : i32
        %mul3A_117 = arith.muli %add3A_115, %mul3A_116 : i32
        %dma_start3A_118 = tpu.memref_slice %arg3[%mul3A_117] : memref<320000xi32, #tpu.memory_space<hbm>> -> memref<10000xi32, #tpu.memory_space<hbm>>
        %dma_start3A_119 = tpu.memref_slice %arg3[%mul3A_117] : memref<320000xi32, #tpu.memory_space<hbm>> -> memref<10000xi32, #tpu.memory_space<hbm>>
        tpu.enqueue_dma source(%dma_start3A_119 : memref<10000xi32, #tpu.memory_space<hbm>>) target(%arg10 : memref<10000xi32, #tpu.memory_space<vmem>>) target_semaphore(%arg16 : memref<!tpu.dma_semaphore, #tpu.memory_space<semaphore_mem>>)
        %dma_start3A_120 = tpu.memref_slice %arg4[%mul3A_117] : memref<320000xf32, #tpu.memory_space<hbm>> -> memref<10000xf32, #tpu.memory_space<hbm>>
        %dma_start3A_121 = tpu.memref_slice %arg4[%mul3A_117] : memref<320000xf32, #tpu.memory_space<hbm>> -> memref<10000xf32, #tpu.memory_space<hbm>>
        tpu.enqueue_dma source(%dma_start3A_121 : memref<10000xf32, #tpu.memory_space<hbm>>) target(%arg12 : memref<10000xf32, #tpu.memory_space<vmem>>) target_semaphore(%arg16 : memref<!tpu.dma_semaphore, #tpu.memory_space<semaphore_mem>>)
      } else {
      }
      %mul3A_42 = arith.constant 10000 : i32
      %mul3A_43 = arith.muli %add3A_37, %mul3A_42 : i32
      %dma_wait3A_44 = tpu.memref_slice %arg3[%mul3A_43] : memref<320000xi32, #tpu.memory_space<hbm>> -> memref<10000xi32, #tpu.memory_space<hbm>>
      %dma_wait3A_45 = tpu.memref_slice %arg3[%mul3A_43] : memref<320000xi32, #tpu.memory_space<hbm>> -> memref<10000xi32, #tpu.memory_space<hbm>>
      tpu.wait_dma2 semaphore(%arg15 : memref<!tpu.dma_semaphore, #tpu.memory_space<semaphore_mem>>) src(%dma_wait3A_45 : memref<10000xi32, #tpu.memory_space<hbm>>) dst(%arg9 : memref<10000xi32, #tpu.memory_space<vmem>>)
      %mul3A_46 = arith.constant 10000 : i32
      %mul3A_47 = arith.muli %add3A_37, %mul3A_46 : i32
      %dma_wait3A_48 = tpu.memref_slice %arg4[%mul3A_47] : memref<320000xf32, #tpu.memory_space<hbm>> -> memref<10000xf32, #tpu.memory_space<hbm>>
      %dma_wait3A_49 = tpu.memref_slice %arg4[%mul3A_47] : memref<320000xf32, #tpu.memory_space<hbm>> -> memref<10000xf32, #tpu.memory_space<hbm>>
      tpu.wait_dma2 semaphore(%arg15 : memref<!tpu.dma_semaphore, #tpu.memory_space<semaphore_mem>>) src(%dma_wait3A_49 : memref<10000xf32, #tpu.memory_space<hbm>>) dst(%arg11 : memref<10000xf32, #tpu.memory_space<vmem>>)
      %mul3A_50 = arith.constant 16 : i32
      %mul3A_51 = arith.muli %add3A_37, %mul3A_50 : i32
      %get3A = arith.index_cast %mul3A_51 : i32 to index
      %get3A_52 = tpu.vector_load %arg13[%get3A] {strides = array<i32>} : memref<512xi32, #tpu.memory_space<vmem>>, vector<16xi32>,
      %broadcast_in_dim3A = arith.constant true
      %broadcast_in_dim3A_53 = vector.broadcast %broadcast_in_dim3A : i1 to vector<16xi1>
      %masked_cumsum3A = tpu.scan <sum>, %get3A_52 masked %broadcast_in_dim3A_53 : vector<16xi32>, vector<16xi1> -> vector<16xi32>
      %sub3A = arith.subi %masked_cumsum3A, %get3A_52 : vector<16xi32>
      %reduce_max3A = arith.constant true
      %reduce_max3A_54 = vector.broadcast %reduce_max3A : i1 to vector<16xi1>
      %reduce_max3A_55 = arith.constant -2147483648 : i32
      %reduce_max3A_56 = vector.broadcast %reduce_max3A_55 : i32 to vector<16xi32>
      %reduce_max3A_57 = arith.xori %get3A_52, %reduce_max3A_56 : vector<16xi32>
      %reduce_max3A_58 = tpu.scan <max>, %reduce_max3A_57 masked %reduce_max3A_54 : vector<16xi32>, vector<16xi1> -> vector<16xi32>
      %reduce_max3A_59 = arith.xori %reduce_max3A_58, %reduce_max3A_56 : vector<16xi32>
      %reduce_max3A_60 = vector.extract %reduce_max3A_59[15] : i32 from vector<16xi32>
      %min3A = arith.constant 10000 : i32
      %min3A_61 = arith.minsi %reduce_max3A_60, %min3A : i32
      %add3A_62 = arith.constant 7 : i32
      %add3A_63 = arith.addi %min3A_61, %add3A_62 : i32
      %div3A = arith.constant 8 : i32
      %div3A_64 = arith.divsi %add3A_63, %div3A : i32
      %mul3A_65 = arith.constant 8 : i32
      %mul3A_66 = arith.muli %div3A_64, %mul3A_65 : i32
      %parallel_loop3A_67 = arith.constant 0 : i32
      %parallel_loop3A_68 = arith.constant 1 : i32
      scf.for %parallel_loop3A_114 = %parallel_loop3A_67 to %mul3A_66 step %parallel_loop3A_68  : i32 {
        %parallel_loop3A_115 = vector.broadcast %parallel_loop3A_114 : i32 to vector<16xi32>
        %parallel_loop3A_116 = arith.cmpi slt, %parallel_loop3A_115, %get3A_52 : vector<16xi32>
        %parallel_loop3A_117 = arith.addi %sub3A, %parallel_loop3A_115 : vector<16xi32>
        %parallel_loop3A_118 = arith.constant 0 : i32
        %parallel_loop3A_119 = vector.broadcast %parallel_loop3A_118 : i32 to vector<16xi32>
        %parallel_loop3A_120 = arith.select %parallel_loop3A_116, %parallel_loop3A_117, %parallel_loop3A_119 : vector<16xi1>, vector<16xi32>
        %parallel_loop3A_121 = tpu.vector_load_idx %arg9[%parallel_loop3A_120] masked %parallel_loop3A_116 : memref<10000xi32, #tpu.memory_space<vmem>>[vector<16xi32>], vector<16xi32>, vector<16xi1>
        %parallel_loop3A_122 = tpu.vector_load_idx %arg11[%parallel_loop3A_120] masked %parallel_loop3A_116 : memref<10000xf32, #tpu.memory_space<vmem>>[vector<16xi32>], vector<16xf32>, vector<16xi1>
        %parallel_loop3A_123 = arith.constant 0.000000e+00 : f32
        %parallel_loop3A_124 = vector.broadcast %parallel_loop3A_123 : f32 to vector<16xf32>
        %parallel_loop3A_125 = arith.select %parallel_loop3A_116, %parallel_loop3A_122, %parallel_loop3A_124 : vector<16xi1>, vector<16xf32>
        %parallel_loop3A_126 = arith.constant 16 : i32
        %parallel_loop3A_127 = vector.broadcast %parallel_loop3A_126 : i32 to vector<16xi32>
        %parallel_loop3A_128 = arith.shrui %parallel_loop3A_121, %parallel_loop3A_127 : vector<16xi32>
        %parallel_loop3A_129 = arith.constant 0 : i32
        %parallel_loop3A_130 = vector.broadcast %parallel_loop3A_129 : i32 to vector<16xi32>
        %parallel_loop3A_131 = arith.select %parallel_loop3A_116, %parallel_loop3A_128, %parallel_loop3A_130 : vector<16xi1>, vector<16xi32>
        %parallel_loop3A_132 = arith.constant 65535 : i32
        %parallel_loop3A_133 = vector.broadcast %parallel_loop3A_132 : i32 to vector<16xi32>
        %parallel_loop3A_134 = arith.andi %parallel_loop3A_121, %parallel_loop3A_133 : vector<16xi32>
        %parallel_loop3A_135 = arith.constant 0 : i32
        %parallel_loop3A_136 = vector.broadcast %parallel_loop3A_135 : i32 to vector<16xi32>
        %parallel_loop3A_137 = arith.select %parallel_loop3A_116, %parallel_loop3A_134, %parallel_loop3A_136 : vector<16xi1>, vector<16xi32>
        %parallel_loop3A_138 = arith.constant 0 : i32
        %parallel_loop3A_139 = vector.broadcast %parallel_loop3A_138 : i32 to vector<16xi32>
        %parallel_loop3A_140 = tpu.vector_load_idx %arg7[%parallel_loop3A_139, %parallel_loop3A_137] masked %parallel_loop3A_116 : memref<4x10000xf32, #tpu.memory_space<vmem>>[vector<16xi32>, vector<16xi32>], vector<16xf32>, vector<16xi1>
        %parallel_loop3A_141 = arith.mulf %parallel_loop3A_140, %parallel_loop3A_125 : vector<16xf32>
        tpu.vector_store_idx %arg8[%parallel_loop3A_139, %parallel_loop3A_131], %parallel_loop3A_141 masked %parallel_loop3A_116 {add = true} : memref<4x10000xf32, #tpu.memory_space<vmem>>[vector<16xi32>, vector<16xi32>], vector<16xf32>, vector<16xi1>
        %parallel_loop3A_142 = arith.constant 1 : i32
        %parallel_loop3A_143 = vector.broadcast %parallel_loop3A_142 : i32 to vector<16xi32>
        %parallel_loop3A_144 = tpu.vector_load_idx %arg7[%parallel_loop3A_143, %parallel_loop3A_137] masked %parallel_loop3A_116 : memref<4x10000xf32, #tpu.memory_space<vmem>>[vector<16xi32>, vector<16xi32>], vector<16xf32>, vector<16xi1>
        %parallel_loop3A_145 = arith.mulf %parallel_loop3A_144, %parallel_loop3A_125 : vector<16xf32>
        tpu.vector_store_idx %arg8[%parallel_loop3A_143, %parallel_loop3A_131], %parallel_loop3A_145 masked %parallel_loop3A_116 {add = true} : memref<4x10000xf32, #tpu.memory_space<vmem>>[vector<16xi32>, vector<16xi32>], vector<16xf32>, vector<16xi1>
        %parallel_loop3A_146 = arith.constant 2 : i32
        %parallel_loop3A_147 = vector.broadcast %parallel_loop3A_146 : i32 to vector<16xi32>
        %parallel_loop3A_148 = tpu.vector_load_idx %arg7[%parallel_loop3A_147, %parallel_loop3A_137] masked %parallel_loop3A_116 : memref<4x10000xf32, #tpu.memory_space<vmem>>[vector<16xi32>, vector<16xi32>], vector<16xf32>, vector<16xi1>
        %parallel_loop3A_149 = arith.mulf %parallel_loop3A_148, %parallel_loop3A_125 : vector<16xf32>
        tpu.vector_store_idx %arg8[%parallel_loop3A_147, %parallel_loop3A_131], %parallel_loop3A_149 masked %parallel_loop3A_116 {add = true} : memref<4x10000xf32, #tpu.memory_space<vmem>>[vector<16xi32>, vector<16xi32>], vector<16xf32>, vector<16xi1>
        %parallel_loop3A_150 = arith.constant 3 : i32
        %parallel_loop3A_151 = vector.broadcast %parallel_loop3A_150 : i32 to vector<16xi32>
        %parallel_loop3A_152 = tpu.vector_load_idx %arg7[%parallel_loop3A_151, %parallel_loop3A_137] masked %parallel_loop3A_116 : memref<4x10000xf32, #tpu.memory_space<vmem>>[vector<16xi32>, vector<16xi32>], vector<16xf32>, vector<16xi1>
        %parallel_loop3A_153 = arith.mulf %parallel_loop3A_152, %parallel_loop3A_125 : vector<16xf32>
        tpu.vector_store_idx %arg8[%parallel_loop3A_151, %parallel_loop3A_131], %parallel_loop3A_153 masked %parallel_loop3A_116 {add = true} : memref<4x10000xf32, #tpu.memory_space<vmem>>[vector<16xi32>, vector<16xi32>], vector<16xf32>, vector<16xi1>
      } {sc.loop_unroll_factor = 8 : i64, sc.parallel_access}
      %mul3A_69 = arith.constant 2 : i32
      %mul3A_70 = arith.muli %scan3A_33, %mul3A_69 : i32
      %add3A_71 = arith.constant 1 : i32
      %add3A_72 = arith.addi %mul3A_70, %add3A_71 : i32
      %add3A_73 = arith.constant 1 : i32
      %add3A_74 = arith.addi %add3A_72, %add3A_73 : i32
      %lt3A_75 = arith.constant 32 : i32
      %lt3A_76 = arith.cmpi slt, %add3A_74, %lt3A_75 : i32
      %convert_element_type3A_77 = arith.extui %lt3A_76 : i1 to i32
      %cond3A_78 = arith.constant 0 : i32
      %cond3A_79 = arith.cmpi ne, %convert_element_type3A_77, %cond3A_78 : i32
      scf.if %cond3A_79 {
        %add3A_114 = arith.constant 1 : i32
        %add3A_115 = arith.addi %add3A_72, %add3A_114 : i32
        %mul3A_116 = arith.constant 10000 : i32
        %mul3A_117 = arith.muli %add3A_115, %mul3A_116 : i32
        %dma_start3A_118 = tpu.memref_slice %arg3[%mul3A_117] : memref<320000xi32, #tpu.memory_space<hbm>> -> memref<10000xi32, #tpu.memory_space<hbm>>
        %dma_start3A_119 = tpu.memref_slice %arg3[%mul3A_117] : memref<320000xi32, #tpu.memory_space<hbm>> -> memref<10000xi32, #tpu.memory_space<hbm>>
        tpu.enqueue_dma source(%dma_start3A_119 : memref<10000xi32, #tpu.memory_space<hbm>>) target(%arg9 : memref<10000xi32, #tpu.memory_space<vmem>>) target_semaphore(%arg15 : memref<!tpu.dma_semaphore, #tpu.memory_space<semaphore_mem>>)
        %dma_start3A_120 = tpu.memref_slice %arg4[%mul3A_117] : memref<320000xf32, #tpu.memory_space<hbm>> -> memref<10000xf32, #tpu.memory_space<hbm>>
        %dma_start3A_121 = tpu.memref_slice %arg4[%mul3A_117] : memref<320000xf32, #tpu.memory_space<hbm>> -> memref<10000xf32, #tpu.memory_space<hbm>>
        tpu.enqueue_dma source(%dma_start3A_121 : memref<10000xf32, #tpu.memory_space<hbm>>) target(%arg11 : memref<10000xf32, #tpu.memory_space<vmem>>) target_semaphore(%arg15 : memref<!tpu.dma_semaphore, #tpu.memory_space<semaphore_mem>>)
      } else {
      }
      %mul3A_80 = arith.constant 10000 : i32
      %mul3A_81 = arith.muli %add3A_72, %mul3A_80 : i32
      %dma_wait3A_82 = tpu.memref_slice %arg3[%mul3A_81] : memref<320000xi32, #tpu.memory_space<hbm>> -> memref<10000xi32, #tpu.memory_space<hbm>>
      %dma_wait3A_83 = tpu.memref_slice %arg3[%mul3A_81] : memref<320000xi32, #tpu.memory_space<hbm>> -> memref<10000xi32, #tpu.memory_space<hbm>>
      tpu.wait_dma2 semaphore(%arg16 : memref<!tpu.dma_semaphore, #tpu.memory_space<semaphore_mem>>) src(%dma_wait3A_83 : memref<10000xi32, #tpu.memory_space<hbm>>) dst(%arg10 : memref<10000xi32, #tpu.memory_space<vmem>>)
      %mul3A_84 = arith.constant 10000 : i32
      %mul3A_85 = arith.muli %add3A_72, %mul3A_84 : i32
      %dma_wait3A_86 = tpu.memref_slice %arg4[%mul3A_85] : memref<320000xf32, #tpu.memory_space<hbm>> -> memref<10000xf32, #tpu.memory_space<hbm>>
      %dma_wait3A_87 = tpu.memref_slice %arg4[%mul3A_85] : memref<320000xf32, #tpu.memory_space<hbm>> -> memref<10000xf32, #tpu.memory_space<hbm>>
      tpu.wait_dma2 semaphore(%arg16 : memref<!tpu.dma_semaphore, #tpu.memory_space<semaphore_mem>>) src(%dma_wait3A_87 : memref<10000xf32, #tpu.memory_space<hbm>>) dst(%arg12 : memref<10000xf32, #tpu.memory_space<vmem>>)
      %mul3A_88 = arith.constant 16 : i32
      %mul3A_89 = arith.muli %add3A_72, %mul3A_88 : i32
      %get3A_90 = arith.index_cast %mul3A_89 : i32 to index
      %get3A_91 = tpu.vector_load %arg13[%get3A_90] {strides = array<i32>} : memref<512xi32, #tpu.memory_space<vmem>>, vector<16xi32>,
      %broadcast_in_dim3A_92 = arith.constant true
      %broadcast_in_dim3A_93 = vector.broadcast %broadcast_in_dim3A_92 : i1 to vector<16xi1>
      %masked_cumsum3A_94 = tpu.scan <sum>, %get3A_91 masked %broadcast_in_dim3A_93 : vector<16xi32>, vector<16xi1> -> vector<16xi32>
      %sub3A_95 = arith.subi %masked_cumsum3A_94, %get3A_91 : vector<16xi32>
      %reduce_max3A_96 = arith.constant true
      %reduce_max3A_97 = vector.broadcast %reduce_max3A_96 : i1 to vector<16xi1>
      %reduce_max3A_98 = arith.constant -2147483648 : i32
      %reduce_max3A_99 = vector.broadcast %reduce_max3A_98 : i32 to vector<16xi32>
      %reduce_max3A_100 = arith.xori %get3A_91, %reduce_max3A_99 : vector<16xi32>
      %reduce_max3A_101 = tpu.scan <max>, %reduce_max3A_100 masked %reduce_max3A_97 : vector<16xi32>, vector<16xi1> -> vector<16xi32>
      %reduce_max3A_102 = arith.xori %reduce_max3A_101, %reduce_max3A_99 : vector<16xi32>
      %reduce_max3A_103 = vector.extract %reduce_max3A_102[15] : i32 from vector<16xi32>
      %min3A_104 = arith.constant 10000 : i32
      %min3A_105 = arith.minsi %reduce_max3A_103, %min3A_104 : i32
      %add3A_106 = arith.constant 7 : i32
      %add3A_107 = arith.addi %min3A_105, %add3A_106 : i32
      %div3A_108 = arith.constant 8 : i32
      %div3A_109 = arith.divsi %add3A_107, %div3A_108 : i32
      %mul3A_110 = arith.constant 8 : i32
      %mul3A_111 = arith.muli %div3A_109, %mul3A_110 : i32
      %parallel_loop3A_112 = arith.constant 0 : i32
      %parallel_loop3A_113 = arith.constant 1 : i32
      scf.for %parallel_loop3A_114 = %parallel_loop3A_112 to %mul3A_111 step %parallel_loop3A_113  : i32 {
        %parallel_loop3A_115 = vector.broadcast %parallel_loop3A_114 : i32 to vector<16xi32>
        %parallel_loop3A_116 = arith.cmpi slt, %parallel_loop3A_115, %get3A_91 : vector<16xi32>
        %parallel_loop3A_117 = arith.addi %sub3A_95, %parallel_loop3A_115 : vector<16xi32>
        %parallel_loop3A_118 = arith.constant 0 : i32
        %parallel_loop3A_119 = vector.broadcast %parallel_loop3A_118 : i32 to vector<16xi32>
        %parallel_loop3A_120 = arith.select %parallel_loop3A_116, %parallel_loop3A_117, %parallel_loop3A_119 : vector<16xi1>, vector<16xi32>
        %parallel_loop3A_121 = tpu.vector_load_idx %arg10[%parallel_loop3A_120] masked %parallel_loop3A_116 : memref<10000xi32, #tpu.memory_space<vmem>>[vector<16xi32>], vector<16xi32>, vector<16xi1>
        %parallel_loop3A_122 = tpu.vector_load_idx %arg12[%parallel_loop3A_120] masked %parallel_loop3A_116 : memref<10000xf32, #tpu.memory_space<vmem>>[vector<16xi32>], vector<16xf32>, vector<16xi1>
        %parallel_loop3A_123 = arith.constant 0.000000e+00 : f32
        %parallel_loop3A_124 = vector.broadcast %parallel_loop3A_123 : f32 to vector<16xf32>
        %parallel_loop3A_125 = arith.select %parallel_loop3A_116, %parallel_loop3A_122, %parallel_loop3A_124 : vector<16xi1>, vector<16xf32>
        %parallel_loop3A_126 = arith.constant 16 : i32
        %parallel_loop3A_127 = vector.broadcast %parallel_loop3A_126 : i32 to vector<16xi32>
        %parallel_loop3A_128 = arith.shrui %parallel_loop3A_121, %parallel_loop3A_127 : vector<16xi32>
        %parallel_loop3A_129 = arith.constant 0 : i32
        %parallel_loop3A_130 = vector.broadcast %parallel_loop3A_129 : i32 to vector<16xi32>
        %parallel_loop3A_131 = arith.select %parallel_loop3A_116, %parallel_loop3A_128, %parallel_loop3A_130 : vector<16xi1>, vector<16xi32>
        %parallel_loop3A_132 = arith.constant 65535 : i32
        %parallel_loop3A_133 = vector.broadcast %parallel_loop3A_132 : i32 to vector<16xi32>
        %parallel_loop3A_134 = arith.andi %parallel_loop3A_121, %parallel_loop3A_133 : vector<16xi32>
        %parallel_loop3A_135 = arith.constant 0 : i32
        %parallel_loop3A_136 = vector.broadcast %parallel_loop3A_135 : i32 to vector<16xi32>
        %parallel_loop3A_137 = arith.select %parallel_loop3A_116, %parallel_loop3A_134, %parallel_loop3A_136 : vector<16xi1>, vector<16xi32>
        %parallel_loop3A_138 = arith.constant 0 : i32
        %parallel_loop3A_139 = vector.broadcast %parallel_loop3A_138 : i32 to vector<16xi32>
        %parallel_loop3A_140 = tpu.vector_load_idx %arg7[%parallel_loop3A_139, %parallel_loop3A_137] masked %parallel_loop3A_116 : memref<4x10000xf32, #tpu.memory_space<vmem>>[vector<16xi32>, vector<16xi32>], vector<16xf32>, vector<16xi1>
        %parallel_loop3A_141 = arith.mulf %parallel_loop3A_140, %parallel_loop3A_125 : vector<16xf32>
        tpu.vector_store_idx %arg8[%parallel_loop3A_139, %parallel_loop3A_131], %parallel_loop3A_141 masked %parallel_loop3A_116 {add = true} : memref<4x10000xf32, #tpu.memory_space<vmem>>[vector<16xi32>, vector<16xi32>], vector<16xf32>, vector<16xi1>
        %parallel_loop3A_142 = arith.constant 1 : i32
        %parallel_loop3A_143 = vector.broadcast %parallel_loop3A_142 : i32 to vector<16xi32>
        %parallel_loop3A_144 = tpu.vector_load_idx %arg7[%parallel_loop3A_143, %parallel_loop3A_137] masked %parallel_loop3A_116 : memref<4x10000xf32, #tpu.memory_space<vmem>>[vector<16xi32>, vector<16xi32>], vector<16xf32>, vector<16xi1>
        %parallel_loop3A_145 = arith.mulf %parallel_loop3A_144, %parallel_loop3A_125 : vector<16xf32>
        tpu.vector_store_idx %arg8[%parallel_loop3A_143, %parallel_loop3A_131], %parallel_loop3A_145 masked %parallel_loop3A_116 {add = true} : memref<4x10000xf32, #tpu.memory_space<vmem>>[vector<16xi32>, vector<16xi32>], vector<16xf32>, vector<16xi1>
        %parallel_loop3A_146 = arith.constant 2 : i32
        %parallel_loop3A_147 = vector.broadcast %parallel_loop3A_146 : i32 to vector<16xi32>
        %parallel_loop3A_148 = tpu.vector_load_idx %arg7[%parallel_loop3A_147, %parallel_loop3A_137] masked %parallel_loop3A_116 : memref<4x10000xf32, #tpu.memory_space<vmem>>[vector<16xi32>, vector<16xi32>], vector<16xf32>, vector<16xi1>
        %parallel_loop3A_149 = arith.mulf %parallel_loop3A_148, %parallel_loop3A_125 : vector<16xf32>
        tpu.vector_store_idx %arg8[%parallel_loop3A_147, %parallel_loop3A_131], %parallel_loop3A_149 masked %parallel_loop3A_116 {add = true} : memref<4x10000xf32, #tpu.memory_space<vmem>>[vector<16xi32>, vector<16xi32>], vector<16xf32>, vector<16xi1>
        %parallel_loop3A_150 = arith.constant 3 : i32
        %parallel_loop3A_151 = vector.broadcast %parallel_loop3A_150 : i32 to vector<16xi32>
        %parallel_loop3A_152 = tpu.vector_load_idx %arg7[%parallel_loop3A_151, %parallel_loop3A_137] masked %parallel_loop3A_116 : memref<4x10000xf32, #tpu.memory_space<vmem>>[vector<16xi32>, vector<16xi32>], vector<16xf32>, vector<16xi1>
        %parallel_loop3A_153 = arith.mulf %parallel_loop3A_152, %parallel_loop3A_125 : vector<16xf32>
        tpu.vector_store_idx %arg8[%parallel_loop3A_151, %parallel_loop3A_131], %parallel_loop3A_153 masked %parallel_loop3A_116 {add = true} : memref<4x10000xf32, #tpu.memory_space<vmem>>[vector<16xi32>, vector<16xi32>], vector<16xf32>, vector<16xi1>
      } {sc.loop_unroll_factor = 8 : i64, sc.parallel_access}
    }
    %scan3A_32 = arith.constant 16 : i32
    "tpu.region"() ({
      %run_scoped3A = tpu.sem_alloc : memref<!tpu.dma_semaphore, #tpu.memory_space<semaphore_mem>>
      %dma_start3A_33 = arith.constant 0 : i32
      %dma_start3A_34 = tpu.memref_slice %arg6[%mul3A_2, %dma_start3A_33] : memref<128x10000xf32, #tpu.memory_space<hbm>> -> memref<4x10000xf32, #tpu.memory_space<hbm>>
      %dma_start3A_35 = arith.constant 0 : i32
      %dma_start3A_36 = tpu.memref_slice %arg6[%mul3A_2, %dma_start3A_35] : memref<128x10000xf32, #tpu.memory_space<hbm>> -> memref<4x10000xf32, #tpu.memory_space<hbm>>
      tpu.enqueue_dma source(%arg8 : memref<4x10000xf32, #tpu.memory_space<vmem>>) target(%dma_start3A_36 : memref<4x10000xf32, #tpu.memory_space<hbm>>) target_semaphore(%run_scoped3A : memref<!tpu.dma_semaphore, #tpu.memory_space<semaphore_mem>>)
      %dma_wait3A_37 = arith.constant 0 : i32
      %dma_wait3A_38 = tpu.memref_slice %arg6[%mul3A_2, %dma_wait3A_37] : memref<128x10000xf32, #tpu.memory_space<hbm>> -> memref<4x10000xf32, #tpu.memory_space<hbm>>
      %dma_wait3A_39 = arith.constant 0 : i32
      %dma_wait3A_40 = tpu.memref_slice %arg6[%mul3A_2, %dma_wait3A_39] : memref<128x10000xf32, #tpu.memory_space<hbm>> -> memref<4x10000xf32, #tpu.memory_space<hbm>>
      tpu.wait_dma2 semaphore(%run_scoped3A : memref<!tpu.dma_semaphore, #tpu.memory_space<semaphore_mem>>) src(%arg8 : memref<4x10000xf32, #tpu.memory_space<vmem>>) dst(%dma_wait3A_40 : memref<4x10000xf32, #tpu.memory_space<hbm>>)
      tpu.yield
    }) : () -> ()
    return
  }
}

module attributes {stable_mosaic.version = 14 : i64} {
  func.func @_transpose_body(%arg0: i32, %arg1: memref<2048x128xf32, #tpu.memory_space<vmem>>, %arg2: memref<128x2048xf32, #tpu.memory_space<vmem>>) attributes {dimension_semantics = [#tpu.dimension_semantics<arbitrary>], iteration_bounds = array<i64: 5>, scalar_prefetch = 0 : i64, scratch_operands = 0 : i64, tpu.core_type = #tpu.core_type<tc>, window_params = [{transform_indices = @transform_0, window_bounds = array<i64: 2048, 128>}, {transform_indices = @transform_1, window_bounds = array<i64: 128, 2048>}]} {
    %get3A = arith.constant 0 : index
    %get3A_0 = arith.constant 0 : index
    %get3A_1 = vector.load %arg1[%get3A, %get3A_0] : memref<2048x128xf32, #tpu.memory_space<vmem>>, vector<2048x128xf32>
    %transpose3A = tpu.transpose %get3A_1, [1, 0] : vector<2048x128xf32> -> vector<128x2048xf32>
    %swap3A = arith.constant 0 : index
    %swap3A_2 = arith.constant 0 : index
    %swap3A_3 = vector.load %arg2[%swap3A, %swap3A_2] : memref<128x2048xf32, #tpu.memory_space<vmem>>, vector<128x2048xf32>
    tpu.vector_store %arg2[%swap3A, %swap3A_2], %transpose3A {strides = array<i32>} : memref<128x2048xf32, #tpu.memory_space<vmem>>, vector<128x2048xf32>,
    return
  }
  func.func @transform_0(%arg0: i32) -> (i32, i32) {
    %c0_i32 = arith.constant 0 : i32
    %c0_i32_0 = arith.constant 0 : i32
    return %arg0, %c0_i32 : i32, i32
  }
  func.func @transform_1(%arg0: i32) -> (i32, i32) {
    %c0_i32 = arith.constant 0 : i32
    %c0_i32_0 = arith.constant 0 : i32
    return %c0_i32, %arg0 : i32, i32
  }
}

module attributes {stable_mosaic.version = 14 : i64} {
  func.func @_dis_body(%arg0: memref<32x10240xf32, #tpu.memory_space<vmem>>, %arg1: memref<1x10240xf32, #tpu.memory_space<vmem>>) attributes {dimension_semantics = [], scalar_prefetch = 0 : i64, scratch_operands = 0 : i64, tpu.core_type = #tpu.core_type<tc>} {
    %get3A = arith.constant 0 : index
    %get3A_0 = arith.constant 0 : index
    %get3A_1 = vector.load %arg0[%get3A, %get3A_0] : memref<32x10240xf32, #tpu.memory_space<vmem>>, vector<32x10240xf32>
    %reduce_sum3A = arith.constant dense<0.000000e+00> : vector<10240xf32>
    %reduce_sum3A_2 = vector.multi_reduction <add>, %get3A_1, %reduce_sum3A [0] : vector<32x10240xf32> to vector<10240xf32>
    %broadcast_in_dim3A = vector.shape_cast %reduce_sum3A_2 : vector<10240xf32> to vector<1x10240xf32>
    %gt3A = arith.constant 0.000000e+00 : f32
    %gt3A_3 = vector.broadcast %gt3A : f32 to vector<1x10240xf32>
    %gt3A_4 = arith.cmpf ogt, %broadcast_in_dim3A, %gt3A_3 : vector<1x10240xf32>
    %jit3A = arith.constant 1.000000e+00 : f32
    %broadcast_in_dim3A_5 = vector.broadcast %jit3A : f32 to vector<1x10240xf32>
    %select_n3A = arith.select %gt3A_4, %broadcast_in_dim3A, %broadcast_in_dim3A_5 : vector<1x10240xi1>, vector<1x10240xf32>
    %gt3A_6 = arith.constant 0.000000e+00 : f32
    %gt3A_7 = vector.broadcast %gt3A_6 : f32 to vector<1x10240xf32>
    %gt3A_8 = arith.cmpf ogt, %broadcast_in_dim3A, %gt3A_7 : vector<1x10240xf32>
    %rsqrt3A = math.rsqrt %select_n3A : vector<1x10240xf32>
    %jit3A_9 = arith.constant 0.000000e+00 : f32
    %broadcast_in_dim3A_10 = vector.broadcast %jit3A_9 : f32 to vector<1x10240xf32>
    %select_n3A_11 = arith.select %gt3A_8, %rsqrt3A, %broadcast_in_dim3A_10 : vector<1x10240xi1>, vector<1x10240xf32>
    %swap3A = arith.constant 0 : index
    %swap3A_12 = arith.constant 0 : index
    %swap3A_13 = vector.load %arg1[%swap3A, %swap3A_12] : memref<1x10240xf32, #tpu.memory_space<vmem>>, vector<1x10240xf32>
    tpu.vector_store %arg1[%swap3A, %swap3A_12], %select_n3A_11 {strides = array<i32>} : memref<1x10240xf32, #tpu.memory_space<vmem>>, vector<1x10240xf32>,
    return
  }
}

module attributes {stable_mosaic.version = 14 : i64} {
  func.func @_dense_body(%arg0: i32, %arg1: memref<128x2048xf32, #tpu.memory_space<vmem>>, %arg2: memref<128x2048xf32, #tpu.memory_space<vmem>>, %arg3: memref<128x128xf32, #tpu.memory_space<vmem>>, %arg4: memref<128x128xf32, #tpu.memory_space<vmem>>, %arg5: memref<128x1xf32, #tpu.memory_space<vmem>>, %arg6: memref<128x2048xf32, #tpu.memory_space<vmem>>) attributes {dimension_semantics = [#tpu.dimension_semantics<arbitrary>], iteration_bounds = array<i64: 5>, scalar_prefetch = 0 : i64, scratch_operands = 0 : i64, tpu.core_type = #tpu.core_type<tc>, window_params = [{transform_indices = @transform_0, window_bounds = array<i64: 128, 2048>}, {transform_indices = @transform_1, window_bounds = array<i64: 128, 2048>}, {pipeline_mode = #tpu.pipeline_mode<synchronous>, transform_indices = @transform_2, window_bounds = array<i64: 128, 128>}, {pipeline_mode = #tpu.pipeline_mode<synchronous>, transform_indices = @transform_3, window_bounds = array<i64: 128, 128>}, {pipeline_mode = #tpu.pipeline_mode<synchronous>, transform_indices = @transform_4, window_bounds = array<i64: 128, 1>}, {transform_indices = @transform_5, window_bounds = array<i64: 128, 2048>}]} {
    %get3A = arith.constant 0 : index
    %get3A_0 = arith.constant 0 : index
    %get3A_1 = vector.load %arg3[%get3A, %get3A_0] : memref<128x128xf32, #tpu.memory_space<vmem>>, vector<128x128xf32>
    %get3A_2 = arith.constant 0 : index
    %get3A_3 = arith.constant 0 : index
    %get3A_4 = vector.load %arg1[%get3A_2, %get3A_3] : memref<128x2048xf32, #tpu.memory_space<vmem>>, vector<128x2048xf32>
    %dot_general3A = arith.constant dense<0.000000e+00> : vector<128x2048xf32>
    %dot_general3A_5 = tpu.matmul %get3A_1, %get3A_4, %dot_general3A {dimension_numbers = #tpu.dot_dimension_numbers<[0], [0], [1], [1], [0, 1, 1, 1], [], []>, transpose_lhs_hint = false} : vector<128x128xf32>, vector<128x2048xf32>, vector<128x2048xf32> -> vector<128x2048xf32>
    %get3A_6 = arith.constant 0 : index
    %get3A_7 = arith.constant 0 : index
    %get3A_8 = vector.load %arg4[%get3A_6, %get3A_7] : memref<128x128xf32, #tpu.memory_space<vmem>>, vector<128x128xf32>
    %get3A_9 = arith.constant 0 : index
    %get3A_10 = arith.constant 0 : index
    %get3A_11 = vector.load %arg2[%get3A_9, %get3A_10] : memref<128x2048xf32, #tpu.memory_space<vmem>>, vector<128x2048xf32>
    %dot_general3A_12 = arith.constant dense<0.000000e+00> : vector<128x2048xf32>
    %dot_general3A_13 = tpu.matmul %get3A_8, %get3A_11, %dot_general3A_12 {dimension_numbers = #tpu.dot_dimension_numbers<[0], [0], [1], [1], [0, 1, 1, 1], [], []>, transpose_lhs_hint = false} : vector<128x128xf32>, vector<128x2048xf32>, vector<128x2048xf32> -> vector<128x2048xf32>
    %add3A = arith.addf %dot_general3A_5, %dot_general3A_13 : vector<128x2048xf32>
    %get3A_14 = arith.constant 0 : index
    %get3A_15 = arith.constant 0 : index
    %get3A_16 = vector.load %arg5[%get3A_14, %get3A_15] : memref<128x1xf32, #tpu.memory_space<vmem>>, vector<128x1xf32>
    %add3A_17 = vector.broadcast %get3A_16 : vector<128x1xf32> to vector<128x2048xf32>
    %add3A_18 = arith.addf %add3A, %add3A_17 : vector<128x2048xf32>
    %max3A = arith.constant 0.000000e+00 : f32
    %max3A_19 = vector.broadcast %max3A : f32 to vector<128x2048xf32>
    %max3A_20 = arith.maximumf %add3A_18, %max3A_19 : vector<128x2048xf32>
    %swap3A = arith.constant 0 : index
    %swap3A_21 = arith.constant 0 : index
    %swap3A_22 = vector.load %arg6[%swap3A, %swap3A_21] : memref<128x2048xf32, #tpu.memory_space<vmem>>, vector<128x2048xf32>
    tpu.vector_store %arg6[%swap3A, %swap3A_21], %max3A_20 {strides = array<i32>} : memref<128x2048xf32, #tpu.memory_space<vmem>>, vector<128x2048xf32>,
    return
  }
  func.func @transform_0(%arg0: i32) -> (i32, i32) {
    %c0_i32 = arith.constant 0 : i32
    %c0_i32_0 = arith.constant 0 : i32
    return %c0_i32, %arg0 : i32, i32
  }
  func.func @transform_1(%arg0: i32) -> (i32, i32) {
    %c0_i32 = arith.constant 0 : i32
    %c0_i32_0 = arith.constant 0 : i32
    return %c0_i32, %arg0 : i32, i32
  }
  func.func @transform_2(%arg0: i32) -> (i32, i32) {
    %c0_i32 = arith.constant 0 : i32
    %c0_i32_0 = arith.constant 0 : i32
    %c0_i32_1 = arith.constant 0 : i32
    return %c0_i32, %c0_i32_0 : i32, i32
  }
  func.func @transform_3(%arg0: i32) -> (i32, i32) {
    %c0_i32 = arith.constant 0 : i32
    %c0_i32_0 = arith.constant 0 : i32
    %c0_i32_1 = arith.constant 0 : i32
    return %c0_i32, %c0_i32_0 : i32, i32
  }
  func.func @transform_4(%arg0: i32) -> (i32, i32) {
    %c0_i32 = arith.constant 0 : i32
    %c0_i32_0 = arith.constant 0 : i32
    %c0_i32_1 = arith.constant 0 : i32
    return %c0_i32, %c0_i32_0 : i32, i32
  }
  func.func @transform_5(%arg0: i32) -> (i32, i32) {
    %c0_i32 = arith.constant 0 : i32
    %c0_i32_0 = arith.constant 0 : i32
    return %c0_i32, %arg0 : i32, i32
  }
}

module attributes {stable_mosaic.version = 14 : i64} {
  func.func @_dense_body(%arg0: i32, %arg1: memref<128x2048xf32, #tpu.memory_space<vmem>>, %arg2: memref<128x2048xf32, #tpu.memory_space<vmem>>, %arg3: memref<128x128xf32, #tpu.memory_space<vmem>>, %arg4: memref<128x128xf32, #tpu.memory_space<vmem>>, %arg5: memref<128x1xf32, #tpu.memory_space<vmem>>, %arg6: memref<2048x128xf32, #tpu.memory_space<vmem>>) attributes {dimension_semantics = [#tpu.dimension_semantics<arbitrary>], iteration_bounds = array<i64: 5>, scalar_prefetch = 0 : i64, scratch_operands = 0 : i64, tpu.core_type = #tpu.core_type<tc>, window_params = [{transform_indices = @transform_0, window_bounds = array<i64: 128, 2048>}, {transform_indices = @transform_1, window_bounds = array<i64: 128, 2048>}, {pipeline_mode = #tpu.pipeline_mode<synchronous>, transform_indices = @transform_2, window_bounds = array<i64: 128, 128>}, {pipeline_mode = #tpu.pipeline_mode<synchronous>, transform_indices = @transform_3, window_bounds = array<i64: 128, 128>}, {pipeline_mode = #tpu.pipeline_mode<synchronous>, transform_indices = @transform_4, window_bounds = array<i64: 128, 1>}, {transform_indices = @transform_5, window_bounds = array<i64: 2048, 128>}]} {
    %get3A = arith.constant 0 : index
    %get3A_0 = arith.constant 0 : index
    %get3A_1 = vector.load %arg3[%get3A, %get3A_0] : memref<128x128xf32, #tpu.memory_space<vmem>>, vector<128x128xf32>
    %get3A_2 = arith.constant 0 : index
    %get3A_3 = arith.constant 0 : index
    %get3A_4 = vector.load %arg1[%get3A_2, %get3A_3] : memref<128x2048xf32, #tpu.memory_space<vmem>>, vector<128x2048xf32>
    %dot_general3A = arith.constant dense<0.000000e+00> : vector<128x2048xf32>
    %dot_general3A_5 = tpu.matmul %get3A_1, %get3A_4, %dot_general3A {dimension_numbers = #tpu.dot_dimension_numbers<[0], [0], [1], [1], [0, 1, 1, 1], [], []>, transpose_lhs_hint = false} : vector<128x128xf32>, vector<128x2048xf32>, vector<128x2048xf32> -> vector<128x2048xf32>
    %get3A_6 = arith.constant 0 : index
    %get3A_7 = arith.constant 0 : index
    %get3A_8 = vector.load %arg4[%get3A_6, %get3A_7] : memref<128x128xf32, #tpu.memory_space<vmem>>, vector<128x128xf32>
    %get3A_9 = arith.constant 0 : index
    %get3A_10 = arith.constant 0 : index
    %get3A_11 = vector.load %arg2[%get3A_9, %get3A_10] : memref<128x2048xf32, #tpu.memory_space<vmem>>, vector<128x2048xf32>
    %dot_general3A_12 = arith.constant dense<0.000000e+00> : vector<128x2048xf32>
    %dot_general3A_13 = tpu.matmul %get3A_8, %get3A_11, %dot_general3A_12 {dimension_numbers = #tpu.dot_dimension_numbers<[0], [0], [1], [1], [0, 1, 1, 1], [], []>, transpose_lhs_hint = false} : vector<128x128xf32>, vector<128x2048xf32>, vector<128x2048xf32> -> vector<128x2048xf32>
    %add3A = arith.addf %dot_general3A_5, %dot_general3A_13 : vector<128x2048xf32>
    %get3A_14 = arith.constant 0 : index
    %get3A_15 = arith.constant 0 : index
    %get3A_16 = vector.load %arg5[%get3A_14, %get3A_15] : memref<128x1xf32, #tpu.memory_space<vmem>>, vector<128x1xf32>
    %add3A_17 = vector.broadcast %get3A_16 : vector<128x1xf32> to vector<128x2048xf32>
    %add3A_18 = arith.addf %add3A, %add3A_17 : vector<128x2048xf32>
    %max3A = arith.constant 0.000000e+00 : f32
    %max3A_19 = vector.broadcast %max3A : f32 to vector<128x2048xf32>
    %max3A_20 = arith.maximumf %add3A_18, %max3A_19 : vector<128x2048xf32>
    %transpose3A = tpu.transpose %max3A_20, [1, 0] : vector<128x2048xf32> -> vector<2048x128xf32>
    %swap3A = arith.constant 0 : index
    %swap3A_21 = arith.constant 0 : index
    %swap3A_22 = vector.load %arg6[%swap3A, %swap3A_21] : memref<2048x128xf32, #tpu.memory_space<vmem>>, vector<2048x128xf32>
    tpu.vector_store %arg6[%swap3A, %swap3A_21], %transpose3A {strides = array<i32>} : memref<2048x128xf32, #tpu.memory_space<vmem>>, vector<2048x128xf32>,
    return
  }
  func.func @transform_0(%arg0: i32) -> (i32, i32) {
    %c0_i32 = arith.constant 0 : i32
    %c0_i32_0 = arith.constant 0 : i32
    return %c0_i32, %arg0 : i32, i32
  }
  func.func @transform_1(%arg0: i32) -> (i32, i32) {
    %c0_i32 = arith.constant 0 : i32
    %c0_i32_0 = arith.constant 0 : i32
    return %c0_i32, %arg0 : i32, i32
  }
  func.func @transform_2(%arg0: i32) -> (i32, i32) {
    %c0_i32 = arith.constant 0 : i32
    %c0_i32_0 = arith.constant 0 : i32
    %c0_i32_1 = arith.constant 0 : i32
    return %c0_i32, %c0_i32_0 : i32, i32
  }
  func.func @transform_3(%arg0: i32) -> (i32, i32) {
    %c0_i32 = arith.constant 0 : i32
    %c0_i32_0 = arith.constant 0 : i32
    %c0_i32_1 = arith.constant 0 : i32
    return %c0_i32, %c0_i32_0 : i32, i32
  }
  func.func @transform_4(%arg0: i32) -> (i32, i32) {
    %c0_i32 = arith.constant 0 : i32
    %c0_i32_0 = arith.constant 0 : i32
    %c0_i32_1 = arith.constant 0 : i32
    return %c0_i32, %c0_i32_0 : i32, i32
  }
  func.func @transform_5(%arg0: i32) -> (i32, i32) {
    %c0_i32 = arith.constant 0 : i32
    %c0_i32_0 = arith.constant 0 : i32
    return %arg0, %c0_i32 : i32, i32
  }
}

</mosaic_0001>

<sc_bundles>
// kernel: kernel.10.cloned.1.call-start
scs
__scs_entry_jumppad:
0x0: {  	(pc) =	sbr.rel $0x88, $3  }
0x1: {  	(tag) =	ssettag $0x0;
	lr =	simm.s32 $0x1  }
0x2: {  	[smem:$0x3F9A] =	sst lr;
	_ =	strace $0xD0000000  }
0x3: {  	_ = 	snop  }
0x4: {  	_ = 	snop  }
0x5: {  	_ = 	snop  }
0x6: {  	_ = 	snop  }
0x7: {  	_ = 	snop  }
__scs_overlays_trampoline_lowered:
0x8: {  	[smem:$0x3FA9] =	sst s0  }
0x9: {  	[smem:$0x3FAA] =	sst s1  }
0xa: {  	[smem:$0x3FAB] =	sst s2  }
0xb: {  	[smem:$0x3FAC] =	sst s3  }
0xc: {  	[smem:$0x3FAD] =	sst s4  }
0xd: {  	[smem:$0x3FAE] =	sst s5  }
0xe: {  	[smem:$0x3FAF] =	sst s6  }
0xf: {  	[smem:$0x3FB0] =	sst s7  }
0x10: {  	[smem:$0x3FB1] =	sst s8  }
0x11: {  	[smem:$0x3FB2] =	sst s9;
	s0 =	simm.s32 @!p0 $0x0  }
0x12: {  	s1 =	sld [smem:$0x3F98];
	s0 =	simm.s32 @p0 $0x1  }
0x13: {  	[smem:$0x3FB3] =	sst s0;
	s0 =	simm.s32 @!p1 $0x0  }
0x14: {  	s2 =	sld [smem:$0x3F97];
	s0 =	simm.s32 @p1 $0x1  }
0x15: {  	[smem:$0x3FB4] =	sst s0;
	s0 =	simm.s32 @!p2 $0x0  }
0x16: {  	s3 =	sld [smem:$0x3FDB];
	s0 =	simm.s32 @p2 $0x1  }
0x17: {  	s4 =	simm.s32 $0x1BF5;
	[smem:$0x3FB6] =	sst s0  }
0x18: {  	s0 =	sld [smem:$0x3F99];
	_ =	swait.ge [sflag:s4], $0x0  }
0x19: {  	s7 =	sld [smem:$0x3F9A]  }
0x1a: {  	s8 =	sadd.s32 $0xFFFFE003, lr  }
0x1b: {  	s9 =	sadd.s32 $0xFFFFFEF7, lr;
	s5 =	simm.s32 $0xFFFFFFFF;
	p2 =	slt.u32 s8, $0xFFFFF086  }
0x1c: {  	p1 =	slt.u32 s9, $0xF7A;
	s5 =	simm.s32 @!p2 $0x0  }
0x1d: {  	s5 =	simm.s32 @p1 $0x1;
	p0 =	seq.s32 s7, s2  }
0x1e: {  	s7 =	smul.u32 @!p0 $0xF7A, s2;
	p2 =	seq.s32 @!p0 s5, $0x0  }
0x1f: {  	s9 =	smul.u32 $0xF7A, s1;
	s8 =	simm.s32 @!p0 $0x1BF5;
	p2 =	por !p2, p0  }
0x20: {  	[sflag:s8] =	ssyncset.s32 @!p0 $0xFFFFF086;
	s6 =	sadd.s32 @!p0 s3, s7;
	s7 =	simm.s32 @!p0 $0x108  }
0x21: {  	s3 =	sadd.s32 s3, s9;
	s6 =	sadd.s32 @!p0 $0x88, s6;
	s7 =	simm.s32 @p2 $0x1082  }
0x22: {  	[simem:s7], [sflag:s8] =	dma.local @!p0 [hbm:s6], $0xF7A  }
0x23: {  	s9 =	sor.u32 $0xD0000000, s2;
	s6 =	simm.s32 $0x108;
	_ =	swait.ge @!p0 [sflag:s8], $0x0  }
0x24: {  	s3 =	sadd.s32 $0x88, s3;
	s6 =	simm.s32 @!p1 $0x1082;
	[sflag:s4] =	ssyncset.s32 $0xFFFFF086  }
0x25: {  	[simem:s6], [sflag:s4] =	dma.local [hbm:s3], $0xF7A  }
0x26: {  	[smem:$0x3F9A] =	sst s1;
	(tag) =	ssettag s2;
	_ =	strace s9  }
0x27: {  	s1 =	sld [smem:$0x3FAA]  }
0x28: {  	s2 =	sld [smem:$0x3FAB]  }
0x29: {  	s4 =	sld [smem:$0x3FAD]  }
0x2a: {  	p0 =	seq.s32 s5, $0x0;
	s5 =	sld [smem:$0x3FAE]  }
0x2b: {  	s6 =	sld [smem:$0x3FAF]  }
0x2c: {  	s7 =	sld [smem:$0x3FB0]  }
0x2d: {  	s3 =	simm.s32 $0x108;
	s8 =	sld [smem:$0x3FB1]  }
0x2e: {  	s3 =	simm.s32 @!p0 $0x1082;
	s9 =	sld [smem:$0x3FB2]  }
0x2f: {  	lr =	sadd.s32 s0, s3;
	s0 =	sld [smem:$0x3FA9]  }
0x30: {  	s3 =	sld [smem:$0x3FAC]  }
0x31: {  	[smem:$0x3FB5] =	sst s10  }
0x32: {  	s10 =	sld [smem:$0x3FB3];
	_ =	sdelay $0x3  }
0x33: {  	p0 =	seq.s32 s10, $0x1;
	s10 =	sld [smem:$0x3FB5];
	_ =	sdelay $0x3  }
0x34: {  	[smem:$0x3FB5] =	sst s10  }
0x35: {  	s10 =	sld [smem:$0x3FB4];
	_ =	sdelay $0x3  }
0x36: {  	p1 =	seq.s32 s10, $0x1;
	s10 =	sld [smem:$0x3FB5];
	_ =	sdelay $0x3  }
0x37: {  	[smem:$0x3FB5] =	sst s10  }
0x38: {  	s10 =	sld [smem:$0x3FB6]  }
0x39: {  	_ = 	snop;
	(pc) =	sbr.ind lr, $3  }
0x3a: {  	_ = 	snop  }
0x3b: {  	_ = 	snop  }
0x3c: {  	p2 =	seq.s32 s10, $0x1;
	s10 =	sld [smem:$0x3FB5]  }
0x3d: {  	_ =	shalt  }
0x3e: {  	_ =	shalt  }
0x3f: {  	_ =	shalt  }
0x40: {  	_ =	shalt  }
0x41: {  	_ =	shalt  }
0x42: {  	_ =	shalt  }
0x43: {  	_ =	shalt  }
0x44: {  	_ =	shalt  }
0x45: {  	_ =	shalt  }
0x46: {  	_ =	shalt  }
0x47: {  	_ =	shalt  }
0x48: {  	_ =	shalt  }
0x49: {  	_ =	shalt  }
0x4a: {  	_ =	shalt  }
0x4b: {  	_ =	shalt  }
0x4c: {  	_ =	shalt  }
0x4d: {  	_ =	shalt  }
0x4e: {  	_ =	shalt  }
0x4f: {  	_ =	shalt  }
0x50: {  	_ =	shalt  }
0x51: {  	_ =	shalt  }
0x52: {  	_ =	shalt  }
0x53: {  	_ =	shalt  }
0x54: {  	_ =	shalt  }
0x55: {  	_ =	shalt  }
0x56: {  	_ =	shalt  }
0x57: {  	_ =	shalt  }
0x58: {  	_ =	shalt  }
0x59: {  	_ =	shalt  }
0x5a: {  	_ =	shalt  }
0x5b: {  	_ =	shalt  }
0x5c: {  	_ =	shalt  }
0x5d: {  	_ =	shalt  }
0x5e: {  	_ =	shalt  }
0x5f: {  	_ =	shalt  }
0x60: {  	_ =	shalt  }
0x61: {  	_ =	shalt  }
0x62: {  	_ =	shalt  }
0x63: {  	_ =	shalt  }
0x64: {  	_ =	shalt  }
0x65: {  	_ =	shalt  }
0x66: {  	_ =	shalt  }
0x67: {  	_ =	shalt  }
0x68: {  	_ =	shalt  }
0x69: {  	_ =	shalt  }
0x6a: {  	_ =	shalt  }
0x6b: {  	_ =	shalt  }
0x6c: {  	_ =	shalt  }
0x6d: {  	_ =	shalt  }
0x6e: {  	_ =	shalt  }
0x6f: {  	_ =	shalt  }
0x70: {  	_ =	shalt  }
0x71: {  	_ =	shalt  }
0x72: {  	_ =	shalt  }
0x73: {  	_ =	shalt  }
0x74: {  	_ =	shalt  }
0x75: {  	_ =	shalt  }
0x76: {  	_ =	shalt  }
0x77: {  	_ =	shalt  }
0x78: {  	_ =	shalt  }
0x79: {  	_ =	shalt  }
0x7a: {  	_ =	shalt  }
0x7b: {  	_ =	shalt  }
0x7c: {  	_ =	shalt  }
0x7d: {  	_ =	shalt  }
0x7e: {  	_ =	shalt  }
0x7f: {  	_ =	shalt  }
0x80: {  	_ =	shalt  }
0x81: {  	_ =	shalt  }
0x82: {  	_ =	shalt  }
0x83: {  	_ =	shalt  }
0x84: {  	_ =	shalt  }
0x85: {  	_ =	shalt  }
0x86: {  	_ =	shalt  }
0x87: {  	_ =	shalt  }
.Lfunc_end0:
.L_simem_size_0:
called_computation_lowered:
.L_overlay_start_0:
0x88: {  	s2 =	sld [smem:$0x3FD9]  }
0x89: {  	s3 =	sld [smem:$0x3FFE];
	_ =	sdelay $0x1  }
0x8a: {  	s1 =	srdreg.scid  }
0x8b: {  	s0 =	sand.u32 $0x1, s1  }
0x8c: {  	s17 =	sshll.u32 s0, $0xA;
	s2 =	sadd.s32 s3, s2  }
0x8d: {  	s2 =	sadd.s32 s2, s17  }
0x8e: {  	[smem:$0x3FC1] =	sst s2  }
0x8f: {  	_ = 	snop  }
0x90: {  	s2 =	sld [smem:$0x3FC7]  }
0x91: {  	s18 =	sld [smem:$0x3FD0];
	(tm) =	ssettm $0x1  }
0x92: {  	s4 =	sld [smem:$0x3FFB];
	_ =	sdelay $0x3  }
0x93: {  	_ =	strace s4  }
0x94: {  	s4 =	sld [smem:$0x3FFC];
	_ =	sdelay $0x3  }
0x95: {  	_ =	strace s4  }
0x96: {  	s4 =	sld [smem:$0x3FFD];
	_ =	sdelay $0x3  }
0x97: {  	_ =	strace s4  }
0x98: {  	_ =	strace $0x8FFFFFFF  }
0x99: {  	s19 =	sld [smem:$0x3FDB];
	_ =	sdelay $0x1  }
0x9a: {  	s5 =	simm.s32 $_scs_section_size  }
0x9b: {  	s6 =	simm.s32 $_size__tile_overlayer_lowered;
	s7 =	simm.s32 $_tile_overlayer_lowered  }
0x9c: {  	s22 =	simm.s32 $0x1BFF;
	s21 =	sshll.u32 s7, $0x1;
	s4 =	sadd.s32 s5, s19  }
0x9d: {  	s8 =	simm.s32 $0x0;
	s20 =	sshll.u32 s6, $0x1;
	s6 =	sadd.s32 s21, s4  }
0x9e: {  	[timem:s8], [sflag:s22] =	dma.local [hbm:s6], s20  }
0x9f: {  	_ =	swait.ge [sflag:s22], s20  }
0xa0: {  	s5 =	ssub.s32 $0x0, s20;
	[sflag:s22] =	ssyncset.done $0x0  }
0xa1: {  	[sflag:s22] =	ssyncadd.s32 s5;
	_ =	sdelay $0x1  }
0xa2: {  	s23 =	simm.s32 $0x1B8B  }
0xa3: {  	_ =	swait.ge [sflag:s23], $0x1  }
0xa4: {  	[sflag:s23] =	ssyncset.done $0x0  }
0xa5: {  	s25 =	simm.s32 $0x1B8E;
	s24 =	sld [smem:$0x3FFE];
	[sflag:s23] =	ssyncadd.s32 $0xFFFFFFFF  }
0xa6: {  	s26 =	simm.s32 $execute0_lowered;
	[smem:$0x3FD2] =	sst s25  }
0xa7: {  	s6 =	sshll.u32 s26, $0x1;
	_ =	strace $0x80000046;
	[dreg:$0x1] =	wrdreg $0xFFFFFFFF  }
0xa8: {  	s28 =	simm.s32 $_size_execute0_lowered;
	s4 =	sadd.s32 s4, s6;
	[dreg:$0x0] =	wrdreg $0x0  }
0xa9: {  	s6 =	sshll.u32 s28, $0x1;
	[dreg:$0x2] =	wrdreg s4  }
0xaa: {  	[dreg:$0x3] =	wrdreg s6  }
0xab: {  	[dreg:$0x4] =	wrdreg $0xC0  }
0xac: {  	_ =	task [dreg:s8], $0x5FFFF  }
0xad: {  	[dreg:$0x1] =	wrdreg $0xFFFFFFFF  }
0xae: {  	[dreg:$0x0] =	wrdreg $0x60  }
0xaf: {  	[dreg:$0x2] =	wrdreg s24  }
0xb0: {  	[dreg:$0x3] =	wrdreg s2  }
0xb1: {  	[dreg:$0x4] =	wrdreg s18  }
0xb2: {  	[dreg:$0x5] =	wrdreg $0x9  }
0xb3: {  	_ =	task.clear_ibuf [dreg:s8], $0x6FFFF;
	_ =	strace $0x90000046  }
0xb4: {  	s29 =	simm.s32 $0x9;
	_ =	strace $0x80000048  }
0xb5: {  	_ =	swait.ge [sflag:s29], $0x1  }
0xb6: {  	[sflag:s29] =	ssyncadd.s32 $0xFFFFFFFF  }
0xb7: {  	_ =	strace $0x90000048  }
0xb8: {  	_ =	sfence  }
0xb9: {  	s30 =	sld [smem:$0x0];
	_ =	sdelay $0x2  }
0xba: {  	s31 =	sshll.u32 s1, $0xD;
	s1 =	sshrl.u32 s1, $0x2  }
0xbb: {  	s3 =	sand.u32 $0x4000, s31;
	s1 =	sadd.s32 s1, s30  }
0xbc: {  	s0 =	sor.u32 s3, s0;
	s1 =	sshll.u32 s1, $0x11  }
0xbd: {  	s0 =	sor.u32 s1, s0  }
0xbe: {  	s0 =	sadd.s32 $0x8F2B, s0  }
0xbf: {  	[sflag:s0] =	ssyncadd.remote.s32 $0x1  }
0xc0: {  	_ =	sfence.sel $0xFFFF  }
0xc1: {  	[dreg:$0x0] =	wrdreg $0xFFFFFFFF;
	(pc) =	sbr.abs _section_cstart, $3  }
0xc2: {  	[dreg:$0x1] =	wrdreg $0xFFFFFFFF  }
0xc3: {  	_ =	task.clear_ibuf [dreg:s8], $0x2FFFF;
	_ =	strace $0x9FFFFFFF  }
0xc4: {  	(tm) =	ssettm $0x7FFFFFFF  }
0xc5: {  	_ =	shalt  }
tec
execute0_lowered:
.L_overlay_start_1:
0x0: {  	(tag) =	ssettag $0x1  }
0x1: {  	s3 =	rddreg [dreg:$0x0]  }
0x2: {  	s5 =	rddreg [dreg:$0x1]  }
0x3: {  	s6 =	rddreg [dreg:$0x2]  }
0x4: {  	s1 =	srdreg.scid;
	s0 =	rddreg [dreg:$0x3]  }
0x5: {  	s2 =	simm.s32 $0x0;
	s12 =	simm.s32 $0x80;
	s13 =	simm.s32 $0x400  }
0x6: {  	s14 =	simm.s32 $0x0;
	s4 =	sand.u32 $0x1, s1;
	[smem:$0x7FF] =	sst s2  }
0x7: {  	s1 =	stileid.u32;
	s7 =	sshll.u32 s4, $0x4;
	_ =	strace $0x80000047  }
0x8: {  	s4 =	ssub.s32 $0x2, s4;
	s9 =	sshll.u32 s1, $0x7;
	s7 =	sor.u32 s1, s7  }
0x9: {  	s31 =	sshrl.u32 s4, $0x1;
	s8 =	smul.u32 $0x4E2, s7;
	s7 =	sshrl.u32 s7, $0x3  }
0xa: {  	s9 =	sand.u32 $0x380, s9;
	s11 =	ssub.s32 s4, s31;
	s7 =	smul.u32 $0x14000, s7  }
0xb: {  	s10 =	sadd.s32 s8, s3;
	s5 =	sadd.s32 s5, s8;
	s8 =	simm.s32 $0x1  }
0xc: {  	s3 =	sadd.s32 $0xD400, s10;
	s7 =	sor.u32 s9, s7;
	s4 =	sadd.s32 $0x3600, s10  }
0xd: {  	s9 =	simm.s32 $0x2780;
	s10 =	simm.s32 $0x4F00;
	s7 =	sshrl.u32 s7, $0x3  }
0xe: {  	v0 =	vimm.f32 $0.0e+00;
	s6 =	sadd.s32 s6, s7;
	s7 =	smax.u32 s11, $0x1;
	s11 =	simm.s32 $0x7680  }
.LBB2_1:
0xf: {  	[tilespmem:s2], [sflag:$0x1] =	stream.linear.gather [hbm4b:s3+s2], $0x2710, $0x38;
	[tilespmem:$0x9E80] =	vst v63  }
0x10: {  	_ =	swait.ge [sflag:s8], $0x2710  }
0x11: {  	[sflag:s8] =	ssyncset.done $0x0  }
0x12: {  	[sflag:s8] =	ssyncadd.s32 $0xFFFFD8F0  }
0x13: {  	[tilespmem:s9], [sflag:$0x1] =	stream.linear.gather [hbm4b:s4+s2], $0x2710, $0x38;
	[tilespmem:$0x9E80] =	vst v63  }
0x14: {  	_ =	swait.ge [sflag:s8], $0x2710  }
0x15: {  	[sflag:s8] =	ssyncset.done $0x0  }
0x16: {  	[sflag:s8] =	ssyncadd.s32 $0xFFFFD8F0  }
0x17: {  	[tilespmem:s10], [sflag:$0x1] =	stream.linear.gather [hbm4b:s5+s2], $0x2710, $0x38;
	[tilespmem:$0x9E80] =	vst v63  }
0x18: {  	_ =	swait.ge [sflag:s8], $0x2710  }
0x19: {  	[sflag:s8] =	ssyncset.done $0x0  }
0x1a: {  	s18 =	simm.s32 $0x76A0;
	[sflag:s8] =	ssyncadd.s32 $0xFFFFD8F0  }
0x1b: {  	[tilespmem:s18+$0xFFFFFFE0] =	vst v0  }
0x1c: {  	[tilespmem:s18+$0x10] =	vst v0  }
0x1d: {  	s19 =	simm.s32 $0x0;
	s15 =	simm.s32 $0x27A0;
	s17 =	simm.s32 $0x20;
	[tilespmem:s18+$0x0] =	vst v0  }
.LBB2_2:
0x1e: {  	s19 =	sadd.s32 $0x4, s19  }
0x1f: {  	[tilespmem:s18+$0xFFFFFFF0] =	vst v0;
	s18 =	sadd.s32 $0x40, s18;
	s16 =	simm.s32 $0x4F20;
	p0 =	slt.u32 s19, $0x27C  }
.Ltmp0:
0x20: {  	[tilespmem:s18+$0xFFFFFFE0] =	vst v0;
	(pc) =	sbr.rel @p0 .LBB2_2-.Ltmp0, $3  }
0x21: {  	_ =	sdelay $0x1  }
0x22: {  	[tilespmem:s18+$0x10] =	vst v0  }
0x23: {  	[tilespmem:s18+$0x0] =	vst v0  }
0x24: {  	[tilespmem:s18+$0xFFFFFFF0] =	vst v0  }
0x25: {  	v4 =	vld [tilespmem:s17+$0x10]  }
0x26: {  	v5 =	vld [tilespmem:s15+$0x10]  }
0x27: {  	v6 =	vld [tilespmem:s16+$0x10]  }
0x28: {  	v1 =	vld [tilespmem:s17+$0xFFFFFFF0]  }
0x29: {  	v2 =	vld [tilespmem:s17+$0x0]  }
0x2a: {  	v3 =	vld [tilespmem:s17+$0xFFFFFFE0]  }
0x2b: {  	v7 =	vld [tilespmem:s15+$0xFFFFFFE0]  }
0x2c: {  	v8 =	vld [tilespmem:s15+$0xFFFFFFF0]  }
0x2d: {  	v9 =	vld [tilespmem:s15+$0x0]  }
0x2e: {  	v10 =	vld [tilespmem:s16+$0xFFFFFFE0];
	vm0 =	veq.s32 v4, v5  }
0x2f: {  	v5 =	vsel vm0, $0x0, v6;
	v6 =	vld [tilespmem:s16+$0xFFFFFFF0]  }
0x30: {  	[tilespmem:v4+s11+$0x0] =	vst.idx.add.f32.msk $0xffff, v5  }
0x31: {  	v5 =	vld [tilespmem:s16+$0x0];
	_ =	sdelay $0x1  }
0x32: {  	vm2 =	veq.s32 v3, v7  }
0x33: {  	s18 =	simm.s32 $0x60;
	s17 =	simm.s32 $0x0;
	vm1 =	veq.s32 v2, v9;
	vm0 =	veq.s32 v1, v8;
	v4 =	vsel vm2, $0x0, v10  }
.LBB2_4:
0x34: {  	v7 =	vld [tilespmem:s18+$0x10];
	s17 =	sadd.s32 $0x4, s17;
	v8 =	vsel vm0, $0x0, v6;
	s15 =	sadd.s32 $0x40, s15  }
0x35: {  	s16 =	sadd.s32 $0x40, s16;
	v6 =	vld [tilespmem:s15+$0x10];
	p0 =	slt.u32 s17, $0x26C;
	v9 =	vsel vm1, $0x0, v5  }
0x36: {  	v5 =	vld [tilespmem:s16+$0x10]  }
0x37: {  	v10 =	vld [tilespmem:s18+$0xFFFFFFF0]  }
0x38: {  	v11 =	vld [tilespmem:s18+$0x0]  }
0x39: {  	v12 =	vld [tilespmem:s18+$0xFFFFFFE0]  }
0x3a: {  	v13 =	vld [tilespmem:s15+$0xFFFFFFE0];
	vm0 =	veq.s32 v7, v6  }
0x3b: {  	v14 =	vld [tilespmem:s15+$0xFFFFFFF0];
	v5 =	vsel vm0, $0x0, v5  }
0x3c: {  	[tilespmem:v7+s11+$0x0] =	vst.idx.add.f32.msk $0xffff, v5  }
0x3d: {  	v7 =	vld [tilespmem:s15+$0x0]  }
0x3e: {  	v15 =	vld [tilespmem:s16+$0xFFFFFFE0]  }
.Ltmp1:
0x3f: {  	vm2 =	veq.s32 v12, v13;
	v6 =	vld [tilespmem:s16+$0xFFFFFFF0];
	(pc) =	sbr.rel @p0 .LBB2_4-.Ltmp1, $4  }
0x40: {  	vm0 =	veq.s32 v10, v14;
	v5 =	vld [tilespmem:s16+$0x0]  }
0x41: {  	[tilespmem:v3+s11+$0x0] =	vst.idx.add.f32.msk $0xffff, v4;
	v3 =	vmov v12  }
0x42: {  	vm1 =	veq.s32 v11, v7;
	[tilespmem:v1+s11+$0x0] =	vst.idx.add.f32.msk $0xffff, v8;
	v1 =	vmov v10  }
0x43: {  	s18 =	sadd.s32 $0x40, s18;
	v4 =	vsel vm2, $0x0, v15;
	[tilespmem:v2+s11+$0x0] =	vst.idx.add.f32.msk $0xffff, v9;
	v2 =	vmov v11  }
0x44: {  	_ =	sdelay $0x3  }
0x45: {  	v6 =	vsel vm0, $0x0, v6;
	[tilespmem:v3+s11+$0x0] =	vst.idx.add.f32.msk $0xffff, v4  }
0x46: {  	v3 =	vsel vm1, $0x0, v5;
	[tilespmem:v1+s11+$0x0] =	vst.idx.add.f32.msk $0xffff, v6  }
0x47: {  	[tilespmem:v2+s11+$0x0] =	vst.idx.add.f32.msk $0xffff, v3  }
0x48: {  	v1 =	vld [tilespmem:$0x2700]  }
0x49: {  	v2 =	vld [tilespmem:$0x4E80]  }
0x4a: {  	v3 =	vld [tilespmem:$0x7600];
	_ =	sdelay $0x3  }
0x4b: {  	s14 =	sadd.s32 $0x1, s14;
	vm15 =	veq.s32 v1, v2  }
0x4c: {  	p0 =	sne.s32 s14, s7;
	v2 =	vsel vm15, $0x0, v3  }
.Ltmp2:
0x4d: {  	[tilespmem:v1+s11+$0x0] =	vst.idx.add.f32.msk $0xffff, v2;
	(pc) =	sbr.rel @p0 .LBB2_1-.Ltmp2, $4  }
0x4e: {  	[hbm4b:s6+s12] =	stream.strided.scatter [tilespmem:s11], [sflag:$0x1], $0x2800, s13, s12, $0x38;
	[tilespmem:$0x9E80] =	vst v63  }
0x4f: {  	_ =	swait.ge [sflag:s8], $0x2800  }
0x50: {  	[sflag:s8] =	ssyncset.done $0x0  }
0x51: {  	[sflag:s8] =	ssyncadd.s32 $0xFFFFD800  }
0x52: {  	_ =	sfence.sel $0x180000  }
0x53: {  	[bflag:$0x0] =	sbarrier.arrive $0xFFFF  }
0x54: {  	p0 =	sne.s32 s1, $0x0;
	_ =	strace $0x90000047  }
0x55: {  	s0 =	sadd.s32 @!p0 $0x100000, s0;
	[bflag:$0x2] =	sbarrier.arrive $0xFFFF  }
0x56: {  	[sflag:s0] =	ssyncadd.tile.s32 @!p0 $0x1;
	_ =	shalt  }
.Lfunc_end2:
_tile_overlayer_lowered:
.L_overlay_start_2:
0x57: {  	(tag) =	ssettag $0x2  }
0x58: {  	s0 =	rddreg [dreg:$0x0];
	s2 =	stileid.u32  }
0x59: {  	s1 =	rddreg [dreg:$0x1];
	p0 =	sne.s32 s2, $0x0  }
0x5a: {  	s3 =	rddreg [dreg:$0x2];
	[bflag:$0x3] =	sbarrier.arrive $0xFFFF;
	s2 =	simm.s32 @!p0 $0x1C01  }
0x5b: {  	[timem:s3], [sflag:s2] =	dma.local @!p0 [hbm:s0], s1  }
0x5c: {  	s0 =	simm.s32 @!p0 $0x1  }
0x5d: {  	_ =	swait.ge @!p0 [sflag:s0], s1  }
0x5e: {  	s1 =	ssub.s32 @!p0 $0x0, s1;
	[sflag:s0] =	ssyncset.done @!p0 $0x0  }
0x5f: {  	[sflag:s0] =	ssyncadd.s32 @!p0 s1  }
0x60: {  	[bflag:$0x3] =	sbarrier.arrive $0xFFFF  }
0x61: {  	_ =	shalt  }

// kernel: kernel.13.cloned.1.call-start
scs
__scs_entry_jumppad:
0x0: {  	(pc) =	sbr.rel $0x88, $3  }
0x1: {  	(tag) =	ssettag $0x0;
	lr =	simm.s32 $0x1  }
0x2: {  	[smem:$0x3F9A] =	sst lr;
	_ =	strace $0xD0000000  }
0x3: {  	_ = 	snop  }
0x4: {  	_ = 	snop  }
0x5: {  	_ = 	snop  }
0x6: {  	_ = 	snop  }
0x7: {  	_ = 	snop  }
__scs_overlays_trampoline_lowered:
0x8: {  	[smem:$0x3FA9] =	sst s0  }
0x9: {  	[smem:$0x3FAA] =	sst s1  }
0xa: {  	[smem:$0x3FAB] =	sst s2  }
0xb: {  	[smem:$0x3FAC] =	sst s3  }
0xc: {  	[smem:$0x3FAD] =	sst s4  }
0xd: {  	[smem:$0x3FAE] =	sst s5  }
0xe: {  	[smem:$0x3FAF] =	sst s6  }
0xf: {  	[smem:$0x3FB0] =	sst s7  }
0x10: {  	[smem:$0x3FB1] =	sst s8  }
0x11: {  	[smem:$0x3FB2] =	sst s9;
	s0 =	simm.s32 @!p0 $0x0  }
0x12: {  	s1 =	sld [smem:$0x3F98];
	s0 =	simm.s32 @p0 $0x1  }
0x13: {  	[smem:$0x3FB3] =	sst s0;
	s0 =	simm.s32 @!p1 $0x0  }
0x14: {  	s2 =	sld [smem:$0x3F97];
	s0 =	simm.s32 @p1 $0x1  }
0x15: {  	[smem:$0x3FB4] =	sst s0;
	s0 =	simm.s32 @!p2 $0x0  }
0x16: {  	s3 =	sld [smem:$0x3FDB];
	s0 =	simm.s32 @p2 $0x1  }
0x17: {  	s4 =	simm.s32 $0x1BF5;
	[smem:$0x3FB6] =	sst s0  }
0x18: {  	s0 =	sld [smem:$0x3F99];
	_ =	swait.ge [sflag:s4], $0x0  }
0x19: {  	s7 =	sld [smem:$0x3F9A]  }
0x1a: {  	s8 =	sadd.s32 $0xFFFFE003, lr  }
0x1b: {  	s9 =	sadd.s32 $0xFFFFFEF7, lr;
	s5 =	simm.s32 $0xFFFFFFFF;
	p2 =	slt.u32 s8, $0xFFFFF086  }
0x1c: {  	p1 =	slt.u32 s9, $0xF7A;
	s5 =	simm.s32 @!p2 $0x0  }
0x1d: {  	s5 =	simm.s32 @p1 $0x1;
	p0 =	seq.s32 s7, s2  }
0x1e: {  	s7 =	smul.u32 @!p0 $0xF7A, s2;
	p2 =	seq.s32 @!p0 s5, $0x0  }
0x1f: {  	s9 =	smul.u32 $0xF7A, s1;
	s8 =	simm.s32 @!p0 $0x1BF5;
	p2 =	por !p2, p0  }
0x20: {  	[sflag:s8] =	ssyncset.s32 @!p0 $0xFFFFF086;
	s6 =	sadd.s32 @!p0 s3, s7;
	s7 =	simm.s32 @!p0 $0x108  }
0x21: {  	s3 =	sadd.s32 s3, s9;
	s6 =	sadd.s32 @!p0 $0x88, s6;
	s7 =	simm.s32 @p2 $0x1082  }
0x22: {  	[simem:s7], [sflag:s8] =	dma.local @!p0 [hbm:s6], $0xF7A  }
0x23: {  	s9 =	sor.u32 $0xD0000000, s2;
	s6 =	simm.s32 $0x108;
	_ =	swait.ge @!p0 [sflag:s8], $0x0  }
0x24: {  	s3 =	sadd.s32 $0x88, s3;
	s6 =	simm.s32 @!p1 $0x1082;
	[sflag:s4] =	ssyncset.s32 $0xFFFFF086  }
0x25: {  	[simem:s6], [sflag:s4] =	dma.local [hbm:s3], $0xF7A  }
0x26: {  	[smem:$0x3F9A] =	sst s1;
	(tag) =	ssettag s2;
	_ =	strace s9  }
0x27: {  	s1 =	sld [smem:$0x3FAA]  }
0x28: {  	s2 =	sld [smem:$0x3FAB]  }
0x29: {  	s4 =	sld [smem:$0x3FAD]  }
0x2a: {  	p0 =	seq.s32 s5, $0x0;
	s5 =	sld [smem:$0x3FAE]  }
0x2b: {  	s6 =	sld [smem:$0x3FAF]  }
0x2c: {  	s7 =	sld [smem:$0x3FB0]  }
0x2d: {  	s3 =	simm.s32 $0x108;
	s8 =	sld [smem:$0x3FB1]  }
0x2e: {  	s3 =	simm.s32 @!p0 $0x1082;
	s9 =	sld [smem:$0x3FB2]  }
0x2f: {  	lr =	sadd.s32 s0, s3;
	s0 =	sld [smem:$0x3FA9]  }
0x30: {  	s3 =	sld [smem:$0x3FAC]  }
0x31: {  	[smem:$0x3FB5] =	sst s10  }
0x32: {  	s10 =	sld [smem:$0x3FB3];
	_ =	sdelay $0x3  }
0x33: {  	p0 =	seq.s32 s10, $0x1;
	s10 =	sld [smem:$0x3FB5];
	_ =	sdelay $0x3  }
0x34: {  	[smem:$0x3FB5] =	sst s10  }
0x35: {  	s10 =	sld [smem:$0x3FB4];
	_ =	sdelay $0x3  }
0x36: {  	p1 =	seq.s32 s10, $0x1;
	s10 =	sld [smem:$0x3FB5];
	_ =	sdelay $0x3  }
0x37: {  	[smem:$0x3FB5] =	sst s10  }
0x38: {  	s10 =	sld [smem:$0x3FB6]  }
0x39: {  	_ = 	snop;
	(pc) =	sbr.ind lr, $3  }
0x3a: {  	_ = 	snop  }
0x3b: {  	_ = 	snop  }
0x3c: {  	p2 =	seq.s32 s10, $0x1;
	s10 =	sld [smem:$0x3FB5]  }
0x3d: {  	_ =	shalt  }
0x3e: {  	_ =	shalt  }
0x3f: {  	_ =	shalt  }
0x40: {  	_ =	shalt  }
0x41: {  	_ =	shalt  }
0x42: {  	_ =	shalt  }
0x43: {  	_ =	shalt  }
0x44: {  	_ =	shalt  }
0x45: {  	_ =	shalt  }
0x46: {  	_ =	shalt  }
0x47: {  	_ =	shalt  }
0x48: {  	_ =	shalt  }
0x49: {  	_ =	shalt  }
0x4a: {  	_ =	shalt  }
0x4b: {  	_ =	shalt  }
0x4c: {  	_ =	shalt  }
0x4d: {  	_ =	shalt  }
0x4e: {  	_ =	shalt  }
0x4f: {  	_ =	shalt  }
0x50: {  	_ =	shalt  }
0x51: {  	_ =	shalt  }
0x52: {  	_ =	shalt  }
0x53: {  	_ =	shalt  }
0x54: {  	_ =	shalt  }
0x55: {  	_ =	shalt  }
0x56: {  	_ =	shalt  }
0x57: {  	_ =	shalt  }
0x58: {  	_ =	shalt  }
0x59: {  	_ =	shalt  }
0x5a: {  	_ =	shalt  }
0x5b: {  	_ =	shalt  }
0x5c: {  	_ =	shalt  }
0x5d: {  	_ =	shalt  }
0x5e: {  	_ =	shalt  }
0x5f: {  	_ =	shalt  }
0x60: {  	_ =	shalt  }
0x61: {  	_ =	shalt  }
0x62: {  	_ =	shalt  }
0x63: {  	_ =	shalt  }
0x64: {  	_ =	shalt  }
0x65: {  	_ =	shalt  }
0x66: {  	_ =	shalt  }
0x67: {  	_ =	shalt  }
0x68: {  	_ =	shalt  }
0x69: {  	_ =	shalt  }
0x6a: {  	_ =	shalt  }
0x6b: {  	_ =	shalt  }
0x6c: {  	_ =	shalt  }
0x6d: {  	_ =	shalt  }
0x6e: {  	_ =	shalt  }
0x6f: {  	_ =	shalt  }
0x70: {  	_ =	shalt  }
0x71: {  	_ =	shalt  }
0x72: {  	_ =	shalt  }
0x73: {  	_ =	shalt  }
0x74: {  	_ =	shalt  }
0x75: {  	_ =	shalt  }
0x76: {  	_ =	shalt  }
0x77: {  	_ =	shalt  }
0x78: {  	_ =	shalt  }
0x79: {  	_ =	shalt  }
0x7a: {  	_ =	shalt  }
0x7b: {  	_ =	shalt  }
0x7c: {  	_ =	shalt  }
0x7d: {  	_ =	shalt  }
0x7e: {  	_ =	shalt  }
0x7f: {  	_ =	shalt  }
0x80: {  	_ =	shalt  }
0x81: {  	_ =	shalt  }
0x82: {  	_ =	shalt  }
0x83: {  	_ =	shalt  }
0x84: {  	_ =	shalt  }
0x85: {  	_ =	shalt  }
0x86: {  	_ =	shalt  }
0x87: {  	_ =	shalt  }
.Lfunc_end0:
.L_simem_size_0:
called_computation.1_lowered:
.L_overlay_start_0:
0x88: {  	s2 =	sld [smem:$0x3FD9]  }
0x89: {  	s3 =	sld [smem:$0x3FFE];
	_ =	sdelay $0x1  }
0x8a: {  	s1 =	srdreg.scid  }
0x8b: {  	s0 =	sand.u32 $0x1, s1  }
0x8c: {  	s17 =	sshll.u32 s0, $0xA;
	s2 =	sadd.s32 s3, s2  }
0x8d: {  	s2 =	sadd.s32 s2, s17  }
0x8e: {  	[smem:$0x3FC1] =	sst s2  }
0x8f: {  	_ = 	snop  }
0x90: {  	s2 =	sld [smem:$0x3FC7]  }
0x91: {  	s18 =	sld [smem:$0x3FD0];
	(tm) =	ssettm $0x1  }
0x92: {  	s4 =	sld [smem:$0x3FFB];
	_ =	sdelay $0x3  }
0x93: {  	_ =	strace s4  }
0x94: {  	s4 =	sld [smem:$0x3FFC];
	_ =	sdelay $0x3  }
0x95: {  	_ =	strace s4  }
0x96: {  	s4 =	sld [smem:$0x3FFD];
	_ =	sdelay $0x3  }
0x97: {  	_ =	strace s4  }
0x98: {  	_ =	strace $0x8FFFFFFF  }
0x99: {  	s19 =	sld [smem:$0x3FDB];
	_ =	sdelay $0x1  }
0x9a: {  	s5 =	simm.s32 $_scs_section_size  }
0x9b: {  	s6 =	simm.s32 $_size__tile_overlayer_lowered;
	s7 =	simm.s32 $_tile_overlayer_lowered  }
0x9c: {  	s22 =	simm.s32 $0x1BFF;
	s21 =	sshll.u32 s7, $0x1;
	s4 =	sadd.s32 s5, s19  }
0x9d: {  	s8 =	simm.s32 $0x0;
	s20 =	sshll.u32 s6, $0x1;
	s6 =	sadd.s32 s21, s4  }
0x9e: {  	[timem:s8], [sflag:s22] =	dma.local [hbm:s6], s20  }
0x9f: {  	_ =	swait.ge [sflag:s22], s20  }
0xa0: {  	s5 =	ssub.s32 $0x0, s20;
	[sflag:s22] =	ssyncset.done $0x0  }
0xa1: {  	[sflag:s22] =	ssyncadd.s32 s5;
	_ =	sdelay $0x1  }
0xa2: {  	s23 =	simm.s32 $0x1B8B  }
0xa3: {  	_ =	swait.ge [sflag:s23], $0x1  }
0xa4: {  	[sflag:s23] =	ssyncset.done $0x0  }
0xa5: {  	s25 =	simm.s32 $0x1B8E;
	s24 =	sld [smem:$0x3FFE];
	[sflag:s23] =	ssyncadd.s32 $0xFFFFFFFF  }
0xa6: {  	s26 =	simm.s32 $execute0_lowered;
	[smem:$0x3FD2] =	sst s25  }
0xa7: {  	s6 =	sshll.u32 s26, $0x1;
	_ =	strace $0x80000049;
	[dreg:$0x1] =	wrdreg $0xFFFFFFFF  }
0xa8: {  	s28 =	simm.s32 $_size_execute0_lowered;
	s4 =	sadd.s32 s4, s6;
	[dreg:$0x0] =	wrdreg $0x0  }
0xa9: {  	s6 =	sshll.u32 s28, $0x1;
	[dreg:$0x2] =	wrdreg s4  }
0xaa: {  	[dreg:$0x3] =	wrdreg s6  }
0xab: {  	[dreg:$0x4] =	wrdreg $0xC0  }
0xac: {  	_ =	task [dreg:s8], $0x5FFFF  }
0xad: {  	[dreg:$0x1] =	wrdreg $0xFFFFFFFF  }
0xae: {  	[dreg:$0x0] =	wrdreg $0x60  }
0xaf: {  	[dreg:$0x2] =	wrdreg s24  }
0xb0: {  	[dreg:$0x3] =	wrdreg s2  }
0xb1: {  	[dreg:$0x4] =	wrdreg s18  }
0xb2: {  	[dreg:$0x5] =	wrdreg $0x9  }
0xb3: {  	_ =	task.clear_ibuf [dreg:s8], $0x6FFFF;
	_ =	strace $0x90000049  }
0xb4: {  	s29 =	simm.s32 $0x9;
	_ =	strace $0x8000004B  }
0xb5: {  	_ =	swait.ge [sflag:s29], $0x1  }
0xb6: {  	[sflag:s29] =	ssyncadd.s32 $0xFFFFFFFF  }
0xb7: {  	_ =	strace $0x9000004B  }
0xb8: {  	_ =	sfence  }
0xb9: {  	s30 =	sld [smem:$0x0];
	_ =	sdelay $0x2  }
0xba: {  	s31 =	sshll.u32 s1, $0xD;
	s1 =	sshrl.u32 s1, $0x2  }
0xbb: {  	s3 =	sand.u32 $0x4000, s31;
	s1 =	sadd.s32 s1, s30  }
0xbc: {  	s0 =	sor.u32 s3, s0;
	s1 =	sshll.u32 s1, $0x11  }
0xbd: {  	s0 =	sor.u32 s1, s0  }
0xbe: {  	s0 =	sadd.s32 $0x8F2B, s0  }
0xbf: {  	[sflag:s0] =	ssyncadd.remote.s32 $0x1  }
0xc0: {  	_ =	sfence.sel $0xFFFF  }
0xc1: {  	[dreg:$0x0] =	wrdreg $0xFFFFFFFF;
	(pc) =	sbr.abs _section_cstart, $3  }
0xc2: {  	[dreg:$0x1] =	wrdreg $0xFFFFFFFF  }
0xc3: {  	_ =	task.clear_ibuf [dreg:s8], $0x2FFFF;
	_ =	strace $0x9FFFFFFF  }
0xc4: {  	(tm) =	ssettm $0x7FFFFFFF  }
0xc5: {  	_ =	shalt  }
tec
execute0_lowered:
.L_overlay_start_1:
0x0: {  	(tag) =	ssettag $0x1  }
0x1: {  	s4 =	rddreg [dreg:$0x0]  }
0x2: {  	s0 =	srdreg.scid;
	s6 =	rddreg [dreg:$0x1]  }
0x3: {  	s7 =	rddreg [dreg:$0x2];
	s1 =	stileid.u32;
	s2 =	simm.s32 $0x0  }
0x4: {  	s13 =	simm.s32 $0x4F00;
	s14 =	simm.s32 $0x7680;
	s15 =	simm.s32 $0x13C80  }
0x5: {  	s16 =	simm.s32 $0x13D00;
	s17 =	simm.s32 $0xED80;
	s5 =	sand.u32 $0x1, s0  }
0x6: {  	s18 =	simm.s32 $0x11500;
	s0 =	rddreg [dreg:$0x3];
	s3 =	sshll.u32 s5, $0x4  }
0x7: {  	s19 =	simm.s32 $0x0;
	[smem:$0x7FF] =	sst s2;
	s8 =	sor.u32 s1, s3  }
0x8: {  	_ =	strace $0x8000004A;
	s5 =	ssub.s32 $0x2, s5;
	s9 =	smul.u32 $0x4E2, s8  }
0x9: {  	s3 =	sadd.s32 $0x17200, s4;
	s11 =	sshrl.u32 s5, $0x1;
	s8 =	sshll.u32 s8, $0x1  }
0xa: {  	s11 =	ssub.s32 s5, s11;
	s12 =	sadd.s32 s8, s4;
	s10 =	sadd.s32 s9, s4  }
0xb: {  	s6 =	sadd.s32 s6, s9;
	s7 =	sadd.s32 s7, s9;
	s9 =	sadd.s32 $0x21600, s12  }
0xc: {  	s12 =	simm.s32 $0x2780;
	s4 =	sadd.s32 $0xD400, s10;
	s5 =	sadd.s32 $0x3600, s10  }
0xd: {  	v0 =	vimm.s32 $0x0;
	v1 =	vimm.s32 $0x1;
	s8 =	sadd.s32 $0x17800, s10;
	s10 =	smax.u32 s11, $0x1;
	s11 =	simm.s32 $0x1  }
.LBB2_1:
0xe: {  	[tilespmem:s2], [sflag:$0x1] =	stream.linear.gather [hbm4b:s4+s2], $0x2710, $0x38;
	[tilespmem:$0x13D80] =	vst v63  }
0xf: {  	_ =	swait.ge [sflag:s11], $0x2710  }
0x10: {  	[sflag:s11] =	ssyncset.done $0x0  }
0x11: {  	[sflag:s11] =	ssyncadd.s32 $0xFFFFD8F0  }
0x12: {  	[tilespmem:s12], [sflag:$0x1] =	stream.linear.gather [hbm4b:s5+s2], $0x2710, $0x38;
	[tilespmem:$0x13D80] =	vst v63  }
0x13: {  	_ =	swait.ge [sflag:s11], $0x2710  }
0x14: {  	[sflag:s11] =	ssyncset.done $0x0  }
0x15: {  	[sflag:s11] =	ssyncadd.s32 $0xFFFFD8F0  }
0x16: {  	[tilespmem:s13], [sflag:$0x1] =	stream.linear.gather [hbm4b:s6+s2], $0x2710, $0x38;
	[tilespmem:$0x13D80] =	vst v63  }
0x17: {  	_ =	swait.ge [sflag:s11], $0x2710  }
0x18: {  	[sflag:s11] =	ssyncset.done $0x0  }
0x19: {  	[sflag:s11] =	ssyncadd.s32 $0xFFFFD8F0  }
0x1a: {  	[tilespmem:s14], [sflag:$0x1] =	stream.linear.gather [hbm4b:s3+s2], $0x2800, $0x38;
	[tilespmem:$0x13D80] =	vst v63  }
0x1b: {  	_ =	swait.ge [sflag:s11], $0x2800  }
0x1c: {  	[sflag:s11] =	ssyncset.done $0x0  }
0x1d: {  	[sflag:s11] =	ssyncadd.s32 $0xFFFFD800  }
0x1e: {  	s20 =	simm.s32 $0x4F20;
	[tilespmem:$0x13C80] =	vst v0  }
0x1f: {  	v10 =	vld [tilespmem:s20+$0x10]  }
0x20: {  	v14 =	vld [tilespmem:s20+$0xFFFFFFE0]  }
0x21: {  	s21 =	simm.s32 $0x20;
	v7 =	vld [tilespmem:s20+$0xFFFFFFF0]  }
0x22: {  	v4 =	vld [tilespmem:s21+$0x10]  }
0x23: {  	v2 =	vld [tilespmem:s21+$0xFFFFFFF0]  }
0x24: {  	s22 =	simm.s32 $0x27A0;
	v3 =	vld [tilespmem:s21+$0x0]  }
0x25: {  	v11 =	vld [tilespmem:s22+$0x0]  }
0x26: {  	v13 =	vld [tilespmem:s22+$0xFFFFFFE0]  }
0x27: {  	v6 =	vld [tilespmem:s22+$0xFFFFFFF0]  }
0x28: {  	v5 =	vld [tilespmem:s21+$0xFFFFFFE0]  }
0x29: {  	v15 =	vld [tilespmem:s22+$0x10]  }
0x2a: {  	v17 =	vld [tilespmem:s20+$0x0]  }
0x2b: {  	v16 =	vld.idx.msk [tilespmem:v4+s14+$0x0], $0xffff  }
0x2c: {  	v18 =	vld.idx.msk [tilespmem:v3+s14+$0x0], $0xffff  }
0x2d: {  	vm0 =	veq.s32 v2, v6;
	v9 =	vld.idx.msk [tilespmem:v11+s14+$0x0], $0xffff  }
0x2e: {  	v20 =	vshll.u32 v5, $0x10;
	v8 =	vsel vm0, $0x0, v7;
	v7 =	vshll.u32 v3, $0x10;
	v12 =	vld.idx.msk [tilespmem:v2+s14+$0x0], $0xffff  }
0x2f: {  	s20 =	simm.s32 $0x9EA0;
	vm14 =	veq.s32 v3, v11;
	v20 =	vor.u32 v13, v20;
	v11 =	vor.u32 v11, v7;
	v7 =	vld.idx.msk [tilespmem:v13+s14+$0x0], $0xffff  }
0x30: {  	s23 =	simm.s32 $0x0;
	v19 =	vshll.u32 v4, $0x10;
	vm1 =	veq.s32 v4, v15;
	vm15 =	veq.s32 v5, v13;
	v13 =	vld.idx.msk [tilespmem:v5+s14+$0x0], $0xffff;
	[tilespmem:s20+$0xFFFFFFE0] =	vst v20  }
0x31: {  	s25 =	simm.s32 $0x4F60;
	s26 =	simm.s32 $0x27E0;
	s28 =	simm.s32 $0x60;
	v19 =	vor.u32 v15, v19;
	v21 =	vsel vm1, $0x0, v10;
	v17 =	vsel vm14, $0x0, v17;
	[tilespmem:s20+$0x0] =	vst v11;
	v11 =	vld.idx.msk [tilespmem:v15+s14+$0x0], $0xffff  }
0x32: {  	s24 =	simm.s32 $0x9EA0;
	s22 =	simm.s32 $0xC620;
	s21 =	simm.s32 $0xC620;
	v10 =	vsel vm15, $0x0, v14;
	v14 =	vld.idx.msk [tilespmem:v6+s14+$0x0], $0xffff;
	[tilespmem:s20+$0x10] =	vst v19;
	v15 =	vmul.f32 v21, v16;
	v16 =	vmul.f32 v17, v18  }
.LBB2_2:
0x33: {  	v17 =	vld [tilespmem:s25+$0x10];
	s23 =	sadd.s32 $0x4, s23;
	v18 =	vshll.u32 v2, $0x10;
	s22 =	sadd.s32 $0x40, s22;
	s20 =	sadd.s32 $0x40, s20  }
0x34: {  	v8 =	vmul.f32 v8, v12;
	v15 =	vsub.f32 $0.0e+00, v15;
	v19 =	vld [tilespmem:s25+$0xFFFFFFE0];
	p0 =	slt.u32 s23, $0x26C;
	v12 =	vsub.f32 $0.0e+00, v16  }
0x35: {  	v6 =	vor.u32 v6, v18;
	v18 =	vand.u32 $0xF, v4;
	v16 =	vld [tilespmem:s25+$0xFFFFFFF0]  }
0x36: {  	v8 =	vsub.f32 $0.0e+00, v8;
	v11 =	vmul.f32 v15, v11;
	v20 =	vld [tilespmem:s28+$0xFFFFFFF0];
	v9 =	vmul.f32 v12, v9  }
0x37: {  	v10 =	vmul.f32 v10, v13;
	v4 =	vld [tilespmem:s28+$0x10];
	[tilespmem:s24+$0xFFFFFFF0] =	vst v6;
	s24 =	smov.u32 s20  }
0x38: {  	v8 =	vmul.f32 v8, v14;
	v13 =	vld [tilespmem:s26+$0xFFFFFFE0];
	[tilespmem:s21+$0x0] =	vst v9  }
0x39: {  	v10 =	vsub.f32 $0.0e+00, v10;
	v9 =	vld [tilespmem:s28+$0x0];
	[tilespmem:s21+$0x10] =	vst v11  }
0x3a: {  	v11 =	vand.u32 $0xF, v5;
	v6 =	vld [tilespmem:s26+$0xFFFFFFF0];
	[tilespmem:s21+$0xFFFFFFF0] =	vst v8  }
0x3b: {  	v7 =	vmul.f32 v10, v7;
	v10 =	vand.u32 $0xF, v2;
	[tilespmem:v18+s15+$0x0] =	vst.idx.add.s32.msk $0xffff, v1;
	v2 =	vmov v20  }
0x3c: {  	v15 =	vand.u32 $0xF, v3;
	v12 =	vld [tilespmem:s26+$0x0];
	v14 =	vshll.u32 v4, $0x10  }
0x3d: {  	v5 =	vld [tilespmem:s28+$0xFFFFFFE0];
	[tilespmem:s21+$0xFFFFFFE0] =	vst v7;
	s21 =	smov.u32 s22  }
0x3e: {  	v18 =	vld [tilespmem:s26+$0x10];
	v3 =	vmov v9  }
0x3f: {  	vm0 =	veq.s32 v2, v6;
	[tilespmem:v11+s15+$0x0] =	vst.idx.add.s32.msk $0xffff, v1  }
0x40: {  	v8 =	vsel vm0, $0x0, v16;
	[tilespmem:v10+s15+$0x0] =	vst.idx.add.s32.msk $0xffff, v1  }
0x41: {  	vm0 =	veq.s32 v3, v12;
	v11 =	vld.idx.msk [tilespmem:v4+s14+$0x0], $0xffff  }
0x42: {  	vm1 =	veq.s32 v5, v13;
	v7 =	vshll.u32 v5, $0x10;
	[tilespmem:v15+s15+$0x0] =	vst.idx.add.s32.msk $0xffff, v1  }
0x43: {  	v10 =	vsel vm1, $0x0, v19;
	v16 =	vor.u32 v13, v7;
	v19 =	vld [tilespmem:s25+$0x0];
	vm1 =	veq.s32 v4, v18  }
0x44: {  	v7 =	vshll.u32 v3, $0x10;
	v14 =	vor.u32 v18, v14;
	v20 =	vld.idx.msk [tilespmem:v9+s14+$0x0], $0xffff  }
0x45: {  	v7 =	vor.u32 v12, v7;
	v9 =	vld.idx.msk [tilespmem:v12+s14+$0x0], $0xffff  }
.Ltmp0:
0x46: {  	v15 =	vsel vm1, $0x0, v17;
	v12 =	vld.idx.msk [tilespmem:v2+s14+$0x0], $0xffff;
	[tilespmem:s20+$0x0] =	vst v7;
	(pc) =	sbr.rel @p0 .LBB2_2-.Ltmp0, $4  }
0x47: {  	v15 =	vmul.f32 v15, v11;
	v7 =	vld.idx.msk [tilespmem:v13+s14+$0x0], $0xffff  }
0x48: {  	v11 =	vld.idx.msk [tilespmem:v18+s14+$0x0], $0xffff  }
0x49: {  	v17 =	vsel vm0, $0x0, v19;
	v13 =	vld.idx.msk [tilespmem:v5+s14+$0x0], $0xffff;
	[tilespmem:s20+$0x10] =	vst v14  }
0x4a: {  	s28 =	sadd.s32 $0x40, s28;
	s26 =	sadd.s32 $0x40, s26;
	s25 =	sadd.s32 $0x40, s25;
	[tilespmem:s20+$0xFFFFFFE0] =	vst v16;
	v14 =	vld.idx.msk [tilespmem:v6+s14+$0x0], $0xffff;
	v16 =	vmul.f32 v17, v20  }
0x4b: {  	v17 =	vshll.u32 v2, $0x10;
	v15 =	vsub.f32 $0.0e+00, v15  }
0x4c: {  	v8 =	vmul.f32 v8, v12;
	v4 =	vand.u32 $0xF, v4;
	v60 =	vsub.f32 $0.0e+00, v16  }
0x4d: {  	v6 =	vor.u32 v6, v17;
	v11 =	vmul.f32 v15, v11  }
0x4e: {  	v3 =	vand.u32 $0xF, v3;
	v8 =	vsub.f32 $0.0e+00, v8;
	[tilespmem:s24+$0xFFFFFFF0] =	vst v6;
	v9 =	vmul.f32 v60, v9  }
0x4f: {  	v2 =	vand.u32 $0xF, v2;
	v10 =	vmul.f32 v10, v13;
	[tilespmem:s21+$0x10] =	vst v11  }
0x50: {  	v61 =	vmul.f32 v8, v14;
	[tilespmem:s21+$0x0] =	vst v9  }
0x51: {  	v5 =	vand.u32 $0xF, v5;
	v62 =	vsub.f32 $0.0e+00, v10;
	[tilespmem:v4+s15+$0x0] =	vst.idx.add.s32.msk $0xffff, v1  }
0x52: {  	[tilespmem:s21+$0xFFFFFFF0] =	vst v61  }
0x53: {  	[tilespmem:v3+s15+$0x0] =	vst.idx.add.s32.msk $0xffff, v1;
	v63 =	vmul.f32 v62, v7  }
0x54: {  	[tilespmem:v2+s15+$0x0] =	vst.idx.add.s32.msk $0xffff, v1  }
0x55: {  	[tilespmem:s21+$0xFFFFFFE0] =	vst v63  }
0x56: {  	[tilespmem:v5+s15+$0x0] =	vst.idx.add.s32.msk $0xffff, v1  }
0x57: {  	v2 =	vld [tilespmem:$0x2700];
	_ =	sdelay $0x3  }
0x58: {  	v3 =	vld [tilespmem:$0x4E80];
	_ =	sdelay $0x2  }
0x59: {  	v4 =	vld [tilespmem:$0x7600]  }
0x5a: {  	v5 =	vld.idx.msk [tilespmem:v2+s14+$0x0], $0xffff;
	_ =	sdelay $0x2  }
0x5b: {  	vm0 =	veq.s32 v2, v3  }
0x5c: {  	v4 =	vsel vm0, $0x0, v4;
	v6 =	vld.idx.msk [tilespmem:v3+s14+$0x0], $0xffff  }
0x5d: {  	v4 =	vmul.f32 v4, v5;
	_ =	sdelay $0x1  }
0x5e: {  	v5 =	vand.u32 $0xF, v2;
	v4 =	vsub.f32 $0.0e+00, v4  }
0x5f: {  	v2 =	vshll.u32 v2, $0x10  }
0x60: {  	v2 =	vor.u32 v3, v2;
	v4 =	vmul.f32 v4, v6  }
0x61: {  	[tilespmem:$0xC580] =	vst v2  }
0x62: {  	[tilespmem:$0xED00] =	vst v4  }
0x63: {  	[tilespmem:v5+s15+$0x0] =	vst.idx.add.s32.msk $0xffff, v1  }
0x64: {  	v2 =	vld [tilespmem:$0x13C80];
	_ =	sdelay $0x4  }
0x65: {  	(xrf0) =	vadd.scan.msk.s32 $0xffff, v2;
	_ =	sdelay $0x5  }
0x66: {  	v3, _, _ =	vpop (xrf0)  }
0x67: {  	v2 =	vsub.s32 v3, v2  }
0x68: {  	s20 =	simm.s32 $0x0;
	[tilespmem:$0x13D00] =	vst v2  }
0x69: {  	v2 =	vld [tilespmem:s20+$0x9E80]  }
0x6a: {  	v3 =	vld [tilespmem:s20+$0xC600];
	s20 =	simm.s32 $0x40  }
.LBB2_4:
0x6b: {  	p0 =	sne.s32 s20, $0x9C00;
	_ =	sdelay $0x2  }
0x6c: {  	v4 =	vshrl.u32 v2, $0x10  }
0x6d: {  	v4 =	vand.u32 $0xF, v4  }
0x6e: {  	(xrf1) =	vunique.msk.u32 $0xffff, v4;
	_ =	sdelay $0x8  }
0x6f: {  	v5 =	vld.idx.msk [tilespmem:v4+s16+$0x0], $0xffff;
	_ =	sdelay $0x4  }
0x70: {  	_, v6, _ =	vpop (xrf1)  }
0x71: {  	v5 =	vadd.s32 v6, v5  }
0x72: {  	v5 =	vadd.s32 $0xFFFFFFFF, v5;
	_ =	sdelay $0x4  }
.Ltmp1:
0x73: {  	[tilespmem:v5+s17+$0x0] =	vst.idx.msk $0xffff, v2;
	(pc) =	sbr.rel @p0 .LBB2_4-.Ltmp1, $4  }
0x74: {  	[tilespmem:v5+s18+$0x0] =	vst.idx.msk $0xffff, v3  }
0x75: {  	s21 =	sshra.s32 s20, $0x2;
	[tilespmem:v4+s16+$0x0] =	vst.idx.add.s32.msk $0xffff, v1  }
0x76: {  	v2 =	vld [tilespmem:s21+$0x9E80]  }
0x77: {  	s20 =	sadd.s32 $0x40, s20;
	v3 =	vld [tilespmem:s21+$0xC600]  }
0x78: {  	_ =	sdelay $0x2  }
0x79: {  	v4 =	vshrl.u32 v2, $0x10  }
0x7a: {  	v4 =	vand.u32 $0xF, v4  }
0x7b: {  	(xrf1) =	vunique.msk.u32 $0xffff, v4;
	_ =	sdelay $0x9  }
0x7c: {  	v5 =	vld.idx.msk [tilespmem:v4+s16+$0x0], $0xffff;
	_ =	sdelay $0x3  }
0x7d: {  	_, v6, _ =	vpop (xrf1)  }
0x7e: {  	v5 =	vadd.s32 v6, v5  }
0x7f: {  	v5 =	vadd.s32 $0xFFFFFFFF, v5;
	_ =	sdelay $0x4  }
0x80: {  	[tilespmem:v5+s17+$0x0] =	vst.idx.msk $0xffff, v2  }
0x81: {  	[tilespmem:v5+s18+$0x0] =	vst.idx.msk $0xffff, v3  }
0x82: {  	[tilespmem:v4+s16+$0x0] =	vst.idx.add.s32.msk $0xffff, v1  }
0x83: {  	[hbm4b:s7+s2] =	stream.linear.scatter [tilespmem:s17], [sflag:$0x1], $0x2710, $0x38;
	[tilespmem:$0x13D80] =	vst v63  }
0x84: {  	_ =	swait.ge [sflag:s11], $0x2710  }
0x85: {  	[sflag:s11] =	ssyncset.done $0x0  }
0x86: {  	[sflag:s11] =	ssyncadd.s32 $0xFFFFD8F0  }
0x87: {  	[hbm4b:s8+s2] =	stream.linear.scatter [tilespmem:s18], [sflag:$0x1], $0x2710, $0x38;
	[tilespmem:$0x13D80] =	vst v63  }
0x88: {  	s19 =	sadd.s32 $0x1, s19;
	_ =	swait.ge [sflag:s11], $0x2710  }
0x89: {  	p0 =	sne.s32 s19, s10;
	[sflag:s11] =	ssyncset.done $0x0  }
.Ltmp2:
0x8a: {  	[sflag:s11] =	ssyncadd.s32 $0xFFFFD8F0;
	(pc) =	sbr.rel @p0 .LBB2_1-.Ltmp2, $4  }
0x8b: {  	[hbm4b:s9+s2] =	stream.linear.scatter [tilespmem:s15], [sflag:$0x1], $0x10, $0x38;
	[tilespmem:$0x13D80] =	vst v63  }
0x8c: {  	_ =	swait.ge [sflag:s11], $0x10  }
0x8d: {  	[sflag:s11] =	ssyncset.done $0x0  }
0x8e: {  	[sflag:s11] =	ssyncadd.s32 $0xFFFFFFF0  }
0x8f: {  	_ =	sfence.sel $0x180000  }
0x90: {  	[bflag:$0x0] =	sbarrier.arrive $0xFFFF  }
0x91: {  	p0 =	sne.s32 s1, $0x0;
	_ =	strace $0x9000004A  }
0x92: {  	s0 =	sadd.s32 @!p0 $0x100000, s0;
	[bflag:$0x2] =	sbarrier.arrive $0xFFFF  }
0x93: {  	[sflag:s0] =	ssyncadd.tile.s32 @!p0 $0x1;
	_ =	shalt  }
.Lfunc_end2:
_tile_overlayer_lowered:
.L_overlay_start_2:
0x94: {  	(tag) =	ssettag $0x2  }
0x95: {  	s0 =	rddreg [dreg:$0x0];
	s2 =	stileid.u32  }
0x96: {  	s1 =	rddreg [dreg:$0x1];
	p0 =	sne.s32 s2, $0x0  }
0x97: {  	s3 =	rddreg [dreg:$0x2];
	[bflag:$0x3] =	sbarrier.arrive $0xFFFF;
	s2 =	simm.s32 @!p0 $0x1C01  }
0x98: {  	[timem:s3], [sflag:s2] =	dma.local @!p0 [hbm:s0], s1  }
0x99: {  	s0 =	simm.s32 @!p0 $0x1  }
0x9a: {  	_ =	swait.ge @!p0 [sflag:s0], s1  }
0x9b: {  	s1 =	ssub.s32 @!p0 $0x0, s1;
	[sflag:s0] =	ssyncset.done @!p0 $0x0  }
0x9c: {  	[sflag:s0] =	ssyncadd.s32 @!p0 s1  }
0x9d: {  	[bflag:$0x3] =	sbarrier.arrive $0xFFFF  }
0x9e: {  	_ =	shalt  }

// kernel: kernel.16.cloned.1.call-start
scs
__scs_entry_jumppad:
0x0: {  	(pc) =	sbr.rel $0x88, $3  }
0x1: {  	(tag) =	ssettag $0x0;
	lr =	simm.s32 $0x1  }
0x2: {  	[smem:$0x3F9A] =	sst lr;
	_ =	strace $0xD0000000  }
0x3: {  	_ = 	snop  }
0x4: {  	_ = 	snop  }
0x5: {  	_ = 	snop  }
0x6: {  	_ = 	snop  }
0x7: {  	_ = 	snop  }
__scs_overlays_trampoline_lowered:
0x8: {  	[smem:$0x3FA9] =	sst s0  }
0x9: {  	[smem:$0x3FAA] =	sst s1  }
0xa: {  	[smem:$0x3FAB] =	sst s2  }
0xb: {  	[smem:$0x3FAC] =	sst s3  }
0xc: {  	[smem:$0x3FAD] =	sst s4  }
0xd: {  	[smem:$0x3FAE] =	sst s5  }
0xe: {  	[smem:$0x3FAF] =	sst s6  }
0xf: {  	[smem:$0x3FB0] =	sst s7  }
0x10: {  	[smem:$0x3FB1] =	sst s8  }
0x11: {  	[smem:$0x3FB2] =	sst s9;
	s0 =	simm.s32 @!p0 $0x0  }
0x12: {  	s1 =	sld [smem:$0x3F98];
	s0 =	simm.s32 @p0 $0x1  }
0x13: {  	[smem:$0x3FB3] =	sst s0;
	s0 =	simm.s32 @!p1 $0x0  }
0x14: {  	s2 =	sld [smem:$0x3F97];
	s0 =	simm.s32 @p1 $0x1  }
0x15: {  	[smem:$0x3FB4] =	sst s0;
	s0 =	simm.s32 @!p2 $0x0  }
0x16: {  	s3 =	sld [smem:$0x3FDB];
	s0 =	simm.s32 @p2 $0x1  }
0x17: {  	s4 =	simm.s32 $0x1BF5;
	[smem:$0x3FB6] =	sst s0  }
0x18: {  	s0 =	sld [smem:$0x3F99];
	_ =	swait.ge [sflag:s4], $0x0  }
0x19: {  	s7 =	sld [smem:$0x3F9A]  }
0x1a: {  	s8 =	sadd.s32 $0xFFFFE003, lr  }
0x1b: {  	s9 =	sadd.s32 $0xFFFFFEF7, lr;
	s5 =	simm.s32 $0xFFFFFFFF;
	p2 =	slt.u32 s8, $0xFFFFF086  }
0x1c: {  	p1 =	slt.u32 s9, $0xF7A;
	s5 =	simm.s32 @!p2 $0x0  }
0x1d: {  	s5 =	simm.s32 @p1 $0x1;
	p0 =	seq.s32 s7, s2  }
0x1e: {  	s7 =	smul.u32 @!p0 $0xF7A, s2;
	p2 =	seq.s32 @!p0 s5, $0x0  }
0x1f: {  	s9 =	smul.u32 $0xF7A, s1;
	s8 =	simm.s32 @!p0 $0x1BF5;
	p2 =	por !p2, p0  }
0x20: {  	[sflag:s8] =	ssyncset.s32 @!p0 $0xFFFFF086;
	s6 =	sadd.s32 @!p0 s3, s7;
	s7 =	simm.s32 @!p0 $0x108  }
0x21: {  	s3 =	sadd.s32 s3, s9;
	s6 =	sadd.s32 @!p0 $0x88, s6;
	s7 =	simm.s32 @p2 $0x1082  }
0x22: {  	[simem:s7], [sflag:s8] =	dma.local @!p0 [hbm:s6], $0xF7A  }
0x23: {  	s9 =	sor.u32 $0xD0000000, s2;
	s6 =	simm.s32 $0x108;
	_ =	swait.ge @!p0 [sflag:s8], $0x0  }
0x24: {  	s3 =	sadd.s32 $0x88, s3;
	s6 =	simm.s32 @!p1 $0x1082;
	[sflag:s4] =	ssyncset.s32 $0xFFFFF086  }
0x25: {  	[simem:s6], [sflag:s4] =	dma.local [hbm:s3], $0xF7A  }
0x26: {  	[smem:$0x3F9A] =	sst s1;
	(tag) =	ssettag s2;
	_ =	strace s9  }
0x27: {  	s1 =	sld [smem:$0x3FAA]  }
0x28: {  	s2 =	sld [smem:$0x3FAB]  }
0x29: {  	s4 =	sld [smem:$0x3FAD]  }
0x2a: {  	p0 =	seq.s32 s5, $0x0;
	s5 =	sld [smem:$0x3FAE]  }
0x2b: {  	s6 =	sld [smem:$0x3FAF]  }
0x2c: {  	s7 =	sld [smem:$0x3FB0]  }
0x2d: {  	s3 =	simm.s32 $0x108;
	s8 =	sld [smem:$0x3FB1]  }
0x2e: {  	s3 =	simm.s32 @!p0 $0x1082;
	s9 =	sld [smem:$0x3FB2]  }
0x2f: {  	lr =	sadd.s32 s0, s3;
	s0 =	sld [smem:$0x3FA9]  }
0x30: {  	s3 =	sld [smem:$0x3FAC]  }
0x31: {  	[smem:$0x3FB5] =	sst s10  }
0x32: {  	s10 =	sld [smem:$0x3FB3];
	_ =	sdelay $0x3  }
0x33: {  	p0 =	seq.s32 s10, $0x1;
	s10 =	sld [smem:$0x3FB5];
	_ =	sdelay $0x3  }
0x34: {  	[smem:$0x3FB5] =	sst s10  }
0x35: {  	s10 =	sld [smem:$0x3FB4];
	_ =	sdelay $0x3  }
0x36: {  	p1 =	seq.s32 s10, $0x1;
	s10 =	sld [smem:$0x3FB5];
	_ =	sdelay $0x3  }
0x37: {  	[smem:$0x3FB5] =	sst s10  }
0x38: {  	s10 =	sld [smem:$0x3FB6]  }
0x39: {  	_ = 	snop;
	(pc) =	sbr.ind lr, $3  }
0x3a: {  	_ = 	snop  }
0x3b: {  	_ = 	snop  }
0x3c: {  	p2 =	seq.s32 s10, $0x1;
	s10 =	sld [smem:$0x3FB5]  }
0x3d: {  	_ =	shalt  }
0x3e: {  	_ =	shalt  }
0x3f: {  	_ =	shalt  }
0x40: {  	_ =	shalt  }
0x41: {  	_ =	shalt  }
0x42: {  	_ =	shalt  }
0x43: {  	_ =	shalt  }
0x44: {  	_ =	shalt  }
0x45: {  	_ =	shalt  }
0x46: {  	_ =	shalt  }
0x47: {  	_ =	shalt  }
0x48: {  	_ =	shalt  }
0x49: {  	_ =	shalt  }
0x4a: {  	_ =	shalt  }
0x4b: {  	_ =	shalt  }
0x4c: {  	_ =	shalt  }
0x4d: {  	_ =	shalt  }
0x4e: {  	_ =	shalt  }
0x4f: {  	_ =	shalt  }
0x50: {  	_ =	shalt  }
0x51: {  	_ =	shalt  }
0x52: {  	_ =	shalt  }
0x53: {  	_ =	shalt  }
0x54: {  	_ =	shalt  }
0x55: {  	_ =	shalt  }
0x56: {  	_ =	shalt  }
0x57: {  	_ =	shalt  }
0x58: {  	_ =	shalt  }
0x59: {  	_ =	shalt  }
0x5a: {  	_ =	shalt  }
0x5b: {  	_ =	shalt  }
0x5c: {  	_ =	shalt  }
0x5d: {  	_ =	shalt  }
0x5e: {  	_ =	shalt  }
0x5f: {  	_ =	shalt  }
0x60: {  	_ =	shalt  }
0x61: {  	_ =	shalt  }
0x62: {  	_ =	shalt  }
0x63: {  	_ =	shalt  }
0x64: {  	_ =	shalt  }
0x65: {  	_ =	shalt  }
0x66: {  	_ =	shalt  }
0x67: {  	_ =	shalt  }
0x68: {  	_ =	shalt  }
0x69: {  	_ =	shalt  }
0x6a: {  	_ =	shalt  }
0x6b: {  	_ =	shalt  }
0x6c: {  	_ =	shalt  }
0x6d: {  	_ =	shalt  }
0x6e: {  	_ =	shalt  }
0x6f: {  	_ =	shalt  }
0x70: {  	_ =	shalt  }
0x71: {  	_ =	shalt  }
0x72: {  	_ =	shalt  }
0x73: {  	_ =	shalt  }
0x74: {  	_ =	shalt  }
0x75: {  	_ =	shalt  }
0x76: {  	_ =	shalt  }
0x77: {  	_ =	shalt  }
0x78: {  	_ =	shalt  }
0x79: {  	_ =	shalt  }
0x7a: {  	_ =	shalt  }
0x7b: {  	_ =	shalt  }
0x7c: {  	_ =	shalt  }
0x7d: {  	_ =	shalt  }
0x7e: {  	_ =	shalt  }
0x7f: {  	_ =	shalt  }
0x80: {  	_ =	shalt  }
0x81: {  	_ =	shalt  }
0x82: {  	_ =	shalt  }
0x83: {  	_ =	shalt  }
0x84: {  	_ =	shalt  }
0x85: {  	_ =	shalt  }
0x86: {  	_ =	shalt  }
0x87: {  	_ =	shalt  }
.Lfunc_end0:
.L_simem_size_0:
called_computation.2_lowered:
.L_overlay_start_0:
0x88: {  	s2 =	sld [smem:$0x3FD9]  }
0x89: {  	s3 =	sld [smem:$0x3FFE];
	_ =	sdelay $0x1  }
0x8a: {  	s1 =	srdreg.scid  }
0x8b: {  	s0 =	sand.u32 $0x1, s1  }
0x8c: {  	s17 =	sshll.u32 s0, $0xA;
	s2 =	sadd.s32 s3, s2  }
0x8d: {  	s2 =	sadd.s32 s2, s17  }
0x8e: {  	[smem:$0x3FC1] =	sst s2  }
0x8f: {  	_ = 	snop  }
0x90: {  	s2 =	sld [smem:$0x3FD0];
	(tm) =	ssettm $0x1  }
0x91: {  	s18 =	sld [smem:$0x3FFB];
	_ =	sdelay $0x3  }
0x92: {  	_ =	strace s18  }
0x93: {  	s3 =	sld [smem:$0x3FFC];
	_ =	sdelay $0x3  }
0x94: {  	_ =	strace s3  }
0x95: {  	s3 =	sld [smem:$0x3FFD];
	_ =	sdelay $0x3  }
0x96: {  	_ =	strace s3  }
0x97: {  	_ =	strace $0x8FFFFFFF  }
0x98: {  	s19 =	sld [smem:$0x3FDB];
	_ =	sdelay $0x1  }
0x99: {  	s4 =	simm.s32 $_scs_section_size  }
0x9a: {  	s5 =	simm.s32 $_size__tile_overlayer_lowered;
	s6 =	simm.s32 $_tile_overlayer_lowered  }
0x9b: {  	s22 =	simm.s32 $0x1BFF;
	s21 =	sshll.u32 s6, $0x1;
	s3 =	sadd.s32 s4, s19  }
0x9c: {  	s7 =	simm.s32 $0x0;
	s20 =	sshll.u32 s5, $0x1;
	s5 =	sadd.s32 s21, s3  }
0x9d: {  	[timem:s7], [sflag:s22] =	dma.local [hbm:s5], s20  }
0x9e: {  	_ =	swait.ge [sflag:s22], s20  }
0x9f: {  	s4 =	ssub.s32 $0x0, s20;
	[sflag:s22] =	ssyncset.done $0x0  }
0xa0: {  	[sflag:s22] =	ssyncadd.s32 s4;
	_ =	sdelay $0x1  }
0xa1: {  	s23 =	simm.s32 $0x1B8B  }
0xa2: {  	_ =	swait.ge [sflag:s23], $0x1  }
0xa3: {  	[sflag:s23] =	ssyncset.done $0x0  }
0xa4: {  	s25 =	simm.s32 $0x1B8E;
	s24 =	sld [smem:$0x3FFE];
	[sflag:s23] =	ssyncadd.s32 $0xFFFFFFFF  }
0xa5: {  	s26 =	simm.s32 $execute0_lowered;
	[smem:$0x3FD2] =	sst s25  }
0xa6: {  	s5 =	sshll.u32 s26, $0x1;
	_ =	strace $0x8000004C;
	[dreg:$0x1] =	wrdreg $0xFFFFFFFF  }
0xa7: {  	s28 =	simm.s32 $_size_execute0_lowered;
	s3 =	sadd.s32 s3, s5;
	[dreg:$0x0] =	wrdreg $0x0  }
0xa8: {  	s5 =	sshll.u32 s28, $0x1;
	[dreg:$0x2] =	wrdreg s3  }
0xa9: {  	[dreg:$0x3] =	wrdreg s5  }
0xaa: {  	[dreg:$0x4] =	wrdreg $0xC0  }
0xab: {  	_ =	task [dreg:s7], $0x5FFFF  }
0xac: {  	[dreg:$0x1] =	wrdreg $0xFFFFFFFF  }
0xad: {  	[dreg:$0x0] =	wrdreg $0x60  }
0xae: {  	[dreg:$0x2] =	wrdreg s24  }
0xaf: {  	[dreg:$0x3] =	wrdreg s2  }
0xb0: {  	[dreg:$0x4] =	wrdreg $0x9  }
0xb1: {  	_ =	task.clear_ibuf [dreg:s7], $0x5FFFF;
	_ =	strace $0x9000004C  }
0xb2: {  	s29 =	simm.s32 $0x9;
	_ =	strace $0x8000004E  }
0xb3: {  	_ =	swait.ge [sflag:s29], $0x1  }
0xb4: {  	[sflag:s29] =	ssyncadd.s32 $0xFFFFFFFF  }
0xb5: {  	_ =	strace $0x9000004E  }
0xb6: {  	_ =	sfence  }
0xb7: {  	s30 =	sld [smem:$0x0];
	_ =	sdelay $0x2  }
0xb8: {  	s31 =	sshll.u32 s1, $0xD;
	s1 =	sshrl.u32 s1, $0x2  }
0xb9: {  	s3 =	sand.u32 $0x4000, s31;
	s1 =	sadd.s32 s1, s30  }
0xba: {  	s0 =	sor.u32 s3, s0;
	s1 =	sshll.u32 s1, $0x11  }
0xbb: {  	s0 =	sor.u32 s1, s0  }
0xbc: {  	s0 =	sadd.s32 $0x8F2B, s0  }
0xbd: {  	[sflag:s0] =	ssyncadd.remote.s32 $0x1  }
0xbe: {  	_ =	sfence.sel $0xFFFF  }
0xbf: {  	[dreg:$0x0] =	wrdreg $0xFFFFFFFF;
	(pc) =	sbr.abs _section_cstart, $3  }
0xc0: {  	[dreg:$0x1] =	wrdreg $0xFFFFFFFF  }
0xc1: {  	_ =	task.clear_ibuf [dreg:s7], $0x2FFFF;
	_ =	strace $0x9FFFFFFF  }
0xc2: {  	(tm) =	ssettm $0x7FFFFFFF  }
0xc3: {  	_ =	shalt  }
tec
execute0_lowered:
.L_overlay_start_1:
0x0: {  	(tag) =	ssettag $0x1  }
0x1: {  	s1 =	srdreg.scid;
	s0 =	stileid.u32  }
0x2: {  	s5 =	rddreg [dreg:$0x0];
	s3 =	simm.s32 $0x0;
	s10 =	simm.s32 $0x400  }
0x3: {  	s11 =	simm.s32 $0x13C00;
	s12 =	simm.s32 $0x18B00;
	s13 =	simm.s32 $0x1DA00  }
0x4: {  	s14 =	simm.s32 $0x4;
	s15 =	simm.s32 $0x1;
	s4 =	sand.u32 $0x1, s1  }
0x5: {  	s16 =	simm.s32 $0x16380;
	s2 =	sshll.u32 s0, $0x2;
	s1 =	sshll.u32 s4, $0x6  }
0x6: {  	s17 =	simm.s32 $0x1B280;
	s18 =	simm.s32 $0x2;
	s1 =	sor.u32 s2, s1  }
0x7: {  	s19 =	simm.s32 $0x9E00;
	s20 =	simm.s32 $0x3;
	s1 =	sshrl.u32 s1, $0x3  }
0x8: {  	s21 =	simm.s32 $0x0;
	s7 =	sshll.u32 s0, $0x9;
	s6 =	smul.u32 $0x13C00, s1  }
0x9: {  	[smem:$0x7FF] =	sst s3;
	s7 =	sand.u32 $0x200, s7;
	s30 =	ssub.s32 $0x2, s4  }
.Ltmp0:
0xa: {  	s4 =	sadd.s32 $0x17800, s5;
	s6 =	sor.u32 s7, s6;
	(pc) =	sbr.rel .LBB2_1-.Ltmp0, $4  }
0xb: {  	s2 =	rddreg [dreg:$0x1];
	s31 =	sshrl.u32 s30, $0x1;
	s6 =	sshrl.u32 s6, $0x3  }
0xc: {  	s9 =	ssub.s32 s30, s31;
	s1 =	rddreg [dreg:$0x2];
	s8 =	sadd.s32 s6, s5  }
0xd: {  	_ =	strace $0x8000004D;
	s5 =	sadd.s32 $0x21600, s5;
	s6 =	sadd.s32 $0x21800, s8  }
0xe: {  	v0 =	vimm.f32 $0.0e+00;
	s7 =	sadd.s32 $0x49000, s8;
	s8 =	smax.u32 s9, $0x1;
	s9 =	simm.s32 $0x200  }
.LBB2_19:
0xf: {  	s21 =	sadd.s32 $0x1, s21  }
0x10: {  	p0 =	sne.s32 s21, s8  }
.Ltmp1:
0x11: {  	_ = 	snop;
	(pc) =	sbr.rel @!p0 .LBB2_20-.Ltmp1, $4  }
0x12: {  	[hbm4b:s7+s9] =	stream.strided.scatter [tilespmem:s19], [sflag:$0x4], $0x9E00, s10, s9, $0x38;
	[tilespmem:$0x1DC00] =	vst v63  }
0x13: {  	_ =	swait.ge [sflag:s14], $0x9E00  }
0x14: {  	[sflag:s14] =	ssyncset.done $0x0  }
0x15: {  	[sflag:s14] =	ssyncadd.s32 $0xFFFF6200  }
.LBB2_1:
0x16: {  	[tilespmem:s3], [sflag:$0x1] =	stream.strided.gather [hbm4b:s6+s9], $0x9E00, s10, s9, $0x38;
	[tilespmem:$0x1DC00] =	vst v63  }
0x17: {  	_ = 	snop  }
0x18: {  	[tilespmem:s11], [sflag:$0x2] =	stream.linear.gather [hbm4b:s2+s3], $0x2710, $0x38;
	[tilespmem:$0x1DC00] =	vst v63  }
0x19: {  	_ = 	snop  }
0x1a: {  	[tilespmem:s12], [sflag:$0x2] =	stream.linear.gather [hbm4b:s4+s3], $0x2710, $0x38;
	[tilespmem:$0x1DC00] =	vst v63  }
0x1b: {  	_ = 	snop  }
0x1c: {  	[tilespmem:s13], [sflag:$0x4] =	stream.linear.gather [hbm4b:s5+s3], $0x200, $0x38;
	[tilespmem:$0x1DC00] =	vst v63  }
0x1d: {  	s22 =	simm.s32 $0x0;
	s23 =	sand.u32 $0x40, s3;
	_ =	swait.ge [sflag:s14], $0x200  }
0x1e: {  	s24 =	sand.u32 $0xFE00, s3;
	s25 =	simm.s32 $0x0;
	[sflag:s14] =	ssyncset.done $0x0  }
0x1f: {  	s23 =	sor.u32 s23, s24;
	s24 =	simm.s32 $0x0;
	[sflag:s14] =	ssyncadd.s32 $0xFFFFFE00  }
.LBB2_2:
0x20: {  	s22 =	sadd.s32 $0x4, s22  }
0x21: {  	[tilespmem:s23+$0x9E20] =	vst v0;
	s24 =	sadd.s32 $0x100, s24;
	s25 =	sadd.s32 $0x40, s25;
	p0 =	slt.u32 s22, $0x26C  }
.Ltmp2:
0x22: {  	[tilespmem:s23+$0x9E10] =	vst v0;
	(pc) =	sbr.rel @p0 .LBB2_2-.Ltmp2, $4  }
0x23: {  	[tilespmem:s23+$0x9E30] =	vst v0  }
0x24: {  	[tilespmem:s23+$0x9E00] =	vst v0  }
0x25: {  	s26 =	sand.u32 $0xFE00, s24;
	s23 =	sand.u32 $0x40, s25  }
0x26: {  	s23 =	sor.u32 s23, s26  }
0x27: {  	[tilespmem:s23+$0x9E20] =	vst v0  }
0x28: {  	[tilespmem:s23+$0x9E10] =	vst v0  }
0x29: {  	[tilespmem:s23+$0x9E30] =	vst v0;
	s22 =	simm.s32 $0x0  }
0x2a: {  	[tilespmem:s23+$0x9E00] =	vst v0;
	s31 =	sand.u32 $0x40, s22;
	s25 =	sand.u32 $0xFE00, s22  }
0x2b: {  	s24 =	simm.s32 $0x0;
	[tilespmem:$0x13A00] =	vst v0;
	s23 =	sor.u32 s31, s25;
	s25 =	simm.s32 $0x0  }
.LBB2_4:
0x2c: {  	s24 =	sadd.s32 $0x4, s24  }
0x2d: {  	[tilespmem:s23+$0x9EA0] =	vst v0;
	s22 =	sadd.s32 $0x100, s22;
	s25 =	sadd.s32 $0x40, s25;
	p0 =	slt.u32 s24, $0x26C  }
.Ltmp3:
0x2e: {  	[tilespmem:s23+$0x9E90] =	vst v0;
	(pc) =	sbr.rel @p0 .LBB2_4-.Ltmp3, $4  }
0x2f: {  	[tilespmem:s23+$0x9EB0] =	vst v0  }
0x30: {  	[tilespmem:s23+$0x9E80] =	vst v0  }
0x31: {  	s26 =	sand.u32 $0xFE00, s22;
	s23 =	sand.u32 $0x40, s25  }
0x32: {  	s23 =	sor.u32 s23, s26  }
0x33: {  	[tilespmem:s23+$0x9EA0] =	vst v0;
	p0 =	por $0x0, $0x0;
	s24 =	simm.s32 $0x1  }
0x34: {  	[tilespmem:s23+$0x9E90] =	vst v0;
	s24 =	simm.s32 @!p0 $0x0  }
0x35: {  	[tilespmem:s23+$0x9EB0] =	vst v0;
	s22 =	simm.s32 $0x0;
	s24 =	sshll.u32 s24, $0x6  }
0x36: {  	[tilespmem:s23+$0x9E80] =	vst v0;
	s23 =	simm.s32 $0x0;
	p0 =	por !p0, !p0;
	s25 =	sadd.s32 $0x0, s24  }
0x37: {  	[tilespmem:$0x13A80] =	vst v0;
	s28 =	sor.u32 $0x100, s25;
	s24 =	sor.u32 $0x110, s25;
	s26 =	sor.u32 $0x120, s25  }
.LBB2_6:
0x38: {  	s23 =	sadd.s32 $0x4, s23  }
0x39: {  	[tilespmem:s28+$0x9E00] =	vst v0;
	s25 =	sor.u32 $0x130, s25;
	s22 =	sadd.s32 $0x100, s22;
	p1 =	slt.u32 s23, $0x26C  }
.Ltmp4:
0x3a: {  	[tilespmem:s26+$0x9E00] =	vst v0;
	s26 =	simm.s32 $0x1;
	(pc) =	sbr.rel @p1 .LBB2_6-.Ltmp4, $4  }
0x3b: {  	s26 =	simm.s32 @!p0 $0x0;
	[tilespmem:s25+$0x9E00] =	vst v0  }
0x3c: {  	s25 =	sshll.u32 s26, $0x6;
	[tilespmem:s24+$0x9E00] =	vst v0  }
0x3d: {  	p0 =	por !p0, !p0;
	s25 =	sadd.s32 s25, s22  }
0x3e: {  	s28 =	sor.u32 $0x100, s25;
	s24 =	sor.u32 $0x110, s25;
	s26 =	sor.u32 $0x120, s25  }
0x3f: {  	[tilespmem:s28+$0x9E00] =	vst v0;
	p0 =	por $0x0, $0x0;
	s23 =	simm.s32 $0x1  }
0x40: {  	s22 =	sor.u32 $0x130, s25;
	[tilespmem:s26+$0x9E00] =	vst v0;
	s23 =	simm.s32 @!p0 $0x0  }
0x41: {  	[tilespmem:s22+$0x9E00] =	vst v0;
	s22 =	simm.s32 $0x0;
	s31 =	sshll.u32 s23, $0x6  }
0x42: {  	[tilespmem:s24+$0x9E00] =	vst v0;
	p0 =	por !p0, !p0;
	s23 =	simm.s32 $0x0;
	s25 =	sadd.s32 $0x0, s31  }
0x43: {  	[tilespmem:$0x13B00] =	vst v0;
	s28 =	sor.u32 $0x180, s25;
	s24 =	sor.u32 $0x190, s25;
	s26 =	sor.u32 $0x1A0, s25  }
.LBB2_8:
0x44: {  	s23 =	sadd.s32 $0x4, s23  }
0x45: {  	[tilespmem:s28+$0x9E00] =	vst v0;
	s25 =	sor.u32 $0x1B0, s25;
	s22 =	sadd.s32 $0x100, s22;
	p1 =	slt.u32 s23, $0x26C  }
.Ltmp5:
0x46: {  	[tilespmem:s26+$0x9E00] =	vst v0;
	s26 =	simm.s32 $0x1;
	(pc) =	sbr.rel @p1 .LBB2_8-.Ltmp5, $4  }
0x47: {  	s26 =	simm.s32 @!p0 $0x0;
	[tilespmem:s25+$0x9E00] =	vst v0  }
0x48: {  	s25 =	sshll.u32 s26, $0x6;
	[tilespmem:s24+$0x9E00] =	vst v0  }
0x49: {  	p0 =	por !p0, !p0;
	s25 =	sadd.s32 s25, s22  }
0x4a: {  	s28 =	sor.u32 $0x180, s25;
	s24 =	sor.u32 $0x190, s25;
	s26 =	sor.u32 $0x1A0, s25  }
0x4b: {  	[tilespmem:s28+$0x9E00] =	vst v0  }
0x4c: {  	[tilespmem:s26+$0x9E00] =	vst v0  }
0x4d: {  	s22 =	sor.u32 $0x1B0, s25;
	[tilespmem:s24+$0x9E00] =	vst v0  }
.Ltmp6:
0x4e: {  	[tilespmem:s22+$0x9E00] =	vst v0;
	(pc) =	sbr.rel .LBB2_10-.Ltmp6, $4  }
0x4f: {  	[tilespmem:$0x13B80] =	vst v0  }
0x50: {  	_ =	swait.ge [sflag:s15], $0x9E00  }
0x51: {  	[sflag:s15] =	ssyncset.done $0x0  }
0x52: {  	s22 =	simm.s32 $0x0;
	[sflag:s15] =	ssyncadd.s32 $0xFFFF6200  }
.LBB2_17:
0x53: {  	_ =	sdelay $0x3  }
0x54: {  	vm7 =	vlt.s32 v23, v1;
	v1 =	vadd.s32 s25, v2  }
0x55: {  	v2 =	vld.idx.msk [tilespmem:v15+s16+$0x0], vm5;
	v11 =	vor.u32 $0x180, v11;
	v39 =	vand.u32 $0xFFFF, v17;
	v10 =	vmul.f32 v18, v10  }
0x56: {  	v12 =	vor.u32 $0x180, v12;
	v16 =	vld.idx.msk [tilespmem:v16+s17+$0x0], vm3;
	v19 =	vmul.f32 v19, v3;
	v41 =	vor.u32 $0x100, v4  }
0x57: {  	v24 =	vld.idx.msk [tilespmem:v14+s16+$0x0], vm6;
	v13 =	vor.u32 $0x180, v13;
	v20 =	vmul.f32 v20, v5;
	v42 =	vor.u32 $0x100, v6  }
0x58: {  	v27 =	vor.u32 $0x80, v8;
	v1 =	vnsel vm7, $0x0, v1;
	v40 =	vnsel vm3, $0x0, v39  }
0x59: {  	[tilespmem:v8+s19+$0x0] =	vst.idx.add.f32.msk vm2, v22;
	v28 =	vor.u32 $0x100, v9;
	v43 =	vshrl.u32 v17, $0x10;
	v22 =	vshll.u32 v40, $0x2  }
0x5a: {  	v50 =	vld.idx.msk [tilespmem:v15+s17+$0x0], vm5;
	v45 =	vnsel vm3, $0x0, v43;
	v18 =	vand.u32 $0x7F, v40;
	v22 =	vand.u32 $0x3FE00, v22  }
0x5b: {  	v21 =	vld.idx.msk [tilespmem:v21+s3+$0x0], vm2;
	v48 =	vand.u32 $0x7F, v45;
	v18 =	vor.u32 v18, v22;
	v26 =	vand.u32 $0xFFFF, v2  }
0x5c: {  	[tilespmem:v11+s19+$0x0] =	vst.idx.add.f32.msk vm4, v10;
	v11 =	vnsel vm3, $0x0, v16;
	v46 =	vand.u32 $0xFFFF, v24;
	v16 =	vshll.u32 v45, $0x2  }
0x5d: {  	v2 =	vshrl.u32 v2, $0x10;
	v55 =	vor.u32 $0x80, v18;
	v25 =	vld.idx.msk [tilespmem:v1+s16+$0x0], vm7;
	v26 =	vnsel vm5, $0x0, v26  }
0x5e: {  	v56 =	vld.idx.msk [tilespmem:v14+s17+$0x0], vm6;
	v57 =	vshrl.u32 v24, $0x10;
	v17 =	vnsel vm6, $0x0, v46;
	v44 =	vshll.u32 v26, $0x2  }
0x5f: {  	[tilespmem:v41+s19+$0x0] =	vst.idx.add.f32.msk vm1, v19;
	v26 =	vand.u32 $0x7F, v26;
	v29 =	vshll.u32 v17, $0x2;
	v10 =	vand.u32 $0x3FE00, v44  }
0x60: {  	[tilespmem:v42+s19+$0x0] =	vst.idx.add.f32.msk vm0, v20;
	v17 =	vand.u32 $0x7F, v17;
	v29 =	vand.u32 $0x3FE00, v29;
	v10 =	vor.u32 v26, v10  }
0x61: {  	v21 =	vmul.f32 v21, v7;
	v12 =	vld.idx.msk [tilespmem:v12+s3+$0x0], vm1;
	v16 =	vand.u32 $0x3FE00, v16;
	v17 =	vor.u32 v17, v29  }
0x62: {  	v2 =	vnsel vm5, $0x0, v2;
	v16 =	vor.u32 v48, v16;
	v47 =	vld.idx.msk [tilespmem:v18+s3+$0x0], vm3;
	v49 =	vand.u32 $0xFFFF, v25  }
0x63: {  	v13 =	vld.idx.msk [tilespmem:v13+s3+$0x0], vm0;
	v54 =	vshll.u32 v2, $0x2;
	v2 =	vand.u32 $0x7F, v2;
	v26 =	vnsel vm7, $0x0, v49  }
0x64: {  	[tilespmem:v27+s19+$0x0] =	vst.idx.add.f32.msk vm2, v21;
	v23 =	vand.u32 $0x3FE00, v54;
	v21 =	vnsel vm6, $0x0, v57;
	v30 =	vshll.u32 v26, $0x2  }
0x65: {  	v2 =	vor.u32 v2, v23;
	v51 =	vand.u32 $0x7F, v26;
	v52 =	vand.u32 $0x3FE00, v30;
	v53 =	vld.idx.msk [tilespmem:v10+s3+$0x0], vm5  }
0x66: {  	v60 =	vshll.u32 v21, $0x2;
	v21 =	vand.u32 $0x7F, v21;
	v58 =	vld.idx.msk [tilespmem:v17+s3+$0x0], vm6;
	v20 =	vor.u32 v51, v52  }
0x67: {  	v1 =	vld.idx.msk [tilespmem:v1+s17+$0x0], vm7;
	v59 =	vshrl.u32 v25, $0x10;
	v25 =	vand.u32 $0x3FE00, v60;
	v19 =	vmul.f32 v11, v47  }
0x68: {  	v33 =	vld.idx.msk [tilespmem:v28+s3+$0x0], vm2;
	v21 =	vor.u32 v21, v25  }
0x69: {  	v15 =	vnsel vm5, $0x0, v50;
	v14 =	vnsel vm6, $0x0, v56;
	v61 =	vor.u32 $0x80, v10;
	[tilespmem:v16+s19+$0x0] =	vst.idx.add.f32.msk vm3, v19  }
0x6a: {  	v35 =	vor.u32 $0x80, v17;
	v23 =	vnsel vm7, $0x0, v59;
	v37 =	vld.idx.msk [tilespmem:v55+s3+$0x0], vm3;
	v22 =	vmul.f32 v15, v53  }
0x6b: {  	v39 =	vor.u32 $0x100, v8;
	v63 =	vshll.u32 v23, $0x2;
	v24 =	vmul.f32 v14, v58;
	v62 =	vld.idx.msk [tilespmem:v20+s3+$0x0], vm7  }
0x6c: {  	v41 =	vor.u32 $0x80, v16;
	v23 =	vand.u32 $0x7F, v23;
	v34 =	vand.u32 $0x3FE00, v63;
	[tilespmem:v2+s19+$0x0] =	vst.idx.add.f32.msk vm5, v22  }
0x6d: {  	v36 =	vor.u32 v23, v34;
	[tilespmem:v21+s19+$0x0] =	vst.idx.add.f32.msk vm6, v24  }
0x6e: {  	v25 =	vmul.f32 v33, v7;
	v38 =	vor.u32 $0x80, v20;
	v22 =	vld.idx.msk [tilespmem:v61+s3+$0x0], vm5  }
0x6f: {  	v43 =	vor.u32 $0x100, v18;
	v1 =	vnsel vm7, $0x0, v1;
	v42 =	vld.idx.msk [tilespmem:v35+s3+$0x0], vm6;
	v23 =	vmul.f32 v37, v11  }
0x70: {  	v44 =	vor.u32 $0x80, v2;
	[tilespmem:v39+s19+$0x0] =	vst.idx.add.f32.msk vm2, v25;
	v40 =	vmul.f32 v1, v62  }
0x71: {  	v32 =	vor.u32 $0x80, v21;
	[tilespmem:v41+s19+$0x0] =	vst.idx.add.f32.msk vm3, v23  }
0x72: {  	v31 =	vor.u32 $0x100, v10;
	[tilespmem:v36+s19+$0x0] =	vst.idx.add.f32.msk vm7, v40  }
0x73: {  	v45 =	vor.u32 $0x100, v17;
	v22 =	vmul.f32 v22, v15;
	v26 =	vld.idx.msk [tilespmem:v38+s3+$0x0], vm7  }
0x74: {  	v48 =	vor.u32 $0x180, v9;
	v24 =	vld.idx.msk [tilespmem:v43+s3+$0x0], vm3;
	v29 =	vmul.f32 v42, v14  }
0x75: {  	v46 =	vor.u32 $0x80, v36;
	[tilespmem:v44+s19+$0x0] =	vst.idx.add.f32.msk vm5, v22  }
0x76: {  	v47 =	vor.u32 $0x100, v20;
	[tilespmem:v32+s19+$0x0] =	vst.idx.add.f32.msk vm6, v29  }
0x77: {  	v49 =	vor.u32 $0x100, v16;
	v22 =	vld.idx.msk [tilespmem:v31+s3+$0x0], vm5  }
0x78: {  	v18 =	vor.u32 $0x180, v18;
	v25 =	vld.idx.msk [tilespmem:v45+s3+$0x0], vm6;
	v26 =	vmul.f32 v26, v1  }
0x79: {  	v50 =	vor.u32 $0x100, v2;
	v9 =	vld.idx.msk [tilespmem:v48+s3+$0x0], vm2  }
0x7a: {  	v51 =	vor.u32 $0x100, v21;
	v24 =	vmul.f32 v24, v11;
	[tilespmem:v46+s19+$0x0] =	vst.idx.add.f32.msk vm7, v26  }
0x7b: {  	v10 =	vor.u32 $0x180, v10;
	v26 =	vld.idx.msk [tilespmem:v47+s3+$0x0], vm7  }
0x7c: {  	v17 =	vor.u32 $0x180, v17;
	[tilespmem:v49+s19+$0x0] =	vst.idx.add.f32.msk vm3, v24;
	v22 =	vmul.f32 v22, v15  }
0x7d: {  	v52 =	vor.u32 $0x100, v36;
	v18 =	vld.idx.msk [tilespmem:v18+s3+$0x0], vm3;
	v25 =	vmul.f32 v25, v14  }
0x7e: {  	v20 =	vor.u32 $0x180, v20;
	[tilespmem:v50+s19+$0x0] =	vst.idx.add.f32.msk vm5, v22  }
0x7f: {  	v55 =	vor.u32 $0x180, v6;
	[tilespmem:v51+s19+$0x0] =	vst.idx.add.f32.msk vm6, v25  }
0x80: {  	v53 =	vor.u32 $0x180, v4;
	v10 =	vld.idx.msk [tilespmem:v10+s3+$0x0], vm5;
	v54 =	vmul.f32 v26, v1  }
0x81: {  	v56 =	vor.u32 $0x180, v8;
	v17 =	vld.idx.msk [tilespmem:v17+s3+$0x0], vm6  }
0x82: {  	v16 =	vor.u32 $0x180, v16;
	v58 =	vmul.f32 v13, v5;
	[tilespmem:v52+s19+$0x0] =	vst.idx.add.f32.msk vm7, v54  }
0x83: {  	v3 =	vmul.f32 v12, v3;
	v2 =	vor.u32 $0x180, v2;
	v57 =	vld.idx.msk [tilespmem:v20+s3+$0x0], vm7  }
0x84: {  	v59 =	vor.u32 $0x180, v21;
	v60 =	vmul.f32 v9, v7;
	[tilespmem:v55+s19+$0x0] =	vst.idx.add.f32.msk vm0, v58  }
0x85: {  	[tilespmem:v53+s19+$0x0] =	vst.idx.add.f32.msk vm1, v3;
	v3 =	vor.u32 $0x180, v36;
	v61 =	vmul.f32 v18, v11  }
0x86: {  	[tilespmem:v56+s19+$0x0] =	vst.idx.add.f32.msk vm2, v60;
	v62 =	vmul.f32 v10, v15  }
0x87: {  	[tilespmem:v16+s19+$0x0] =	vst.idx.add.f32.msk vm3, v61;
	v63 =	vmul.f32 v17, v14  }
0x88: {  	[tilespmem:v2+s19+$0x0] =	vst.idx.add.f32.msk vm5, v62;
	v1 =	vmul.f32 v57, v1  }
0x89: {  	[tilespmem:v59+s19+$0x0] =	vst.idx.add.f32.msk vm6, v63  }
0x8a: {  	[tilespmem:v3+s19+$0x0] =	vst.idx.add.f32.msk vm7, v1  }
.LBB2_18:
0x8b: {  	s22 =	sadd.s32 $0x1, s22  }
0x8c: {  	p0 =	seq.s32 s22, $0x10  }
.Ltmp7:
0x8d: {  	_ = 	snop;
	(pc) =	sbr.rel @p0 .LBB2_19-.Ltmp7, $1  }
0x8e: {  	_ =	sdelay $0x3  }
.LBB2_10:
0x8f: {  	s23 =	sshllo.u32 s22, $0x1  }
0x90: {  	s24 =	smul.u32 $0x4E2, s23;
	_ =	sdelay $0x1  }
0x91: {  	s25 =	sadd.s32 s2, s24  }
0x92: {  	[tilespmem:s16], [sflag:$0x3] =	stream.linear.gather [hbm4b:s25+s3], $0x2710, $0x38;
	[tilespmem:$0x1DC00] =	vst v63  }
0x93: {  	s24 =	sadd.s32 s4, s24  }
0x94: {  	[tilespmem:s17], [sflag:$0x3] =	stream.linear.gather [hbm4b:s24+s3], $0x2710, $0x38;
	[tilespmem:$0x1DC00] =	vst v63  }
0x95: {  	_ =	swait.ge [sflag:s18], $0x2710  }
0x96: {  	[sflag:s18] =	ssyncset.done $0x0  }
0x97: {  	[sflag:s18] =	ssyncadd.s32 $0xFFFFD8F0  }
0x98: {  	_ =	swait.ge [sflag:s18], $0x2710  }
0x99: {  	s30 =	sshll.u32 s22, $0x5;
	[sflag:s18] =	ssyncset.done $0x0  }
0x9a: {  	s24 =	sand.u32 $0x3FFFFFE0, s30;
	[sflag:s18] =	ssyncadd.s32 $0xFFFFD8F0  }
0x9b: {  	v1 =	vld [tilespmem:s24+$0x1DA00];
	_ =	sdelay $0x4  }
0x9c: {  	(xrf0) =	vadd.scan.msk.s32 $0xffff, v1;
	v2 =	vxor.u32 $0x80000000, v1  }
0x9d: {  	(xrf0) =	vmax.scan.msk.u32 $0xffff, v2;
	_ =	sdelay $0x4  }
0x9e: {  	v2, _, _ =	vpop (xrf0)  }
0x9f: {  	v3, _, _ =	vpop (xrf0)  }
0xa0: {  	(v2sf) =	vpush v3, $0xF;
	_ =	sdelay $0xe  }
0xa1: {  	s31 =	spop (v2sf)  }
0xa2: {  	s24 =	sxor.u32 $0x80000000, s31  }
0xa3: {  	p0 =	slt.s32 s24, $0x1  }
.Ltmp8:
0xa4: {  	_ = 	snop;
	(pc) =	sbr.rel @p0 .LBB2_14-.Ltmp8, $1  }
0xa5: {  	_ =	sdelay $0x3  }
0xa6: {  	s30 =	simm.s32 $0x0  }
0xa7: {  	v2 =	vsub.s32 v2, v1;
	v3 =	vmov s30  }
0xa8: {  	vm1 =	vlt.s32 v3, v1;
	v3 =	vadd.s32 s30, v2  }
0xa9: {  	v3 =	vnsel vm1, $0x0, v3;
	_ =	sdelay $0x4  }
0xaa: {  	v4 =	vld.idx.msk [tilespmem:v3+s11+$0x0], vm1;
	_ =	sdelay $0x3  }
0xab: {  	s31 =	simm.s32 $0x7  }
0xac: {  	v5 =	vmov s31;
	vm4 =	vmmov vm1;
	v6 =	vand.u32 $0xFFFF, v4  }
0xad: {  	v7 =	vadd.s32 s31, v2;
	vm2 =	vlt.s32 v5, v1;
	v5 =	vnsel vm4, $0x0, v6  }
0xae: {  	s26 =	simm.s32 $0x6;
	v6 =	vnsel vm2, $0x0, v7;
	v7 =	vshll.u32 v5, $0x2  }
0xaf: {  	v8 =	vmov s26;
	v5 =	vand.u32 $0x7F, v5;
	v7 =	vand.u32 $0x3FE00, v7  }
0xb0: {  	vm0 =	vlt.s32 v8, v1;
	v7 =	vor.u32 v5, v7;
	v5 =	vadd.s32 s26, v2  }
0xb1: {  	v5 =	vnsel vm0, $0x0, v5  }
0xb2: {  	v3 =	vld.idx.msk [tilespmem:v3+s12+$0x0], vm1  }
0xb3: {  	v8 =	vld.idx.msk [tilespmem:v6+s11+$0x0], vm2  }
0xb4: {  	v4 =	vshrl.u32 v4, $0x10  }
0xb5: {  	v4 =	vnsel vm4, $0x0, v4  }
0xb6: {  	v10 =	vshll.u32 v4, $0x2;
	v14 =	vld.idx.msk [tilespmem:v5+s11+$0x0], vm0  }
0xb7: {  	v4 =	vand.u32 $0x7F, v4;
	v11 =	vand.u32 $0x3FE00, v10;
	v10 =	vnsel vm4, $0x0, v3;
	v9 =	vld.idx.msk [tilespmem:v7+s3+$0x0], vm1  }
0xb8: {  	s28 =	simm.s32 $0x5;
	v11 =	vor.u32 v4, v11;
	vm1 =	vmmov vm2;
	v12 =	vand.u32 $0xFFFF, v8  }
0xb9: {  	v4 =	vor.u32 $0x80, v7;
	v3 =	vnsel vm1, $0x0, v12;
	v12 =	vmov s28  }
0xba: {  	vm2 =	vlt.s32 v12, v1;
	v12 =	vadd.s32 s28, v2;
	v13 =	vshll.u32 v3, $0x2  }
0xbb: {  	v3 =	vand.u32 $0x7F, v3;
	v15 =	vnsel vm2, $0x0, v12;
	v12 =	vand.u32 $0xFFFF, v14  }
0xbc: {  	v9 =	vmul.f32 v10, v9;
	v13 =	vand.u32 $0x3FE00, v13;
	v16 =	vnsel vm0, $0x0, v12  }
0xbd: {  	v12 =	vor.u32 v3, v13;
	v3 =	vshll.u32 v16, $0x2  }
0xbe: {  	[tilespmem:v11+s19+$0x0] =	vst.idx.add.f32.msk vm4, v9;
	v9 =	vand.u32 $0x7F, v16;
	v3 =	vand.u32 $0x3FE00, v3  }
0xbf: {  	v4 =	vld.idx.msk [tilespmem:v4+s3+$0x0], vm4;
	v13 =	vor.u32 v9, v3  }
0xc0: {  	v3 =	vshrl.u32 v8, $0x10;
	v8 =	vld.idx.msk [tilespmem:v15+s11+$0x0], vm2  }
0xc1: {  	v18 =	vor.u32 $0x100, v7;
	v6 =	vld.idx.msk [tilespmem:v6+s12+$0x0], vm1;
	v14 =	vshrl.u32 v14, $0x10;
	v3 =	vnsel vm1, $0x0, v3  }
0xc2: {  	v14 =	vnsel vm0, $0x0, v14;
	v9 =	vor.u32 $0x80, v11;
	v16 =	vshll.u32 v3, $0x2;
	v17 =	vld.idx.msk [tilespmem:v12+s3+$0x0], vm1  }
0xc3: {  	v5 =	vld.idx.msk [tilespmem:v5+s12+$0x0], vm0;
	v20 =	vor.u32 $0x80, v12;
	v3 =	vand.u32 $0x7F, v3;
	v16 =	vand.u32 $0x3FE00, v16  }
0xc4: {  	v19 =	vmul.f32 v4, v10;
	v4 =	vor.u32 v3, v16;
	v3 =	vshll.u32 v14, $0x2;
	v16 =	vld.idx.msk [tilespmem:v13+s3+$0x0], vm0  }
0xc5: {  	v14 =	vand.u32 $0x7F, v14;
	v21 =	vand.u32 $0xFFFF, v8;
	v22 =	vand.u32 $0x3FE00, v3  }
0xc6: {  	v3 =	vnsel vm1, $0x0, v6;
	v21 =	vnsel vm2, $0x0, v21;
	v6 =	vor.u32 v14, v22  }
0xc7: {  	[tilespmem:v9+s19+$0x0] =	vst.idx.add.f32.msk vm4, v19;
	v14 =	vmul.f32 v3, v17;
	v9 =	vshll.u32 v21, $0x2;
	v17 =	vor.u32 $0x80, v13  }
0xc8: {  	v5 =	vnsel vm0, $0x0, v5;
	v18 =	vld.idx.msk [tilespmem:v18+s3+$0x0], vm4;
	v19 =	vand.u32 $0x7F, v21;
	v9 =	vand.u32 $0x3FE00, v9  }
0xc9: {  	p0 =	slt.s32 s24, $0x2710;
	[tilespmem:v4+s19+$0x0] =	vst.idx.add.f32.msk vm1, v14;
	v9 =	vor.u32 v19, v9;
	v14 =	vmul.f32 v5, v16  }
0xca: {  	s29 =	simm.s32 $0x4;
	s24 =	simm.s32 @!p0 $0x2710;
	v19 =	vld.idx.msk [tilespmem:v20+s3+$0x0], vm1;
	v20 =	vor.u32 $0x100, v11  }
0xcb: {  	s24 =	sadd.s32 $0x7, s24;
	v7 =	vor.u32 $0x180, v7;
	v16 =	vmov s29;
	[tilespmem:v6+s19+$0x0] =	vst.idx.add.f32.msk vm0, v14  }
0xcc: {  	s25 =	sshra.s32 s24, $0x1F;
	vm3 =	vlt.s32 v16, v1;
	v14 =	vadd.s32 s29, v2;
	v21 =	vld.idx.msk [tilespmem:v17+s3+$0x0], vm0;
	v17 =	vor.u32 $0x80, v4  }
0xcd: {  	s25 =	sshrl.u32 s25, $0x1D;
	v8 =	vshrl.u32 v8, $0x10;
	v18 =	vmul.f32 v18, v10;
	v16 =	vnsel vm3, $0x0, v14;
	v14 =	vld.idx.msk [tilespmem:v15+s12+$0x0], vm2  }
0xce: {  	s24 =	sadd.s32 s25, s24;
	v23 =	vor.u32 $0x100, v12;
	v24 =	vor.u32 $0x100, v13;
	v8 =	vnsel vm2, $0x0, v8;
	v22 =	vld.idx.msk [tilespmem:v9+s3+$0x0], vm2  }
0xcf: {  	s30 =	simm.s32 $0x3;
	s24 =	sand.u32 $0xFFFFFFF8, s24;
	v15 =	vmul.f32 v19, v3;
	[tilespmem:v20+s19+$0x0] =	vst.idx.add.f32.msk vm4, v18;
	v20 =	vor.u32 $0x80, v6;
	v19 =	vshll.u32 v8, $0x2  }
0xd0: {  	p0 =	sgt.s32 s24, $0x8;
	v8 =	vand.u32 $0x7F, v8;
	v18 =	vld.idx.msk [tilespmem:v7+s3+$0x0], vm4;
	v7 =	vmov s30;
	v19 =	vand.u32 $0x3FE00, v19  }
.Ltmp9:
0xd1: {  	vm5 =	vlt.s32 v7, v1;
	v7 =	vadd.s32 s30, v2;
	v8 =	vor.u32 v8, v19;
	[tilespmem:v17+s19+$0x0] =	vst.idx.add.f32.msk vm1, v15;
	(pc) =	sbr.rel @!p0 .LBB2_13-.Ltmp9, $4  }
0xd2: {  	s31 =	simm.s32 $0x2;
	v17 =	vld.idx.msk [tilespmem:v16+s11+$0x0], vm3;
	v25 =	vmul.f32 v21, v5;
	v15 =	vnsel vm5, $0x0, v7  }
0xd3: {  	v26 =	vmov s31;
	v7 =	vnsel vm2, $0x0, v14;
	v21 =	vor.u32 $0x80, v9;
	v19 =	vld.idx.msk [tilespmem:v23+s3+$0x0], vm1  }
0xd4: {  	vm6 =	vlt.s32 v26, v1;
	s26 =	simm.s32 $0x1;
	v14 =	vadd.s32 s31, v2;
	v22 =	vmul.f32 v7, v22;
	[tilespmem:v20+s19+$0x0] =	vst.idx.add.f32.msk vm0, v25  }
0xd5: {  	s25 =	simm.s32 $0x8;
	v23 =	vmov s26;
	v14 =	vnsel vm6, $0x0, v14;
	v20 =	vld.idx.msk [tilespmem:v24+s3+$0x0], vm0  }
.LBB2_12:
0xd6: {  	v24 =	vmov s25;
	vm7 =	vlt.s32 v23, v1;
	v23 =	vadd.s32 s26, v2;
	[tilespmem:v8+s19+$0x0] =	vst.idx.add.f32.msk vm2, v22  }
0xd7: {  	v22 =	vadd.s32 s25, v2;
	vm8 =	vlt.s32 v24, v1;
	v23 =	vnsel vm7, $0x0, v23;
	v24 =	vld.idx.msk [tilespmem:v15+s11+$0x0], vm5  }
0xd8: {  	v25 =	vor.u32 $0x180, v11;
	v11 =	vand.u32 $0xFFFF, v17;
	v22 =	vnsel vm8, $0x0, v22;
	v21 =	vld.idx.msk [tilespmem:v21+s3+$0x0], vm2  }
0xd9: {  	v18 =	vmul.f32 v18, v10;
	v27 =	vor.u32 $0x180, v12;
	v10 =	vnsel vm3, $0x0, v11;
	v26 =	vld.idx.msk [tilespmem:v16+s12+$0x0], vm3  }
0xda: {  	v29 =	vor.u32 $0x100, v4;
	v19 =	vmul.f32 v19, v3;
	v11 =	vshll.u32 v10, $0x2;
	v28 =	vld.idx.msk [tilespmem:v14+s11+$0x0], vm6  }
0xdb: {  	v30 =	vor.u32 $0x180, v13;
	v10 =	vand.u32 $0x7F, v10;
	v11 =	vand.u32 $0x3FE00, v11  }
0xdc: {  	v32 =	vor.u32 $0x100, v6;
	v20 =	vmul.f32 v20, v5;
	v16 =	vor.u32 v10, v11;
	v31 =	vld.idx.msk [tilespmem:v23+s11+$0x0], vm7  }
0xdd: {  	v33 =	vor.u32 $0x80, v8;
	v34 =	vor.u32 $0x100, v9;
	v12 =	vand.u32 $0xFFFF, v24;
	v10 =	vld.idx.msk [tilespmem:v22+s12+$0x0], vm8  }
0xde: {  	v17 =	vshrl.u32 v17, $0x10;
	v13 =	vnsel vm5, $0x0, v12;
	v21 =	vmul.f32 v21, v7;
	v11 =	vld.idx.msk [tilespmem:v22+s11+$0x0], vm8  }
0xdf: {  	v17 =	vnsel vm3, $0x0, v17;
	v12 =	vnsel vm3, $0x0, v26;
	[tilespmem:v25+s19+$0x0] =	vst.idx.add.f32.msk vm4, v18;
	v18 =	vshll.u32 v13, $0x2  }
0xe0: {  	v22 =	vand.u32 $0xFFFF, v28;
	v13 =	vand.u32 $0x7F, v13;
	v18 =	vand.u32 $0x3FE00, v18;
	[tilespmem:v29+s19+$0x0] =	vst.idx.add.f32.msk vm1, v19  }
0xe1: {  	v25 =	vand.u32 $0x7F, v17;
	v19 =	vnsel vm6, $0x0, v22;
	v18 =	vor.u32 v13, v18;
	v22 =	vld.idx.msk [tilespmem:v16+s3+$0x0], vm3  }
0xe2: {  	v17 =	vshll.u32 v17, $0x2;
	v26 =	vand.u32 $0xFFFF, v31;
	v29 =	vshll.u32 v19, $0x2;
	v13 =	vld.idx.msk [tilespmem:v27+s3+$0x0], vm1  }
0xe3: {  	v19 =	vand.u32 $0x7F, v19;
	v26 =	vnsel vm7, $0x0, v26;
	v27 =	vand.u32 $0x3FE00, v29;
	v29 =	vld.idx.msk [tilespmem:v15+s12+$0x0], vm5  }
0xe4: {  	v17 =	vand.u32 $0x3FE00, v17;
	v15 =	vshll.u32 v26, $0x2;
	v19 =	vor.u32 v19, v27;
	[tilespmem:v32+s19+$0x0] =	vst.idx.add.f32.msk vm0, v20  }
0xe5: {  	v24 =	vshrl.u32 v24, $0x10;
	v20 =	vand.u32 $0x7F, v26;
	v26 =	vand.u32 $0x3FE00, v15;
	v15 =	vld.idx.msk [tilespmem:v30+s3+$0x0], vm0  }
0xe6: {  	v24 =	vnsel vm5, $0x0, v24;
	v17 =	vor.u32 v25, v17;
	v20 =	vor.u32 v20, v26;
	v26 =	vld.idx.msk [tilespmem:v18+s3+$0x0], vm5  }
0xe7: {  	v25 =	vshll.u32 v24, $0x2;
	v27 =	vor.u32 $0x80, v16;
	v22 =	vmul.f32 v12, v22;
	[tilespmem:v33+s19+$0x0] =	vst.idx.add.f32.msk vm2, v21  }
0xe8: {  	v24 =	vand.u32 $0x7F, v24;
	v25 =	vand.u32 $0x3FE00, v25;
	v21 =	vld.idx.msk [tilespmem:v14+s12+$0x0], vm6;
	v14 =	vshrl.u32 v28, $0x10  }
0xe9: {  	v24 =	vor.u32 v24, v25;
	v28 =	vnsel vm6, $0x0, v14;
	v30 =	vld.idx.msk [tilespmem:v19+s3+$0x0], vm6;
	v14 =	vnsel vm5, $0x0, v29  }
0xea: {  	v25 =	vshrl.u32 v31, $0x10;
	v31 =	vor.u32 $0x80, v18;
	v23 =	vld.idx.msk [tilespmem:v23+s12+$0x0], vm7;
	v29 =	vshll.u32 v28, $0x2  }
0xeb: {  	v25 =	vnsel vm7, $0x0, v25;
	v28 =	vand.u32 $0x7F, v28;
	v32 =	vld.idx.msk [tilespmem:v20+s3+$0x0], vm7;
	v29 =	vand.u32 $0x3FE00, v29  }
0xec: {  	v33 =	vshll.u32 v25, $0x2;
	v26 =	vmul.f32 v14, v26;
	v28 =	vor.u32 v28, v29;
	v29 =	vld.idx.msk [tilespmem:v34+s3+$0x0], vm2  }
0xed: {  	v25 =	vand.u32 $0x7F, v25;
	v33 =	vand.u32 $0x3FE00, v33;
	v34 =	vor.u32 $0x80, v19;
	[tilespmem:v17+s19+$0x0] =	vst.idx.add.f32.msk vm3, v22  }
0xee: {  	vm4 =	vmmov vm8;
	v22 =	vor.u32 v25, v33;
	v21 =	vnsel vm6, $0x0, v21;
	v25 =	vld.idx.msk [tilespmem:v27+s3+$0x0], vm3  }
0xef: {  	v27 =	vor.u32 $0x80, v20;
	v30 =	vmul.f32 v21, v30;
	[tilespmem:v24+s19+$0x0] =	vst.idx.add.f32.msk vm5, v26  }
0xf0: {  	v23 =	vnsel vm7, $0x0, v23;
	v26 =	vld.idx.msk [tilespmem:v31+s3+$0x0], vm5;
	v31 =	vor.u32 $0x100, v8  }
0xf1: {  	v32 =	vmul.f32 v23, v32;
	[tilespmem:v28+s19+$0x0] =	vst.idx.add.f32.msk vm6, v30;
	v30 =	vor.u32 $0x80, v17  }
0xf2: {  	v33 =	vld.idx.msk [tilespmem:v34+s3+$0x0], vm6;
	v34 =	vor.u32 $0x100, v16  }
0xf3: {  	v29 =	vmul.f32 v29, v7;
	[tilespmem:v22+s19+$0x0] =	vst.idx.add.f32.msk vm7, v32;
	v32 =	vor.u32 $0x80, v24  }
0xf4: {  	v35 =	vor.u32 $0x100, v18;
	v25 =	vmul.f32 v25, v12;
	v27 =	vld.idx.msk [tilespmem:v27+s3+$0x0], vm7  }
0xf5: {  	v36 =	vor.u32 $0x80, v28;
	[tilespmem:v31+s19+$0x0] =	vst.idx.add.f32.msk vm2, v29  }
0xf6: {  	v29 =	vor.u32 $0x100, v19;
	v26 =	vmul.f32 v26, v14;
	[tilespmem:v30+s19+$0x0] =	vst.idx.add.f32.msk vm3, v25  }
0xf7: {  	v25 =	vor.u32 $0x80, v22;
	v30 =	vld.idx.msk [tilespmem:v34+s3+$0x0], vm3  }
0xf8: {  	v31 =	vor.u32 $0x100, v20;
	v33 =	vmul.f32 v33, v21;
	[tilespmem:v32+s19+$0x0] =	vst.idx.add.f32.msk vm5, v26  }
0xf9: {  	v9 =	vor.u32 $0x180, v9;
	v26 =	vld.idx.msk [tilespmem:v35+s3+$0x0], vm5  }
0xfa: {  	v32 =	vor.u32 $0x100, v17;
	v27 =	vmul.f32 v27, v23;
	[tilespmem:v36+s19+$0x0] =	vst.idx.add.f32.msk vm6, v33  }
0xfb: {  	v16 =	vor.u32 $0x180, v16;
	v29 =	vld.idx.msk [tilespmem:v29+s3+$0x0], vm6  }
0xfc: {  	[tilespmem:v25+s19+$0x0] =	vst.idx.add.f32.msk vm7, v27;
	v25 =	vor.u32 $0x100, v24  }
0xfd: {  	v18 =	vor.u32 $0x180, v18;
	v30 =	vmul.f32 v30, v12;
	v27 =	vld.idx.msk [tilespmem:v31+s3+$0x0], vm7  }
0xfe: {  	v31 =	vor.u32 $0x100, v28;
	v9 =	vld.idx.msk [tilespmem:v9+s3+$0x0], vm2  }
0xff: {  	s26 =	sadd.s32 $0x7, s25;
	v19 =	vor.u32 $0x180, v19;
	v26 =	vmul.f32 v26, v14;
	[tilespmem:v32+s19+$0x0] =	vst.idx.add.f32.msk vm3, v30  }
0x100: {  	v33 =	vor.u32 $0x100, v22;
	v30 =	vmov s26;
	v32 =	vadd.s32 s26, v2;
	v16 =	vld.idx.msk [tilespmem:v16+s3+$0x0], vm3  }
0x101: {  	v20 =	vor.u32 $0x180, v20;
	vm8 =	vlt.s32 v30, v1;
	v29 =	vmul.f32 v29, v21;
	[tilespmem:v25+s19+$0x0] =	vst.idx.add.f32.msk vm5, v26  }
0x102: {  	v25 =	vnsel vm8, $0x0, v32;
	v18 =	vld.idx.msk [tilespmem:v18+s3+$0x0], vm5  }
0x103: {  	v4 =	vor.u32 $0x180, v4;
	v26 =	vmul.f32 v27, v23;
	[tilespmem:v31+s19+$0x0] =	vst.idx.add.f32.msk vm6, v29  }
0x104: {  	v6 =	vor.u32 $0x180, v6;
	v19 =	vld.idx.msk [tilespmem:v19+s3+$0x0], vm6  }
0x105: {  	v8 =	vor.u32 $0x180, v8;
	v27 =	vand.u32 $0xFFFF, v11;
	[tilespmem:v33+s19+$0x0] =	vst.idx.add.f32.msk vm7, v26  }
0x106: {  	v3 =	vmul.f32 v13, v3;
	v17 =	vor.u32 $0x180, v17;
	v26 =	vnsel vm4, $0x0, v27;
	v20 =	vld.idx.msk [tilespmem:v20+s3+$0x0], vm7  }
0x107: {  	v5 =	vmul.f32 v15, v5;
	v24 =	vor.u32 $0x180, v24;
	v13 =	vand.u32 $0x7F, v26;
	v27 =	vld.idx.msk [tilespmem:v25+s11+$0x0], vm8  }
0x108: {  	v7 =	vmul.f32 v9, v7;
	v15 =	vshll.u32 v26, $0x2;
	v26 =	vor.u32 $0x180, v28;
	[tilespmem:v4+s19+$0x0] =	vst.idx.add.f32.msk vm1, v3  }
0x109: {  	v9 =	vmul.f32 v16, v12;
	v3 =	vand.u32 $0x3FE00, v15;
	v4 =	vor.u32 $0x180, v22;
	[tilespmem:v6+s19+$0x0] =	vst.idx.add.f32.msk vm0, v5  }
0x10a: {  	s26 =	sadd.s32 $0x6, s25;
	vm1 =	vmmov vm8;
	v15 =	vor.u32 v13, v3;
	v3 =	vmul.f32 v18, v14;
	[tilespmem:v8+s19+$0x0] =	vst.idx.add.f32.msk vm2, v7  }
0x10b: {  	v5 =	vmov s26;
	v6 =	vmul.f32 v19, v21;
	[tilespmem:v17+s19+$0x0] =	vst.idx.add.f32.msk vm3, v9  }
0x10c: {  	vm0 =	vlt.s32 v5, v1;
	v5 =	vadd.s32 s26, v2;
	v7 =	vmul.f32 v20, v23;
	[tilespmem:v24+s19+$0x0] =	vst.idx.add.f32.msk vm5, v3  }
0x10d: {  	v3 =	vnsel vm0, $0x0, v5;
	[tilespmem:v26+s19+$0x0] =	vst.idx.add.f32.msk vm6, v6  }
0x10e: {  	[tilespmem:v4+s19+$0x0] =	vst.idx.add.f32.msk vm7, v7  }
0x10f: {  	v4 =	vld.idx.msk [tilespmem:v15+s3+$0x0], vm4  }
0x110: {  	v5 =	vshrl.u32 v11, $0x10  }
0x111: {  	v5 =	vnsel vm4, $0x0, v5  }
0x112: {  	v6 =	vshll.u32 v5, $0x2;
	v7 =	vld.idx.msk [tilespmem:v3+s11+$0x0], vm0  }
0x113: {  	v8 =	vand.u32 $0xFFFF, v27;
	v5 =	vand.u32 $0x7F, v5;
	v6 =	vand.u32 $0x3FE00, v6  }
0x114: {  	v10 =	vnsel vm4, $0x0, v10;
	v11 =	vor.u32 v5, v6;
	v5 =	vnsel vm1, $0x0, v8  }
0x115: {  	s26 =	sadd.s32 $0x5, s25;
	v6 =	vor.u32 $0x80, v15;
	v8 =	vshll.u32 v5, $0x2;
	v4 =	vmul.f32 v10, v4  }
0x116: {  	v9 =	vmov s26;
	v5 =	vand.u32 $0x7F, v5;
	v8 =	vand.u32 $0x3FE00, v8  }
0x117: {  	vm2 =	vlt.s32 v9, v1;
	v9 =	vadd.s32 s26, v2;
	v12 =	vor.u32 v5, v8  }
0x118: {  	v8 =	vnsel vm2, $0x0, v9;
	v5 =	vand.u32 $0xFFFF, v7  }
0x119: {  	[tilespmem:v11+s19+$0x0] =	vst.idx.add.f32.msk vm4, v4;
	v4 =	vnsel vm0, $0x0, v5  }
0x11a: {  	v5 =	vld.idx.msk [tilespmem:v6+s3+$0x0], vm4;
	v6 =	vshll.u32 v4, $0x2  }
0x11b: {  	v4 =	vand.u32 $0x7F, v4;
	v6 =	vand.u32 $0x3FE00, v6;
	v9 =	vld.idx.msk [tilespmem:v25+s12+$0x0], vm1  }
0x11c: {  	v13 =	vor.u32 v4, v6;
	v4 =	vshrl.u32 v27, $0x10;
	v6 =	vld.idx.msk [tilespmem:v12+s3+$0x0], vm1  }
0x11d: {  	v14 =	vld.idx.msk [tilespmem:v8+s11+$0x0], vm2;
	v4 =	vnsel vm1, $0x0, v4  }
0x11e: {  	v16 =	vor.u32 $0x80, v11;
	v17 =	vshll.u32 v4, $0x2  }
0x11f: {  	v18 =	vor.u32 $0x100, v15;
	v4 =	vand.u32 $0x7F, v4;
	v17 =	vand.u32 $0x3FE00, v17  }
0x120: {  	v5 =	vmul.f32 v5, v10;
	v19 =	vld.idx.msk [tilespmem:v3+s12+$0x0], vm0;
	v3 =	vshrl.u32 v7, $0x10;
	v4 =	vor.u32 v4, v17  }
0x121: {  	v7 =	vnsel vm0, $0x0, v3;
	v17 =	vld.idx.msk [tilespmem:v13+s3+$0x0], vm0;
	v3 =	vnsel vm1, $0x0, v9;
	v9 =	vor.u32 $0x80, v12  }
0x122: {  	v20 =	vshll.u32 v7, $0x2;
	v21 =	vmul.f32 v3, v6  }
0x123: {  	v6 =	vand.u32 $0x7F, v7;
	[tilespmem:v16+s19+$0x0] =	vst.idx.add.f32.msk vm4, v5;
	v5 =	vand.u32 $0xFFFF, v14;
	v7 =	vand.u32 $0x3FE00, v20  }
0x124: {  	v16 =	vld.idx.msk [tilespmem:v18+s3+$0x0], vm4;
	v5 =	vnsel vm2, $0x0, v5;
	v6 =	vor.u32 v6, v7  }
0x125: {  	v18 =	vor.u32 $0x80, v13;
	v7 =	vshll.u32 v5, $0x2;
	[tilespmem:v4+s19+$0x0] =	vst.idx.add.f32.msk vm1, v21  }
0x126: {  	v20 =	vand.u32 $0x7F, v5;
	v5 =	vnsel vm0, $0x0, v19;
	v7 =	vand.u32 $0x3FE00, v7;
	v19 =	vld.idx.msk [tilespmem:v9+s3+$0x0], vm1  }
0x127: {  	v9 =	vor.u32 v20, v7;
	v7 =	vmul.f32 v5, v17  }
0x128: {  	s26 =	sadd.s32 $0x4, s25;
	v17 =	vor.u32 $0x100, v11  }
0x129: {  	v15 =	vor.u32 $0x180, v15;
	v20 =	vmov s26;
	[tilespmem:v6+s19+$0x0] =	vst.idx.add.f32.msk vm0, v7  }
0x12a: {  	v21 =	vor.u32 $0x80, v4;
	vm3 =	vlt.s32 v20, v1;
	v7 =	vadd.s32 s26, v2;
	v20 =	vld.idx.msk [tilespmem:v18+s3+$0x0], vm0  }
0x12b: {  	v18 =	vmul.f32 v16, v10;
	v16 =	vnsel vm3, $0x0, v7;
	v7 =	vld.idx.msk [tilespmem:v8+s12+$0x0], vm2;
	v8 =	vshrl.u32 v14, $0x10  }
0x12c: {  	v22 =	vor.u32 $0x100, v12;
	v19 =	vmul.f32 v19, v3;
	v8 =	vnsel vm2, $0x0, v8;
	v14 =	vld.idx.msk [tilespmem:v9+s3+$0x0], vm2  }
0x12d: {  	v24 =	vor.u32 $0x100, v13;
	v23 =	vor.u32 $0x80, v6;
	s26 =	sadd.s32 $0x3, s25;
	[tilespmem:v17+s19+$0x0] =	vst.idx.add.f32.msk vm4, v18;
	v17 =	vshll.u32 v8, $0x2  }
0x12e: {  	v18 =	vld.idx.msk [tilespmem:v15+s3+$0x0], vm4;
	v15 =	vmov s26  }
0x12f: {  	s28 =	sadd.s32 $0x2, s25;
	vm5 =	vlt.s32 v15, v1;
	v15 =	vadd.s32 s26, v2;
	s26 =	sadd.s32 $0x1, s25;
	s25 =	sadd.s32 $0x8, s25  }
0x130: {  	v8 =	vand.u32 $0x7F, v8;
	v17 =	vand.u32 $0x3FE00, v17;
	p0 =	slt.s32 s25, s24  }
.Ltmp10:
0x131: {  	v8 =	vor.u32 v8, v17;
	[tilespmem:v21+s19+$0x0] =	vst.idx.add.f32.msk vm1, v19;
	(pc) =	sbr.rel @p0 .LBB2_12-.Ltmp10, $4  }
0x132: {  	v20 =	vmul.f32 v20, v5;
	v15 =	vnsel vm5, $0x0, v15;
	v17 =	vld.idx.msk [tilespmem:v16+s11+$0x0], vm3  }
0x133: {  	v25 =	vmov s28;
	v21 =	vor.u32 $0x80, v9;
	v7 =	vnsel vm2, $0x0, v7;
	v19 =	vld.idx.msk [tilespmem:v22+s3+$0x0], vm1  }
0x134: {  	vm6 =	vlt.s32 v25, v1;
	v25 =	vadd.s32 s28, v2;
	v22 =	vmul.f32 v7, v14;
	[tilespmem:v23+s19+$0x0] =	vst.idx.add.f32.msk vm0, v20  }
0x135: {  	v14 =	vnsel vm6, $0x0, v25;
	v23 =	vmov s26;
	v20 =	vld.idx.msk [tilespmem:v24+s3+$0x0], vm0  }
.LBB2_13:
0x136: {  	_ =	sdelay $0x3  }
0x137: {  	vm7 =	vlt.s32 v23, v1;
	v1 =	vadd.s32 s26, v2  }
0x138: {  	v2 =	vld.idx.msk [tilespmem:v15+s11+$0x0], vm5;
	v11 =	vor.u32 $0x180, v11;
	v10 =	vmul.f32 v18, v10;
	v12 =	vor.u32 $0x180, v12  }
0x139: {  	v16 =	vld.idx.msk [tilespmem:v16+s12+$0x0], vm3;
	v41 =	vor.u32 $0x100, v4;
	v13 =	vor.u32 $0x180, v13;
	v42 =	vor.u32 $0x100, v6  }
0x13a: {  	v24 =	vld.idx.msk [tilespmem:v14+s11+$0x0], vm6;
	v27 =	vor.u32 $0x80, v8;
	v28 =	vor.u32 $0x100, v9;
	v39 =	vand.u32 $0xFFFF, v17  }
0x13b: {  	[tilespmem:v8+s19+$0x0] =	vst.idx.add.f32.msk vm2, v22;
	v1 =	vnsel vm7, $0x0, v1;
	v43 =	vshrl.u32 v17, $0x10;
	v40 =	vnsel vm3, $0x0, v39  }
0x13c: {  	v21 =	vld.idx.msk [tilespmem:v21+s3+$0x0], vm2;
	v19 =	vmul.f32 v19, v3;
	v45 =	vnsel vm3, $0x0, v43;
	v22 =	vshll.u32 v40, $0x2  }
0x13d: {  	v18 =	vand.u32 $0x7F, v40;
	v48 =	vand.u32 $0x7F, v45;
	v22 =	vand.u32 $0x3FE00, v22  }
0x13e: {  	v50 =	vld.idx.msk [tilespmem:v15+s12+$0x0], vm5;
	v20 =	vmul.f32 v20, v5;
	v18 =	vor.u32 v18, v22;
	v26 =	vand.u32 $0xFFFF, v2  }
0x13f: {  	[tilespmem:v11+s19+$0x0] =	vst.idx.add.f32.msk vm4, v10;
	v11 =	vnsel vm3, $0x0, v16;
	v46 =	vand.u32 $0xFFFF, v24;
	v16 =	vshll.u32 v45, $0x2  }
0x140: {  	v2 =	vshrl.u32 v2, $0x10;
	v57 =	vshrl.u32 v24, $0x10;
	v25 =	vld.idx.msk [tilespmem:v1+s11+$0x0], vm7;
	v26 =	vnsel vm5, $0x0, v26  }
0x141: {  	v56 =	vld.idx.msk [tilespmem:v14+s12+$0x0], vm6;
	v21 =	vmul.f32 v21, v7;
	v17 =	vnsel vm6, $0x0, v46;
	v44 =	vshll.u32 v26, $0x2  }
0x142: {  	[tilespmem:v41+s19+$0x0] =	vst.idx.add.f32.msk vm1, v19;
	v26 =	vand.u32 $0x7F, v26;
	v29 =	vshll.u32 v17, $0x2;
	v10 =	vand.u32 $0x3FE00, v44  }
0x143: {  	v12 =	vld.idx.msk [tilespmem:v12+s3+$0x0], vm1;
	v17 =	vand.u32 $0x7F, v17;
	v29 =	vand.u32 $0x3FE00, v29;
	v10 =	vor.u32 v26, v10  }
0x144: {  	v16 =	vand.u32 $0x3FE00, v16;
	[tilespmem:v42+s19+$0x0] =	vst.idx.add.f32.msk vm0, v20;
	v2 =	vnsel vm5, $0x0, v2;
	v17 =	vor.u32 v17, v29  }
0x145: {  	v55 =	vor.u32 $0x80, v18;
	v16 =	vor.u32 v48, v16;
	v47 =	vld.idx.msk [tilespmem:v18+s3+$0x0], vm3;
	v49 =	vand.u32 $0xFFFF, v25  }
0x146: {  	v1 =	vld.idx.msk [tilespmem:v1+s12+$0x0], vm7;
	v54 =	vshll.u32 v2, $0x2;
	v2 =	vand.u32 $0x7F, v2;
	v26 =	vnsel vm7, $0x0, v49  }
0x147: {  	[tilespmem:v27+s19+$0x0] =	vst.idx.add.f32.msk vm2, v21;
	v23 =	vand.u32 $0x3FE00, v54;
	v21 =	vnsel vm6, $0x0, v57;
	v30 =	vshll.u32 v26, $0x2  }
0x148: {  	v2 =	vor.u32 v2, v23;
	v51 =	vand.u32 $0x7F, v26;
	v52 =	vand.u32 $0x3FE00, v30;
	v53 =	vld.idx.msk [tilespmem:v10+s3+$0x0], vm5  }
0x149: {  	v60 =	vshll.u32 v21, $0x2;
	v21 =	vand.u32 $0x7F, v21;
	v58 =	vld.idx.msk [tilespmem:v17+s3+$0x0], vm6;
	v20 =	vor.u32 v51, v52  }
0x14a: {  	v13 =	vld.idx.msk [tilespmem:v13+s3+$0x0], vm0;
	v59 =	vshrl.u32 v25, $0x10;
	v25 =	vand.u32 $0x3FE00, v60;
	v19 =	vmul.f32 v11, v47  }
0x14b: {  	v33 =	vld.idx.msk [tilespmem:v28+s3+$0x0], vm2;
	v21 =	vor.u32 v21, v25  }
0x14c: {  	v15 =	vnsel vm5, $0x0, v50;
	v14 =	vnsel vm6, $0x0, v56;
	v61 =	vor.u32 $0x80, v10;
	[tilespmem:v16+s19+$0x0] =	vst.idx.add.f32.msk vm3, v19  }
0x14d: {  	v35 =	vor.u32 $0x80, v17;
	v23 =	vnsel vm7, $0x0, v59;
	v37 =	vld.idx.msk [tilespmem:v55+s3+$0x0], vm3;
	v22 =	vmul.f32 v15, v53  }
0x14e: {  	v39 =	vor.u32 $0x100, v8;
	v63 =	vshll.u32 v23, $0x2;
	v24 =	vmul.f32 v14, v58;
	v62 =	vld.idx.msk [tilespmem:v20+s3+$0x0], vm7  }
0x14f: {  	v41 =	vor.u32 $0x80, v16;
	v23 =	vand.u32 $0x7F, v23;
	v34 =	vand.u32 $0x3FE00, v63;
	[tilespmem:v2+s19+$0x0] =	vst.idx.add.f32.msk vm5, v22  }
0x150: {  	v36 =	vor.u32 v23, v34;
	[tilespmem:v21+s19+$0x0] =	vst.idx.add.f32.msk vm6, v24  }
0x151: {  	v25 =	vmul.f32 v33, v7;
	v38 =	vor.u32 $0x80, v20;
	v22 =	vld.idx.msk [tilespmem:v61+s3+$0x0], vm5  }
0x152: {  	v43 =	vor.u32 $0x100, v18;
	v1 =	vnsel vm7, $0x0, v1;
	v42 =	vld.idx.msk [tilespmem:v35+s3+$0x0], vm6;
	v23 =	vmul.f32 v37, v11  }
0x153: {  	v44 =	vor.u32 $0x80, v2;
	[tilespmem:v39+s19+$0x0] =	vst.idx.add.f32.msk vm2, v25;
	v40 =	vmul.f32 v1, v62  }
0x154: {  	v32 =	vor.u32 $0x80, v21;
	[tilespmem:v41+s19+$0x0] =	vst.idx.add.f32.msk vm3, v23  }
0x155: {  	v31 =	vor.u32 $0x100, v10;
	[tilespmem:v36+s19+$0x0] =	vst.idx.add.f32.msk vm7, v40  }
0x156: {  	v45 =	vor.u32 $0x100, v17;
	v22 =	vmul.f32 v22, v15;
	v26 =	vld.idx.msk [tilespmem:v38+s3+$0x0], vm7  }
0x157: {  	v48 =	vor.u32 $0x180, v9;
	v24 =	vld.idx.msk [tilespmem:v43+s3+$0x0], vm3;
	v29 =	vmul.f32 v42, v14  }
0x158: {  	v46 =	vor.u32 $0x80, v36;
	[tilespmem:v44+s19+$0x0] =	vst.idx.add.f32.msk vm5, v22  }
0x159: {  	v47 =	vor.u32 $0x100, v20;
	[tilespmem:v32+s19+$0x0] =	vst.idx.add.f32.msk vm6, v29  }
0x15a: {  	v49 =	vor.u32 $0x100, v16;
	v22 =	vld.idx.msk [tilespmem:v31+s3+$0x0], vm5  }
0x15b: {  	v18 =	vor.u32 $0x180, v18;
	v25 =	vld.idx.msk [tilespmem:v45+s3+$0x0], vm6;
	v26 =	vmul.f32 v26, v1  }
0x15c: {  	v50 =	vor.u32 $0x100, v2;
	v9 =	vld.idx.msk [tilespmem:v48+s3+$0x0], vm2  }
0x15d: {  	v51 =	vor.u32 $0x100, v21;
	v24 =	vmul.f32 v24, v11;
	[tilespmem:v46+s19+$0x0] =	vst.idx.add.f32.msk vm7, v26  }
0x15e: {  	v10 =	vor.u32 $0x180, v10;
	v26 =	vld.idx.msk [tilespmem:v47+s3+$0x0], vm7  }
0x15f: {  	v17 =	vor.u32 $0x180, v17;
	[tilespmem:v49+s19+$0x0] =	vst.idx.add.f32.msk vm3, v24;
	v22 =	vmul.f32 v22, v15  }
0x160: {  	v52 =	vor.u32 $0x100, v36;
	v18 =	vld.idx.msk [tilespmem:v18+s3+$0x0], vm3;
	v25 =	vmul.f32 v25, v14  }
0x161: {  	v20 =	vor.u32 $0x180, v20;
	[tilespmem:v50+s19+$0x0] =	vst.idx.add.f32.msk vm5, v22  }
0x162: {  	v55 =	vor.u32 $0x180, v6;
	[tilespmem:v51+s19+$0x0] =	vst.idx.add.f32.msk vm6, v25  }
0x163: {  	v53 =	vor.u32 $0x180, v4;
	v10 =	vld.idx.msk [tilespmem:v10+s3+$0x0], vm5;
	v54 =	vmul.f32 v26, v1  }
0x164: {  	v56 =	vor.u32 $0x180, v8;
	v17 =	vld.idx.msk [tilespmem:v17+s3+$0x0], vm6  }
0x165: {  	v16 =	vor.u32 $0x180, v16;
	v58 =	vmul.f32 v13, v5;
	[tilespmem:v52+s19+$0x0] =	vst.idx.add.f32.msk vm7, v54  }
0x166: {  	v3 =	vmul.f32 v12, v3;
	v2 =	vor.u32 $0x180, v2;
	v57 =	vld.idx.msk [tilespmem:v20+s3+$0x0], vm7  }
0x167: {  	v59 =	vor.u32 $0x180, v21;
	v60 =	vmul.f32 v9, v7;
	[tilespmem:v55+s19+$0x0] =	vst.idx.add.f32.msk vm0, v58  }
0x168: {  	[tilespmem:v53+s19+$0x0] =	vst.idx.add.f32.msk vm1, v3;
	v3 =	vor.u32 $0x180, v36;
	v61 =	vmul.f32 v18, v11  }
0x169: {  	[tilespmem:v56+s19+$0x0] =	vst.idx.add.f32.msk vm2, v60;
	v62 =	vmul.f32 v10, v15  }
0x16a: {  	[tilespmem:v16+s19+$0x0] =	vst.idx.add.f32.msk vm3, v61;
	v63 =	vmul.f32 v17, v14  }
0x16b: {  	[tilespmem:v2+s19+$0x0] =	vst.idx.add.f32.msk vm5, v62;
	v1 =	vmul.f32 v57, v1  }
0x16c: {  	[tilespmem:v59+s19+$0x0] =	vst.idx.add.f32.msk vm6, v63  }
0x16d: {  	[tilespmem:v3+s19+$0x0] =	vst.idx.add.f32.msk vm7, v1  }
.LBB2_14:
0x16e: {  	p0 =	seq.s32 s22, $0xF  }
0x16f: {  	s24 =	smul.u32 @!p0 $0x4E20, s22;
	_ =	sdelay $0x1  }
0x170: {  	s24 =	sshrl.u32 @!p0 s24, $0x3  }
0x171: {  	s24 =	sadd.s32 @!p0 $0x9C4, s24  }
0x172: {  	s26 =	simm.s32 @!p0 $0x0;
	s28 =	simm.s32 @!p0 $0x13C00;
	s25 =	sadd.s32 @!p0 s2, s24  }
0x173: {  	[tilespmem:s28], [sflag:$0x2] =	stream.linear.gather @!p0 [hbm4b:s25+s26], $0x2710, $0x38;
	[tilespmem:$0x1DC00] =	vst v63  }
0x174: {  	s24 =	sadd.s32 @!p0 s4, s24;
	s25 =	simm.s32 @!p0 $0x18B00  }
0x175: {  	[tilespmem:s25], [sflag:$0x2] =	stream.linear.gather @!p0 [hbm4b:s24+s26], $0x2710, $0x38;
	[tilespmem:$0x1DC00] =	vst v63  }
0x176: {  	_ =	swait.ge [sflag:s20], $0x2710  }
0x177: {  	[sflag:s20] =	ssyncset.done $0x0  }
0x178: {  	[sflag:s20] =	ssyncadd.s32 $0xFFFFD8F0  }
0x179: {  	_ =	swait.ge [sflag:s20], $0x2710  }
0x17a: {  	s23 =	sshll.u32 s23, $0x4;
	[sflag:s20] =	ssyncset.done $0x0  }
0x17b: {  	s23 =	sand.u32 $0x3FFFFFF0, s23;
	[sflag:s20] =	ssyncadd.s32 $0xFFFFD8F0  }
0x17c: {  	v1 =	vld [tilespmem:s23+$0x1DA00];
	_ =	sdelay $0x4  }
0x17d: {  	(xrf0) =	vadd.scan.msk.s32 $0xffff, v1;
	v2 =	vxor.u32 $0x80000000, v1  }
0x17e: {  	(xrf0) =	vmax.scan.msk.u32 $0xffff, v2;
	_ =	sdelay $0x4  }
0x17f: {  	v2, _, _ =	vpop (xrf0)  }
0x180: {  	v3, _, _ =	vpop (xrf0)  }
0x181: {  	(v2sf) =	vpush v3, $0xF;
	_ =	sdelay $0xe  }
0x182: {  	s31 =	spop (v2sf)  }
0x183: {  	s23 =	sxor.u32 $0x80000000, s31  }
0x184: {  	p0 =	slt.s32 s23, $0x1  }
.Ltmp11:
0x185: {  	_ = 	snop;
	(pc) =	sbr.rel @p0 .LBB2_18-.Ltmp11, $1  }
0x186: {  	_ =	sdelay $0x3  }
0x187: {  	s31 =	simm.s32 $0x0  }
0x188: {  	v2 =	vsub.s32 v2, v1;
	v3 =	vmov s31  }
0x189: {  	vm1 =	vlt.s32 v3, v1;
	v3 =	vadd.s32 s31, v2  }
0x18a: {  	v3 =	vnsel vm1, $0x0, v3;
	_ =	sdelay $0x4  }
0x18b: {  	v4 =	vld.idx.msk [tilespmem:v3+s16+$0x0], vm1;
	_ =	sdelay $0x3  }
0x18c: {  	s25 =	simm.s32 $0x7  }
0x18d: {  	v5 =	vmov s25;
	vm4 =	vmmov vm1;
	v6 =	vand.u32 $0xFFFF, v4  }
0x18e: {  	v7 =	vadd.s32 s25, v2;
	vm2 =	vlt.s32 v5, v1;
	v5 =	vnsel vm4, $0x0, v6  }
0x18f: {  	s26 =	simm.s32 $0x6;
	v6 =	vnsel vm2, $0x0, v7;
	v7 =	vshll.u32 v5, $0x2  }
0x190: {  	v8 =	vmov s26;
	v5 =	vand.u32 $0x7F, v5;
	v7 =	vand.u32 $0x3FE00, v7  }
0x191: {  	vm0 =	vlt.s32 v8, v1;
	v7 =	vor.u32 v5, v7;
	v5 =	vadd.s32 s26, v2  }
0x192: {  	v5 =	vnsel vm0, $0x0, v5  }
0x193: {  	v3 =	vld.idx.msk [tilespmem:v3+s17+$0x0], vm1  }
0x194: {  	v8 =	vld.idx.msk [tilespmem:v6+s16+$0x0], vm2  }
0x195: {  	v4 =	vshrl.u32 v4, $0x10  }
0x196: {  	v4 =	vnsel vm4, $0x0, v4  }
0x197: {  	v10 =	vshll.u32 v4, $0x2;
	v14 =	vld.idx.msk [tilespmem:v5+s16+$0x0], vm0  }
0x198: {  	v4 =	vand.u32 $0x7F, v4;
	v11 =	vand.u32 $0x3FE00, v10;
	v10 =	vnsel vm4, $0x0, v3;
	v9 =	vld.idx.msk [tilespmem:v7+s3+$0x0], vm1  }
0x199: {  	s28 =	simm.s32 $0x5;
	v11 =	vor.u32 v4, v11;
	vm1 =	vmmov vm2;
	v12 =	vand.u32 $0xFFFF, v8  }
0x19a: {  	v4 =	vor.u32 $0x80, v7;
	v3 =	vnsel vm1, $0x0, v12;
	v12 =	vmov s28  }
0x19b: {  	vm2 =	vlt.s32 v12, v1;
	v12 =	vadd.s32 s28, v2;
	v13 =	vshll.u32 v3, $0x2  }
0x19c: {  	v3 =	vand.u32 $0x7F, v3;
	v15 =	vnsel vm2, $0x0, v12;
	v12 =	vand.u32 $0xFFFF, v14  }
0x19d: {  	v9 =	vmul.f32 v10, v9;
	v13 =	vand.u32 $0x3FE00, v13;
	v16 =	vnsel vm0, $0x0, v12  }
0x19e: {  	v12 =	vor.u32 v3, v13;
	v3 =	vshll.u32 v16, $0x2  }
0x19f: {  	[tilespmem:v11+s19+$0x0] =	vst.idx.add.f32.msk vm4, v9;
	v9 =	vand.u32 $0x7F, v16;
	v3 =	vand.u32 $0x3FE00, v3  }
0x1a0: {  	v4 =	vld.idx.msk [tilespmem:v4+s3+$0x0], vm4;
	v13 =	vor.u32 v9, v3  }
0x1a1: {  	v3 =	vshrl.u32 v8, $0x10;
	v8 =	vld.idx.msk [tilespmem:v15+s16+$0x0], vm2  }
0x1a2: {  	v18 =	vor.u32 $0x100, v7;
	v6 =	vld.idx.msk [tilespmem:v6+s17+$0x0], vm1;
	v14 =	vshrl.u32 v14, $0x10;
	v3 =	vnsel vm1, $0x0, v3  }
0x1a3: {  	v14 =	vnsel vm0, $0x0, v14;
	v9 =	vor.u32 $0x80, v11;
	v16 =	vshll.u32 v3, $0x2;
	v17 =	vld.idx.msk [tilespmem:v12+s3+$0x0], vm1  }
0x1a4: {  	v5 =	vld.idx.msk [tilespmem:v5+s17+$0x0], vm0;
	v20 =	vor.u32 $0x80, v12;
	v3 =	vand.u32 $0x7F, v3;
	v16 =	vand.u32 $0x3FE00, v16  }
0x1a5: {  	v19 =	vmul.f32 v4, v10;
	v4 =	vor.u32 v3, v16;
	v3 =	vshll.u32 v14, $0x2;
	v16 =	vld.idx.msk [tilespmem:v13+s3+$0x0], vm0  }
0x1a6: {  	v14 =	vand.u32 $0x7F, v14;
	v21 =	vand.u32 $0xFFFF, v8;
	v22 =	vand.u32 $0x3FE00, v3  }
0x1a7: {  	v3 =	vnsel vm1, $0x0, v6;
	v21 =	vnsel vm2, $0x0, v21;
	v6 =	vor.u32 v14, v22  }
0x1a8: {  	[tilespmem:v9+s19+$0x0] =	vst.idx.add.f32.msk vm4, v19;
	v14 =	vmul.f32 v3, v17;
	v9 =	vshll.u32 v21, $0x2;
	v17 =	vor.u32 $0x80, v13  }
0x1a9: {  	v5 =	vnsel vm0, $0x0, v5;
	v18 =	vld.idx.msk [tilespmem:v18+s3+$0x0], vm4;
	v19 =	vand.u32 $0x7F, v21;
	v9 =	vand.u32 $0x3FE00, v9  }
0x1aa: {  	p0 =	slt.s32 s23, $0x2710;
	[tilespmem:v4+s19+$0x0] =	vst.idx.add.f32.msk vm1, v14;
	v9 =	vor.u32 v19, v9;
	v14 =	vmul.f32 v5, v16  }
0x1ab: {  	s29 =	simm.s32 $0x4;
	s23 =	simm.s32 @!p0 $0x2710;
	v19 =	vld.idx.msk [tilespmem:v20+s3+$0x0], vm1;
	v20 =	vor.u32 $0x100, v11  }
0x1ac: {  	s23 =	sadd.s32 $0x7, s23;
	v7 =	vor.u32 $0x180, v7;
	v16 =	vmov s29;
	[tilespmem:v6+s19+$0x0] =	vst.idx.add.f32.msk vm0, v14  }
0x1ad: {  	s24 =	sshra.s32 s23, $0x1F;
	vm3 =	vlt.s32 v16, v1;
	v14 =	vadd.s32 s29, v2;
	v21 =	vld.idx.msk [tilespmem:v17+s3+$0x0], vm0;
	v17 =	vor.u32 $0x80, v4  }
0x1ae: {  	s24 =	sshrl.u32 s24, $0x1D;
	v8 =	vshrl.u32 v8, $0x10;
	v18 =	vmul.f32 v18, v10;
	v16 =	vnsel vm3, $0x0, v14;
	v14 =	vld.idx.msk [tilespmem:v15+s17+$0x0], vm2  }
0x1af: {  	s23 =	sadd.s32 s24, s23;
	v23 =	vor.u32 $0x100, v12;
	v24 =	vor.u32 $0x100, v13;
	v8 =	vnsel vm2, $0x0, v8;
	v22 =	vld.idx.msk [tilespmem:v9+s3+$0x0], vm2  }
0x1b0: {  	s30 =	simm.s32 $0x3;
	s23 =	sand.u32 $0xFFFFFFF8, s23;
	v15 =	vmul.f32 v19, v3;
	[tilespmem:v20+s19+$0x0] =	vst.idx.add.f32.msk vm4, v18;
	v20 =	vor.u32 $0x80, v6;
	v19 =	vshll.u32 v8, $0x2  }
0x1b1: {  	p0 =	sgt.s32 s23, $0x8;
	v8 =	vand.u32 $0x7F, v8;
	v18 =	vld.idx.msk [tilespmem:v7+s3+$0x0], vm4;
	v7 =	vmov s30;
	v19 =	vand.u32 $0x3FE00, v19  }
.Ltmp12:
0x1b2: {  	vm5 =	vlt.s32 v7, v1;
	v7 =	vadd.s32 s30, v2;
	v8 =	vor.u32 v8, v19;
	[tilespmem:v17+s19+$0x0] =	vst.idx.add.f32.msk vm1, v15;
	(pc) =	sbr.rel @!p0 .LBB2_17-.Ltmp12, $4  }
0x1b3: {  	s31 =	simm.s32 $0x2;
	v17 =	vld.idx.msk [tilespmem:v16+s16+$0x0], vm3;
	v25 =	vmul.f32 v21, v5;
	v15 =	vnsel vm5, $0x0, v7  }
0x1b4: {  	v26 =	vmov s31;
	v7 =	vnsel vm2, $0x0, v14;
	v21 =	vor.u32 $0x80, v9;
	v19 =	vld.idx.msk [tilespmem:v23+s3+$0x0], vm1  }
0x1b5: {  	s25 =	simm.s32 $0x1;
	vm6 =	vlt.s32 v26, v1;
	v14 =	vadd.s32 s31, v2;
	v22 =	vmul.f32 v7, v22;
	[tilespmem:v20+s19+$0x0] =	vst.idx.add.f32.msk vm0, v25  }
0x1b6: {  	s24 =	simm.s32 $0x8;
	v23 =	vmov s25;
	v14 =	vnsel vm6, $0x0, v14;
	v20 =	vld.idx.msk [tilespmem:v24+s3+$0x0], vm0  }
.LBB2_16:
0x1b7: {  	v24 =	vmov s24;
	vm7 =	vlt.s32 v23, v1;
	v23 =	vadd.s32 s25, v2;
	[tilespmem:v8+s19+$0x0] =	vst.idx.add.f32.msk vm2, v22  }
0x1b8: {  	v22 =	vadd.s32 s24, v2;
	vm8 =	vlt.s32 v24, v1;
	v23 =	vnsel vm7, $0x0, v23;
	v24 =	vld.idx.msk [tilespmem:v15+s16+$0x0], vm5  }
0x1b9: {  	v25 =	vor.u32 $0x180, v11;
	v11 =	vand.u32 $0xFFFF, v17;
	v22 =	vnsel vm8, $0x0, v22;
	v21 =	vld.idx.msk [tilespmem:v21+s3+$0x0], vm2  }
0x1ba: {  	v18 =	vmul.f32 v18, v10;
	v27 =	vor.u32 $0x180, v12;
	v10 =	vnsel vm3, $0x0, v11;
	v26 =	vld.idx.msk [tilespmem:v16+s17+$0x0], vm3  }
0x1bb: {  	v19 =	vmul.f32 v19, v3;
	v29 =	vor.u32 $0x100, v4;
	v11 =	vshll.u32 v10, $0x2;
	v28 =	vld.idx.msk [tilespmem:v14+s16+$0x0], vm6  }
0x1bc: {  	v30 =	vor.u32 $0x180, v13;
	v10 =	vand.u32 $0x7F, v10;
	v11 =	vand.u32 $0x3FE00, v11  }
0x1bd: {  	v20 =	vmul.f32 v20, v5;
	v32 =	vor.u32 $0x100, v6;
	v16 =	vor.u32 v10, v11;
	v31 =	vld.idx.msk [tilespmem:v23+s16+$0x0], vm7  }
0x1be: {  	v33 =	vor.u32 $0x80, v8;
	v34 =	vor.u32 $0x100, v9;
	v12 =	vand.u32 $0xFFFF, v24;
	v10 =	vld.idx.msk [tilespmem:v22+s17+$0x0], vm8  }
0x1bf: {  	v17 =	vshrl.u32 v17, $0x10;
	v13 =	vnsel vm5, $0x0, v12;
	v21 =	vmul.f32 v21, v7;
	v11 =	vld.idx.msk [tilespmem:v22+s16+$0x0], vm8  }
0x1c0: {  	v17 =	vnsel vm3, $0x0, v17;
	v12 =	vnsel vm3, $0x0, v26;
	[tilespmem:v25+s19+$0x0] =	vst.idx.add.f32.msk vm4, v18;
	v18 =	vshll.u32 v13, $0x2  }
0x1c1: {  	v22 =	vand.u32 $0xFFFF, v28;
	v13 =	vand.u32 $0x7F, v13;
	v18 =	vand.u32 $0x3FE00, v18;
	[tilespmem:v29+s19+$0x0] =	vst.idx.add.f32.msk vm1, v19  }
0x1c2: {  	v25 =	vand.u32 $0x7F, v17;
	v19 =	vnsel vm6, $0x0, v22;
	v18 =	vor.u32 v13, v18;
	v22 =	vld.idx.msk [tilespmem:v16+s3+$0x0], vm3  }
0x1c3: {  	v17 =	vshll.u32 v17, $0x2;
	v26 =	vand.u32 $0xFFFF, v31;
	v29 =	vshll.u32 v19, $0x2;
	v13 =	vld.idx.msk [tilespmem:v27+s3+$0x0], vm1  }
0x1c4: {  	v19 =	vand.u32 $0x7F, v19;
	v26 =	vnsel vm7, $0x0, v26;
	v27 =	vand.u32 $0x3FE00, v29;
	v29 =	vld.idx.msk [tilespmem:v15+s17+$0x0], vm5  }
0x1c5: {  	v17 =	vand.u32 $0x3FE00, v17;
	v15 =	vshll.u32 v26, $0x2;
	v19 =	vor.u32 v19, v27;
	[tilespmem:v32+s19+$0x0] =	vst.idx.add.f32.msk vm0, v20  }
0x1c6: {  	v24 =	vshrl.u32 v24, $0x10;
	v20 =	vand.u32 $0x7F, v26;
	v26 =	vand.u32 $0x3FE00, v15;
	v15 =	vld.idx.msk [tilespmem:v30+s3+$0x0], vm0  }
0x1c7: {  	v24 =	vnsel vm5, $0x0, v24;
	v17 =	vor.u32 v25, v17;
	v20 =	vor.u32 v20, v26;
	v26 =	vld.idx.msk [tilespmem:v18+s3+$0x0], vm5  }
0x1c8: {  	v25 =	vshll.u32 v24, $0x2;
	v27 =	vor.u32 $0x80, v16;
	v22 =	vmul.f32 v12, v22;
	[tilespmem:v33+s19+$0x0] =	vst.idx.add.f32.msk vm2, v21  }
0x1c9: {  	v24 =	vand.u32 $0x7F, v24;
	v25 =	vand.u32 $0x3FE00, v25;
	v21 =	vld.idx.msk [tilespmem:v14+s17+$0x0], vm6;
	v14 =	vshrl.u32 v28, $0x10  }
0x1ca: {  	v24 =	vor.u32 v24, v25;
	v28 =	vnsel vm6, $0x0, v14;
	v30 =	vld.idx.msk [tilespmem:v19+s3+$0x0], vm6;
	v14 =	vnsel vm5, $0x0, v29  }
0x1cb: {  	v25 =	vshrl.u32 v31, $0x10;
	v31 =	vor.u32 $0x80, v18;
	v23 =	vld.idx.msk [tilespmem:v23+s17+$0x0], vm7;
	v29 =	vshll.u32 v28, $0x2  }
0x1cc: {  	v25 =	vnsel vm7, $0x0, v25;
	v28 =	vand.u32 $0x7F, v28;
	v32 =	vld.idx.msk [tilespmem:v20+s3+$0x0], vm7;
	v29 =	vand.u32 $0x3FE00, v29  }
0x1cd: {  	v33 =	vshll.u32 v25, $0x2;
	v26 =	vmul.f32 v14, v26;
	v28 =	vor.u32 v28, v29;
	v29 =	vld.idx.msk [tilespmem:v34+s3+$0x0], vm2  }
0x1ce: {  	v25 =	vand.u32 $0x7F, v25;
	v33 =	vand.u32 $0x3FE00, v33;
	v34 =	vor.u32 $0x80, v19;
	[tilespmem:v17+s19+$0x0] =	vst.idx.add.f32.msk vm3, v22  }
0x1cf: {  	vm4 =	vmmov vm8;
	v22 =	vor.u32 v25, v33;
	v21 =	vnsel vm6, $0x0, v21;
	v25 =	vld.idx.msk [tilespmem:v27+s3+$0x0], vm3  }
0x1d0: {  	v27 =	vor.u32 $0x80, v20;
	v30 =	vmul.f32 v21, v30;
	[tilespmem:v24+s19+$0x0] =	vst.idx.add.f32.msk vm5, v26  }
0x1d1: {  	v23 =	vnsel vm7, $0x0, v23;
	v26 =	vld.idx.msk [tilespmem:v31+s3+$0x0], vm5;
	v31 =	vor.u32 $0x100, v8  }
0x1d2: {  	v32 =	vmul.f32 v23, v32;
	[tilespmem:v28+s19+$0x0] =	vst.idx.add.f32.msk vm6, v30;
	v30 =	vor.u32 $0x80, v17  }
0x1d3: {  	v33 =	vld.idx.msk [tilespmem:v34+s3+$0x0], vm6;
	v34 =	vor.u32 $0x100, v16  }
0x1d4: {  	v29 =	vmul.f32 v29, v7;
	[tilespmem:v22+s19+$0x0] =	vst.idx.add.f32.msk vm7, v32;
	v32 =	vor.u32 $0x80, v24  }
0x1d5: {  	v35 =	vor.u32 $0x100, v18;
	v25 =	vmul.f32 v25, v12;
	v27 =	vld.idx.msk [tilespmem:v27+s3+$0x0], vm7  }
0x1d6: {  	v36 =	vor.u32 $0x80, v28;
	[tilespmem:v31+s19+$0x0] =	vst.idx.add.f32.msk vm2, v29  }
0x1d7: {  	v29 =	vor.u32 $0x100, v19;
	v26 =	vmul.f32 v26, v14;
	[tilespmem:v30+s19+$0x0] =	vst.idx.add.f32.msk vm3, v25  }
0x1d8: {  	v25 =	vor.u32 $0x80, v22;
	v30 =	vld.idx.msk [tilespmem:v34+s3+$0x0], vm3  }
0x1d9: {  	v31 =	vor.u32 $0x100, v20;
	v33 =	vmul.f32 v33, v21;
	[tilespmem:v32+s19+$0x0] =	vst.idx.add.f32.msk vm5, v26  }
0x1da: {  	v9 =	vor.u32 $0x180, v9;
	v26 =	vld.idx.msk [tilespmem:v35+s3+$0x0], vm5  }
0x1db: {  	v32 =	vor.u32 $0x100, v17;
	v27 =	vmul.f32 v27, v23;
	[tilespmem:v36+s19+$0x0] =	vst.idx.add.f32.msk vm6, v33  }
0x1dc: {  	v16 =	vor.u32 $0x180, v16;
	v29 =	vld.idx.msk [tilespmem:v29+s3+$0x0], vm6  }
0x1dd: {  	[tilespmem:v25+s19+$0x0] =	vst.idx.add.f32.msk vm7, v27;
	v25 =	vor.u32 $0x100, v24  }
0x1de: {  	v18 =	vor.u32 $0x180, v18;
	v30 =	vmul.f32 v30, v12;
	v27 =	vld.idx.msk [tilespmem:v31+s3+$0x0], vm7  }
0x1df: {  	v31 =	vor.u32 $0x100, v28;
	v9 =	vld.idx.msk [tilespmem:v9+s3+$0x0], vm2  }
0x1e0: {  	s25 =	sadd.s32 $0x7, s24;
	v19 =	vor.u32 $0x180, v19;
	v26 =	vmul.f32 v26, v14;
	[tilespmem:v32+s19+$0x0] =	vst.idx.add.f32.msk vm3, v30  }
0x1e1: {  	v33 =	vor.u32 $0x100, v22;
	v30 =	vmov s25;
	v32 =	vadd.s32 s25, v2;
	v16 =	vld.idx.msk [tilespmem:v16+s3+$0x0], vm3  }
0x1e2: {  	v20 =	vor.u32 $0x180, v20;
	vm8 =	vlt.s32 v30, v1;
	v29 =	vmul.f32 v29, v21;
	[tilespmem:v25+s19+$0x0] =	vst.idx.add.f32.msk vm5, v26  }
0x1e3: {  	v25 =	vnsel vm8, $0x0, v32;
	v18 =	vld.idx.msk [tilespmem:v18+s3+$0x0], vm5  }
0x1e4: {  	v4 =	vor.u32 $0x180, v4;
	v26 =	vmul.f32 v27, v23;
	[tilespmem:v31+s19+$0x0] =	vst.idx.add.f32.msk vm6, v29  }
0x1e5: {  	v6 =	vor.u32 $0x180, v6;
	v19 =	vld.idx.msk [tilespmem:v19+s3+$0x0], vm6  }
0x1e6: {  	v8 =	vor.u32 $0x180, v8;
	v27 =	vand.u32 $0xFFFF, v11;
	[tilespmem:v33+s19+$0x0] =	vst.idx.add.f32.msk vm7, v26  }
0x1e7: {  	v3 =	vmul.f32 v13, v3;
	v17 =	vor.u32 $0x180, v17;
	v26 =	vnsel vm4, $0x0, v27;
	v20 =	vld.idx.msk [tilespmem:v20+s3+$0x0], vm7  }
0x1e8: {  	v5 =	vmul.f32 v15, v5;
	v24 =	vor.u32 $0x180, v24;
	v13 =	vand.u32 $0x7F, v26;
	v27 =	vld.idx.msk [tilespmem:v25+s16+$0x0], vm8  }
0x1e9: {  	v7 =	vmul.f32 v9, v7;
	v15 =	vshll.u32 v26, $0x2;
	v26 =	vor.u32 $0x180, v28;
	[tilespmem:v4+s19+$0x0] =	vst.idx.add.f32.msk vm1, v3  }
0x1ea: {  	v9 =	vmul.f32 v16, v12;
	v3 =	vand.u32 $0x3FE00, v15;
	v4 =	vor.u32 $0x180, v22;
	[tilespmem:v6+s19+$0x0] =	vst.idx.add.f32.msk vm0, v5  }
0x1eb: {  	s25 =	sadd.s32 $0x6, s24;
	vm1 =	vmmov vm8;
	v15 =	vor.u32 v13, v3;
	v3 =	vmul.f32 v18, v14;
	[tilespmem:v8+s19+$0x0] =	vst.idx.add.f32.msk vm2, v7  }
0x1ec: {  	v5 =	vmov s25;
	v6 =	vmul.f32 v19, v21;
	[tilespmem:v17+s19+$0x0] =	vst.idx.add.f32.msk vm3, v9  }
0x1ed: {  	vm0 =	vlt.s32 v5, v1;
	v5 =	vadd.s32 s25, v2;
	v7 =	vmul.f32 v20, v23;
	[tilespmem:v24+s19+$0x0] =	vst.idx.add.f32.msk vm5, v3  }
0x1ee: {  	v3 =	vnsel vm0, $0x0, v5;
	[tilespmem:v26+s19+$0x0] =	vst.idx.add.f32.msk vm6, v6  }
0x1ef: {  	[tilespmem:v4+s19+$0x0] =	vst.idx.add.f32.msk vm7, v7  }
0x1f0: {  	v4 =	vld.idx.msk [tilespmem:v15+s3+$0x0], vm4  }
0x1f1: {  	v5 =	vshrl.u32 v11, $0x10  }
0x1f2: {  	v5 =	vnsel vm4, $0x0, v5  }
0x1f3: {  	v6 =	vshll.u32 v5, $0x2;
	v7 =	vld.idx.msk [tilespmem:v3+s16+$0x0], vm0  }
0x1f4: {  	v8 =	vand.u32 $0xFFFF, v27;
	v5 =	vand.u32 $0x7F, v5;
	v6 =	vand.u32 $0x3FE00, v6  }
0x1f5: {  	v10 =	vnsel vm4, $0x0, v10;
	v11 =	vor.u32 v5, v6;
	v5 =	vnsel vm1, $0x0, v8  }
0x1f6: {  	s25 =	sadd.s32 $0x5, s24;
	v6 =	vor.u32 $0x80, v15;
	v8 =	vshll.u32 v5, $0x2;
	v4 =	vmul.f32 v10, v4  }
0x1f7: {  	v9 =	vmov s25;
	v5 =	vand.u32 $0x7F, v5;
	v8 =	vand.u32 $0x3FE00, v8  }
0x1f8: {  	vm2 =	vlt.s32 v9, v1;
	v9 =	vadd.s32 s25, v2;
	v12 =	vor.u32 v5, v8  }
0x1f9: {  	v8 =	vnsel vm2, $0x0, v9;
	v5 =	vand.u32 $0xFFFF, v7  }
0x1fa: {  	[tilespmem:v11+s19+$0x0] =	vst.idx.add.f32.msk vm4, v4;
	v4 =	vnsel vm0, $0x0, v5  }
0x1fb: {  	v5 =	vld.idx.msk [tilespmem:v6+s3+$0x0], vm4;
	v6 =	vshll.u32 v4, $0x2  }
0x1fc: {  	v4 =	vand.u32 $0x7F, v4;
	v6 =	vand.u32 $0x3FE00, v6;
	v9 =	vld.idx.msk [tilespmem:v25+s17+$0x0], vm1  }
0x1fd: {  	v13 =	vor.u32 v4, v6;
	v4 =	vshrl.u32 v27, $0x10;
	v6 =	vld.idx.msk [tilespmem:v12+s3+$0x0], vm1  }
0x1fe: {  	v14 =	vld.idx.msk [tilespmem:v8+s16+$0x0], vm2;
	v4 =	vnsel vm1, $0x0, v4  }
0x1ff: {  	v16 =	vor.u32 $0x80, v11;
	v17 =	vshll.u32 v4, $0x2  }
0x200: {  	v18 =	vor.u32 $0x100, v15;
	v4 =	vand.u32 $0x7F, v4;
	v17 =	vand.u32 $0x3FE00, v17  }
0x201: {  	v5 =	vmul.f32 v5, v10;
	v19 =	vld.idx.msk [tilespmem:v3+s17+$0x0], vm0;
	v3 =	vshrl.u32 v7, $0x10;
	v4 =	vor.u32 v4, v17  }
0x202: {  	v7 =	vnsel vm0, $0x0, v3;
	v17 =	vld.idx.msk [tilespmem:v13+s3+$0x0], vm0;
	v3 =	vnsel vm1, $0x0, v9;
	v9 =	vor.u32 $0x80, v12  }
0x203: {  	v20 =	vshll.u32 v7, $0x2;
	v21 =	vmul.f32 v3, v6  }
0x204: {  	v6 =	vand.u32 $0x7F, v7;
	[tilespmem:v16+s19+$0x0] =	vst.idx.add.f32.msk vm4, v5;
	v5 =	vand.u32 $0xFFFF, v14;
	v7 =	vand.u32 $0x3FE00, v20  }
0x205: {  	v16 =	vld.idx.msk [tilespmem:v18+s3+$0x0], vm4;
	v5 =	vnsel vm2, $0x0, v5;
	v6 =	vor.u32 v6, v7  }
0x206: {  	v18 =	vor.u32 $0x80, v13;
	v7 =	vshll.u32 v5, $0x2;
	[tilespmem:v4+s19+$0x0] =	vst.idx.add.f32.msk vm1, v21  }
0x207: {  	v20 =	vand.u32 $0x7F, v5;
	v5 =	vnsel vm0, $0x0, v19;
	v7 =	vand.u32 $0x3FE00, v7;
	v19 =	vld.idx.msk [tilespmem:v9+s3+$0x0], vm1  }
0x208: {  	v9 =	vor.u32 v20, v7;
	v7 =	vmul.f32 v5, v17  }
0x209: {  	s25 =	sadd.s32 $0x4, s24;
	v17 =	vor.u32 $0x100, v11  }
0x20a: {  	v15 =	vor.u32 $0x180, v15;
	v20 =	vmov s25;
	[tilespmem:v6+s19+$0x0] =	vst.idx.add.f32.msk vm0, v7  }
0x20b: {  	v21 =	vor.u32 $0x80, v4;
	vm3 =	vlt.s32 v20, v1;
	v7 =	vadd.s32 s25, v2;
	v20 =	vld.idx.msk [tilespmem:v18+s3+$0x0], vm0  }
0x20c: {  	v18 =	vmul.f32 v16, v10;
	v16 =	vnsel vm3, $0x0, v7;
	v7 =	vld.idx.msk [tilespmem:v8+s17+$0x0], vm2;
	v8 =	vshrl.u32 v14, $0x10  }
0x20d: {  	v22 =	vor.u32 $0x100, v12;
	v19 =	vmul.f32 v19, v3;
	v8 =	vnsel vm2, $0x0, v8;
	v14 =	vld.idx.msk [tilespmem:v9+s3+$0x0], vm2  }
0x20e: {  	v24 =	vor.u32 $0x100, v13;
	v23 =	vor.u32 $0x80, v6;
	s25 =	sadd.s32 $0x3, s24;
	[tilespmem:v17+s19+$0x0] =	vst.idx.add.f32.msk vm4, v18;
	v17 =	vshll.u32 v8, $0x2  }
0x20f: {  	v18 =	vld.idx.msk [tilespmem:v15+s3+$0x0], vm4;
	v15 =	vmov s25  }
0x210: {  	s26 =	sadd.s32 $0x2, s24;
	vm5 =	vlt.s32 v15, v1;
	v15 =	vadd.s32 s25, v2;
	s25 =	sadd.s32 $0x1, s24;
	s24 =	sadd.s32 $0x8, s24  }
0x211: {  	v8 =	vand.u32 $0x7F, v8;
	v17 =	vand.u32 $0x3FE00, v17;
	p0 =	slt.s32 s24, s23  }
.Ltmp13:
0x212: {  	v8 =	vor.u32 v8, v17;
	[tilespmem:v21+s19+$0x0] =	vst.idx.add.f32.msk vm1, v19;
	(pc) =	sbr.rel @p0 .LBB2_16-.Ltmp13, $4  }
0x213: {  	v20 =	vmul.f32 v20, v5;
	v15 =	vnsel vm5, $0x0, v15;
	v17 =	vld.idx.msk [tilespmem:v16+s16+$0x0], vm3  }
0x214: {  	v25 =	vmov s26;
	v21 =	vor.u32 $0x80, v9;
	v7 =	vnsel vm2, $0x0, v7;
	v19 =	vld.idx.msk [tilespmem:v22+s3+$0x0], vm1  }
0x215: {  	vm6 =	vlt.s32 v25, v1;
	v25 =	vadd.s32 s26, v2;
	v22 =	vmul.f32 v7, v14;
	[tilespmem:v23+s19+$0x0] =	vst.idx.add.f32.msk vm0, v20  }
0x216: {  	v14 =	vnsel vm6, $0x0, v25;
	v23 =	vmov s25;
	v20 =	vld.idx.msk [tilespmem:v24+s3+$0x0], vm0  }
.Ltmp14:
0x217: {  	_ = 	snop;
	(pc) =	sbr.rel .LBB2_17-.Ltmp14, $1  }
0x218: {  	_ =	sdelay $0x3  }
.LBB2_20:
0x219: {  	_ =	sfence.sel $0x180000  }
0x21a: {  	[bflag:$0x0] =	sbarrier.arrive $0xFFFF  }
0x21b: {  	p0 =	sne.s32 s0, $0x0;
	_ =	strace $0x9000004D  }
0x21c: {  	s0 =	sadd.s32 @!p0 $0x100000, s1;
	[bflag:$0x2] =	sbarrier.arrive $0xFFFF  }
0x21d: {  	[sflag:s0] =	ssyncadd.tile.s32 @!p0 $0x1;
	_ =	shalt  }
.Lfunc_end2:
_tile_overlayer_lowered:
.L_overlay_start_2:
0x21e: {  	(tag) =	ssettag $0x2  }
0x21f: {  	s0 =	rddreg [dreg:$0x0];
	s2 =	stileid.u32  }
0x220: {  	s1 =	rddreg [dreg:$0x1];
	p0 =	sne.s32 s2, $0x0  }
0x221: {  	s3 =	rddreg [dreg:$0x2];
	[bflag:$0x3] =	sbarrier.arrive $0xFFFF;
	s2 =	simm.s32 @!p0 $0x1C04  }
0x222: {  	[timem:s3], [sflag:s2] =	dma.local @!p0 [hbm:s0], s1  }
0x223: {  	s0 =	simm.s32 @!p0 $0x4  }
0x224: {  	_ =	swait.ge @!p0 [sflag:s0], s1  }
0x225: {  	s1 =	ssub.s32 @!p0 $0x0, s1;
	[sflag:s0] =	ssyncset.done @!p0 $0x0  }
0x226: {  	[sflag:s0] =	ssyncadd.s32 @!p0 s1  }
0x227: {  	[bflag:$0x3] =	sbarrier.arrive $0xFFFF  }
0x228: {  	_ =	shalt  }

// kernel: kernel.19.cloned.1.call-start
scs
__scs_entry_jumppad:
0x0: {  	(pc) =	sbr.rel $0x88, $3  }
0x1: {  	(tag) =	ssettag $0x0;
	lr =	simm.s32 $0x1  }
0x2: {  	[smem:$0x3F9A] =	sst lr;
	_ =	strace $0xD0000000  }
0x3: {  	_ = 	snop  }
0x4: {  	_ = 	snop  }
0x5: {  	_ = 	snop  }
0x6: {  	_ = 	snop  }
0x7: {  	_ = 	snop  }
__scs_overlays_trampoline_lowered:
0x8: {  	[smem:$0x3FA9] =	sst s0  }
0x9: {  	[smem:$0x3FAA] =	sst s1  }
0xa: {  	[smem:$0x3FAB] =	sst s2  }
0xb: {  	[smem:$0x3FAC] =	sst s3  }
0xc: {  	[smem:$0x3FAD] =	sst s4  }
0xd: {  	[smem:$0x3FAE] =	sst s5  }
0xe: {  	[smem:$0x3FAF] =	sst s6  }
0xf: {  	[smem:$0x3FB0] =	sst s7  }
0x10: {  	[smem:$0x3FB1] =	sst s8  }
0x11: {  	[smem:$0x3FB2] =	sst s9;
	s0 =	simm.s32 @!p0 $0x0  }
0x12: {  	s1 =	sld [smem:$0x3F98];
	s0 =	simm.s32 @p0 $0x1  }
0x13: {  	[smem:$0x3FB3] =	sst s0;
	s0 =	simm.s32 @!p1 $0x0  }
0x14: {  	s2 =	sld [smem:$0x3F97];
	s0 =	simm.s32 @p1 $0x1  }
0x15: {  	[smem:$0x3FB4] =	sst s0;
	s0 =	simm.s32 @!p2 $0x0  }
0x16: {  	s3 =	sld [smem:$0x3FDB];
	s0 =	simm.s32 @p2 $0x1  }
0x17: {  	s4 =	simm.s32 $0x1BF5;
	[smem:$0x3FB6] =	sst s0  }
0x18: {  	s0 =	sld [smem:$0x3F99];
	_ =	swait.ge [sflag:s4], $0x0  }
0x19: {  	s7 =	sld [smem:$0x3F9A]  }
0x1a: {  	s8 =	sadd.s32 $0xFFFFE003, lr  }
0x1b: {  	s9 =	sadd.s32 $0xFFFFFEF7, lr;
	s5 =	simm.s32 $0xFFFFFFFF;
	p2 =	slt.u32 s8, $0xFFFFF086  }
0x1c: {  	p1 =	slt.u32 s9, $0xF7A;
	s5 =	simm.s32 @!p2 $0x0  }
0x1d: {  	s5 =	simm.s32 @p1 $0x1;
	p0 =	seq.s32 s7, s2  }
0x1e: {  	s7 =	smul.u32 @!p0 $0xF7A, s2;
	p2 =	seq.s32 @!p0 s5, $0x0  }
0x1f: {  	s9 =	smul.u32 $0xF7A, s1;
	s8 =	simm.s32 @!p0 $0x1BF5;
	p2 =	por !p2, p0  }
0x20: {  	[sflag:s8] =	ssyncset.s32 @!p0 $0xFFFFF086;
	s6 =	sadd.s32 @!p0 s3, s7;
	s7 =	simm.s32 @!p0 $0x108  }
0x21: {  	s3 =	sadd.s32 s3, s9;
	s6 =	sadd.s32 @!p0 $0x88, s6;
	s7 =	simm.s32 @p2 $0x1082  }
0x22: {  	[simem:s7], [sflag:s8] =	dma.local @!p0 [hbm:s6], $0xF7A  }
0x23: {  	s9 =	sor.u32 $0xD0000000, s2;
	s6 =	simm.s32 $0x108;
	_ =	swait.ge @!p0 [sflag:s8], $0x0  }
0x24: {  	s3 =	sadd.s32 $0x88, s3;
	s6 =	simm.s32 @!p1 $0x1082;
	[sflag:s4] =	ssyncset.s32 $0xFFFFF086  }
0x25: {  	[simem:s6], [sflag:s4] =	dma.local [hbm:s3], $0xF7A  }
0x26: {  	[smem:$0x3F9A] =	sst s1;
	(tag) =	ssettag s2;
	_ =	strace s9  }
0x27: {  	s1 =	sld [smem:$0x3FAA]  }
0x28: {  	s2 =	sld [smem:$0x3FAB]  }
0x29: {  	s4 =	sld [smem:$0x3FAD]  }
0x2a: {  	p0 =	seq.s32 s5, $0x0;
	s5 =	sld [smem:$0x3FAE]  }
0x2b: {  	s6 =	sld [smem:$0x3FAF]  }
0x2c: {  	s7 =	sld [smem:$0x3FB0]  }
0x2d: {  	s3 =	simm.s32 $0x108;
	s8 =	sld [smem:$0x3FB1]  }
0x2e: {  	s3 =	simm.s32 @!p0 $0x1082;
	s9 =	sld [smem:$0x3FB2]  }
0x2f: {  	lr =	sadd.s32 s0, s3;
	s0 =	sld [smem:$0x3FA9]  }
0x30: {  	s3 =	sld [smem:$0x3FAC]  }
0x31: {  	[smem:$0x3FB5] =	sst s10  }
0x32: {  	s10 =	sld [smem:$0x3FB3];
	_ =	sdelay $0x3  }
0x33: {  	p0 =	seq.s32 s10, $0x1;
	s10 =	sld [smem:$0x3FB5];
	_ =	sdelay $0x3  }
0x34: {  	[smem:$0x3FB5] =	sst s10  }
0x35: {  	s10 =	sld [smem:$0x3FB4];
	_ =	sdelay $0x3  }
0x36: {  	p1 =	seq.s32 s10, $0x1;
	s10 =	sld [smem:$0x3FB5];
	_ =	sdelay $0x3  }
0x37: {  	[smem:$0x3FB5] =	sst s10  }
0x38: {  	s10 =	sld [smem:$0x3FB6]  }
0x39: {  	_ = 	snop;
	(pc) =	sbr.ind lr, $3  }
0x3a: {  	_ = 	snop  }
0x3b: {  	_ = 	snop  }
0x3c: {  	p2 =	seq.s32 s10, $0x1;
	s10 =	sld [smem:$0x3FB5]  }
0x3d: {  	_ =	shalt  }
0x3e: {  	_ =	shalt  }
0x3f: {  	_ =	shalt  }
0x40: {  	_ =	shalt  }
0x41: {  	_ =	shalt  }
0x42: {  	_ =	shalt  }
0x43: {  	_ =	shalt  }
0x44: {  	_ =	shalt  }
0x45: {  	_ =	shalt  }
0x46: {  	_ =	shalt  }
0x47: {  	_ =	shalt  }
0x48: {  	_ =	shalt  }
0x49: {  	_ =	shalt  }
0x4a: {  	_ =	shalt  }
0x4b: {  	_ =	shalt  }
0x4c: {  	_ =	shalt  }
0x4d: {  	_ =	shalt  }
0x4e: {  	_ =	shalt  }
0x4f: {  	_ =	shalt  }
0x50: {  	_ =	shalt  }
0x51: {  	_ =	shalt  }
0x52: {  	_ =	shalt  }
0x53: {  	_ =	shalt  }
0x54: {  	_ =	shalt  }
0x55: {  	_ =	shalt  }
0x56: {  	_ =	shalt  }
0x57: {  	_ =	shalt  }
0x58: {  	_ =	shalt  }
0x59: {  	_ =	shalt  }
0x5a: {  	_ =	shalt  }
0x5b: {  	_ =	shalt  }
0x5c: {  	_ =	shalt  }
0x5d: {  	_ =	shalt  }
0x5e: {  	_ =	shalt  }
0x5f: {  	_ =	shalt  }
0x60: {  	_ =	shalt  }
0x61: {  	_ =	shalt  }
0x62: {  	_ =	shalt  }
0x63: {  	_ =	shalt  }
0x64: {  	_ =	shalt  }
0x65: {  	_ =	shalt  }
0x66: {  	_ =	shalt  }
0x67: {  	_ =	shalt  }
0x68: {  	_ =	shalt  }
0x69: {  	_ =	shalt  }
0x6a: {  	_ =	shalt  }
0x6b: {  	_ =	shalt  }
0x6c: {  	_ =	shalt  }
0x6d: {  	_ =	shalt  }
0x6e: {  	_ =	shalt  }
0x6f: {  	_ =	shalt  }
0x70: {  	_ =	shalt  }
0x71: {  	_ =	shalt  }
0x72: {  	_ =	shalt  }
0x73: {  	_ =	shalt  }
0x74: {  	_ =	shalt  }
0x75: {  	_ =	shalt  }
0x76: {  	_ =	shalt  }
0x77: {  	_ =	shalt  }
0x78: {  	_ =	shalt  }
0x79: {  	_ =	shalt  }
0x7a: {  	_ =	shalt  }
0x7b: {  	_ =	shalt  }
0x7c: {  	_ =	shalt  }
0x7d: {  	_ =	shalt  }
0x7e: {  	_ =	shalt  }
0x7f: {  	_ =	shalt  }
0x80: {  	_ =	shalt  }
0x81: {  	_ =	shalt  }
0x82: {  	_ =	shalt  }
0x83: {  	_ =	shalt  }
0x84: {  	_ =	shalt  }
0x85: {  	_ =	shalt  }
0x86: {  	_ =	shalt  }
0x87: {  	_ =	shalt  }
.Lfunc_end0:
.L_simem_size_0:
called_computation.3_lowered:
.L_overlay_start_0:
0x88: {  	s2 =	sld [smem:$0x3FD9]  }
0x89: {  	s3 =	sld [smem:$0x3FFE];
	_ =	sdelay $0x1  }
0x8a: {  	s1 =	srdreg.scid  }
0x8b: {  	s0 =	sand.u32 $0x1, s1  }
0x8c: {  	s17 =	sshll.u32 s0, $0xA;
	s2 =	sadd.s32 s3, s2  }
0x8d: {  	s2 =	sadd.s32 s2, s17  }
0x8e: {  	[smem:$0x3FC1] =	sst s2  }
0x8f: {  	_ = 	snop  }
0x90: {  	s2 =	sld [smem:$0x3FD0];
	(tm) =	ssettm $0x1  }
0x91: {  	s18 =	sld [smem:$0x3FFB];
	_ =	sdelay $0x3  }
0x92: {  	_ =	strace s18  }
0x93: {  	s3 =	sld [smem:$0x3FFC];
	_ =	sdelay $0x3  }
0x94: {  	_ =	strace s3  }
0x95: {  	s3 =	sld [smem:$0x3FFD];
	_ =	sdelay $0x3  }
0x96: {  	_ =	strace s3  }
0x97: {  	_ =	strace $0x8FFFFFFF  }
0x98: {  	s19 =	sld [smem:$0x3FDB];
	_ =	sdelay $0x1  }
0x99: {  	s4 =	simm.s32 $_scs_section_size  }
0x9a: {  	s5 =	simm.s32 $_size__tile_overlayer_lowered;
	s6 =	simm.s32 $_tile_overlayer_lowered  }
0x9b: {  	s22 =	simm.s32 $0x1BFF;
	s21 =	sshll.u32 s6, $0x1;
	s3 =	sadd.s32 s4, s19  }
0x9c: {  	s7 =	simm.s32 $0x0;
	s20 =	sshll.u32 s5, $0x1;
	s5 =	sadd.s32 s21, s3  }
0x9d: {  	[timem:s7], [sflag:s22] =	dma.local [hbm:s5], s20  }
0x9e: {  	_ =	swait.ge [sflag:s22], s20  }
0x9f: {  	s4 =	ssub.s32 $0x0, s20;
	[sflag:s22] =	ssyncset.done $0x0  }
0xa0: {  	[sflag:s22] =	ssyncadd.s32 s4;
	_ =	sdelay $0x1  }
0xa1: {  	s23 =	simm.s32 $0x1B8B  }
0xa2: {  	_ =	swait.ge [sflag:s23], $0x1  }
0xa3: {  	[sflag:s23] =	ssyncset.done $0x0  }
0xa4: {  	s25 =	simm.s32 $0x1B8E;
	s24 =	sld [smem:$0x3FFE];
	[sflag:s23] =	ssyncadd.s32 $0xFFFFFFFF  }
0xa5: {  	s26 =	simm.s32 $execute0_lowered;
	[smem:$0x3FD2] =	sst s25  }
0xa6: {  	s5 =	sshll.u32 s26, $0x1;
	_ =	strace $0x8000004F;
	[dreg:$0x1] =	wrdreg $0xFFFFFFFF  }
0xa7: {  	s28 =	simm.s32 $_size_execute0_lowered;
	s3 =	sadd.s32 s3, s5;
	[dreg:$0x0] =	wrdreg $0x0  }
0xa8: {  	s5 =	sshll.u32 s28, $0x1;
	[dreg:$0x2] =	wrdreg s3  }
0xa9: {  	[dreg:$0x3] =	wrdreg s5  }
0xaa: {  	[dreg:$0x4] =	wrdreg $0xC0  }
0xab: {  	_ =	task [dreg:s7], $0x5FFFF  }
0xac: {  	[dreg:$0x1] =	wrdreg $0xFFFFFFFF  }
0xad: {  	[dreg:$0x0] =	wrdreg $0x60  }
0xae: {  	[dreg:$0x2] =	wrdreg s24  }
0xaf: {  	[dreg:$0x3] =	wrdreg s2  }
0xb0: {  	[dreg:$0x4] =	wrdreg $0x9  }
0xb1: {  	_ =	task.clear_ibuf [dreg:s7], $0x5FFFF;
	_ =	strace $0x9000004F  }
0xb2: {  	s29 =	simm.s32 $0x9;
	_ =	strace $0x80000051  }
0xb3: {  	_ =	swait.ge [sflag:s29], $0x1  }
0xb4: {  	[sflag:s29] =	ssyncadd.s32 $0xFFFFFFFF  }
0xb5: {  	_ =	strace $0x90000051  }
0xb6: {  	_ =	sfence  }
0xb7: {  	s30 =	sld [smem:$0x0];
	_ =	sdelay $0x2  }
0xb8: {  	s31 =	sshll.u32 s1, $0xD;
	s1 =	sshrl.u32 s1, $0x2  }
0xb9: {  	s3 =	sand.u32 $0x4000, s31;
	s1 =	sadd.s32 s1, s30  }
0xba: {  	s0 =	sor.u32 s3, s0;
	s1 =	sshll.u32 s1, $0x11  }
0xbb: {  	s0 =	sor.u32 s1, s0  }
0xbc: {  	s0 =	sadd.s32 $0x8F2B, s0  }
0xbd: {  	[sflag:s0] =	ssyncadd.remote.s32 $0x1  }
0xbe: {  	_ =	sfence.sel $0xFFFF  }
0xbf: {  	[dreg:$0x0] =	wrdreg $0xFFFFFFFF;
	(pc) =	sbr.abs _section_cstart, $3  }
0xc0: {  	[dreg:$0x1] =	wrdreg $0xFFFFFFFF  }
0xc1: {  	_ =	task.clear_ibuf [dreg:s7], $0x2FFFF;
	_ =	strace $0x9FFFFFFF  }
0xc2: {  	(tm) =	ssettm $0x7FFFFFFF  }
0xc3: {  	_ =	shalt  }
tec
execute0_lowered:
.L_overlay_start_1:
0x0: {  	(tag) =	ssettag $0x1  }
0x1: {  	s1 =	srdreg.scid;
	s0 =	stileid.u32  }
0x2: {  	s5 =	rddreg [dreg:$0x0];
	s3 =	simm.s32 $0x0;
	s10 =	simm.s32 $0x400  }
0x3: {  	s11 =	simm.s32 $0x13C00;
	s12 =	simm.s32 $0x18B00;
	s13 =	simm.s32 $0x1DA00  }
0x4: {  	s14 =	simm.s32 $0x4;
	s15 =	simm.s32 $0x1;
	s4 =	sand.u32 $0x1, s1  }
0x5: {  	s16 =	simm.s32 $0x16380;
	s2 =	sshll.u32 s0, $0x2;
	s1 =	sshll.u32 s4, $0x6  }
0x6: {  	s17 =	simm.s32 $0x1B280;
	s18 =	simm.s32 $0x2;
	s1 =	sor.u32 s2, s1  }
0x7: {  	s19 =	simm.s32 $0x9E00;
	s20 =	simm.s32 $0x3;
	s1 =	sshrl.u32 s1, $0x3  }
0x8: {  	s21 =	simm.s32 $0x0;
	s7 =	sshll.u32 s0, $0x9;
	s6 =	smul.u32 $0x13C00, s1  }
0x9: {  	[smem:$0x7FF] =	sst s3;
	s7 =	sand.u32 $0x200, s7;
	s30 =	ssub.s32 $0x2, s4  }
.Ltmp0:
0xa: {  	s4 =	sadd.s32 $0x17800, s5;
	s6 =	sor.u32 s7, s6;
	(pc) =	sbr.rel .LBB2_1-.Ltmp0, $4  }
0xb: {  	s2 =	rddreg [dreg:$0x1];
	s31 =	sshrl.u32 s30, $0x1;
	s6 =	sshrl.u32 s6, $0x3  }
0xc: {  	s9 =	ssub.s32 s30, s31;
	s1 =	rddreg [dreg:$0x2];
	s8 =	sadd.s32 s6, s5  }
0xd: {  	_ =	strace $0x80000050;
	s5 =	sadd.s32 $0x21600, s5;
	s6 =	sadd.s32 $0x21800, s8  }
0xe: {  	v0 =	vimm.f32 $0.0e+00;
	s7 =	sadd.s32 $0x49000, s8;
	s8 =	smax.u32 s9, $0x1;
	s9 =	simm.s32 $0x200  }
.LBB2_19:
0xf: {  	s21 =	sadd.s32 $0x1, s21  }
0x10: {  	p0 =	sne.s32 s21, s8  }
.Ltmp1:
0x11: {  	_ = 	snop;
	(pc) =	sbr.rel @!p0 .LBB2_20-.Ltmp1, $4  }
0x12: {  	[hbm4b:s7+s9] =	stream.strided.scatter [tilespmem:s19], [sflag:$0x4], $0x9E00, s10, s9, $0x38;
	[tilespmem:$0x1DC00] =	vst v63  }
0x13: {  	_ =	swait.ge [sflag:s14], $0x9E00  }
0x14: {  	[sflag:s14] =	ssyncset.done $0x0  }
0x15: {  	[sflag:s14] =	ssyncadd.s32 $0xFFFF6200  }
.LBB2_1:
0x16: {  	[tilespmem:s3], [sflag:$0x1] =	stream.strided.gather [hbm4b:s6+s9], $0x9E00, s10, s9, $0x38;
	[tilespmem:$0x1DC00] =	vst v63  }
0x17: {  	_ = 	snop  }
0x18: {  	[tilespmem:s11], [sflag:$0x2] =	stream.linear.gather [hbm4b:s2+s3], $0x2710, $0x38;
	[tilespmem:$0x1DC00] =	vst v63  }
0x19: {  	_ = 	snop  }
0x1a: {  	[tilespmem:s12], [sflag:$0x2] =	stream.linear.gather [hbm4b:s4+s3], $0x2710, $0x38;
	[tilespmem:$0x1DC00] =	vst v63  }
0x1b: {  	_ = 	snop  }
0x1c: {  	[tilespmem:s13], [sflag:$0x4] =	stream.linear.gather [hbm4b:s5+s3], $0x200, $0x38;
	[tilespmem:$0x1DC00] =	vst v63  }
0x1d: {  	s22 =	simm.s32 $0x0;
	s23 =	sand.u32 $0x40, s3;
	_ =	swait.ge [sflag:s14], $0x200  }
0x1e: {  	s24 =	sand.u32 $0xFE00, s3;
	s25 =	simm.s32 $0x0;
	[sflag:s14] =	ssyncset.done $0x0  }
0x1f: {  	s23 =	sor.u32 s23, s24;
	s24 =	simm.s32 $0x0;
	[sflag:s14] =	ssyncadd.s32 $0xFFFFFE00  }
.LBB2_2:
0x20: {  	s22 =	sadd.s32 $0x4, s22  }
0x21: {  	[tilespmem:s23+$0x9E20] =	vst v0;
	s24 =	sadd.s32 $0x100, s24;
	s25 =	sadd.s32 $0x40, s25;
	p0 =	slt.u32 s22, $0x26C  }
.Ltmp2:
0x22: {  	[tilespmem:s23+$0x9E10] =	vst v0;
	(pc) =	sbr.rel @p0 .LBB2_2-.Ltmp2, $4  }
0x23: {  	[tilespmem:s23+$0x9E30] =	vst v0  }
0x24: {  	[tilespmem:s23+$0x9E00] =	vst v0  }
0x25: {  	s26 =	sand.u32 $0xFE00, s24;
	s23 =	sand.u32 $0x40, s25  }
0x26: {  	s23 =	sor.u32 s23, s26  }
0x27: {  	[tilespmem:s23+$0x9E20] =	vst v0  }
0x28: {  	[tilespmem:s23+$0x9E10] =	vst v0  }
0x29: {  	[tilespmem:s23+$0x9E30] =	vst v0;
	s22 =	simm.s32 $0x0  }
0x2a: {  	[tilespmem:s23+$0x9E00] =	vst v0;
	s31 =	sand.u32 $0x40, s22;
	s25 =	sand.u32 $0xFE00, s22  }
0x2b: {  	s24 =	simm.s32 $0x0;
	[tilespmem:$0x13A00] =	vst v0;
	s23 =	sor.u32 s31, s25;
	s25 =	simm.s32 $0x0  }
.LBB2_4:
0x2c: {  	s24 =	sadd.s32 $0x4, s24  }
0x2d: {  	[tilespmem:s23+$0x9EA0] =	vst v0;
	s22 =	sadd.s32 $0x100, s22;
	s25 =	sadd.s32 $0x40, s25;
	p0 =	slt.u32 s24, $0x26C  }
.Ltmp3:
0x2e: {  	[tilespmem:s23+$0x9E90] =	vst v0;
	(pc) =	sbr.rel @p0 .LBB2_4-.Ltmp3, $4  }
0x2f: {  	[tilespmem:s23+$0x9EB0] =	vst v0  }
0x30: {  	[tilespmem:s23+$0x9E80] =	vst v0  }
0x31: {  	s26 =	sand.u32 $0xFE00, s22;
	s23 =	sand.u32 $0x40, s25  }
0x32: {  	s23 =	sor.u32 s23, s26  }
0x33: {  	[tilespmem:s23+$0x9EA0] =	vst v0;
	p0 =	por $0x0, $0x0;
	s24 =	simm.s32 $0x1  }
0x34: {  	[tilespmem:s23+$0x9E90] =	vst v0;
	s24 =	simm.s32 @!p0 $0x0  }
0x35: {  	[tilespmem:s23+$0x9EB0] =	vst v0;
	s22 =	simm.s32 $0x0;
	s24 =	sshll.u32 s24, $0x6  }
0x36: {  	[tilespmem:s23+$0x9E80] =	vst v0;
	s23 =	simm.s32 $0x0;
	p0 =	por !p0, !p0;
	s25 =	sadd.s32 $0x0, s24  }
0x37: {  	[tilespmem:$0x13A80] =	vst v0;
	s28 =	sor.u32 $0x100, s25;
	s24 =	sor.u32 $0x110, s25;
	s26 =	sor.u32 $0x120, s25  }
.LBB2_6:
0x38: {  	s23 =	sadd.s32 $0x4, s23  }
0x39: {  	[tilespmem:s28+$0x9E00] =	vst v0;
	s25 =	sor.u32 $0x130, s25;
	s22 =	sadd.s32 $0x100, s22;
	p1 =	slt.u32 s23, $0x26C  }
.Ltmp4:
0x3a: {  	[tilespmem:s26+$0x9E00] =	vst v0;
	s26 =	simm.s32 $0x1;
	(pc) =	sbr.rel @p1 .LBB2_6-.Ltmp4, $4  }
0x3b: {  	s26 =	simm.s32 @!p0 $0x0;
	[tilespmem:s25+$0x9E00] =	vst v0  }
0x3c: {  	s25 =	sshll.u32 s26, $0x6;
	[tilespmem:s24+$0x9E00] =	vst v0  }
0x3d: {  	p0 =	por !p0, !p0;
	s25 =	sadd.s32 s25, s22  }
0x3e: {  	s28 =	sor.u32 $0x100, s25;
	s24 =	sor.u32 $0x110, s25;
	s26 =	sor.u32 $0x120, s25  }
0x3f: {  	[tilespmem:s28+$0x9E00] =	vst v0;
	p0 =	por $0x0, $0x0;
	s23 =	simm.s32 $0x1  }
0x40: {  	s22 =	sor.u32 $0x130, s25;
	[tilespmem:s26+$0x9E00] =	vst v0;
	s23 =	simm.s32 @!p0 $0x0  }
0x41: {  	[tilespmem:s22+$0x9E00] =	vst v0;
	s22 =	simm.s32 $0x0;
	s31 =	sshll.u32 s23, $0x6  }
0x42: {  	[tilespmem:s24+$0x9E00] =	vst v0;
	p0 =	por !p0, !p0;
	s23 =	simm.s32 $0x0;
	s25 =	sadd.s32 $0x0, s31  }
0x43: {  	[tilespmem:$0x13B00] =	vst v0;
	s28 =	sor.u32 $0x180, s25;
	s24 =	sor.u32 $0x190, s25;
	s26 =	sor.u32 $0x1A0, s25  }
.LBB2_8:
0x44: {  	s23 =	sadd.s32 $0x4, s23  }
0x45: {  	[tilespmem:s28+$0x9E00] =	vst v0;
	s25 =	sor.u32 $0x1B0, s25;
	s22 =	sadd.s32 $0x100, s22;
	p1 =	slt.u32 s23, $0x26C  }
.Ltmp5:
0x46: {  	[tilespmem:s26+$0x9E00] =	vst v0;
	s26 =	simm.s32 $0x1;
	(pc) =	sbr.rel @p1 .LBB2_8-.Ltmp5, $4  }
0x47: {  	s26 =	simm.s32 @!p0 $0x0;
	[tilespmem:s25+$0x9E00] =	vst v0  }
0x48: {  	s25 =	sshll.u32 s26, $0x6;
	[tilespmem:s24+$0x9E00] =	vst v0  }
0x49: {  	p0 =	por !p0, !p0;
	s25 =	sadd.s32 s25, s22  }
0x4a: {  	s28 =	sor.u32 $0x180, s25;
	s24 =	sor.u32 $0x190, s25;
	s26 =	sor.u32 $0x1A0, s25  }
0x4b: {  	[tilespmem:s28+$0x9E00] =	vst v0  }
0x4c: {  	[tilespmem:s26+$0x9E00] =	vst v0  }
0x4d: {  	s22 =	sor.u32 $0x1B0, s25;
	[tilespmem:s24+$0x9E00] =	vst v0  }
.Ltmp6:
0x4e: {  	[tilespmem:s22+$0x9E00] =	vst v0;
	(pc) =	sbr.rel .LBB2_10-.Ltmp6, $4  }
0x4f: {  	[tilespmem:$0x13B80] =	vst v0  }
0x50: {  	_ =	swait.ge [sflag:s15], $0x9E00  }
0x51: {  	[sflag:s15] =	ssyncset.done $0x0  }
0x52: {  	s22 =	simm.s32 $0x0;
	[sflag:s15] =	ssyncadd.s32 $0xFFFF6200  }
.LBB2_17:
0x53: {  	_ =	sdelay $0x3  }
0x54: {  	vm7 =	vlt.s32 v23, v1;
	v1 =	vadd.s32 s25, v2  }
0x55: {  	v2 =	vld.idx.msk [tilespmem:v15+s16+$0x0], vm5;
	v11 =	vor.u32 $0x180, v11;
	v39 =	vand.u32 $0xFFFF, v17;
	v10 =	vmul.f32 v18, v10  }
0x56: {  	v12 =	vor.u32 $0x180, v12;
	v16 =	vld.idx.msk [tilespmem:v16+s17+$0x0], vm3;
	v19 =	vmul.f32 v19, v3;
	v41 =	vor.u32 $0x100, v4  }
0x57: {  	v24 =	vld.idx.msk [tilespmem:v14+s16+$0x0], vm6;
	v13 =	vor.u32 $0x180, v13;
	v20 =	vmul.f32 v20, v5;
	v42 =	vor.u32 $0x100, v6  }
0x58: {  	v27 =	vor.u32 $0x80, v8;
	v1 =	vnsel vm7, $0x0, v1;
	v40 =	vnsel vm3, $0x0, v39  }
0x59: {  	[tilespmem:v8+s19+$0x0] =	vst.idx.add.f32.msk vm2, v22;
	v28 =	vor.u32 $0x100, v9;
	v43 =	vshrl.u32 v17, $0x10;
	v22 =	vshll.u32 v40, $0x2  }
0x5a: {  	v50 =	vld.idx.msk [tilespmem:v15+s17+$0x0], vm5;
	v45 =	vnsel vm3, $0x0, v43;
	v18 =	vand.u32 $0x7F, v40;
	v22 =	vand.u32 $0x3FE00, v22  }
0x5b: {  	v21 =	vld.idx.msk [tilespmem:v21+s3+$0x0], vm2;
	v48 =	vand.u32 $0x7F, v45;
	v18 =	vor.u32 v18, v22;
	v26 =	vand.u32 $0xFFFF, v2  }
0x5c: {  	[tilespmem:v11+s19+$0x0] =	vst.idx.add.f32.msk vm4, v10;
	v11 =	vnsel vm3, $0x0, v16;
	v46 =	vand.u32 $0xFFFF, v24;
	v16 =	vshll.u32 v45, $0x2  }
0x5d: {  	v2 =	vshrl.u32 v2, $0x10;
	v55 =	vor.u32 $0x80, v18;
	v25 =	vld.idx.msk [tilespmem:v1+s16+$0x0], vm7;
	v26 =	vnsel vm5, $0x0, v26  }
0x5e: {  	v56 =	vld.idx.msk [tilespmem:v14+s17+$0x0], vm6;
	v57 =	vshrl.u32 v24, $0x10;
	v17 =	vnsel vm6, $0x0, v46;
	v44 =	vshll.u32 v26, $0x2  }
0x5f: {  	[tilespmem:v41+s19+$0x0] =	vst.idx.add.f32.msk vm1, v19;
	v26 =	vand.u32 $0x7F, v26;
	v29 =	vshll.u32 v17, $0x2;
	v10 =	vand.u32 $0x3FE00, v44  }
0x60: {  	[tilespmem:v42+s19+$0x0] =	vst.idx.add.f32.msk vm0, v20;
	v17 =	vand.u32 $0x7F, v17;
	v29 =	vand.u32 $0x3FE00, v29;
	v10 =	vor.u32 v26, v10  }
0x61: {  	v21 =	vmul.f32 v21, v7;
	v12 =	vld.idx.msk [tilespmem:v12+s3+$0x0], vm1;
	v16 =	vand.u32 $0x3FE00, v16;
	v17 =	vor.u32 v17, v29  }
0x62: {  	v2 =	vnsel vm5, $0x0, v2;
	v16 =	vor.u32 v48, v16;
	v47 =	vld.idx.msk [tilespmem:v18+s3+$0x0], vm3;
	v49 =	vand.u32 $0xFFFF, v25  }
0x63: {  	v13 =	vld.idx.msk [tilespmem:v13+s3+$0x0], vm0;
	v54 =	vshll.u32 v2, $0x2;
	v2 =	vand.u32 $0x7F, v2;
	v26 =	vnsel vm7, $0x0, v49  }
0x64: {  	[tilespmem:v27+s19+$0x0] =	vst.idx.add.f32.msk vm2, v21;
	v23 =	vand.u32 $0x3FE00, v54;
	v21 =	vnsel vm6, $0x0, v57;
	v30 =	vshll.u32 v26, $0x2  }
0x65: {  	v2 =	vor.u32 v2, v23;
	v51 =	vand.u32 $0x7F, v26;
	v52 =	vand.u32 $0x3FE00, v30;
	v53 =	vld.idx.msk [tilespmem:v10+s3+$0x0], vm5  }
0x66: {  	v60 =	vshll.u32 v21, $0x2;
	v21 =	vand.u32 $0x7F, v21;
	v58 =	vld.idx.msk [tilespmem:v17+s3+$0x0], vm6;
	v20 =	vor.u32 v51, v52  }
0x67: {  	v1 =	vld.idx.msk [tilespmem:v1+s17+$0x0], vm7;
	v59 =	vshrl.u32 v25, $0x10;
	v25 =	vand.u32 $0x3FE00, v60;
	v19 =	vmul.f32 v11, v47  }
0x68: {  	v33 =	vld.idx.msk [tilespmem:v28+s3+$0x0], vm2;
	v21 =	vor.u32 v21, v25  }
0x69: {  	v15 =	vnsel vm5, $0x0, v50;
	v14 =	vnsel vm6, $0x0, v56;
	v61 =	vor.u32 $0x80, v10;
	[tilespmem:v16+s19+$0x0] =	vst.idx.add.f32.msk vm3, v19  }
0x6a: {  	v35 =	vor.u32 $0x80, v17;
	v23 =	vnsel vm7, $0x0, v59;
	v37 =	vld.idx.msk [tilespmem:v55+s3+$0x0], vm3;
	v22 =	vmul.f32 v15, v53  }
0x6b: {  	v39 =	vor.u32 $0x100, v8;
	v63 =	vshll.u32 v23, $0x2;
	v24 =	vmul.f32 v14, v58;
	v62 =	vld.idx.msk [tilespmem:v20+s3+$0x0], vm7  }
0x6c: {  	v41 =	vor.u32 $0x80, v16;
	v23 =	vand.u32 $0x7F, v23;
	v34 =	vand.u32 $0x3FE00, v63;
	[tilespmem:v2+s19+$0x0] =	vst.idx.add.f32.msk vm5, v22  }
0x6d: {  	v36 =	vor.u32 v23, v34;
	[tilespmem:v21+s19+$0x0] =	vst.idx.add.f32.msk vm6, v24  }
0x6e: {  	v25 =	vmul.f32 v33, v7;
	v38 =	vor.u32 $0x80, v20;
	v22 =	vld.idx.msk [tilespmem:v61+s3+$0x0], vm5  }
0x6f: {  	v43 =	vor.u32 $0x100, v18;
	v1 =	vnsel vm7, $0x0, v1;
	v42 =	vld.idx.msk [tilespmem:v35+s3+$0x0], vm6;
	v23 =	vmul.f32 v37, v11  }
0x70: {  	v44 =	vor.u32 $0x80, v2;
	[tilespmem:v39+s19+$0x0] =	vst.idx.add.f32.msk vm2, v25;
	v40 =	vmul.f32 v1, v62  }
0x71: {  	v32 =	vor.u32 $0x80, v21;
	[tilespmem:v41+s19+$0x0] =	vst.idx.add.f32.msk vm3, v23  }
0x72: {  	v31 =	vor.u32 $0x100, v10;
	[tilespmem:v36+s19+$0x0] =	vst.idx.add.f32.msk vm7, v40  }
0x73: {  	v45 =	vor.u32 $0x100, v17;
	v22 =	vmul.f32 v22, v15;
	v26 =	vld.idx.msk [tilespmem:v38+s3+$0x0], vm7  }
0x74: {  	v48 =	vor.u32 $0x180, v9;
	v24 =	vld.idx.msk [tilespmem:v43+s3+$0x0], vm3;
	v29 =	vmul.f32 v42, v14  }
0x75: {  	v46 =	vor.u32 $0x80, v36;
	[tilespmem:v44+s19+$0x0] =	vst.idx.add.f32.msk vm5, v22  }
0x76: {  	v47 =	vor.u32 $0x100, v20;
	[tilespmem:v32+s19+$0x0] =	vst.idx.add.f32.msk vm6, v29  }
0x77: {  	v49 =	vor.u32 $0x100, v16;
	v22 =	vld.idx.msk [tilespmem:v31+s3+$0x0], vm5  }
0x78: {  	v18 =	vor.u32 $0x180, v18;
	v25 =	vld.idx.msk [tilespmem:v45+s3+$0x0], vm6;
	v26 =	vmul.f32 v26, v1  }
0x79: {  	v50 =	vor.u32 $0x100, v2;
	v9 =	vld.idx.msk [tilespmem:v48+s3+$0x0], vm2  }
0x7a: {  	v51 =	vor.u32 $0x100, v21;
	v24 =	vmul.f32 v24, v11;
	[tilespmem:v46+s19+$0x0] =	vst.idx.add.f32.msk vm7, v26  }
0x7b: {  	v10 =	vor.u32 $0x180, v10;
	v26 =	vld.idx.msk [tilespmem:v47+s3+$0x0], vm7  }
0x7c: {  	v17 =	vor.u32 $0x180, v17;
	[tilespmem:v49+s19+$0x0] =	vst.idx.add.f32.msk vm3, v24;
	v22 =	vmul.f32 v22, v15  }
0x7d: {  	v52 =	vor.u32 $0x100, v36;
	v18 =	vld.idx.msk [tilespmem:v18+s3+$0x0], vm3;
	v25 =	vmul.f32 v25, v14  }
0x7e: {  	v20 =	vor.u32 $0x180, v20;
	[tilespmem:v50+s19+$0x0] =	vst.idx.add.f32.msk vm5, v22  }
0x7f: {  	v55 =	vor.u32 $0x180, v6;
	[tilespmem:v51+s19+$0x0] =	vst.idx.add.f32.msk vm6, v25  }
0x80: {  	v53 =	vor.u32 $0x180, v4;
	v10 =	vld.idx.msk [tilespmem:v10+s3+$0x0], vm5;
	v54 =	vmul.f32 v26, v1  }
0x81: {  	v56 =	vor.u32 $0x180, v8;
	v17 =	vld.idx.msk [tilespmem:v17+s3+$0x0], vm6  }
0x82: {  	v16 =	vor.u32 $0x180, v16;
	v58 =	vmul.f32 v13, v5;
	[tilespmem:v52+s19+$0x0] =	vst.idx.add.f32.msk vm7, v54  }
0x83: {  	v3 =	vmul.f32 v12, v3;
	v2 =	vor.u32 $0x180, v2;
	v57 =	vld.idx.msk [tilespmem:v20+s3+$0x0], vm7  }
0x84: {  	v59 =	vor.u32 $0x180, v21;
	v60 =	vmul.f32 v9, v7;
	[tilespmem:v55+s19+$0x0] =	vst.idx.add.f32.msk vm0, v58  }
0x85: {  	[tilespmem:v53+s19+$0x0] =	vst.idx.add.f32.msk vm1, v3;
	v3 =	vor.u32 $0x180, v36;
	v61 =	vmul.f32 v18, v11  }
0x86: {  	[tilespmem:v56+s19+$0x0] =	vst.idx.add.f32.msk vm2, v60;
	v62 =	vmul.f32 v10, v15  }
0x87: {  	[tilespmem:v16+s19+$0x0] =	vst.idx.add.f32.msk vm3, v61;
	v63 =	vmul.f32 v17, v14  }
0x88: {  	[tilespmem:v2+s19+$0x0] =	vst.idx.add.f32.msk vm5, v62;
	v1 =	vmul.f32 v57, v1  }
0x89: {  	[tilespmem:v59+s19+$0x0] =	vst.idx.add.f32.msk vm6, v63  }
0x8a: {  	[tilespmem:v3+s19+$0x0] =	vst.idx.add.f32.msk vm7, v1  }
.LBB2_18:
0x8b: {  	s22 =	sadd.s32 $0x1, s22  }
0x8c: {  	p0 =	seq.s32 s22, $0x10  }
.Ltmp7:
0x8d: {  	_ = 	snop;
	(pc) =	sbr.rel @p0 .LBB2_19-.Ltmp7, $1  }
0x8e: {  	_ =	sdelay $0x3  }
.LBB2_10:
0x8f: {  	s23 =	sshllo.u32 s22, $0x1  }
0x90: {  	s24 =	smul.u32 $0x4E2, s23;
	_ =	sdelay $0x1  }
0x91: {  	s25 =	sadd.s32 s2, s24  }
0x92: {  	[tilespmem:s16], [sflag:$0x3] =	stream.linear.gather [hbm4b:s25+s3], $0x2710, $0x38;
	[tilespmem:$0x1DC00] =	vst v63  }
0x93: {  	s24 =	sadd.s32 s4, s24  }
0x94: {  	[tilespmem:s17], [sflag:$0x3] =	stream.linear.gather [hbm4b:s24+s3], $0x2710, $0x38;
	[tilespmem:$0x1DC00] =	vst v63  }
0x95: {  	_ =	swait.ge [sflag:s18], $0x2710  }
0x96: {  	[sflag:s18] =	ssyncset.done $0x0  }
0x97: {  	[sflag:s18] =	ssyncadd.s32 $0xFFFFD8F0  }
0x98: {  	_ =	swait.ge [sflag:s18], $0x2710  }
0x99: {  	s30 =	sshll.u32 s22, $0x5;
	[sflag:s18] =	ssyncset.done $0x0  }
0x9a: {  	s24 =	sand.u32 $0x3FFFFFE0, s30;
	[sflag:s18] =	ssyncadd.s32 $0xFFFFD8F0  }
0x9b: {  	v1 =	vld [tilespmem:s24+$0x1DA00];
	_ =	sdelay $0x4  }
0x9c: {  	(xrf0) =	vadd.scan.msk.s32 $0xffff, v1;
	v2 =	vxor.u32 $0x80000000, v1  }
0x9d: {  	(xrf0) =	vmax.scan.msk.u32 $0xffff, v2;
	_ =	sdelay $0x4  }
0x9e: {  	v2, _, _ =	vpop (xrf0)  }
0x9f: {  	v3, _, _ =	vpop (xrf0)  }
0xa0: {  	(v2sf) =	vpush v3, $0xF;
	_ =	sdelay $0xe  }
0xa1: {  	s31 =	spop (v2sf)  }
0xa2: {  	s24 =	sxor.u32 $0x80000000, s31  }
0xa3: {  	p0 =	slt.s32 s24, $0x1  }
.Ltmp8:
0xa4: {  	_ = 	snop;
	(pc) =	sbr.rel @p0 .LBB2_14-.Ltmp8, $1  }
0xa5: {  	_ =	sdelay $0x3  }
0xa6: {  	s30 =	simm.s32 $0x0  }
0xa7: {  	v2 =	vsub.s32 v2, v1;
	v3 =	vmov s30  }
0xa8: {  	vm1 =	vlt.s32 v3, v1;
	v3 =	vadd.s32 s30, v2  }
0xa9: {  	v3 =	vnsel vm1, $0x0, v3;
	_ =	sdelay $0x4  }
0xaa: {  	v4 =	vld.idx.msk [tilespmem:v3+s11+$0x0], vm1;
	_ =	sdelay $0x3  }
0xab: {  	s31 =	simm.s32 $0x7  }
0xac: {  	v5 =	vmov s31;
	vm4 =	vmmov vm1;
	v6 =	vand.u32 $0xFFFF, v4  }
0xad: {  	v7 =	vadd.s32 s31, v2;
	vm2 =	vlt.s32 v5, v1;
	v5 =	vnsel vm4, $0x0, v6  }
0xae: {  	s26 =	simm.s32 $0x6;
	v6 =	vnsel vm2, $0x0, v7;
	v7 =	vshll.u32 v5, $0x2  }
0xaf: {  	v8 =	vmov s26;
	v5 =	vand.u32 $0x7F, v5;
	v7 =	vand.u32 $0x3FE00, v7  }
0xb0: {  	vm0 =	vlt.s32 v8, v1;
	v7 =	vor.u32 v5, v7;
	v5 =	vadd.s32 s26, v2  }
0xb1: {  	v5 =	vnsel vm0, $0x0, v5  }
0xb2: {  	v3 =	vld.idx.msk [tilespmem:v3+s12+$0x0], vm1  }
0xb3: {  	v8 =	vld.idx.msk [tilespmem:v6+s11+$0x0], vm2  }
0xb4: {  	v4 =	vshrl.u32 v4, $0x10  }
0xb5: {  	v4 =	vnsel vm4, $0x0, v4  }
0xb6: {  	v10 =	vshll.u32 v4, $0x2;
	v14 =	vld.idx.msk [tilespmem:v5+s11+$0x0], vm0  }
0xb7: {  	v4 =	vand.u32 $0x7F, v4;
	v11 =	vand.u32 $0x3FE00, v10;
	v10 =	vnsel vm4, $0x0, v3;
	v9 =	vld.idx.msk [tilespmem:v7+s3+$0x0], vm1  }
0xb8: {  	s28 =	simm.s32 $0x5;
	v11 =	vor.u32 v4, v11;
	vm1 =	vmmov vm2;
	v12 =	vand.u32 $0xFFFF, v8  }
0xb9: {  	v4 =	vor.u32 $0x80, v7;
	v3 =	vnsel vm1, $0x0, v12;
	v12 =	vmov s28  }
0xba: {  	vm2 =	vlt.s32 v12, v1;
	v12 =	vadd.s32 s28, v2;
	v13 =	vshll.u32 v3, $0x2  }
0xbb: {  	v3 =	vand.u32 $0x7F, v3;
	v15 =	vnsel vm2, $0x0, v12;
	v12 =	vand.u32 $0xFFFF, v14  }
0xbc: {  	v9 =	vmul.f32 v10, v9;
	v13 =	vand.u32 $0x3FE00, v13;
	v16 =	vnsel vm0, $0x0, v12  }
0xbd: {  	v12 =	vor.u32 v3, v13;
	v3 =	vshll.u32 v16, $0x2  }
0xbe: {  	[tilespmem:v11+s19+$0x0] =	vst.idx.add.f32.msk vm4, v9;
	v9 =	vand.u32 $0x7F, v16;
	v3 =	vand.u32 $0x3FE00, v3  }
0xbf: {  	v4 =	vld.idx.msk [tilespmem:v4+s3+$0x0], vm4;
	v13 =	vor.u32 v9, v3  }
0xc0: {  	v3 =	vshrl.u32 v8, $0x10;
	v8 =	vld.idx.msk [tilespmem:v15+s11+$0x0], vm2  }
0xc1: {  	v18 =	vor.u32 $0x100, v7;
	v6 =	vld.idx.msk [tilespmem:v6+s12+$0x0], vm1;
	v14 =	vshrl.u32 v14, $0x10;
	v3 =	vnsel vm1, $0x0, v3  }
0xc2: {  	v14 =	vnsel vm0, $0x0, v14;
	v9 =	vor.u32 $0x80, v11;
	v16 =	vshll.u32 v3, $0x2;
	v17 =	vld.idx.msk [tilespmem:v12+s3+$0x0], vm1  }
0xc3: {  	v5 =	vld.idx.msk [tilespmem:v5+s12+$0x0], vm0;
	v20 =	vor.u32 $0x80, v12;
	v3 =	vand.u32 $0x7F, v3;
	v16 =	vand.u32 $0x3FE00, v16  }
0xc4: {  	v19 =	vmul.f32 v4, v10;
	v4 =	vor.u32 v3, v16;
	v3 =	vshll.u32 v14, $0x2;
	v16 =	vld.idx.msk [tilespmem:v13+s3+$0x0], vm0  }
0xc5: {  	v14 =	vand.u32 $0x7F, v14;
	v21 =	vand.u32 $0xFFFF, v8;
	v22 =	vand.u32 $0x3FE00, v3  }
0xc6: {  	v3 =	vnsel vm1, $0x0, v6;
	v21 =	vnsel vm2, $0x0, v21;
	v6 =	vor.u32 v14, v22  }
0xc7: {  	[tilespmem:v9+s19+$0x0] =	vst.idx.add.f32.msk vm4, v19;
	v14 =	vmul.f32 v3, v17;
	v9 =	vshll.u32 v21, $0x2;
	v17 =	vor.u32 $0x80, v13  }
0xc8: {  	v5 =	vnsel vm0, $0x0, v5;
	v18 =	vld.idx.msk [tilespmem:v18+s3+$0x0], vm4;
	v19 =	vand.u32 $0x7F, v21;
	v9 =	vand.u32 $0x3FE00, v9  }
0xc9: {  	p0 =	slt.s32 s24, $0x2710;
	[tilespmem:v4+s19+$0x0] =	vst.idx.add.f32.msk vm1, v14;
	v9 =	vor.u32 v19, v9;
	v14 =	vmul.f32 v5, v16  }
0xca: {  	s29 =	simm.s32 $0x4;
	s24 =	simm.s32 @!p0 $0x2710;
	v19 =	vld.idx.msk [tilespmem:v20+s3+$0x0], vm1;
	v20 =	vor.u32 $0x100, v11  }
0xcb: {  	s24 =	sadd.s32 $0x7, s24;
	v7 =	vor.u32 $0x180, v7;
	v16 =	vmov s29;
	[tilespmem:v6+s19+$0x0] =	vst.idx.add.f32.msk vm0, v14  }
0xcc: {  	s25 =	sshra.s32 s24, $0x1F;
	vm3 =	vlt.s32 v16, v1;
	v14 =	vadd.s32 s29, v2;
	v21 =	vld.idx.msk [tilespmem:v17+s3+$0x0], vm0;
	v17 =	vor.u32 $0x80, v4  }
0xcd: {  	s25 =	sshrl.u32 s25, $0x1D;
	v8 =	vshrl.u32 v8, $0x10;
	v18 =	vmul.f32 v18, v10;
	v16 =	vnsel vm3, $0x0, v14;
	v14 =	vld.idx.msk [tilespmem:v15+s12+$0x0], vm2  }
0xce: {  	s24 =	sadd.s32 s25, s24;
	v23 =	vor.u32 $0x100, v12;
	v24 =	vor.u32 $0x100, v13;
	v8 =	vnsel vm2, $0x0, v8;
	v22 =	vld.idx.msk [tilespmem:v9+s3+$0x0], vm2  }
0xcf: {  	s30 =	simm.s32 $0x3;
	s24 =	sand.u32 $0xFFFFFFF8, s24;
	v15 =	vmul.f32 v19, v3;
	[tilespmem:v20+s19+$0x0] =	vst.idx.add.f32.msk vm4, v18;
	v20 =	vor.u32 $0x80, v6;
	v19 =	vshll.u32 v8, $0x2  }
0xd0: {  	p0 =	sgt.s32 s24, $0x8;
	v8 =	vand.u32 $0x7F, v8;
	v18 =	vld.idx.msk [tilespmem:v7+s3+$0x0], vm4;
	v7 =	vmov s30;
	v19 =	vand.u32 $0x3FE00, v19  }
.Ltmp9:
0xd1: {  	vm5 =	vlt.s32 v7, v1;
	v7 =	vadd.s32 s30, v2;
	v8 =	vor.u32 v8, v19;
	[tilespmem:v17+s19+$0x0] =	vst.idx.add.f32.msk vm1, v15;
	(pc) =	sbr.rel @!p0 .LBB2_13-.Ltmp9, $4  }
0xd2: {  	s31 =	simm.s32 $0x2;
	v17 =	vld.idx.msk [tilespmem:v16+s11+$0x0], vm3;
	v25 =	vmul.f32 v21, v5;
	v15 =	vnsel vm5, $0x0, v7  }
0xd3: {  	v26 =	vmov s31;
	v7 =	vnsel vm2, $0x0, v14;
	v21 =	vor.u32 $0x80, v9;
	v19 =	vld.idx.msk [tilespmem:v23+s3+$0x0], vm1  }
0xd4: {  	vm6 =	vlt.s32 v26, v1;
	s26 =	simm.s32 $0x1;
	v14 =	vadd.s32 s31, v2;
	v22 =	vmul.f32 v7, v22;
	[tilespmem:v20+s19+$0x0] =	vst.idx.add.f32.msk vm0, v25  }
0xd5: {  	s25 =	simm.s32 $0x8;
	v23 =	vmov s26;
	v14 =	vnsel vm6, $0x0, v14;
	v20 =	vld.idx.msk [tilespmem:v24+s3+$0x0], vm0  }
.LBB2_12:
0xd6: {  	v24 =	vmov s25;
	vm7 =	vlt.s32 v23, v1;
	v23 =	vadd.s32 s26, v2;
	[tilespmem:v8+s19+$0x0] =	vst.idx.add.f32.msk vm2, v22  }
0xd7: {  	v22 =	vadd.s32 s25, v2;
	vm8 =	vlt.s32 v24, v1;
	v23 =	vnsel vm7, $0x0, v23;
	v24 =	vld.idx.msk [tilespmem:v15+s11+$0x0], vm5  }
0xd8: {  	v25 =	vor.u32 $0x180, v11;
	v11 =	vand.u32 $0xFFFF, v17;
	v22 =	vnsel vm8, $0x0, v22;
	v21 =	vld.idx.msk [tilespmem:v21+s3+$0x0], vm2  }
0xd9: {  	v18 =	vmul.f32 v18, v10;
	v27 =	vor.u32 $0x180, v12;
	v10 =	vnsel vm3, $0x0, v11;
	v26 =	vld.idx.msk [tilespmem:v16+s12+$0x0], vm3  }
0xda: {  	v29 =	vor.u32 $0x100, v4;
	v19 =	vmul.f32 v19, v3;
	v11 =	vshll.u32 v10, $0x2;
	v28 =	vld.idx.msk [tilespmem:v14+s11+$0x0], vm6  }
0xdb: {  	v30 =	vor.u32 $0x180, v13;
	v10 =	vand.u32 $0x7F, v10;
	v11 =	vand.u32 $0x3FE00, v11  }
0xdc: {  	v32 =	vor.u32 $0x100, v6;
	v20 =	vmul.f32 v20, v5;
	v16 =	vor.u32 v10, v11;
	v31 =	vld.idx.msk [tilespmem:v23+s11+$0x0], vm7  }
0xdd: {  	v33 =	vor.u32 $0x80, v8;
	v34 =	vor.u32 $0x100, v9;
	v12 =	vand.u32 $0xFFFF, v24;
	v10 =	vld.idx.msk [tilespmem:v22+s12+$0x0], vm8  }
0xde: {  	v17 =	vshrl.u32 v17, $0x10;
	v13 =	vnsel vm5, $0x0, v12;
	v21 =	vmul.f32 v21, v7;
	v11 =	vld.idx.msk [tilespmem:v22+s11+$0x0], vm8  }
0xdf: {  	v17 =	vnsel vm3, $0x0, v17;
	v12 =	vnsel vm3, $0x0, v26;
	[tilespmem:v25+s19+$0x0] =	vst.idx.add.f32.msk vm4, v18;
	v18 =	vshll.u32 v13, $0x2  }
0xe0: {  	v22 =	vand.u32 $0xFFFF, v28;
	v13 =	vand.u32 $0x7F, v13;
	v18 =	vand.u32 $0x3FE00, v18;
	[tilespmem:v29+s19+$0x0] =	vst.idx.add.f32.msk vm1, v19  }
0xe1: {  	v25 =	vand.u32 $0x7F, v17;
	v19 =	vnsel vm6, $0x0, v22;
	v18 =	vor.u32 v13, v18;
	v22 =	vld.idx.msk [tilespmem:v16+s3+$0x0], vm3  }
0xe2: {  	v17 =	vshll.u32 v17, $0x2;
	v26 =	vand.u32 $0xFFFF, v31;
	v29 =	vshll.u32 v19, $0x2;
	v13 =	vld.idx.msk [tilespmem:v27+s3+$0x0], vm1  }
0xe3: {  	v19 =	vand.u32 $0x7F, v19;
	v26 =	vnsel vm7, $0x0, v26;
	v27 =	vand.u32 $0x3FE00, v29;
	v29 =	vld.idx.msk [tilespmem:v15+s12+$0x0], vm5  }
0xe4: {  	v17 =	vand.u32 $0x3FE00, v17;
	v15 =	vshll.u32 v26, $0x2;
	v19 =	vor.u32 v19, v27;
	[tilespmem:v32+s19+$0x0] =	vst.idx.add.f32.msk vm0, v20  }
0xe5: {  	v24 =	vshrl.u32 v24, $0x10;
	v20 =	vand.u32 $0x7F, v26;
	v26 =	vand.u32 $0x3FE00, v15;
	v15 =	vld.idx.msk [tilespmem:v30+s3+$0x0], vm0  }
0xe6: {  	v24 =	vnsel vm5, $0x0, v24;
	v17 =	vor.u32 v25, v17;
	v20 =	vor.u32 v20, v26;
	v26 =	vld.idx.msk [tilespmem:v18+s3+$0x0], vm5  }
0xe7: {  	v25 =	vshll.u32 v24, $0x2;
	v27 =	vor.u32 $0x80, v16;
	v22 =	vmul.f32 v12, v22;
	[tilespmem:v33+s19+$0x0] =	vst.idx.add.f32.msk vm2, v21  }
0xe8: {  	v24 =	vand.u32 $0x7F, v24;
	v25 =	vand.u32 $0x3FE00, v25;
	v21 =	vld.idx.msk [tilespmem:v14+s12+$0x0], vm6;
	v14 =	vshrl.u32 v28, $0x10  }
0xe9: {  	v24 =	vor.u32 v24, v25;
	v28 =	vnsel vm6, $0x0, v14;
	v30 =	vld.idx.msk [tilespmem:v19+s3+$0x0], vm6;
	v14 =	vnsel vm5, $0x0, v29  }
0xea: {  	v25 =	vshrl.u32 v31, $0x10;
	v31 =	vor.u32 $0x80, v18;
	v23 =	vld.idx.msk [tilespmem:v23+s12+$0x0], vm7;
	v29 =	vshll.u32 v28, $0x2  }
0xeb: {  	v25 =	vnsel vm7, $0x0, v25;
	v28 =	vand.u32 $0x7F, v28;
	v32 =	vld.idx.msk [tilespmem:v20+s3+$0x0], vm7;
	v29 =	vand.u32 $0x3FE00, v29  }
0xec: {  	v33 =	vshll.u32 v25, $0x2;
	v26 =	vmul.f32 v14, v26;
	v28 =	vor.u32 v28, v29;
	v29 =	vld.idx.msk [tilespmem:v34+s3+$0x0], vm2  }
0xed: {  	v25 =	vand.u32 $0x7F, v25;
	v33 =	vand.u32 $0x3FE00, v33;
	v34 =	vor.u32 $0x80, v19;
	[tilespmem:v17+s19+$0x0] =	vst.idx.add.f32.msk vm3, v22  }
0xee: {  	vm4 =	vmmov vm8;
	v22 =	vor.u32 v25, v33;
	v21 =	vnsel vm6, $0x0, v21;
	v25 =	vld.idx.msk [tilespmem:v27+s3+$0x0], vm3  }
0xef: {  	v27 =	vor.u32 $0x80, v20;
	v30 =	vmul.f32 v21, v30;
	[tilespmem:v24+s19+$0x0] =	vst.idx.add.f32.msk vm5, v26  }
0xf0: {  	v23 =	vnsel vm7, $0x0, v23;
	v26 =	vld.idx.msk [tilespmem:v31+s3+$0x0], vm5;
	v31 =	vor.u32 $0x100, v8  }
0xf1: {  	v32 =	vmul.f32 v23, v32;
	[tilespmem:v28+s19+$0x0] =	vst.idx.add.f32.msk vm6, v30;
	v30 =	vor.u32 $0x80, v17  }
0xf2: {  	v33 =	vld.idx.msk [tilespmem:v34+s3+$0x0], vm6;
	v34 =	vor.u32 $0x100, v16  }
0xf3: {  	v29 =	vmul.f32 v29, v7;
	[tilespmem:v22+s19+$0x0] =	vst.idx.add.f32.msk vm7, v32;
	v32 =	vor.u32 $0x80, v24  }
0xf4: {  	v35 =	vor.u32 $0x100, v18;
	v25 =	vmul.f32 v25, v12;
	v27 =	vld.idx.msk [tilespmem:v27+s3+$0x0], vm7  }
0xf5: {  	v36 =	vor.u32 $0x80, v28;
	[tilespmem:v31+s19+$0x0] =	vst.idx.add.f32.msk vm2, v29  }
0xf6: {  	v29 =	vor.u32 $0x100, v19;
	v26 =	vmul.f32 v26, v14;
	[tilespmem:v30+s19+$0x0] =	vst.idx.add.f32.msk vm3, v25  }
0xf7: {  	v25 =	vor.u32 $0x80, v22;
	v30 =	vld.idx.msk [tilespmem:v34+s3+$0x0], vm3  }
0xf8: {  	v31 =	vor.u32 $0x100, v20;
	v33 =	vmul.f32 v33, v21;
	[tilespmem:v32+s19+$0x0] =	vst.idx.add.f32.msk vm5, v26  }
0xf9: {  	v9 =	vor.u32 $0x180, v9;
	v26 =	vld.idx.msk [tilespmem:v35+s3+$0x0], vm5  }
0xfa: {  	v32 =	vor.u32 $0x100, v17;
	v27 =	vmul.f32 v27, v23;
	[tilespmem:v36+s19+$0x0] =	vst.idx.add.f32.msk vm6, v33  }
0xfb: {  	v16 =	vor.u32 $0x180, v16;
	v29 =	vld.idx.msk [tilespmem:v29+s3+$0x0], vm6  }
0xfc: {  	[tilespmem:v25+s19+$0x0] =	vst.idx.add.f32.msk vm7, v27;
	v25 =	vor.u32 $0x100, v24  }
0xfd: {  	v18 =	vor.u32 $0x180, v18;
	v30 =	vmul.f32 v30, v12;
	v27 =	vld.idx.msk [tilespmem:v31+s3+$0x0], vm7  }
0xfe: {  	v31 =	vor.u32 $0x100, v28;
	v9 =	vld.idx.msk [tilespmem:v9+s3+$0x0], vm2  }
0xff: {  	s26 =	sadd.s32 $0x7, s25;
	v19 =	vor.u32 $0x180, v19;
	v26 =	vmul.f32 v26, v14;
	[tilespmem:v32+s19+$0x0] =	vst.idx.add.f32.msk vm3, v30  }
0x100: {  	v33 =	vor.u32 $0x100, v22;
	v30 =	vmov s26;
	v32 =	vadd.s32 s26, v2;
	v16 =	vld.idx.msk [tilespmem:v16+s3+$0x0], vm3  }
0x101: {  	v20 =	vor.u32 $0x180, v20;
	vm8 =	vlt.s32 v30, v1;
	v29 =	vmul.f32 v29, v21;
	[tilespmem:v25+s19+$0x0] =	vst.idx.add.f32.msk vm5, v26  }
0x102: {  	v25 =	vnsel vm8, $0x0, v32;
	v18 =	vld.idx.msk [tilespmem:v18+s3+$0x0], vm5  }
0x103: {  	v4 =	vor.u32 $0x180, v4;
	v26 =	vmul.f32 v27, v23;
	[tilespmem:v31+s19+$0x0] =	vst.idx.add.f32.msk vm6, v29  }
0x104: {  	v6 =	vor.u32 $0x180, v6;
	v19 =	vld.idx.msk [tilespmem:v19+s3+$0x0], vm6  }
0x105: {  	v8 =	vor.u32 $0x180, v8;
	v27 =	vand.u32 $0xFFFF, v11;
	[tilespmem:v33+s19+$0x0] =	vst.idx.add.f32.msk vm7, v26  }
0x106: {  	v3 =	vmul.f32 v13, v3;
	v17 =	vor.u32 $0x180, v17;
	v26 =	vnsel vm4, $0x0, v27;
	v20 =	vld.idx.msk [tilespmem:v20+s3+$0x0], vm7  }
0x107: {  	v5 =	vmul.f32 v15, v5;
	v24 =	vor.u32 $0x180, v24;
	v13 =	vand.u32 $0x7F, v26;
	v27 =	vld.idx.msk [tilespmem:v25+s11+$0x0], vm8  }
0x108: {  	v7 =	vmul.f32 v9, v7;
	v15 =	vshll.u32 v26, $0x2;
	v26 =	vor.u32 $0x180, v28;
	[tilespmem:v4+s19+$0x0] =	vst.idx.add.f32.msk vm1, v3  }
0x109: {  	v9 =	vmul.f32 v16, v12;
	v3 =	vand.u32 $0x3FE00, v15;
	v4 =	vor.u32 $0x180, v22;
	[tilespmem:v6+s19+$0x0] =	vst.idx.add.f32.msk vm0, v5  }
0x10a: {  	s26 =	sadd.s32 $0x6, s25;
	vm1 =	vmmov vm8;
	v15 =	vor.u32 v13, v3;
	v3 =	vmul.f32 v18, v14;
	[tilespmem:v8+s19+$0x0] =	vst.idx.add.f32.msk vm2, v7  }
0x10b: {  	v5 =	vmov s26;
	v6 =	vmul.f32 v19, v21;
	[tilespmem:v17+s19+$0x0] =	vst.idx.add.f32.msk vm3, v9  }
0x10c: {  	vm0 =	vlt.s32 v5, v1;
	v5 =	vadd.s32 s26, v2;
	v7 =	vmul.f32 v20, v23;
	[tilespmem:v24+s19+$0x0] =	vst.idx.add.f32.msk vm5, v3  }
0x10d: {  	v3 =	vnsel vm0, $0x0, v5;
	[tilespmem:v26+s19+$0x0] =	vst.idx.add.f32.msk vm6, v6  }
0x10e: {  	[tilespmem:v4+s19+$0x0] =	vst.idx.add.f32.msk vm7, v7  }
0x10f: {  	v4 =	vld.idx.msk [tilespmem:v15+s3+$0x0], vm4  }
0x110: {  	v5 =	vshrl.u32 v11, $0x10  }
0x111: {  	v5 =	vnsel vm4, $0x0, v5  }
0x112: {  	v6 =	vshll.u32 v5, $0x2;
	v7 =	vld.idx.msk [tilespmem:v3+s11+$0x0], vm0  }
0x113: {  	v8 =	vand.u32 $0xFFFF, v27;
	v5 =	vand.u32 $0x7F, v5;
	v6 =	vand.u32 $0x3FE00, v6  }
0x114: {  	v10 =	vnsel vm4, $0x0, v10;
	v11 =	vor.u32 v5, v6;
	v5 =	vnsel vm1, $0x0, v8  }
0x115: {  	s26 =	sadd.s32 $0x5, s25;
	v6 =	vor.u32 $0x80, v15;
	v8 =	vshll.u32 v5, $0x2;
	v4 =	vmul.f32 v10, v4  }
0x116: {  	v9 =	vmov s26;
	v5 =	vand.u32 $0x7F, v5;
	v8 =	vand.u32 $0x3FE00, v8  }
0x117: {  	vm2 =	vlt.s32 v9, v1;
	v9 =	vadd.s32 s26, v2;
	v12 =	vor.u32 v5, v8  }
0x118: {  	v8 =	vnsel vm2, $0x0, v9;
	v5 =	vand.u32 $0xFFFF, v7  }
0x119: {  	[tilespmem:v11+s19+$0x0] =	vst.idx.add.f32.msk vm4, v4;
	v4 =	vnsel vm0, $0x0, v5  }
0x11a: {  	v5 =	vld.idx.msk [tilespmem:v6+s3+$0x0], vm4;
	v6 =	vshll.u32 v4, $0x2  }
0x11b: {  	v4 =	vand.u32 $0x7F, v4;
	v6 =	vand.u32 $0x3FE00, v6;
	v9 =	vld.idx.msk [tilespmem:v25+s12+$0x0], vm1  }
0x11c: {  	v13 =	vor.u32 v4, v6;
	v4 =	vshrl.u32 v27, $0x10;
	v6 =	vld.idx.msk [tilespmem:v12+s3+$0x0], vm1  }
0x11d: {  	v14 =	vld.idx.msk [tilespmem:v8+s11+$0x0], vm2;
	v4 =	vnsel vm1, $0x0, v4  }
0x11e: {  	v16 =	vor.u32 $0x80, v11;
	v17 =	vshll.u32 v4, $0x2  }
0x11f: {  	v18 =	vor.u32 $0x100, v15;
	v4 =	vand.u32 $0x7F, v4;
	v17 =	vand.u32 $0x3FE00, v17  }
0x120: {  	v5 =	vmul.f32 v5, v10;
	v19 =	vld.idx.msk [tilespmem:v3+s12+$0x0], vm0;
	v3 =	vshrl.u32 v7, $0x10;
	v4 =	vor.u32 v4, v17  }
0x121: {  	v7 =	vnsel vm0, $0x0, v3;
	v17 =	vld.idx.msk [tilespmem:v13+s3+$0x0], vm0;
	v3 =	vnsel vm1, $0x0, v9;
	v9 =	vor.u32 $0x80, v12  }
0x122: {  	v20 =	vshll.u32 v7, $0x2;
	v21 =	vmul.f32 v3, v6  }
0x123: {  	v6 =	vand.u32 $0x7F, v7;
	[tilespmem:v16+s19+$0x0] =	vst.idx.add.f32.msk vm4, v5;
	v5 =	vand.u32 $0xFFFF, v14;
	v7 =	vand.u32 $0x3FE00, v20  }
0x124: {  	v16 =	vld.idx.msk [tilespmem:v18+s3+$0x0], vm4;
	v5 =	vnsel vm2, $0x0, v5;
	v6 =	vor.u32 v6, v7  }
0x125: {  	v18 =	vor.u32 $0x80, v13;
	v7 =	vshll.u32 v5, $0x2;
	[tilespmem:v4+s19+$0x0] =	vst.idx.add.f32.msk vm1, v21  }
0x126: {  	v20 =	vand.u32 $0x7F, v5;
	v5 =	vnsel vm0, $0x0, v19;
	v7 =	vand.u32 $0x3FE00, v7;
	v19 =	vld.idx.msk [tilespmem:v9+s3+$0x0], vm1  }
0x127: {  	v9 =	vor.u32 v20, v7;
	v7 =	vmul.f32 v5, v17  }
0x128: {  	s26 =	sadd.s32 $0x4, s25;
	v17 =	vor.u32 $0x100, v11  }
0x129: {  	v15 =	vor.u32 $0x180, v15;
	v20 =	vmov s26;
	[tilespmem:v6+s19+$0x0] =	vst.idx.add.f32.msk vm0, v7  }
0x12a: {  	v21 =	vor.u32 $0x80, v4;
	vm3 =	vlt.s32 v20, v1;
	v7 =	vadd.s32 s26, v2;
	v20 =	vld.idx.msk [tilespmem:v18+s3+$0x0], vm0  }
0x12b: {  	v18 =	vmul.f32 v16, v10;
	v16 =	vnsel vm3, $0x0, v7;
	v7 =	vld.idx.msk [tilespmem:v8+s12+$0x0], vm2;
	v8 =	vshrl.u32 v14, $0x10  }
0x12c: {  	v22 =	vor.u32 $0x100, v12;
	v19 =	vmul.f32 v19, v3;
	v8 =	vnsel vm2, $0x0, v8;
	v14 =	vld.idx.msk [tilespmem:v9+s3+$0x0], vm2  }
0x12d: {  	v24 =	vor.u32 $0x100, v13;
	v23 =	vor.u32 $0x80, v6;
	s26 =	sadd.s32 $0x3, s25;
	[tilespmem:v17+s19+$0x0] =	vst.idx.add.f32.msk vm4, v18;
	v17 =	vshll.u32 v8, $0x2  }
0x12e: {  	v18 =	vld.idx.msk [tilespmem:v15+s3+$0x0], vm4;
	v15 =	vmov s26  }
0x12f: {  	s28 =	sadd.s32 $0x2, s25;
	vm5 =	vlt.s32 v15, v1;
	v15 =	vadd.s32 s26, v2;
	s26 =	sadd.s32 $0x1, s25;
	s25 =	sadd.s32 $0x8, s25  }
0x130: {  	v8 =	vand.u32 $0x7F, v8;
	v17 =	vand.u32 $0x3FE00, v17;
	p0 =	slt.s32 s25, s24  }
.Ltmp10:
0x131: {  	v8 =	vor.u32 v8, v17;
	[tilespmem:v21+s19+$0x0] =	vst.idx.add.f32.msk vm1, v19;
	(pc) =	sbr.rel @p0 .LBB2_12-.Ltmp10, $4  }
0x132: {  	v20 =	vmul.f32 v20, v5;
	v15 =	vnsel vm5, $0x0, v15;
	v17 =	vld.idx.msk [tilespmem:v16+s11+$0x0], vm3  }
0x133: {  	v25 =	vmov s28;
	v21 =	vor.u32 $0x80, v9;
	v7 =	vnsel vm2, $0x0, v7;
	v19 =	vld.idx.msk [tilespmem:v22+s3+$0x0], vm1  }
0x134: {  	vm6 =	vlt.s32 v25, v1;
	v25 =	vadd.s32 s28, v2;
	v22 =	vmul.f32 v7, v14;
	[tilespmem:v23+s19+$0x0] =	vst.idx.add.f32.msk vm0, v20  }
0x135: {  	v14 =	vnsel vm6, $0x0, v25;
	v23 =	vmov s26;
	v20 =	vld.idx.msk [tilespmem:v24+s3+$0x0], vm0  }
.LBB2_13:
0x136: {  	_ =	sdelay $0x3  }
0x137: {  	vm7 =	vlt.s32 v23, v1;
	v1 =	vadd.s32 s26, v2  }
0x138: {  	v2 =	vld.idx.msk [tilespmem:v15+s11+$0x0], vm5;
	v11 =	vor.u32 $0x180, v11;
	v10 =	vmul.f32 v18, v10;
	v12 =	vor.u32 $0x180, v12  }
0x139: {  	v16 =	vld.idx.msk [tilespmem:v16+s12+$0x0], vm3;
	v41 =	vor.u32 $0x100, v4;
	v13 =	vor.u32 $0x180, v13;
	v42 =	vor.u32 $0x100, v6  }
0x13a: {  	v24 =	vld.idx.msk [tilespmem:v14+s11+$0x0], vm6;
	v27 =	vor.u32 $0x80, v8;
	v28 =	vor.u32 $0x100, v9;
	v39 =	vand.u32 $0xFFFF, v17  }
0x13b: {  	[tilespmem:v8+s19+$0x0] =	vst.idx.add.f32.msk vm2, v22;
	v1 =	vnsel vm7, $0x0, v1;
	v43 =	vshrl.u32 v17, $0x10;
	v40 =	vnsel vm3, $0x0, v39  }
0x13c: {  	v21 =	vld.idx.msk [tilespmem:v21+s3+$0x0], vm2;
	v19 =	vmul.f32 v19, v3;
	v45 =	vnsel vm3, $0x0, v43;
	v22 =	vshll.u32 v40, $0x2  }
0x13d: {  	v18 =	vand.u32 $0x7F, v40;
	v48 =	vand.u32 $0x7F, v45;
	v22 =	vand.u32 $0x3FE00, v22  }
0x13e: {  	v50 =	vld.idx.msk [tilespmem:v15+s12+$0x0], vm5;
	v20 =	vmul.f32 v20, v5;
	v18 =	vor.u32 v18, v22;
	v26 =	vand.u32 $0xFFFF, v2  }
0x13f: {  	[tilespmem:v11+s19+$0x0] =	vst.idx.add.f32.msk vm4, v10;
	v11 =	vnsel vm3, $0x0, v16;
	v46 =	vand.u32 $0xFFFF, v24;
	v16 =	vshll.u32 v45, $0x2  }
0x140: {  	v2 =	vshrl.u32 v2, $0x10;
	v57 =	vshrl.u32 v24, $0x10;
	v25 =	vld.idx.msk [tilespmem:v1+s11+$0x0], vm7;
	v26 =	vnsel vm5, $0x0, v26  }
0x141: {  	v56 =	vld.idx.msk [tilespmem:v14+s12+$0x0], vm6;
	v21 =	vmul.f32 v21, v7;
	v17 =	vnsel vm6, $0x0, v46;
	v44 =	vshll.u32 v26, $0x2  }
0x142: {  	[tilespmem:v41+s19+$0x0] =	vst.idx.add.f32.msk vm1, v19;
	v26 =	vand.u32 $0x7F, v26;
	v29 =	vshll.u32 v17, $0x2;
	v10 =	vand.u32 $0x3FE00, v44  }
0x143: {  	v12 =	vld.idx.msk [tilespmem:v12+s3+$0x0], vm1;
	v17 =	vand.u32 $0x7F, v17;
	v29 =	vand.u32 $0x3FE00, v29;
	v10 =	vor.u32 v26, v10  }
0x144: {  	v16 =	vand.u32 $0x3FE00, v16;
	[tilespmem:v42+s19+$0x0] =	vst.idx.add.f32.msk vm0, v20;
	v2 =	vnsel vm5, $0x0, v2;
	v17 =	vor.u32 v17, v29  }
0x145: {  	v55 =	vor.u32 $0x80, v18;
	v16 =	vor.u32 v48, v16;
	v47 =	vld.idx.msk [tilespmem:v18+s3+$0x0], vm3;
	v49 =	vand.u32 $0xFFFF, v25  }
0x146: {  	v1 =	vld.idx.msk [tilespmem:v1+s12+$0x0], vm7;
	v54 =	vshll.u32 v2, $0x2;
	v2 =	vand.u32 $0x7F, v2;
	v26 =	vnsel vm7, $0x0, v49  }
0x147: {  	[tilespmem:v27+s19+$0x0] =	vst.idx.add.f32.msk vm2, v21;
	v23 =	vand.u32 $0x3FE00, v54;
	v21 =	vnsel vm6, $0x0, v57;
	v30 =	vshll.u32 v26, $0x2  }
0x148: {  	v2 =	vor.u32 v2, v23;
	v51 =	vand.u32 $0x7F, v26;
	v52 =	vand.u32 $0x3FE00, v30;
	v53 =	vld.idx.msk [tilespmem:v10+s3+$0x0], vm5  }
0x149: {  	v60 =	vshll.u32 v21, $0x2;
	v21 =	vand.u32 $0x7F, v21;
	v58 =	vld.idx.msk [tilespmem:v17+s3+$0x0], vm6;
	v20 =	vor.u32 v51, v52  }
0x14a: {  	v13 =	vld.idx.msk [tilespmem:v13+s3+$0x0], vm0;
	v59 =	vshrl.u32 v25, $0x10;
	v25 =	vand.u32 $0x3FE00, v60;
	v19 =	vmul.f32 v11, v47  }
0x14b: {  	v33 =	vld.idx.msk [tilespmem:v28+s3+$0x0], vm2;
	v21 =	vor.u32 v21, v25  }
0x14c: {  	v15 =	vnsel vm5, $0x0, v50;
	v14 =	vnsel vm6, $0x0, v56;
	v61 =	vor.u32 $0x80, v10;
	[tilespmem:v16+s19+$0x0] =	vst.idx.add.f32.msk vm3, v19  }
0x14d: {  	v35 =	vor.u32 $0x80, v17;
	v23 =	vnsel vm7, $0x0, v59;
	v37 =	vld.idx.msk [tilespmem:v55+s3+$0x0], vm3;
	v22 =	vmul.f32 v15, v53  }
0x14e: {  	v39 =	vor.u32 $0x100, v8;
	v63 =	vshll.u32 v23, $0x2;
	v24 =	vmul.f32 v14, v58;
	v62 =	vld.idx.msk [tilespmem:v20+s3+$0x0], vm7  }
0x14f: {  	v41 =	vor.u32 $0x80, v16;
	v23 =	vand.u32 $0x7F, v23;
	v34 =	vand.u32 $0x3FE00, v63;
	[tilespmem:v2+s19+$0x0] =	vst.idx.add.f32.msk vm5, v22  }
0x150: {  	v36 =	vor.u32 v23, v34;
	[tilespmem:v21+s19+$0x0] =	vst.idx.add.f32.msk vm6, v24  }
0x151: {  	v25 =	vmul.f32 v33, v7;
	v38 =	vor.u32 $0x80, v20;
	v22 =	vld.idx.msk [tilespmem:v61+s3+$0x0], vm5  }
0x152: {  	v43 =	vor.u32 $0x100, v18;
	v1 =	vnsel vm7, $0x0, v1;
	v42 =	vld.idx.msk [tilespmem:v35+s3+$0x0], vm6;
	v23 =	vmul.f32 v37, v11  }
0x153: {  	v44 =	vor.u32 $0x80, v2;
	[tilespmem:v39+s19+$0x0] =	vst.idx.add.f32.msk vm2, v25;
	v40 =	vmul.f32 v1, v62  }
0x154: {  	v32 =	vor.u32 $0x80, v21;
	[tilespmem:v41+s19+$0x0] =	vst.idx.add.f32.msk vm3, v23  }
0x155: {  	v31 =	vor.u32 $0x100, v10;
	[tilespmem:v36+s19+$0x0] =	vst.idx.add.f32.msk vm7, v40  }
0x156: {  	v45 =	vor.u32 $0x100, v17;
	v22 =	vmul.f32 v22, v15;
	v26 =	vld.idx.msk [tilespmem:v38+s3+$0x0], vm7  }
0x157: {  	v48 =	vor.u32 $0x180, v9;
	v24 =	vld.idx.msk [tilespmem:v43+s3+$0x0], vm3;
	v29 =	vmul.f32 v42, v14  }
0x158: {  	v46 =	vor.u32 $0x80, v36;
	[tilespmem:v44+s19+$0x0] =	vst.idx.add.f32.msk vm5, v22  }
0x159: {  	v47 =	vor.u32 $0x100, v20;
	[tilespmem:v32+s19+$0x0] =	vst.idx.add.f32.msk vm6, v29  }
0x15a: {  	v49 =	vor.u32 $0x100, v16;
	v22 =	vld.idx.msk [tilespmem:v31+s3+$0x0], vm5  }
0x15b: {  	v18 =	vor.u32 $0x180, v18;
	v25 =	vld.idx.msk [tilespmem:v45+s3+$0x0], vm6;
	v26 =	vmul.f32 v26, v1  }
0x15c: {  	v50 =	vor.u32 $0x100, v2;
	v9 =	vld.idx.msk [tilespmem:v48+s3+$0x0], vm2  }
0x15d: {  	v51 =	vor.u32 $0x100, v21;
	v24 =	vmul.f32 v24, v11;
	[tilespmem:v46+s19+$0x0] =	vst.idx.add.f32.msk vm7, v26  }
0x15e: {  	v10 =	vor.u32 $0x180, v10;
	v26 =	vld.idx.msk [tilespmem:v47+s3+$0x0], vm7  }
0x15f: {  	v17 =	vor.u32 $0x180, v17;
	[tilespmem:v49+s19+$0x0] =	vst.idx.add.f32.msk vm3, v24;
	v22 =	vmul.f32 v22, v15  }
0x160: {  	v52 =	vor.u32 $0x100, v36;
	v18 =	vld.idx.msk [tilespmem:v18+s3+$0x0], vm3;
	v25 =	vmul.f32 v25, v14  }
0x161: {  	v20 =	vor.u32 $0x180, v20;
	[tilespmem:v50+s19+$0x0] =	vst.idx.add.f32.msk vm5, v22  }
0x162: {  	v55 =	vor.u32 $0x180, v6;
	[tilespmem:v51+s19+$0x0] =	vst.idx.add.f32.msk vm6, v25  }
0x163: {  	v53 =	vor.u32 $0x180, v4;
	v10 =	vld.idx.msk [tilespmem:v10+s3+$0x0], vm5;
	v54 =	vmul.f32 v26, v1  }
0x164: {  	v56 =	vor.u32 $0x180, v8;
	v17 =	vld.idx.msk [tilespmem:v17+s3+$0x0], vm6  }
0x165: {  	v16 =	vor.u32 $0x180, v16;
	v58 =	vmul.f32 v13, v5;
	[tilespmem:v52+s19+$0x0] =	vst.idx.add.f32.msk vm7, v54  }
0x166: {  	v3 =	vmul.f32 v12, v3;
	v2 =	vor.u32 $0x180, v2;
	v57 =	vld.idx.msk [tilespmem:v20+s3+$0x0], vm7  }
0x167: {  	v59 =	vor.u32 $0x180, v21;
	v60 =	vmul.f32 v9, v7;
	[tilespmem:v55+s19+$0x0] =	vst.idx.add.f32.msk vm0, v58  }
0x168: {  	[tilespmem:v53+s19+$0x0] =	vst.idx.add.f32.msk vm1, v3;
	v3 =	vor.u32 $0x180, v36;
	v61 =	vmul.f32 v18, v11  }
0x169: {  	[tilespmem:v56+s19+$0x0] =	vst.idx.add.f32.msk vm2, v60;
	v62 =	vmul.f32 v10, v15  }
0x16a: {  	[tilespmem:v16+s19+$0x0] =	vst.idx.add.f32.msk vm3, v61;
	v63 =	vmul.f32 v17, v14  }
0x16b: {  	[tilespmem:v2+s19+$0x0] =	vst.idx.add.f32.msk vm5, v62;
	v1 =	vmul.f32 v57, v1  }
0x16c: {  	[tilespmem:v59+s19+$0x0] =	vst.idx.add.f32.msk vm6, v63  }
0x16d: {  	[tilespmem:v3+s19+$0x0] =	vst.idx.add.f32.msk vm7, v1  }
.LBB2_14:
0x16e: {  	p0 =	seq.s32 s22, $0xF  }
0x16f: {  	s24 =	smul.u32 @!p0 $0x4E20, s22;
	_ =	sdelay $0x1  }
0x170: {  	s24 =	sshrl.u32 @!p0 s24, $0x3  }
0x171: {  	s24 =	sadd.s32 @!p0 $0x9C4, s24  }
0x172: {  	s26 =	simm.s32 @!p0 $0x0;
	s28 =	simm.s32 @!p0 $0x13C00;
	s25 =	sadd.s32 @!p0 s2, s24  }
0x173: {  	[tilespmem:s28], [sflag:$0x2] =	stream.linear.gather @!p0 [hbm4b:s25+s26], $0x2710, $0x38;
	[tilespmem:$0x1DC00] =	vst v63  }
0x174: {  	s24 =	sadd.s32 @!p0 s4, s24;
	s25 =	simm.s32 @!p0 $0x18B00  }
0x175: {  	[tilespmem:s25], [sflag:$0x2] =	stream.linear.gather @!p0 [hbm4b:s24+s26], $0x2710, $0x38;
	[tilespmem:$0x1DC00] =	vst v63  }
0x176: {  	_ =	swait.ge [sflag:s20], $0x2710  }
0x177: {  	[sflag:s20] =	ssyncset.done $0x0  }
0x178: {  	[sflag:s20] =	ssyncadd.s32 $0xFFFFD8F0  }
0x179: {  	_ =	swait.ge [sflag:s20], $0x2710  }
0x17a: {  	s23 =	sshll.u32 s23, $0x4;
	[sflag:s20] =	ssyncset.done $0x0  }
0x17b: {  	s23 =	sand.u32 $0x3FFFFFF0, s23;
	[sflag:s20] =	ssyncadd.s32 $0xFFFFD8F0  }
0x17c: {  	v1 =	vld [tilespmem:s23+$0x1DA00];
	_ =	sdelay $0x4  }
0x17d: {  	(xrf0) =	vadd.scan.msk.s32 $0xffff, v1;
	v2 =	vxor.u32 $0x80000000, v1  }
0x17e: {  	(xrf0) =	vmax.scan.msk.u32 $0xffff, v2;
	_ =	sdelay $0x4  }
0x17f: {  	v2, _, _ =	vpop (xrf0)  }
0x180: {  	v3, _, _ =	vpop (xrf0)  }
0x181: {  	(v2sf) =	vpush v3, $0xF;
	_ =	sdelay $0xe  }
0x182: {  	s31 =	spop (v2sf)  }
0x183: {  	s23 =	sxor.u32 $0x80000000, s31  }
0x184: {  	p0 =	slt.s32 s23, $0x1  }
.Ltmp11:
0x185: {  	_ = 	snop;
	(pc) =	sbr.rel @p0 .LBB2_18-.Ltmp11, $1  }
0x186: {  	_ =	sdelay $0x3  }
0x187: {  	s31 =	simm.s32 $0x0  }
0x188: {  	v2 =	vsub.s32 v2, v1;
	v3 =	vmov s31  }
0x189: {  	vm1 =	vlt.s32 v3, v1;
	v3 =	vadd.s32 s31, v2  }
0x18a: {  	v3 =	vnsel vm1, $0x0, v3;
	_ =	sdelay $0x4  }
0x18b: {  	v4 =	vld.idx.msk [tilespmem:v3+s16+$0x0], vm1;
	_ =	sdelay $0x3  }
0x18c: {  	s25 =	simm.s32 $0x7  }
0x18d: {  	v5 =	vmov s25;
	vm4 =	vmmov vm1;
	v6 =	vand.u32 $0xFFFF, v4  }
0x18e: {  	v7 =	vadd.s32 s25, v2;
	vm2 =	vlt.s32 v5, v1;
	v5 =	vnsel vm4, $0x0, v6  }
0x18f: {  	s26 =	simm.s32 $0x6;
	v6 =	vnsel vm2, $0x0, v7;
	v7 =	vshll.u32 v5, $0x2  }
0x190: {  	v8 =	vmov s26;
	v5 =	vand.u32 $0x7F, v5;
	v7 =	vand.u32 $0x3FE00, v7  }
0x191: {  	vm0 =	vlt.s32 v8, v1;
	v7 =	vor.u32 v5, v7;
	v5 =	vadd.s32 s26, v2  }
0x192: {  	v5 =	vnsel vm0, $0x0, v5  }
0x193: {  	v3 =	vld.idx.msk [tilespmem:v3+s17+$0x0], vm1  }
0x194: {  	v8 =	vld.idx.msk [tilespmem:v6+s16+$0x0], vm2  }
0x195: {  	v4 =	vshrl.u32 v4, $0x10  }
0x196: {  	v4 =	vnsel vm4, $0x0, v4  }
0x197: {  	v10 =	vshll.u32 v4, $0x2;
	v14 =	vld.idx.msk [tilespmem:v5+s16+$0x0], vm0  }
0x198: {  	v4 =	vand.u32 $0x7F, v4;
	v11 =	vand.u32 $0x3FE00, v10;
	v10 =	vnsel vm4, $0x0, v3;
	v9 =	vld.idx.msk [tilespmem:v7+s3+$0x0], vm1  }
0x199: {  	s28 =	simm.s32 $0x5;
	v11 =	vor.u32 v4, v11;
	vm1 =	vmmov vm2;
	v12 =	vand.u32 $0xFFFF, v8  }
0x19a: {  	v4 =	vor.u32 $0x80, v7;
	v3 =	vnsel vm1, $0x0, v12;
	v12 =	vmov s28  }
0x19b: {  	vm2 =	vlt.s32 v12, v1;
	v12 =	vadd.s32 s28, v2;
	v13 =	vshll.u32 v3, $0x2  }
0x19c: {  	v3 =	vand.u32 $0x7F, v3;
	v15 =	vnsel vm2, $0x0, v12;
	v12 =	vand.u32 $0xFFFF, v14  }
0x19d: {  	v9 =	vmul.f32 v10, v9;
	v13 =	vand.u32 $0x3FE00, v13;
	v16 =	vnsel vm0, $0x0, v12  }
0x19e: {  	v12 =	vor.u32 v3, v13;
	v3 =	vshll.u32 v16, $0x2  }
0x19f: {  	[tilespmem:v11+s19+$0x0] =	vst.idx.add.f32.msk vm4, v9;
	v9 =	vand.u32 $0x7F, v16;
	v3 =	vand.u32 $0x3FE00, v3  }
0x1a0: {  	v4 =	vld.idx.msk [tilespmem:v4+s3+$0x0], vm4;
	v13 =	vor.u32 v9, v3  }
0x1a1: {  	v3 =	vshrl.u32 v8, $0x10;
	v8 =	vld.idx.msk [tilespmem:v15+s16+$0x0], vm2  }
0x1a2: {  	v18 =	vor.u32 $0x100, v7;
	v6 =	vld.idx.msk [tilespmem:v6+s17+$0x0], vm1;
	v14 =	vshrl.u32 v14, $0x10;
	v3 =	vnsel vm1, $0x0, v3  }
0x1a3: {  	v14 =	vnsel vm0, $0x0, v14;
	v9 =	vor.u32 $0x80, v11;
	v16 =	vshll.u32 v3, $0x2;
	v17 =	vld.idx.msk [tilespmem:v12+s3+$0x0], vm1  }
0x1a4: {  	v5 =	vld.idx.msk [tilespmem:v5+s17+$0x0], vm0;
	v20 =	vor.u32 $0x80, v12;
	v3 =	vand.u32 $0x7F, v3;
	v16 =	vand.u32 $0x3FE00, v16  }
0x1a5: {  	v19 =	vmul.f32 v4, v10;
	v4 =	vor.u32 v3, v16;
	v3 =	vshll.u32 v14, $0x2;
	v16 =	vld.idx.msk [tilespmem:v13+s3+$0x0], vm0  }
0x1a6: {  	v14 =	vand.u32 $0x7F, v14;
	v21 =	vand.u32 $0xFFFF, v8;
	v22 =	vand.u32 $0x3FE00, v3  }
0x1a7: {  	v3 =	vnsel vm1, $0x0, v6;
	v21 =	vnsel vm2, $0x0, v21;
	v6 =	vor.u32 v14, v22  }
0x1a8: {  	[tilespmem:v9+s19+$0x0] =	vst.idx.add.f32.msk vm4, v19;
	v14 =	vmul.f32 v3, v17;
	v9 =	vshll.u32 v21, $0x2;
	v17 =	vor.u32 $0x80, v13  }
0x1a9: {  	v5 =	vnsel vm0, $0x0, v5;
	v18 =	vld.idx.msk [tilespmem:v18+s3+$0x0], vm4;
	v19 =	vand.u32 $0x7F, v21;
	v9 =	vand.u32 $0x3FE00, v9  }
0x1aa: {  	p0 =	slt.s32 s23, $0x2710;
	[tilespmem:v4+s19+$0x0] =	vst.idx.add.f32.msk vm1, v14;
	v9 =	vor.u32 v19, v9;
	v14 =	vmul.f32 v5, v16  }
0x1ab: {  	s29 =	simm.s32 $0x4;
	s23 =	simm.s32 @!p0 $0x2710;
	v19 =	vld.idx.msk [tilespmem:v20+s3+$0x0], vm1;
	v20 =	vor.u32 $0x100, v11  }
0x1ac: {  	s23 =	sadd.s32 $0x7, s23;
	v7 =	vor.u32 $0x180, v7;
	v16 =	vmov s29;
	[tilespmem:v6+s19+$0x0] =	vst.idx.add.f32.msk vm0, v14  }
0x1ad: {  	s24 =	sshra.s32 s23, $0x1F;
	vm3 =	vlt.s32 v16, v1;
	v14 =	vadd.s32 s29, v2;
	v21 =	vld.idx.msk [tilespmem:v17+s3+$0x0], vm0;
	v17 =	vor.u32 $0x80, v4  }
0x1ae: {  	s24 =	sshrl.u32 s24, $0x1D;
	v8 =	vshrl.u32 v8, $0x10;
	v18 =	vmul.f32 v18, v10;
	v16 =	vnsel vm3, $0x0, v14;
	v14 =	vld.idx.msk [tilespmem:v15+s17+$0x0], vm2  }
0x1af: {  	s23 =	sadd.s32 s24, s23;
	v23 =	vor.u32 $0x100, v12;
	v24 =	vor.u32 $0x100, v13;
	v8 =	vnsel vm2, $0x0, v8;
	v22 =	vld.idx.msk [tilespmem:v9+s3+$0x0], vm2  }
0x1b0: {  	s30 =	simm.s32 $0x3;
	s23 =	sand.u32 $0xFFFFFFF8, s23;
	v15 =	vmul.f32 v19, v3;
	[tilespmem:v20+s19+$0x0] =	vst.idx.add.f32.msk vm4, v18;
	v20 =	vor.u32 $0x80, v6;
	v19 =	vshll.u32 v8, $0x2  }
0x1b1: {  	p0 =	sgt.s32 s23, $0x8;
	v8 =	vand.u32 $0x7F, v8;
	v18 =	vld.idx.msk [tilespmem:v7+s3+$0x0], vm4;
	v7 =	vmov s30;
	v19 =	vand.u32 $0x3FE00, v19  }
.Ltmp12:
0x1b2: {  	vm5 =	vlt.s32 v7, v1;
	v7 =	vadd.s32 s30, v2;
	v8 =	vor.u32 v8, v19;
	[tilespmem:v17+s19+$0x0] =	vst.idx.add.f32.msk vm1, v15;
	(pc) =	sbr.rel @!p0 .LBB2_17-.Ltmp12, $4  }
0x1b3: {  	s31 =	simm.s32 $0x2;
	v17 =	vld.idx.msk [tilespmem:v16+s16+$0x0], vm3;
	v25 =	vmul.f32 v21, v5;
	v15 =	vnsel vm5, $0x0, v7  }
0x1b4: {  	v26 =	vmov s31;
	v7 =	vnsel vm2, $0x0, v14;
	v21 =	vor.u32 $0x80, v9;
	v19 =	vld.idx.msk [tilespmem:v23+s3+$0x0], vm1  }
0x1b5: {  	s25 =	simm.s32 $0x1;
	vm6 =	vlt.s32 v26, v1;
	v14 =	vadd.s32 s31, v2;
	v22 =	vmul.f32 v7, v22;
	[tilespmem:v20+s19+$0x0] =	vst.idx.add.f32.msk vm0, v25  }
0x1b6: {  	s24 =	simm.s32 $0x8;
	v23 =	vmov s25;
	v14 =	vnsel vm6, $0x0, v14;
	v20 =	vld.idx.msk [tilespmem:v24+s3+$0x0], vm0  }
.LBB2_16:
0x1b7: {  	v24 =	vmov s24;
	vm7 =	vlt.s32 v23, v1;
	v23 =	vadd.s32 s25, v2;
	[tilespmem:v8+s19+$0x0] =	vst.idx.add.f32.msk vm2, v22  }
0x1b8: {  	v22 =	vadd.s32 s24, v2;
	vm8 =	vlt.s32 v24, v1;
	v23 =	vnsel vm7, $0x0, v23;
	v24 =	vld.idx.msk [tilespmem:v15+s16+$0x0], vm5  }
0x1b9: {  	v25 =	vor.u32 $0x180, v11;
	v11 =	vand.u32 $0xFFFF, v17;
	v22 =	vnsel vm8, $0x0, v22;
	v21 =	vld.idx.msk [tilespmem:v21+s3+$0x0], vm2  }
0x1ba: {  	v18 =	vmul.f32 v18, v10;
	v27 =	vor.u32 $0x180, v12;
	v10 =	vnsel vm3, $0x0, v11;
	v26 =	vld.idx.msk [tilespmem:v16+s17+$0x0], vm3  }
0x1bb: {  	v19 =	vmul.f32 v19, v3;
	v29 =	vor.u32 $0x100, v4;
	v11 =	vshll.u32 v10, $0x2;
	v28 =	vld.idx.msk [tilespmem:v14+s16+$0x0], vm6  }
0x1bc: {  	v30 =	vor.u32 $0x180, v13;
	v10 =	vand.u32 $0x7F, v10;
	v11 =	vand.u32 $0x3FE00, v11  }
0x1bd: {  	v20 =	vmul.f32 v20, v5;
	v32 =	vor.u32 $0x100, v6;
	v16 =	vor.u32 v10, v11;
	v31 =	vld.idx.msk [tilespmem:v23+s16+$0x0], vm7  }
0x1be: {  	v33 =	vor.u32 $0x80, v8;
	v34 =	vor.u32 $0x100, v9;
	v12 =	vand.u32 $0xFFFF, v24;
	v10 =	vld.idx.msk [tilespmem:v22+s17+$0x0], vm8  }
0x1bf: {  	v17 =	vshrl.u32 v17, $0x10;
	v13 =	vnsel vm5, $0x0, v12;
	v21 =	vmul.f32 v21, v7;
	v11 =	vld.idx.msk [tilespmem:v22+s16+$0x0], vm8  }
0x1c0: {  	v17 =	vnsel vm3, $0x0, v17;
	v12 =	vnsel vm3, $0x0, v26;
	[tilespmem:v25+s19+$0x0] =	vst.idx.add.f32.msk vm4, v18;
	v18 =	vshll.u32 v13, $0x2  }
0x1c1: {  	v22 =	vand.u32 $0xFFFF, v28;
	v13 =	vand.u32 $0x7F, v13;
	v18 =	vand.u32 $0x3FE00, v18;
	[tilespmem:v29+s19+$0x0] =	vst.idx.add.f32.msk vm1, v19  }
0x1c2: {  	v25 =	vand.u32 $0x7F, v17;
	v19 =	vnsel vm6, $0x0, v22;
	v18 =	vor.u32 v13, v18;
	v22 =	vld.idx.msk [tilespmem:v16+s3+$0x0], vm3  }
0x1c3: {  	v17 =	vshll.u32 v17, $0x2;
	v26 =	vand.u32 $0xFFFF, v31;
	v29 =	vshll.u32 v19, $0x2;
	v13 =	vld.idx.msk [tilespmem:v27+s3+$0x0], vm1  }
0x1c4: {  	v19 =	vand.u32 $0x7F, v19;
	v26 =	vnsel vm7, $0x0, v26;
	v27 =	vand.u32 $0x3FE00, v29;
	v29 =	vld.idx.msk [tilespmem:v15+s17+$0x0], vm5  }
0x1c5: {  	v17 =	vand.u32 $0x3FE00, v17;
	v15 =	vshll.u32 v26, $0x2;
	v19 =	vor.u32 v19, v27;
	[tilespmem:v32+s19+$0x0] =	vst.idx.add.f32.msk vm0, v20  }
0x1c6: {  	v24 =	vshrl.u32 v24, $0x10;
	v20 =	vand.u32 $0x7F, v26;
	v26 =	vand.u32 $0x3FE00, v15;
	v15 =	vld.idx.msk [tilespmem:v30+s3+$0x0], vm0  }
0x1c7: {  	v24 =	vnsel vm5, $0x0, v24;
	v17 =	vor.u32 v25, v17;
	v20 =	vor.u32 v20, v26;
	v26 =	vld.idx.msk [tilespmem:v18+s3+$0x0], vm5  }
0x1c8: {  	v25 =	vshll.u32 v24, $0x2;
	v27 =	vor.u32 $0x80, v16;
	v22 =	vmul.f32 v12, v22;
	[tilespmem:v33+s19+$0x0] =	vst.idx.add.f32.msk vm2, v21  }
0x1c9: {  	v24 =	vand.u32 $0x7F, v24;
	v25 =	vand.u32 $0x3FE00, v25;
	v21 =	vld.idx.msk [tilespmem:v14+s17+$0x0], vm6;
	v14 =	vshrl.u32 v28, $0x10  }
0x1ca: {  	v24 =	vor.u32 v24, v25;
	v28 =	vnsel vm6, $0x0, v14;
	v30 =	vld.idx.msk [tilespmem:v19+s3+$0x0], vm6;
	v14 =	vnsel vm5, $0x0, v29  }
0x1cb: {  	v25 =	vshrl.u32 v31, $0x10;
	v31 =	vor.u32 $0x80, v18;
	v23 =	vld.idx.msk [tilespmem:v23+s17+$0x0], vm7;
	v29 =	vshll.u32 v28, $0x2  }
0x1cc: {  	v25 =	vnsel vm7, $0x0, v25;
	v28 =	vand.u32 $0x7F, v28;
	v32 =	vld.idx.msk [tilespmem:v20+s3+$0x0], vm7;
	v29 =	vand.u32 $0x3FE00, v29  }
0x1cd: {  	v33 =	vshll.u32 v25, $0x2;
	v26 =	vmul.f32 v14, v26;
	v28 =	vor.u32 v28, v29;
	v29 =	vld.idx.msk [tilespmem:v34+s3+$0x0], vm2  }
0x1ce: {  	v25 =	vand.u32 $0x7F, v25;
	v33 =	vand.u32 $0x3FE00, v33;
	v34 =	vor.u32 $0x80, v19;
	[tilespmem:v17+s19+$0x0] =	vst.idx.add.f32.msk vm3, v22  }
0x1cf: {  	vm4 =	vmmov vm8;
	v22 =	vor.u32 v25, v33;
	v21 =	vnsel vm6, $0x0, v21;
	v25 =	vld.idx.msk [tilespmem:v27+s3+$0x0], vm3  }
0x1d0: {  	v27 =	vor.u32 $0x80, v20;
	v30 =	vmul.f32 v21, v30;
	[tilespmem:v24+s19+$0x0] =	vst.idx.add.f32.msk vm5, v26  }
0x1d1: {  	v23 =	vnsel vm7, $0x0, v23;
	v26 =	vld.idx.msk [tilespmem:v31+s3+$0x0], vm5;
	v31 =	vor.u32 $0x100, v8  }
0x1d2: {  	v32 =	vmul.f32 v23, v32;
	[tilespmem:v28+s19+$0x0] =	vst.idx.add.f32.msk vm6, v30;
	v30 =	vor.u32 $0x80, v17  }
0x1d3: {  	v33 =	vld.idx.msk [tilespmem:v34+s3+$0x0], vm6;
	v34 =	vor.u32 $0x100, v16  }
0x1d4: {  	v29 =	vmul.f32 v29, v7;
	[tilespmem:v22+s19+$0x0] =	vst.idx.add.f32.msk vm7, v32;
	v32 =	vor.u32 $0x80, v24  }
0x1d5: {  	v35 =	vor.u32 $0x100, v18;
	v25 =	vmul.f32 v25, v12;
	v27 =	vld.idx.msk [tilespmem:v27+s3+$0x0], vm7  }
0x1d6: {  	v36 =	vor.u32 $0x80, v28;
	[tilespmem:v31+s19+$0x0] =	vst.idx.add.f32.msk vm2, v29  }
0x1d7: {  	v29 =	vor.u32 $0x100, v19;
	v26 =	vmul.f32 v26, v14;
	[tilespmem:v30+s19+$0x0] =	vst.idx.add.f32.msk vm3, v25  }
0x1d8: {  	v25 =	vor.u32 $0x80, v22;
	v30 =	vld.idx.msk [tilespmem:v34+s3+$0x0], vm3  }
0x1d9: {  	v31 =	vor.u32 $0x100, v20;
	v33 =	vmul.f32 v33, v21;
	[tilespmem:v32+s19+$0x0] =	vst.idx.add.f32.msk vm5, v26  }
0x1da: {  	v9 =	vor.u32 $0x180, v9;
	v26 =	vld.idx.msk [tilespmem:v35+s3+$0x0], vm5  }
0x1db: {  	v32 =	vor.u32 $0x100, v17;
	v27 =	vmul.f32 v27, v23;
	[tilespmem:v36+s19+$0x0] =	vst.idx.add.f32.msk vm6, v33  }
0x1dc: {  	v16 =	vor.u32 $0x180, v16;
	v29 =	vld.idx.msk [tilespmem:v29+s3+$0x0], vm6  }
0x1dd: {  	[tilespmem:v25+s19+$0x0] =	vst.idx.add.f32.msk vm7, v27;
	v25 =	vor.u32 $0x100, v24  }
0x1de: {  	v18 =	vor.u32 $0x180, v18;
	v30 =	vmul.f32 v30, v12;
	v27 =	vld.idx.msk [tilespmem:v31+s3+$0x0], vm7  }
0x1df: {  	v31 =	vor.u32 $0x100, v28;
	v9 =	vld.idx.msk [tilespmem:v9+s3+$0x0], vm2  }
0x1e0: {  	s25 =	sadd.s32 $0x7, s24;
	v19 =	vor.u32 $0x180, v19;
	v26 =	vmul.f32 v26, v14;
	[tilespmem:v32+s19+$0x0] =	vst.idx.add.f32.msk vm3, v30  }
0x1e1: {  	v33 =	vor.u32 $0x100, v22;
	v30 =	vmov s25;
	v32 =	vadd.s32 s25, v2;
	v16 =	vld.idx.msk [tilespmem:v16+s3+$0x0], vm3  }
0x1e2: {  	v20 =	vor.u32 $0x180, v20;
	vm8 =	vlt.s32 v30, v1;
	v29 =	vmul.f32 v29, v21;
	[tilespmem:v25+s19+$0x0] =	vst.idx.add.f32.msk vm5, v26  }
0x1e3: {  	v25 =	vnsel vm8, $0x0, v32;
	v18 =	vld.idx.msk [tilespmem:v18+s3+$0x0], vm5  }
0x1e4: {  	v4 =	vor.u32 $0x180, v4;
	v26 =	vmul.f32 v27, v23;
	[tilespmem:v31+s19+$0x0] =	vst.idx.add.f32.msk vm6, v29  }
0x1e5: {  	v6 =	vor.u32 $0x180, v6;
	v19 =	vld.idx.msk [tilespmem:v19+s3+$0x0], vm6  }
0x1e6: {  	v8 =	vor.u32 $0x180, v8;
	v27 =	vand.u32 $0xFFFF, v11;
	[tilespmem:v33+s19+$0x0] =	vst.idx.add.f32.msk vm7, v26  }
0x1e7: {  	v3 =	vmul.f32 v13, v3;
	v17 =	vor.u32 $0x180, v17;
	v26 =	vnsel vm4, $0x0, v27;
	v20 =	vld.idx.msk [tilespmem:v20+s3+$0x0], vm7  }
0x1e8: {  	v5 =	vmul.f32 v15, v5;
	v24 =	vor.u32 $0x180, v24;
	v13 =	vand.u32 $0x7F, v26;
	v27 =	vld.idx.msk [tilespmem:v25+s16+$0x0], vm8  }
0x1e9: {  	v7 =	vmul.f32 v9, v7;
	v15 =	vshll.u32 v26, $0x2;
	v26 =	vor.u32 $0x180, v28;
	[tilespmem:v4+s19+$0x0] =	vst.idx.add.f32.msk vm1, v3  }
0x1ea: {  	v9 =	vmul.f32 v16, v12;
	v3 =	vand.u32 $0x3FE00, v15;
	v4 =	vor.u32 $0x180, v22;
	[tilespmem:v6+s19+$0x0] =	vst.idx.add.f32.msk vm0, v5  }
0x1eb: {  	s25 =	sadd.s32 $0x6, s24;
	vm1 =	vmmov vm8;
	v15 =	vor.u32 v13, v3;
	v3 =	vmul.f32 v18, v14;
	[tilespmem:v8+s19+$0x0] =	vst.idx.add.f32.msk vm2, v7  }
0x1ec: {  	v5 =	vmov s25;
	v6 =	vmul.f32 v19, v21;
	[tilespmem:v17+s19+$0x0] =	vst.idx.add.f32.msk vm3, v9  }
0x1ed: {  	vm0 =	vlt.s32 v5, v1;
	v5 =	vadd.s32 s25, v2;
	v7 =	vmul.f32 v20, v23;
	[tilespmem:v24+s19+$0x0] =	vst.idx.add.f32.msk vm5, v3  }
0x1ee: {  	v3 =	vnsel vm0, $0x0, v5;
	[tilespmem:v26+s19+$0x0] =	vst.idx.add.f32.msk vm6, v6  }
0x1ef: {  	[tilespmem:v4+s19+$0x0] =	vst.idx.add.f32.msk vm7, v7  }
0x1f0: {  	v4 =	vld.idx.msk [tilespmem:v15+s3+$0x0], vm4  }
0x1f1: {  	v5 =	vshrl.u32 v11, $0x10  }
0x1f2: {  	v5 =	vnsel vm4, $0x0, v5  }
0x1f3: {  	v6 =	vshll.u32 v5, $0x2;
	v7 =	vld.idx.msk [tilespmem:v3+s16+$0x0], vm0  }
0x1f4: {  	v8 =	vand.u32 $0xFFFF, v27;
	v5 =	vand.u32 $0x7F, v5;
	v6 =	vand.u32 $0x3FE00, v6  }
0x1f5: {  	v10 =	vnsel vm4, $0x0, v10;
	v11 =	vor.u32 v5, v6;
	v5 =	vnsel vm1, $0x0, v8  }
0x1f6: {  	s25 =	sadd.s32 $0x5, s24;
	v6 =	vor.u32 $0x80, v15;
	v8 =	vshll.u32 v5, $0x2;
	v4 =	vmul.f32 v10, v4  }
0x1f7: {  	v9 =	vmov s25;
	v5 =	vand.u32 $0x7F, v5;
	v8 =	vand.u32 $0x3FE00, v8  }
0x1f8: {  	vm2 =	vlt.s32 v9, v1;
	v9 =	vadd.s32 s25, v2;
	v12 =	vor.u32 v5, v8  }
0x1f9: {  	v8 =	vnsel vm2, $0x0, v9;
	v5 =	vand.u32 $0xFFFF, v7  }
0x1fa: {  	[tilespmem:v11+s19+$0x0] =	vst.idx.add.f32.msk vm4, v4;
	v4 =	vnsel vm0, $0x0, v5  }
0x1fb: {  	v5 =	vld.idx.msk [tilespmem:v6+s3+$0x0], vm4;
	v6 =	vshll.u32 v4, $0x2  }
0x1fc: {  	v4 =	vand.u32 $0x7F, v4;
	v6 =	vand.u32 $0x3FE00, v6;
	v9 =	vld.idx.msk [tilespmem:v25+s17+$0x0], vm1  }
0x1fd: {  	v13 =	vor.u32 v4, v6;
	v4 =	vshrl.u32 v27, $0x10;
	v6 =	vld.idx.msk [tilespmem:v12+s3+$0x0], vm1  }
0x1fe: {  	v14 =	vld.idx.msk [tilespmem:v8+s16+$0x0], vm2;
	v4 =	vnsel vm1, $0x0, v4  }
0x1ff: {  	v16 =	vor.u32 $0x80, v11;
	v17 =	vshll.u32 v4, $0x2  }
0x200: {  	v18 =	vor.u32 $0x100, v15;
	v4 =	vand.u32 $0x7F, v4;
	v17 =	vand.u32 $0x3FE00, v17  }
0x201: {  	v5 =	vmul.f32 v5, v10;
	v19 =	vld.idx.msk [tilespmem:v3+s17+$0x0], vm0;
	v3 =	vshrl.u32 v7, $0x10;
	v4 =	vor.u32 v4, v17  }
0x202: {  	v7 =	vnsel vm0, $0x0, v3;
	v17 =	vld.idx.msk [tilespmem:v13+s3+$0x0], vm0;
	v3 =	vnsel vm1, $0x0, v9;
	v9 =	vor.u32 $0x80, v12  }
0x203: {  	v20 =	vshll.u32 v7, $0x2;
	v21 =	vmul.f32 v3, v6  }
0x204: {  	v6 =	vand.u32 $0x7F, v7;
	[tilespmem:v16+s19+$0x0] =	vst.idx.add.f32.msk vm4, v5;
	v5 =	vand.u32 $0xFFFF, v14;
	v7 =	vand.u32 $0x3FE00, v20  }
0x205: {  	v16 =	vld.idx.msk [tilespmem:v18+s3+$0x0], vm4;
	v5 =	vnsel vm2, $0x0, v5;
	v6 =	vor.u32 v6, v7  }
0x206: {  	v18 =	vor.u32 $0x80, v13;
	v7 =	vshll.u32 v5, $0x2;
	[tilespmem:v4+s19+$0x0] =	vst.idx.add.f32.msk vm1, v21  }
0x207: {  	v20 =	vand.u32 $0x7F, v5;
	v5 =	vnsel vm0, $0x0, v19;
	v7 =	vand.u32 $0x3FE00, v7;
	v19 =	vld.idx.msk [tilespmem:v9+s3+$0x0], vm1  }
0x208: {  	v9 =	vor.u32 v20, v7;
	v7 =	vmul.f32 v5, v17  }
0x209: {  	s25 =	sadd.s32 $0x4, s24;
	v17 =	vor.u32 $0x100, v11  }
0x20a: {  	v15 =	vor.u32 $0x180, v15;
	v20 =	vmov s25;
	[tilespmem:v6+s19+$0x0] =	vst.idx.add.f32.msk vm0, v7  }
0x20b: {  	v21 =	vor.u32 $0x80, v4;
	vm3 =	vlt.s32 v20, v1;
	v7 =	vadd.s32 s25, v2;
	v20 =	vld.idx.msk [tilespmem:v18+s3+$0x0], vm0  }
0x20c: {  	v18 =	vmul.f32 v16, v10;
	v16 =	vnsel vm3, $0x0, v7;
	v7 =	vld.idx.msk [tilespmem:v8+s17+$0x0], vm2;
	v8 =	vshrl.u32 v14, $0x10  }
0x20d: {  	v22 =	vor.u32 $0x100, v12;
	v19 =	vmul.f32 v19, v3;
	v8 =	vnsel vm2, $0x0, v8;
	v14 =	vld.idx.msk [tilespmem:v9+s3+$0x0], vm2  }
0x20e: {  	v24 =	vor.u32 $0x100, v13;
	v23 =	vor.u32 $0x80, v6;
	s25 =	sadd.s32 $0x3, s24;
	[tilespmem:v17+s19+$0x0] =	vst.idx.add.f32.msk vm4, v18;
	v17 =	vshll.u32 v8, $0x2  }
0x20f: {  	v18 =	vld.idx.msk [tilespmem:v15+s3+$0x0], vm4;
	v15 =	vmov s25  }
0x210: {  	s26 =	sadd.s32 $0x2, s24;
	vm5 =	vlt.s32 v15, v1;
	v15 =	vadd.s32 s25, v2;
	s25 =	sadd.s32 $0x1, s24;
	s24 =	sadd.s32 $0x8, s24  }
0x211: {  	v8 =	vand.u32 $0x7F, v8;
	v17 =	vand.u32 $0x3FE00, v17;
	p0 =	slt.s32 s24, s23  }
.Ltmp13:
0x212: {  	v8 =	vor.u32 v8, v17;
	[tilespmem:v21+s19+$0x0] =	vst.idx.add.f32.msk vm1, v19;
	(pc) =	sbr.rel @p0 .LBB2_16-.Ltmp13, $4  }
0x213: {  	v20 =	vmul.f32 v20, v5;
	v15 =	vnsel vm5, $0x0, v15;
	v17 =	vld.idx.msk [tilespmem:v16+s16+$0x0], vm3  }
0x214: {  	v25 =	vmov s26;
	v21 =	vor.u32 $0x80, v9;
	v7 =	vnsel vm2, $0x0, v7;
	v19 =	vld.idx.msk [tilespmem:v22+s3+$0x0], vm1  }
0x215: {  	vm6 =	vlt.s32 v25, v1;
	v25 =	vadd.s32 s26, v2;
	v22 =	vmul.f32 v7, v14;
	[tilespmem:v23+s19+$0x0] =	vst.idx.add.f32.msk vm0, v20  }
0x216: {  	v14 =	vnsel vm6, $0x0, v25;
	v23 =	vmov s25;
	v20 =	vld.idx.msk [tilespmem:v24+s3+$0x0], vm0  }
.Ltmp14:
0x217: {  	_ = 	snop;
	(pc) =	sbr.rel .LBB2_17-.Ltmp14, $1  }
0x218: {  	_ =	sdelay $0x3  }
.LBB2_20:
0x219: {  	_ =	sfence.sel $0x180000  }
0x21a: {  	[bflag:$0x0] =	sbarrier.arrive $0xFFFF  }
0x21b: {  	p0 =	sne.s32 s0, $0x0;
	_ =	strace $0x90000050  }
0x21c: {  	s0 =	sadd.s32 @!p0 $0x100000, s1;
	[bflag:$0x2] =	sbarrier.arrive $0xFFFF  }
0x21d: {  	[sflag:s0] =	ssyncadd.tile.s32 @!p0 $0x1;
	_ =	shalt  }
.Lfunc_end2:
_tile_overlayer_lowered:
.L_overlay_start_2:
0x21e: {  	(tag) =	ssettag $0x2  }
0x21f: {  	s0 =	rddreg [dreg:$0x0];
	s2 =	stileid.u32  }
0x220: {  	s1 =	rddreg [dreg:$0x1];
	p0 =	sne.s32 s2, $0x0  }
0x221: {  	s3 =	rddreg [dreg:$0x2];
	[bflag:$0x3] =	sbarrier.arrive $0xFFFF;
	s2 =	simm.s32 @!p0 $0x1C04  }
0x222: {  	[timem:s3], [sflag:s2] =	dma.local @!p0 [hbm:s0], s1  }
0x223: {  	s0 =	simm.s32 @!p0 $0x4  }
0x224: {  	_ =	swait.ge @!p0 [sflag:s0], s1  }
0x225: {  	s1 =	ssub.s32 @!p0 $0x0, s1;
	[sflag:s0] =	ssyncset.done @!p0 $0x0  }
0x226: {  	[sflag:s0] =	ssyncadd.s32 @!p0 s1  }
0x227: {  	[bflag:$0x3] =	sbarrier.arrive $0xFFFF  }
0x228: {  	_ =	shalt  }

</sc_bundles>
